<compile_context>
chip_gen: v7x
topology: tpu7x:2x2x1
jax: 0.10.2.dev20260603
libtpu: 0.0.44.dev20260713+nightly
codegen_flags: <defaults>
</compile_context>

<pallas_src>
import jax
import jax.numpy as jnp
from jax.experimental import pallas as pl
from jax.experimental.pallas import tpu as pltpu

RATIO = 0.5

_TH_N, _TW_N = 6, 3
_WIN_H, _WIN_W = 37, 74
_LANES = 128


def _score_kernel(x_ref, w_ref, o_ref):
    f32 = jnp.float32
    wtaps = [[w_ref[0, 0, di, dj].astype(jnp.bfloat16).astype(f32)
              for dj in range(3)] for di in range(3)]

    def body(h, accs):
        new_accs = list(accs)
        for th in range(_TH_N):
            rows = [
                x_ref[0, pl.ds(th * _WIN_H + h + di, 1)]
                .reshape(224, _LANES).astype(f32)
                for di in range(3)
            ]
            conv = None
            for di in range(3):
                for dj in range(3):
                    t = rows[di][dj:dj + 222, :] * wtaps[di][dj]
                    conv = t if conv is None else conv + t
            a = jnp.abs(conv)
            for tw in range(_TW_N):
                acc = new_accs[th * _TW_N + tw]
                base = tw * _WIN_W
                for wd in range(_WIN_W):
                    acc = acc + a[base + wd:base + wd + 1, :]
                new_accs[th * _TW_N + tw] = acc
        return tuple(new_accs)

    init = tuple(jnp.zeros((1, _LANES), f32) for _ in range(_TH_N * _TW_N))
    accs = jax.lax.fori_loop(0, _WIN_H, body, init)
    o_ref[...] = jnp.concatenate(accs, axis=0).reshape(
        1, 1, _TH_N * _TW_N, _LANES)


def _topk_idx_kernel(ws_ref, idx_ref):
    b = pl.program_id(0)
    C = ws_ref.shape[2]
    K = idx_ref.shape[2]
    ws = ws_ref[0]
    p = ws[0:1, :]
    for t in range(1, _TH_N * _TW_N):
        p = p + ws[t:t + 1, :]
    prow = p
    pj = jax.lax.broadcast_in_dim(prow, (C, C), (0, 1))
    pcol = prow.reshape(C, 1)
    pi = jax.lax.broadcast_in_dim(pcol, (C, C), (0, 1))
    gt = (pj > pi).astype(jnp.int32)
    jlt = (jax.lax.broadcasted_iota(jnp.int32, (C, C), 1)
           < jax.lax.broadcasted_iota(jnp.int32, (C, C), 0))
    eq = jnp.logical_and(pj == pi, jlt).astype(jnp.int32)
    rank = jnp.sum(gt + eq, axis=1, keepdims=True)
    rankb = jax.lax.broadcast_in_dim(rank, (C, K), (0, 1))
    r_iota = jax.lax.broadcasted_iota(jnp.int32, (C, K), 1)
    i_iota = jax.lax.broadcasted_iota(jnp.int32, (C, K), 0)
    onehot = (rankb == r_iota).astype(jnp.int32)
    idx = jnp.sum(onehot * i_iota, axis=0, keepdims=True) + b * C
    idx_ref[...] = idx.reshape(1, 1, K)


def _gather_kernel(idx_ref, x_ref, o_ref):
    del idx_ref
    o_ref[...] = x_ref[...]


def kernel(x, weight):
    B, C, H, W = x.shape
    K = int(RATIO * C)
    CG = C // _LANES

    x = jax.lax.optimization_barrier(x)
    xt = jnp.transpose(x, (0, 2, 3, 1)).astype(jnp.bfloat16)

    wsums = pl.pallas_call(
        _score_kernel,
        grid=(B, CG),
        in_specs=[
            pl.BlockSpec((1, H, W, _LANES), lambda b, c: (b, 0, 0, c)),
            pl.BlockSpec((1, 1, 3, 3), lambda b, c: (0, 0, 0, 0)),
        ],
        out_specs=pl.BlockSpec((1, 1, _TH_N * _TW_N, _LANES),
                               lambda b, c: (b, c, 0, 0)),
        out_shape=jax.ShapeDtypeStruct(
            (B, CG, _TH_N * _TW_N, _LANES), jnp.float32),
    )(xt, weight)
    wsums = jnp.transpose(wsums, (0, 2, 1, 3)).reshape(B, _TH_N * _TW_N, C)

    flat_idx = pl.pallas_call(
        _topk_idx_kernel,
        grid=(B,),
        in_specs=[pl.BlockSpec((1, _TH_N * _TW_N, C), lambda b: (b, 0, 0))],
        out_specs=pl.BlockSpec((1, 1, K), lambda b: (b, 0, 0)),
        out_shape=jax.ShapeDtypeStruct((B, 1, K), jnp.int32),
    )(wsums)
    flat_idx = flat_idx.reshape(B * K)

    xf = x.reshape(B * C, 1, H * W)
    grid_spec = pltpu.PrefetchScalarGridSpec(
        num_scalar_prefetch=1,
        grid=(B * K,),
        in_specs=[pl.BlockSpec((1, 1, H * W), lambda i, idx: (idx[i], 0, 0))],
        out_specs=pl.BlockSpec((1, 1, H * W), lambda i, idx: (i, 0, 0)),
    )
    sel = pl.pallas_call(
        _gather_kernel,
        grid_spec=grid_spec,
        out_shape=jax.ShapeDtypeStruct((B * K, 1, H * W), x.dtype),
    )(flat_idx, xf)
    return sel.reshape(B, K, H, W)

# --- scband reference (transcript-rebuilt; emitter-appended) ---
"""Pipeline reference for scband-curvature-26637387169824 (READ-ONLY COPY).

The authoritative reference and input builder live on the scoring server;
editing this copy changes nothing except your own understanding.
"""

import jax, jax.numpy as jnp
import numpy as np

RATIO = 0.5

def setup_inputs(seed: int = 0) -> dict:
    key = jax.random.key(seed)
    x = jax.random.normal(key, (4, 384, 224, 224), dtype=jnp.float32)
    weight = jnp.array([[[[-1.0/16, 5.0/16, -1.0/16],
                          [ 5.0/16, -1.0,   5.0/16],
                          [-1.0/16, 5.0/16, -1.0/16]]]], dtype=jnp.float32)
    return {"x": x, "weight": weight}

def reference(x, weight):
    B, C, H, W = x.shape
    x_origin = x
    xr = x.reshape(B * C, 1, H, W)
    out = jax.lax.conv_general_dilated(
        xr, weight,
        window_strides=(1, 1),
        padding='VALID',
        dimension_numbers=('NCHW', 'OIHW', 'NCHW'))
    out = jnp.abs(out)
    p = jnp.sum(out, axis=-1)
    p = jnp.sum(p, axis=-1)
    p = p.reshape(B, C)
    k = int(RATIO * C)
    _, index = jax.lax.top_k(p, k)
    # per-sample channel gather, equivalent to torch.index_select per batch element
    selected = jax.vmap(lambda xi, idx: jnp.take(xi, idx, axis=0))(x_origin, index)
    return selected

if __name__ == "__main__":
    import jax
    _d = setup_inputs()
    print(jax.jit(kernel)(*tuple(_d.values())))

</pallas_src>

<mosaic_0001>
module attributes {stable_mosaic.version = 14 : i64} {
  func.func @_topk_idx_kernel(%arg0: i32, %arg1: memref<1x18x384xf32, #tpu.memory_space<vmem>>, %arg2: memref<1x1x192xi32, #tpu.memory_space<vmem>>) attributes {dimension_semantics = [#tpu.dimension_semantics<arbitrary>], iteration_bounds = array<i64: 4>, scalar_prefetch = 0 : i64, scratch_operands = 0 : i64, tpu.core_type = #tpu.core_type<tc>, window_params = [{transform_indices = @transform_0, window_bounds = array<i64: 1, 18, 384>}, {transform_indices = @transform_1, window_bounds = array<i64: 1, 1, 192>}]} {
    %get3A = arith.constant 0 : index
    %get3A_0 = arith.constant 0 : index
    %get3A_1 = arith.constant 0 : index
    %get3A_2 = vector.load %arg1[%get3A, %get3A_0, %get3A_1] : memref<1x18x384xf32, #tpu.memory_space<vmem>>, vector<1x18x384xf32>
    %get3A_3 = vector.shape_cast %get3A_2 : vector<1x18x384xf32> to vector<18x384xf32>
    %slice3A = vector.extract_strided_slice %get3A_3 {offsets = [0, 0], sizes = [1, 384], strides = [1, 1]} : vector<18x384xf32> to vector<1x384xf32>
    %slice3A_4 = vector.extract_strided_slice %get3A_3 {offsets = [1, 0], sizes = [1, 384], strides = [1, 1]} : vector<18x384xf32> to vector<1x384xf32>
    %add3A = arith.addf %slice3A, %slice3A_4 : vector<1x384xf32>
    %slice3A_5 = vector.extract_strided_slice %get3A_3 {offsets = [2, 0], sizes = [1, 384], strides = [1, 1]} : vector<18x384xf32> to vector<1x384xf32>
    %add3A_6 = arith.addf %add3A, %slice3A_5 : vector<1x384xf32>
    %slice3A_7 = vector.extract_strided_slice %get3A_3 {offsets = [3, 0], sizes = [1, 384], strides = [1, 1]} : vector<18x384xf32> to vector<1x384xf32>
    %add3A_8 = arith.addf %add3A_6, %slice3A_7 : vector<1x384xf32>
    %slice3A_9 = vector.extract_strided_slice %get3A_3 {offsets = [4, 0], sizes = [1, 384], strides = [1, 1]} : vector<18x384xf32> to vector<1x384xf32>
    %add3A_10 = arith.addf %add3A_8, %slice3A_9 : vector<1x384xf32>
    %slice3A_11 = vector.extract_strided_slice %get3A_3 {offsets = [5, 0], sizes = [1, 384], strides = [1, 1]} : vector<18x384xf32> to vector<1x384xf32>
    %add3A_12 = arith.addf %add3A_10, %slice3A_11 : vector<1x384xf32>
    %slice3A_13 = vector.extract_strided_slice %get3A_3 {offsets = [6, 0], sizes = [1, 384], strides = [1, 1]} : vector<18x384xf32> to vector<1x384xf32>
    %add3A_14 = arith.addf %add3A_12, %slice3A_13 : vector<1x384xf32>
    %slice3A_15 = vector.extract_strided_slice %get3A_3 {offsets = [7, 0], sizes = [1, 384], strides = [1, 1]} : vector<18x384xf32> to vector<1x384xf32>
    %add3A_16 = arith.addf %add3A_14, %slice3A_15 : vector<1x384xf32>
    %slice3A_17 = vector.extract_strided_slice %get3A_3 {offsets = [8, 0], sizes = [1, 384], strides = [1, 1]} : vector<18x384xf32> to vector<1x384xf32>
    %add3A_18 = arith.addf %add3A_16, %slice3A_17 : vector<1x384xf32>
    %slice3A_19 = vector.extract_strided_slice %get3A_3 {offsets = [9, 0], sizes = [1, 384], strides = [1, 1]} : vector<18x384xf32> to vector<1x384xf32>
    %add3A_20 = arith.addf %add3A_18, %slice3A_19 : vector<1x384xf32>
    %slice3A_21 = vector.extract_strided_slice %get3A_3 {offsets = [10, 0], sizes = [1, 384], strides = [1, 1]} : vector<18x384xf32> to vector<1x384xf32>
    %add3A_22 = arith.addf %add3A_20, %slice3A_21 : vector<1x384xf32>
    %slice3A_23 = vector.extract_strided_slice %get3A_3 {offsets = [11, 0], sizes = [1, 384], strides = [1, 1]} : vector<18x384xf32> to vector<1x384xf32>
    %add3A_24 = arith.addf %add3A_22, %slice3A_23 : vector<1x384xf32>
    %slice3A_25 = vector.extract_strided_slice %get3A_3 {offsets = [12, 0], sizes = [1, 384], strides = [1, 1]} : vector<18x384xf32> to vector<1x384xf32>
    %add3A_26 = arith.addf %add3A_24, %slice3A_25 : vector<1x384xf32>
    %slice3A_27 = vector.extract_strided_slice %get3A_3 {offsets = [13, 0], sizes = [1, 384], strides = [1, 1]} : vector<18x384xf32> to vector<1x384xf32>
    %add3A_28 = arith.addf %add3A_26, %slice3A_27 : vector<1x384xf32>
    %slice3A_29 = vector.extract_strided_slice %get3A_3 {offsets = [14, 0], sizes = [1, 384], strides = [1, 1]} : vector<18x384xf32> to vector<1x384xf32>
    %add3A_30 = arith.addf %add3A_28, %slice3A_29 : vector<1x384xf32>
    %slice3A_31 = vector.extract_strided_slice %get3A_3 {offsets = [15, 0], sizes = [1, 384], strides = [1, 1]} : vector<18x384xf32> to vector<1x384xf32>
    %add3A_32 = arith.addf %add3A_30, %slice3A_31 : vector<1x384xf32>
    %slice3A_33 = vector.extract_strided_slice %get3A_3 {offsets = [16, 0], sizes = [1, 384], strides = [1, 1]} : vector<18x384xf32> to vector<1x384xf32>
    %add3A_34 = arith.addf %add3A_32, %slice3A_33 : vector<1x384xf32>
    %slice3A_35 = vector.extract_strided_slice %get3A_3 {offsets = [17, 0], sizes = [1, 384], strides = [1, 1]} : vector<18x384xf32> to vector<1x384xf32>
    %add3A_36 = arith.addf %add3A_34, %slice3A_35 : vector<1x384xf32>
    %broadcast_in_dim3A = vector.shape_cast %add3A_36 : vector<1x384xf32> to vector<1x384xf32>
    %broadcast_in_dim3A_37 = vector.broadcast %broadcast_in_dim3A : vector<1x384xf32> to vector<384x384xf32>
    %reshape3A = vector.shape_cast %add3A_36 : vector<1x384xf32> to vector<384x1xf32>
    %broadcast_in_dim3A_38 = vector.shape_cast %reshape3A : vector<384x1xf32> to vector<384x1xf32>
    %broadcast_in_dim3A_39 = vector.broadcast %broadcast_in_dim3A_38 : vector<384x1xf32> to vector<384x384xf32>
    %gt3A = arith.cmpf ogt, %broadcast_in_dim3A_37, %broadcast_in_dim3A_39 : vector<384x384xf32>
    %convert_element_type3A = arith.extui %gt3A : vector<384x384xi1> to vector<384x384xi32>
    %iota3A = tpu.iota {dimensions = array<i32: 1>} : vector<384x384xi32>
    %iota3A_40 = tpu.iota {dimensions = array<i32: 0>} : vector<384x384xi32>
    %lt3A = arith.cmpi slt, %iota3A, %iota3A_40 : vector<384x384xi32>
    %eq3A = arith.cmpf oeq, %broadcast_in_dim3A_37, %broadcast_in_dim3A_39 : vector<384x384xf32>
    %and3A = arith.andi %eq3A, %lt3A : vector<384x384xi1>
    %convert_element_type3A_41 = arith.extui %and3A : vector<384x384xi1> to vector<384x384xi32>
    %add3A_42 = arith.addi %convert_element_type3A, %convert_element_type3A_41 : vector<384x384xi32>
    %reduce_sum3A = arith.constant dense<0> : vector<384xi32>
    %reduce_sum3A_43 = vector.multi_reduction <add>, %add3A_42, %reduce_sum3A [1] : vector<384x384xi32> to vector<384xi32>
    %broadcast_in_dim3A_44 = vector.shape_cast %reduce_sum3A_43 : vector<384xi32> to vector<384x1xi32>
    %broadcast_in_dim3A_45 = vector.shape_cast %broadcast_in_dim3A_44 : vector<384x1xi32> to vector<384x1xi32>
    %broadcast_in_dim3A_46 = vector.broadcast %broadcast_in_dim3A_45 : vector<384x1xi32> to vector<384x192xi32>
    %iota3A_47 = tpu.iota {dimensions = array<i32: 1>} : vector<384x192xi32>
    %iota3A_48 = tpu.iota {dimensions = array<i32: 0>} : vector<384x192xi32>
    %eq3A_49 = arith.cmpi eq, %broadcast_in_dim3A_46, %iota3A_47 : vector<384x192xi32>
    %convert_element_type3A_50 = arith.extui %eq3A_49 : vector<384x192xi1> to vector<384x192xi32>
    %mul3A = arith.muli %convert_element_type3A_50, %iota3A_48 : vector<384x192xi32>
    %reduce_sum3A_51 = arith.constant dense<0> : vector<192xi32>
    %reduce_sum3A_52 = vector.multi_reduction <add>, %mul3A, %reduce_sum3A_51 [0] : vector<384x192xi32> to vector<192xi32>
    %broadcast_in_dim3A_53 = vector.shape_cast %reduce_sum3A_52 : vector<192xi32> to vector<1x192xi32>
    %mul3A_54 = arith.constant 384 : i32
    %mul3A_55 = arith.muli %arg0, %mul3A_54 : i32
    %add3A_56 = vector.broadcast %mul3A_55 : i32 to vector<1x192xi32>
    %add3A_57 = arith.addi %broadcast_in_dim3A_53, %add3A_56 : vector<1x192xi32>
    %reshape3A_58 = vector.shape_cast %add3A_57 : vector<1x192xi32> to vector<1x1x192xi32>
    %swap3A = arith.constant 0 : index
    %swap3A_59 = arith.constant 0 : index
    %swap3A_60 = arith.constant 0 : index
    %swap3A_61 = vector.load %arg2[%swap3A, %swap3A_59, %swap3A_60] : memref<1x1x192xi32, #tpu.memory_space<vmem>>, vector<1x1x192xi32>
    tpu.vector_store %arg2[%swap3A, %swap3A_59, %swap3A_60], %reshape3A_58 {strides = array<i32>} : memref<1x1x192xi32, #tpu.memory_space<vmem>>, vector<1x1x192xi32>,
    return
  }
  func.func @transform_0(%arg0: i32) -> (i32, i32, i32) {
    %c0_i32 = arith.constant 0 : i32
    %c0_i32_0 = arith.constant 0 : i32
    %c0_i32_1 = arith.constant 0 : i32
    return %arg0, %c0_i32, %c0_i32_0 : i32, i32, i32
  }
  func.func @transform_1(%arg0: i32) -> (i32, i32, i32) {
    %c0_i32 = arith.constant 0 : i32
    %c0_i32_0 = arith.constant 0 : i32
    %c0_i32_1 = arith.constant 0 : i32
    return %arg0, %c0_i32, %c0_i32_0 : i32, i32, i32
  }
}

module attributes {stable_mosaic.version = 14 : i64} {
  func.func @_score_kernel(%arg0: i32, %arg1: i32, %arg2: memref<1x224x224x128xbf16, #tpu.memory_space<vmem>>, %arg3: memref<1x1x3x3xf32, #tpu.memory_space<vmem>>, %arg4: memref<1x1x18x128xf32, #tpu.memory_space<vmem>>) attributes {dimension_semantics = [#tpu.dimension_semantics<arbitrary>, #tpu.dimension_semantics<arbitrary>], iteration_bounds = array<i64: 4, 3>, scalar_prefetch = 0 : i64, scratch_operands = 0 : i64, tpu.core_type = #tpu.core_type<tc>, window_params = [{transform_indices = @transform_0, window_bounds = array<i64: 1, 224, 224, 128>}, {pipeline_mode = #tpu.pipeline_mode<synchronous>, transform_indices = @transform_1, window_bounds = array<i64: 1, 1, 3, 3>}, {transform_indices = @transform_2, window_bounds = array<i64: 1, 1, 18, 128>}]} {
    %get3A = arith.constant 0 : index
    %get3A_0 = arith.constant 0 : index
    %get3A_1 = arith.constant 0 : index
    %get3A_2 = arith.constant 0 : index
    %get3A_3 = vector.load %arg3[%get3A, %get3A_0, %get3A_1, %get3A_2] : memref<1x1x3x3xf32, #tpu.memory_space<vmem>>, vector<1x1x1x1xf32>
    %get3A_4 = vector.extract %get3A_3[0, 0, 0, 0] : f32 from vector<1x1x1x1xf32>
    %convert_element_type3A = arith.truncf %get3A_4 : f32 to bf16
    %convert_element_type3A_5 = arith.extf %convert_element_type3A : bf16 to f32
    %get3A_6 = arith.constant 0 : index
    %get3A_7 = arith.constant 0 : index
    %get3A_8 = arith.constant 0 : index
    %get3A_9 = arith.constant 1 : index
    %get3A_10 = vector.load %arg3[%get3A_6, %get3A_7, %get3A_8, %get3A_9] : memref<1x1x3x3xf32, #tpu.memory_space<vmem>>, vector<1x1x1x1xf32>
    %get3A_11 = vector.extract %get3A_10[0, 0, 0, 0] : f32 from vector<1x1x1x1xf32>
    %convert_element_type3A_12 = arith.truncf %get3A_11 : f32 to bf16
    %convert_element_type3A_13 = arith.extf %convert_element_type3A_12 : bf16 to f32
    %get3A_14 = arith.constant 0 : index
    %get3A_15 = arith.constant 0 : index
    %get3A_16 = arith.constant 0 : index
    %get3A_17 = arith.constant 2 : index
    %get3A_18 = vector.load %arg3[%get3A_14, %get3A_15, %get3A_16, %get3A_17] : memref<1x1x3x3xf32, #tpu.memory_space<vmem>>, vector<1x1x1x1xf32>
    %get3A_19 = vector.extract %get3A_18[0, 0, 0, 0] : f32 from vector<1x1x1x1xf32>
    %convert_element_type3A_20 = arith.truncf %get3A_19 : f32 to bf16
    %convert_element_type3A_21 = arith.extf %convert_element_type3A_20 : bf16 to f32
    %get3A_22 = arith.constant 0 : index
    %get3A_23 = arith.constant 0 : index
    %get3A_24 = arith.constant 1 : index
    %get3A_25 = arith.constant 0 : index
    %get3A_26 = vector.load %arg3[%get3A_22, %get3A_23, %get3A_24, %get3A_25] : memref<1x1x3x3xf32, #tpu.memory_space<vmem>>, vector<1x1x1x1xf32>
    %get3A_27 = vector.extract %get3A_26[0, 0, 0, 0] : f32 from vector<1x1x1x1xf32>
    %convert_element_type3A_28 = arith.truncf %get3A_27 : f32 to bf16
    %convert_element_type3A_29 = arith.extf %convert_element_type3A_28 : bf16 to f32
    %get3A_30 = arith.constant 0 : index
    %get3A_31 = arith.constant 0 : index
    %get3A_32 = arith.constant 1 : index
    %get3A_33 = arith.constant 1 : index
    %get3A_34 = vector.load %arg3[%get3A_30, %get3A_31, %get3A_32, %get3A_33] : memref<1x1x3x3xf32, #tpu.memory_space<vmem>>, vector<1x1x1x1xf32>
    %get3A_35 = vector.extract %get3A_34[0, 0, 0, 0] : f32 from vector<1x1x1x1xf32>
    %convert_element_type3A_36 = arith.truncf %get3A_35 : f32 to bf16
    %convert_element_type3A_37 = arith.extf %convert_element_type3A_36 : bf16 to f32
    %get3A_38 = arith.constant 0 : index
    %get3A_39 = arith.constant 0 : index
    %get3A_40 = arith.constant 1 : index
    %get3A_41 = arith.constant 2 : index
    %get3A_42 = vector.load %arg3[%get3A_38, %get3A_39, %get3A_40, %get3A_41] : memref<1x1x3x3xf32, #tpu.memory_space<vmem>>, vector<1x1x1x1xf32>
    %get3A_43 = vector.extract %get3A_42[0, 0, 0, 0] : f32 from vector<1x1x1x1xf32>
    %convert_element_type3A_44 = arith.truncf %get3A_43 : f32 to bf16
    %convert_element_type3A_45 = arith.extf %convert_element_type3A_44 : bf16 to f32
    %get3A_46 = arith.constant 0 : index
    %get3A_47 = arith.constant 0 : index
    %get3A_48 = arith.constant 2 : index
    %get3A_49 = arith.constant 0 : index
    %get3A_50 = vector.load %arg3[%get3A_46, %get3A_47, %get3A_48, %get3A_49] : memref<1x1x3x3xf32, #tpu.memory_space<vmem>>, vector<1x1x1x1xf32>
    %get3A_51 = vector.extract %get3A_50[0, 0, 0, 0] : f32 from vector<1x1x1x1xf32>
    %convert_element_type3A_52 = arith.truncf %get3A_51 : f32 to bf16
    %convert_element_type3A_53 = arith.extf %convert_element_type3A_52 : bf16 to f32
    %get3A_54 = arith.constant 0 : index
    %get3A_55 = arith.constant 0 : index
    %get3A_56 = arith.constant 2 : index
    %get3A_57 = arith.constant 1 : index
    %get3A_58 = vector.load %arg3[%get3A_54, %get3A_55, %get3A_56, %get3A_57] : memref<1x1x3x3xf32, #tpu.memory_space<vmem>>, vector<1x1x1x1xf32>
    %get3A_59 = vector.extract %get3A_58[0, 0, 0, 0] : f32 from vector<1x1x1x1xf32>
    %convert_element_type3A_60 = arith.truncf %get3A_59 : f32 to bf16
    %convert_element_type3A_61 = arith.extf %convert_element_type3A_60 : bf16 to f32
    %get3A_62 = arith.constant 0 : index
    %get3A_63 = arith.constant 0 : index
    %get3A_64 = arith.constant 2 : index
    %get3A_65 = arith.constant 2 : index
    %get3A_66 = vector.load %arg3[%get3A_62, %get3A_63, %get3A_64, %get3A_65] : memref<1x1x3x3xf32, #tpu.memory_space<vmem>>, vector<1x1x1x1xf32>
    %get3A_67 = vector.extract %get3A_66[0, 0, 0, 0] : f32 from vector<1x1x1x1xf32>
    %convert_element_type3A_68 = arith.truncf %get3A_67 : f32 to bf16
    %convert_element_type3A_69 = arith.extf %convert_element_type3A_68 : bf16 to f32
    %broadcast_in_dim3A = arith.constant 0.000000e+00 : f32
    %broadcast_in_dim3A_70 = vector.broadcast %broadcast_in_dim3A : f32 to vector<1x128xf32>
    %broadcast_in_dim3A_71 = arith.constant 0.000000e+00 : f32
    %broadcast_in_dim3A_72 = vector.broadcast %broadcast_in_dim3A_71 : f32 to vector<1x128xf32>
    %broadcast_in_dim3A_73 = arith.constant 0.000000e+00 : f32
    %broadcast_in_dim3A_74 = vector.broadcast %broadcast_in_dim3A_73 : f32 to vector<1x128xf32>
    %broadcast_in_dim3A_75 = arith.constant 0.000000e+00 : f32
    %broadcast_in_dim3A_76 = vector.broadcast %broadcast_in_dim3A_75 : f32 to vector<1x128xf32>
    %broadcast_in_dim3A_77 = arith.constant 0.000000e+00 : f32
    %broadcast_in_dim3A_78 = vector.broadcast %broadcast_in_dim3A_77 : f32 to vector<1x128xf32>
    %broadcast_in_dim3A_79 = arith.constant 0.000000e+00 : f32
    %broadcast_in_dim3A_80 = vector.broadcast %broadcast_in_dim3A_79 : f32 to vector<1x128xf32>
    %broadcast_in_dim3A_81 = arith.constant 0.000000e+00 : f32
    %broadcast_in_dim3A_82 = vector.broadcast %broadcast_in_dim3A_81 : f32 to vector<1x128xf32>
    %broadcast_in_dim3A_83 = arith.constant 0.000000e+00 : f32
    %broadcast_in_dim3A_84 = vector.broadcast %broadcast_in_dim3A_83 : f32 to vector<1x128xf32>
    %broadcast_in_dim3A_85 = arith.constant 0.000000e+00 : f32
    %broadcast_in_dim3A_86 = vector.broadcast %broadcast_in_dim3A_85 : f32 to vector<1x128xf32>
    %broadcast_in_dim3A_87 = arith.constant 0.000000e+00 : f32
    %broadcast_in_dim3A_88 = vector.broadcast %broadcast_in_dim3A_87 : f32 to vector<1x128xf32>
    %broadcast_in_dim3A_89 = arith.constant 0.000000e+00 : f32
    %broadcast_in_dim3A_90 = vector.broadcast %broadcast_in_dim3A_89 : f32 to vector<1x128xf32>
    %broadcast_in_dim3A_91 = arith.constant 0.000000e+00 : f32
    %broadcast_in_dim3A_92 = vector.broadcast %broadcast_in_dim3A_91 : f32 to vector<1x128xf32>
    %broadcast_in_dim3A_93 = arith.constant 0.000000e+00 : f32
    %broadcast_in_dim3A_94 = vector.broadcast %broadcast_in_dim3A_93 : f32 to vector<1x128xf32>
    %broadcast_in_dim3A_95 = arith.constant 0.000000e+00 : f32
    %broadcast_in_dim3A_96 = vector.broadcast %broadcast_in_dim3A_95 : f32 to vector<1x128xf32>
    %broadcast_in_dim3A_97 = arith.constant 0.000000e+00 : f32
    %broadcast_in_dim3A_98 = vector.broadcast %broadcast_in_dim3A_97 : f32 to vector<1x128xf32>
    %broadcast_in_dim3A_99 = arith.constant 0.000000e+00 : f32
    %broadcast_in_dim3A_100 = vector.broadcast %broadcast_in_dim3A_99 : f32 to vector<1x128xf32>
    %broadcast_in_dim3A_101 = arith.constant 0.000000e+00 : f32
    %broadcast_in_dim3A_102 = vector.broadcast %broadcast_in_dim3A_101 : f32 to vector<1x128xf32>
    %broadcast_in_dim3A_103 = arith.constant 0.000000e+00 : f32
    %broadcast_in_dim3A_104 = vector.broadcast %broadcast_in_dim3A_103 : f32 to vector<1x128xf32>
    %scan3A = arith.constant 0 : i32
    %scan3A_105 = arith.constant 37 : i32
    %scan3A_106 = arith.addi %scan3A, %scan3A_105 : i32
    %scan3A_107 = arith.constant 1 : i32
    %scan3A_108:18 = scf.for %scan3A_114 = %scan3A to %scan3A_106 step %scan3A_107 iter_args(%scan3A_115 = %broadcast_in_dim3A_70, %scan3A_116 = %broadcast_in_dim3A_72, %scan3A_117 = %broadcast_in_dim3A_74, %scan3A_118 = %broadcast_in_dim3A_76, %scan3A_119 = %broadcast_in_dim3A_78, %scan3A_120 = %broadcast_in_dim3A_80, %scan3A_121 = %broadcast_in_dim3A_82, %scan3A_122 = %broadcast_in_dim3A_84, %scan3A_123 = %broadcast_in_dim3A_86, %scan3A_124 = %broadcast_in_dim3A_88, %scan3A_125 = %broadcast_in_dim3A_90, %scan3A_126 = %broadcast_in_dim3A_92, %scan3A_127 = %broadcast_in_dim3A_94, %scan3A_128 = %broadcast_in_dim3A_96, %scan3A_129 = %broadcast_in_dim3A_98, %scan3A_130 = %broadcast_in_dim3A_100, %scan3A_131 = %broadcast_in_dim3A_102, %scan3A_132 = %broadcast_in_dim3A_104) -> (vector<1x128xf32>, vector<1x128xf32>, vector<1x128xf32>, vector<1x128xf32>, vector<1x128xf32>, vector<1x128xf32>, vector<1x128xf32>, vector<1x128xf32>, vector<1x128xf32>, vector<1x128xf32>, vector<1x128xf32>, vector<1x128xf32>, vector<1x128xf32>, vector<1x128xf32>, vector<1x128xf32>, vector<1x128xf32>, vector<1x128xf32>, vector<1x128xf32>)  : i32 {
      %add3A = arith.constant 0 : i32
      %add3A_133 = arith.addi %add3A, %scan3A_114 : i32
      %add3A_134 = arith.constant 0 : i32
      %add3A_135 = arith.addi %add3A_133, %add3A_134 : i32
      %get3A_136 = arith.constant 0 : index
      %get3A_137 = arith.index_cast %add3A_135 : i32 to index
      %get3A_138 = arith.constant 0 : index
      %get3A_139 = arith.constant 0 : index
      %get3A_140 = vector.load %arg2[%get3A_136, %get3A_137, %get3A_138, %get3A_139] : memref<1x224x224x128xbf16, #tpu.memory_space<vmem>>, vector<1x1x224x128xbf16>
      %get3A_141 = vector.shape_cast %get3A_140 : vector<1x1x224x128xbf16> to vector<1x224x128xbf16>
      %reshape3A_142 = vector.shape_cast %get3A_141 : vector<1x224x128xbf16> to vector<224x128xbf16>
      %convert_element_type3A_143 = arith.extf %reshape3A_142 : vector<224x128xbf16> to vector<224x128xf32>
      %add3A_144 = arith.constant 0 : i32
      %add3A_145 = arith.addi %add3A_144, %scan3A_114 : i32
      %add3A_146 = arith.constant 1 : i32
      %add3A_147 = arith.addi %add3A_145, %add3A_146 : i32
      %get3A_148 = arith.constant 0 : index
      %get3A_149 = arith.index_cast %add3A_147 : i32 to index
      %get3A_150 = arith.constant 0 : index
      %get3A_151 = arith.constant 0 : index
      %get3A_152 = vector.load %arg2[%get3A_148, %get3A_149, %get3A_150, %get3A_151] : memref<1x224x224x128xbf16, #tpu.memory_space<vmem>>, vector<1x1x224x128xbf16>
      %get3A_153 = vector.shape_cast %get3A_152 : vector<1x1x224x128xbf16> to vector<1x224x128xbf16>
      %reshape3A_154 = vector.shape_cast %get3A_153 : vector<1x224x128xbf16> to vector<224x128xbf16>
      %convert_element_type3A_155 = arith.extf %reshape3A_154 : vector<224x128xbf16> to vector<224x128xf32>
      %add3A_156 = arith.constant 0 : i32
      %add3A_157 = arith.addi %add3A_156, %scan3A_114 : i32
      %add3A_158 = arith.constant 2 : i32
      %add3A_159 = arith.addi %add3A_157, %add3A_158 : i32
      %get3A_160 = arith.constant 0 : index
      %get3A_161 = arith.index_cast %add3A_159 : i32 to index
      %get3A_162 = arith.constant 0 : index
      %get3A_163 = arith.constant 0 : index
      %get3A_164 = vector.load %arg2[%get3A_160, %get3A_161, %get3A_162, %get3A_163] : memref<1x224x224x128xbf16, #tpu.memory_space<vmem>>, vector<1x1x224x128xbf16>
      %get3A_165 = vector.shape_cast %get3A_164 : vector<1x1x224x128xbf16> to vector<1x224x128xbf16>
      %reshape3A_166 = vector.shape_cast %get3A_165 : vector<1x224x128xbf16> to vector<224x128xbf16>
      %convert_element_type3A_167 = arith.extf %reshape3A_166 : vector<224x128xbf16> to vector<224x128xf32>
      %slice3A = vector.extract_strided_slice %convert_element_type3A_143 {offsets = [0, 0], sizes = [222, 128], strides = [1, 1]} : vector<224x128xf32> to vector<222x128xf32>
      %mul3A = vector.broadcast %convert_element_type3A_5 : f32 to vector<222x128xf32>
      %mul3A_168 = arith.mulf %slice3A, %mul3A : vector<222x128xf32>
      %slice3A_169 = vector.extract_strided_slice %convert_element_type3A_143 {offsets = [1, 0], sizes = [222, 128], strides = [1, 1]} : vector<224x128xf32> to vector<222x128xf32>
      %mul3A_170 = vector.broadcast %convert_element_type3A_13 : f32 to vector<222x128xf32>
      %mul3A_171 = arith.mulf %slice3A_169, %mul3A_170 : vector<222x128xf32>
      %add3A_172 = arith.addf %mul3A_168, %mul3A_171 : vector<222x128xf32>
      %slice3A_173 = vector.extract_strided_slice %convert_element_type3A_143 {offsets = [2, 0], sizes = [222, 128], strides = [1, 1]} : vector<224x128xf32> to vector<222x128xf32>
      %mul3A_174 = vector.broadcast %convert_element_type3A_21 : f32 to vector<222x128xf32>
      %mul3A_175 = arith.mulf %slice3A_173, %mul3A_174 : vector<222x128xf32>
      %add3A_176 = arith.addf %add3A_172, %mul3A_175 : vector<222x128xf32>
      %slice3A_177 = vector.extract_strided_slice %convert_element_type3A_155 {offsets = [0, 0], sizes = [222, 128], strides = [1, 1]} : vector<224x128xf32> to vector<222x128xf32>
      %mul3A_178 = vector.broadcast %convert_element_type3A_29 : f32 to vector<222x128xf32>
      %mul3A_179 = arith.mulf %slice3A_177, %mul3A_178 : vector<222x128xf32>
      %add3A_180 = arith.addf %add3A_176, %mul3A_179 : vector<222x128xf32>
      %slice3A_181 = vector.extract_strided_slice %convert_element_type3A_155 {offsets = [1, 0], sizes = [222, 128], strides = [1, 1]} : vector<224x128xf32> to vector<222x128xf32>
      %mul3A_182 = vector.broadcast %convert_element_type3A_37 : f32 to vector<222x128xf32>
      %mul3A_183 = arith.mulf %slice3A_181, %mul3A_182 : vector<222x128xf32>
      %add3A_184 = arith.addf %add3A_180, %mul3A_183 : vector<222x128xf32>
      %slice3A_185 = vector.extract_strided_slice %convert_element_type3A_155 {offsets = [2, 0], sizes = [222, 128], strides = [1, 1]} : vector<224x128xf32> to vector<222x128xf32>
      %mul3A_186 = vector.broadcast %convert_element_type3A_45 : f32 to vector<222x128xf32>
      %mul3A_187 = arith.mulf %slice3A_185, %mul3A_186 : vector<222x128xf32>
      %add3A_188 = arith.addf %add3A_184, %mul3A_187 : vector<222x128xf32>
      %slice3A_189 = vector.extract_strided_slice %convert_element_type3A_167 {offsets = [0, 0], sizes = [222, 128], strides = [1, 1]} : vector<224x128xf32> to vector<222x128xf32>
      %mul3A_190 = vector.broadcast %convert_element_type3A_53 : f32 to vector<222x128xf32>
      %mul3A_191 = arith.mulf %slice3A_189, %mul3A_190 : vector<222x128xf32>
      %add3A_192 = arith.addf %add3A_188, %mul3A_191 : vector<222x128xf32>
      %slice3A_193 = vector.extract_strided_slice %convert_element_type3A_167 {offsets = [1, 0], sizes = [222, 128], strides = [1, 1]} : vector<224x128xf32> to vector<222x128xf32>
      %mul3A_194 = vector.broadcast %convert_element_type3A_61 : f32 to vector<222x128xf32>
      %mul3A_195 = arith.mulf %slice3A_193, %mul3A_194 : vector<222x128xf32>
      %add3A_196 = arith.addf %add3A_192, %mul3A_195 : vector<222x128xf32>
      %slice3A_197 = vector.extract_strided_slice %convert_element_type3A_167 {offsets = [2, 0], sizes = [222, 128], strides = [1, 1]} : vector<224x128xf32> to vector<222x128xf32>
      %mul3A_198 = vector.broadcast %convert_element_type3A_69 : f32 to vector<222x128xf32>
      %mul3A_199 = arith.mulf %slice3A_197, %mul3A_198 : vector<222x128xf32>
      %add3A_200 = arith.addf %add3A_196, %mul3A_199 : vector<222x128xf32>
      %abs3A = math.absf %add3A_200 : vector<222x128xf32>
      %slice3A_201 = vector.extract_strided_slice %abs3A {offsets = [0, 0], sizes = [1, 128], strides = [1, 1]} : vector<222x128xf32> to vector<1x128xf32>
      %add3A_202 = arith.addf %scan3A_115, %slice3A_201 : vector<1x128xf32>
      %slice3A_203 = vector.extract_strided_slice %abs3A {offsets = [1, 0], sizes = [1, 128], strides = [1, 1]} : vector<222x128xf32> to vector<1x128xf32>
      %add3A_204 = arith.addf %add3A_202, %slice3A_203 : vector<1x128xf32>
      %slice3A_205 = vector.extract_strided_slice %abs3A {offsets = [2, 0], sizes = [1, 128], strides = [1, 1]} : vector<222x128xf32> to vector<1x128xf32>
      %add3A_206 = arith.addf %add3A_204, %slice3A_205 : vector<1x128xf32>
      %slice3A_207 = vector.extract_strided_slice %abs3A {offsets = [3, 0], sizes = [1, 128], strides = [1, 1]} : vector<222x128xf32> to vector<1x128xf32>
      %add3A_208 = arith.addf %add3A_206, %slice3A_207 : vector<1x128xf32>
      %slice3A_209 = vector.extract_strided_slice %abs3A {offsets = [4, 0], sizes = [1, 128], strides = [1, 1]} : vector<222x128xf32> to vector<1x128xf32>
      %add3A_210 = arith.addf %add3A_208, %slice3A_209 : vector<1x128xf32>
      %slice3A_211 = vector.extract_strided_slice %abs3A {offsets = [5, 0], sizes = [1, 128], strides = [1, 1]} : vector<222x128xf32> to vector<1x128xf32>
      %add3A_212 = arith.addf %add3A_210, %slice3A_211 : vector<1x128xf32>
      %slice3A_213 = vector.extract_strided_slice %abs3A {offsets = [6, 0], sizes = [1, 128], strides = [1, 1]} : vector<222x128xf32> to vector<1x128xf32>
      %add3A_214 = arith.addf %add3A_212, %slice3A_213 : vector<1x128xf32>
      %slice3A_215 = vector.extract_strided_slice %abs3A {offsets = [7, 0], sizes = [1, 128], strides = [1, 1]} : vector<222x128xf32> to vector<1x128xf32>
      %add3A_216 = arith.addf %add3A_214, %slice3A_215 : vector<1x128xf32>
      %slice3A_217 = vector.extract_strided_slice %abs3A {offsets = [8, 0], sizes = [1, 128], strides = [1, 1]} : vector<222x128xf32> to vector<1x128xf32>
      %add3A_218 = arith.addf %add3A_216, %slice3A_217 : vector<1x128xf32>
      %slice3A_219 = vector.extract_strided_slice %abs3A {offsets = [9, 0], sizes = [1, 128], strides = [1, 1]} : vector<222x128xf32> to vector<1x128xf32>
      %add3A_220 = arith.addf %add3A_218, %slice3A_219 : vector<1x128xf32>
      %slice3A_221 = vector.extract_strided_slice %abs3A {offsets = [10, 0], sizes = [1, 128], strides = [1, 1]} : vector<222x128xf32> to vector<1x128xf32>
      %add3A_222 = arith.addf %add3A_220, %slice3A_221 : vector<1x128xf32>
      %slice3A_223 = vector.extract_strided_slice %abs3A {offsets = [11, 0], sizes = [1, 128], strides = [1, 1]} : vector<222x128xf32> to vector<1x128xf32>
      %add3A_224 = arith.addf %add3A_222, %slice3A_223 : vector<1x128xf32>
      %slice3A_225 = vector.extract_strided_slice %abs3A {offsets = [12, 0], sizes = [1, 128], strides = [1, 1]} : vector<222x128xf32> to vector<1x128xf32>
      %add3A_226 = arith.addf %add3A_224, %slice3A_225 : vector<1x128xf32>
      %slice3A_227 = vector.extract_strided_slice %abs3A {offsets = [13, 0], sizes = [1, 128], strides = [1, 1]} : vector<222x128xf32> to vector<1x128xf32>
      %add3A_228 = arith.addf %add3A_226, %slice3A_227 : vector<1x128xf32>
      %slice3A_229 = vector.extract_strided_slice %abs3A {offsets = [14, 0], sizes = [1, 128], strides = [1, 1]} : vector<222x128xf32> to vector<1x128xf32>
      %add3A_230 = arith.addf %add3A_228, %slice3A_229 : vector<1x128xf32>
      %slice3A_231 = vector.extract_strided_slice %abs3A {offsets = [15, 0], sizes = [1, 128], strides = [1, 1]} : vector<222x128xf32> to vector<1x128xf32>
      %add3A_232 = arith.addf %add3A_230, %slice3A_231 : vector<1x128xf32>
      %slice3A_233 = vector.extract_strided_slice %abs3A {offsets = [16, 0], sizes = [1, 128], strides = [1, 1]} : vector<222x128xf32> to vector<1x128xf32>
      %add3A_234 = arith.addf %add3A_232, %slice3A_233 : vector<1x128xf32>
      %slice3A_235 = vector.extract_strided_slice %abs3A {offsets = [17, 0], sizes = [1, 128], strides = [1, 1]} : vector<222x128xf32> to vector<1x128xf32>
      %add3A_236 = arith.addf %add3A_234, %slice3A_235 : vector<1x128xf32>
      %slice3A_237 = vector.extract_strided_slice %abs3A {offsets = [18, 0], sizes = [1, 128], strides = [1, 1]} : vector<222x128xf32> to vector<1x128xf32>
      %add3A_238 = arith.addf %add3A_236, %slice3A_237 : vector<1x128xf32>
      %slice3A_239 = vector.extract_strided_slice %abs3A {offsets = [19, 0], sizes = [1, 128], strides = [1, 1]} : vector<222x128xf32> to vector<1x128xf32>
      %add3A_240 = arith.addf %add3A_238, %slice3A_239 : vector<1x128xf32>
      %slice3A_241 = vector.extract_strided_slice %abs3A {offsets = [20, 0], sizes = [1, 128], strides = [1, 1]} : vector<222x128xf32> to vector<1x128xf32>
      %add3A_242 = arith.addf %add3A_240, %slice3A_241 : vector<1x128xf32>
      %slice3A_243 = vector.extract_strided_slice %abs3A {offsets = [21, 0], sizes = [1, 128], strides = [1, 1]} : vector<222x128xf32> to vector<1x128xf32>
      %add3A_244 = arith.addf %add3A_242, %slice3A_243 : vector<1x128xf32>
      %slice3A_245 = vector.extract_strided_slice %abs3A {offsets = [22, 0], sizes = [1, 128], strides = [1, 1]} : vector<222x128xf32> to vector<1x128xf32>
      %add3A_246 = arith.addf %add3A_244, %slice3A_245 : vector<1x128xf32>
      %slice3A_247 = vector.extract_strided_slice %abs3A {offsets = [23, 0], sizes = [1, 128], strides = [1, 1]} : vector<222x128xf32> to vector<1x128xf32>
      %add3A_248 = arith.addf %add3A_246, %slice3A_247 : vector<1x128xf32>
      %slice3A_249 = vector.extract_strided_slice %abs3A {offsets = [24, 0], sizes = [1, 128], strides = [1, 1]} : vector<222x128xf32> to vector<1x128xf32>
      %add3A_250 = arith.addf %add3A_248, %slice3A_249 : vector<1x128xf32>
      %slice3A_251 = vector.extract_strided_slice %abs3A {offsets = [25, 0], sizes = [1, 128], strides = [1, 1]} : vector<222x128xf32> to vector<1x128xf32>
      %add3A_252 = arith.addf %add3A_250, %slice3A_251 : vector<1x128xf32>
      %slice3A_253 = vector.extract_strided_slice %abs3A {offsets = [26, 0], sizes = [1, 128], strides = [1, 1]} : vector<222x128xf32> to vector<1x128xf32>
      %add3A_254 = arith.addf %add3A_252, %slice3A_253 : vector<1x128xf32>
      %slice3A_255 = vector.extract_strided_slice %abs3A {offsets = [27, 0], sizes = [1, 128], strides = [1, 1]} : vector<222x128xf32> to vector<1x128xf32>
      %add3A_256 = arith.addf %add3A_254, %slice3A_255 : vector<1x128xf32>
      %slice3A_257 = vector.extract_strided_slice %abs3A {offsets = [28, 0], sizes = [1, 128], strides = [1, 1]} : vector<222x128xf32> to vector<1x128xf32>
      %add3A_258 = arith.addf %add3A_256, %slice3A_257 : vector<1x128xf32>
      %slice3A_259 = vector.extract_strided_slice %abs3A {offsets = [29, 0], sizes = [1, 128], strides = [1, 1]} : vector<222x128xf32> to vector<1x128xf32>
      %add3A_260 = arith.addf %add3A_258, %slice3A_259 : vector<1x128xf32>
      %slice3A_261 = vector.extract_strided_slice %abs3A {offsets = [30, 0], sizes = [1, 128], strides = [1, 1]} : vector<222x128xf32> to vector<1x128xf32>
      %add3A_262 = arith.addf %add3A_260, %slice3A_261 : vector<1x128xf32>
      %slice3A_263 = vector.extract_strided_slice %abs3A {offsets = [31, 0], sizes = [1, 128], strides = [1, 1]} : vector<222x128xf32> to vector<1x128xf32>
      %add3A_264 = arith.addf %add3A_262, %slice3A_263 : vector<1x128xf32>
      %slice3A_265 = vector.extract_strided_slice %abs3A {offsets = [32, 0], sizes = [1, 128], strides = [1, 1]} : vector<222x128xf32> to vector<1x128xf32>
      %add3A_266 = arith.addf %add3A_264, %slice3A_265 : vector<1x128xf32>
      %slice3A_267 = vector.extract_strided_slice %abs3A {offsets = [33, 0], sizes = [1, 128], strides = [1, 1]} : vector<222x128xf32> to vector<1x128xf32>
      %add3A_268 = arith.addf %add3A_266, %slice3A_267 : vector<1x128xf32>
      %slice3A_269 = vector.extract_strided_slice %abs3A {offsets = [34, 0], sizes = [1, 128], strides = [1, 1]} : vector<222x128xf32> to vector<1x128xf32>
      %add3A_270 = arith.addf %add3A_268, %slice3A_269 : vector<1x128xf32>
      %slice3A_271 = vector.extract_strided_slice %abs3A {offsets = [35, 0], sizes = [1, 128], strides = [1, 1]} : vector<222x128xf32> to vector<1x128xf32>
      %add3A_272 = arith.addf %add3A_270, %slice3A_271 : vector<1x128xf32>
      %slice3A_273 = vector.extract_strided_slice %abs3A {offsets = [36, 0], sizes = [1, 128], strides = [1, 1]} : vector<222x128xf32> to vector<1x128xf32>
      %add3A_274 = arith.addf %add3A_272, %slice3A_273 : vector<1x128xf32>
      %slice3A_275 = vector.extract_strided_slice %abs3A {offsets = [37, 0], sizes = [1, 128], strides = [1, 1]} : vector<222x128xf32> to vector<1x128xf32>
      %add3A_276 = arith.addf %add3A_274, %slice3A_275 : vector<1x128xf32>
      %slice3A_277 = vector.extract_strided_slice %abs3A {offsets = [38, 0], sizes = [1, 128], strides = [1, 1]} : vector<222x128xf32> to vector<1x128xf32>
      %add3A_278 = arith.addf %add3A_276, %slice3A_277 : vector<1x128xf32>
      %slice3A_279 = vector.extract_strided_slice %abs3A {offsets = [39, 0], sizes = [1, 128], strides = [1, 1]} : vector<222x128xf32> to vector<1x128xf32>
      %add3A_280 = arith.addf %add3A_278, %slice3A_279 : vector<1x128xf32>
      %slice3A_281 = vector.extract_strided_slice %abs3A {offsets = [40, 0], sizes = [1, 128], strides = [1, 1]} : vector<222x128xf32> to vector<1x128xf32>
      %add3A_282 = arith.addf %add3A_280, %slice3A_281 : vector<1x128xf32>
      %slice3A_283 = vector.extract_strided_slice %abs3A {offsets = [41, 0], sizes = [1, 128], strides = [1, 1]} : vector<222x128xf32> to vector<1x128xf32>
      %add3A_284 = arith.addf %add3A_282, %slice3A_283 : vector<1x128xf32>
      %slice3A_285 = vector.extract_strided_slice %abs3A {offsets = [42, 0], sizes = [1, 128], strides = [1, 1]} : vector<222x128xf32> to vector<1x128xf32>
      %add3A_286 = arith.addf %add3A_284, %slice3A_285 : vector<1x128xf32>
      %slice3A_287 = vector.extract_strided_slice %abs3A {offsets = [43, 0], sizes = [1, 128], strides = [1, 1]} : vector<222x128xf32> to vector<1x128xf32>
      %add3A_288 = arith.addf %add3A_286, %slice3A_287 : vector<1x128xf32>
      %slice3A_289 = vector.extract_strided_slice %abs3A {offsets = [44, 0], sizes = [1, 128], strides = [1, 1]} : vector<222x128xf32> to vector<1x128xf32>
      %add3A_290 = arith.addf %add3A_288, %slice3A_289 : vector<1x128xf32>
      %slice3A_291 = vector.extract_strided_slice %abs3A {offsets = [45, 0], sizes = [1, 128], strides = [1, 1]} : vector<222x128xf32> to vector<1x128xf32>
      %add3A_292 = arith.addf %add3A_290, %slice3A_291 : vector<1x128xf32>
      %slice3A_293 = vector.extract_strided_slice %abs3A {offsets = [46, 0], sizes = [1, 128], strides = [1, 1]} : vector<222x128xf32> to vector<1x128xf32>
      %add3A_294 = arith.addf %add3A_292, %slice3A_293 : vector<1x128xf32>
      %slice3A_295 = vector.extract_strided_slice %abs3A {offsets = [47, 0], sizes = [1, 128], strides = [1, 1]} : vector<222x128xf32> to vector<1x128xf32>
      %add3A_296 = arith.addf %add3A_294, %slice3A_295 : vector<1x128xf32>
      %slice3A_297 = vector.extract_strided_slice %abs3A {offsets = [48, 0], sizes = [1, 128], strides = [1, 1]} : vector<222x128xf32> to vector<1x128xf32>
      %add3A_298 = arith.addf %add3A_296, %slice3A_297 : vector<1x128xf32>
      %slice3A_299 = vector.extract_strided_slice %abs3A {offsets = [49, 0], sizes = [1, 128], strides = [1, 1]} : vector<222x128xf32> to vector<1x128xf32>
      %add3A_300 = arith.addf %add3A_298, %slice3A_299 : vector<1x128xf32>
      %slice3A_301 = vector.extract_strided_slice %abs3A {offsets = [50, 0], sizes = [1, 128], strides = [1, 1]} : vector<222x128xf32> to vector<1x128xf32>
      %add3A_302 = arith.addf %add3A_300, %slice3A_301 : vector<1x128xf32>
      %slice3A_303 = vector.extract_strided_slice %abs3A {offsets = [51, 0], sizes = [1, 128], strides = [1, 1]} : vector<222x128xf32> to vector<1x128xf32>
      %add3A_304 = arith.addf %add3A_302, %slice3A_303 : vector<1x128xf32>
      %slice3A_305 = vector.extract_strided_slice %abs3A {offsets = [52, 0], sizes = [1, 128], strides = [1, 1]} : vector<222x128xf32> to vector<1x128xf32>
      %add3A_306 = arith.addf %add3A_304, %slice3A_305 : vector<1x128xf32>
      %slice3A_307 = vector.extract_strided_slice %abs3A {offsets = [53, 0], sizes = [1, 128], strides = [1, 1]} : vector<222x128xf32> to vector<1x128xf32>
      %add3A_308 = arith.addf %add3A_306, %slice3A_307 : vector<1x128xf32>
      %slice3A_309 = vector.extract_strided_slice %abs3A {offsets = [54, 0], sizes = [1, 128], strides = [1, 1]} : vector<222x128xf32> to vector<1x128xf32>
      %add3A_310 = arith.addf %add3A_308, %slice3A_309 : vector<1x128xf32>
      %slice3A_311 = vector.extract_strided_slice %abs3A {offsets = [55, 0], sizes = [1, 128], strides = [1, 1]} : vector<222x128xf32> to vector<1x128xf32>
      %add3A_312 = arith.addf %add3A_310, %slice3A_311 : vector<1x128xf32>
      %slice3A_313 = vector.extract_strided_slice %abs3A {offsets = [56, 0], sizes = [1, 128], strides = [1, 1]} : vector<222x128xf32> to vector<1x128xf32>
      %add3A_314 = arith.addf %add3A_312, %slice3A_313 : vector<1x128xf32>
      %slice3A_315 = vector.extract_strided_slice %abs3A {offsets = [57, 0], sizes = [1, 128], strides = [1, 1]} : vector<222x128xf32> to vector<1x128xf32>
      %add3A_316 = arith.addf %add3A_314, %slice3A_315 : vector<1x128xf32>
      %slice3A_317 = vector.extract_strided_slice %abs3A {offsets = [58, 0], sizes = [1, 128], strides = [1, 1]} : vector<222x128xf32> to vector<1x128xf32>
      %add3A_318 = arith.addf %add3A_316, %slice3A_317 : vector<1x128xf32>
      %slice3A_319 = vector.extract_strided_slice %abs3A {offsets = [59, 0], sizes = [1, 128], strides = [1, 1]} : vector<222x128xf32> to vector<1x128xf32>
      %add3A_320 = arith.addf %add3A_318, %slice3A_319 : vector<1x128xf32>
      %slice3A_321 = vector.extract_strided_slice %abs3A {offsets = [60, 0], sizes = [1, 128], strides = [1, 1]} : vector<222x128xf32> to vector<1x128xf32>
      %add3A_322 = arith.addf %add3A_320, %slice3A_321 : vector<1x128xf32>
      %slice3A_323 = vector.extract_strided_slice %abs3A {offsets = [61, 0], sizes = [1, 128], strides = [1, 1]} : vector<222x128xf32> to vector<1x128xf32>
      %add3A_324 = arith.addf %add3A_322, %slice3A_323 : vector<1x128xf32>
      %slice3A_325 = vector.extract_strided_slice %abs3A {offsets = [62, 0], sizes = [1, 128], strides = [1, 1]} : vector<222x128xf32> to vector<1x128xf32>
      %add3A_326 = arith.addf %add3A_324, %slice3A_325 : vector<1x128xf32>
      %slice3A_327 = vector.extract_strided_slice %abs3A {offsets = [63, 0], sizes = [1, 128], strides = [1, 1]} : vector<222x128xf32> to vector<1x128xf32>
      %add3A_328 = arith.addf %add3A_326, %slice3A_327 : vector<1x128xf32>
      %slice3A_329 = vector.extract_strided_slice %abs3A {offsets = [64, 0], sizes = [1, 128], strides = [1, 1]} : vector<222x128xf32> to vector<1x128xf32>
      %add3A_330 = arith.addf %add3A_328, %slice3A_329 : vector<1x128xf32>
      %slice3A_331 = vector.extract_strided_slice %abs3A {offsets = [65, 0], sizes = [1, 128], strides = [1, 1]} : vector<222x128xf32> to vector<1x128xf32>
      %add3A_332 = arith.addf %add3A_330, %slice3A_331 : vector<1x128xf32>
      %slice3A_333 = vector.extract_strided_slice %abs3A {offsets = [66, 0], sizes = [1, 128], strides = [1, 1]} : vector<222x128xf32> to vector<1x128xf32>
      %add3A_334 = arith.addf %add3A_332, %slice3A_333 : vector<1x128xf32>
      %slice3A_335 = vector.extract_strided_slice %abs3A {offsets = [67, 0], sizes = [1, 128], strides = [1, 1]} : vector<222x128xf32> to vector<1x128xf32>
      %add3A_336 = arith.addf %add3A_334, %slice3A_335 : vector<1x128xf32>
      %slice3A_337 = vector.extract_strided_slice %abs3A {offsets = [68, 0], sizes = [1, 128], strides = [1, 1]} : vector<222x128xf32> to vector<1x128xf32>
      %add3A_338 = arith.addf %add3A_336, %slice3A_337 : vector<1x128xf32>
      %slice3A_339 = vector.extract_strided_slice %abs3A {offsets = [69, 0], sizes = [1, 128], strides = [1, 1]} : vector<222x128xf32> to vector<1x128xf32>
      %add3A_340 = arith.addf %add3A_338, %slice3A_339 : vector<1x128xf32>
      %slice3A_341 = vector.extract_strided_slice %abs3A {offsets = [70, 0], sizes = [1, 128], strides = [1, 1]} : vector<222x128xf32> to vector<1x128xf32>
      %add3A_342 = arith.addf %add3A_340, %slice3A_341 : vector<1x128xf32>
      %slice3A_343 = vector.extract_strided_slice %abs3A {offsets = [71, 0], sizes = [1, 128], strides = [1, 1]} : vector<222x128xf32> to vector<1x128xf32>
      %add3A_344 = arith.addf %add3A_342, %slice3A_343 : vector<1x128xf32>
      %slice3A_345 = vector.extract_strided_slice %abs3A {offsets = [72, 0], sizes = [1, 128], strides = [1, 1]} : vector<222x128xf32> to vector<1x128xf32>
      %add3A_346 = arith.addf %add3A_344, %slice3A_345 : vector<1x128xf32>
      %slice3A_347 = vector.extract_strided_slice %abs3A {offsets = [73, 0], sizes = [1, 128], strides = [1, 1]} : vector<222x128xf32> to vector<1x128xf32>
      %add3A_348 = arith.addf %add3A_346, %slice3A_347 : vector<1x128xf32>
      %slice3A_349 = vector.extract_strided_slice %abs3A {offsets = [74, 0], sizes = [1, 128], strides = [1, 1]} : vector<222x128xf32> to vector<1x128xf32>
      %add3A_350 = arith.addf %scan3A_116, %slice3A_349 : vector<1x128xf32>
      %slice3A_351 = vector.extract_strided_slice %abs3A {offsets = [75, 0], sizes = [1, 128], strides = [1, 1]} : vector<222x128xf32> to vector<1x128xf32>
      %add3A_352 = arith.addf %add3A_350, %slice3A_351 : vector<1x128xf32>
      %slice3A_353 = vector.extract_strided_slice %abs3A {offsets = [76, 0], sizes = [1, 128], strides = [1, 1]} : vector<222x128xf32> to vector<1x128xf32>
      %add3A_354 = arith.addf %add3A_352, %slice3A_353 : vector<1x128xf32>
      %slice3A_355 = vector.extract_strided_slice %abs3A {offsets = [77, 0], sizes = [1, 128], strides = [1, 1]} : vector<222x128xf32> to vector<1x128xf32>
      %add3A_356 = arith.addf %add3A_354, %slice3A_355 : vector<1x128xf32>
      %slice3A_357 = vector.extract_strided_slice %abs3A {offsets = [78, 0], sizes = [1, 128], strides = [1, 1]} : vector<222x128xf32> to vector<1x128xf32>
      %add3A_358 = arith.addf %add3A_356, %slice3A_357 : vector<1x128xf32>
      %slice3A_359 = vector.extract_strided_slice %abs3A {offsets = [79, 0], sizes = [1, 128], strides = [1, 1]} : vector<222x128xf32> to vector<1x128xf32>
      %add3A_360 = arith.addf %add3A_358, %slice3A_359 : vector<1x128xf32>
      %slice3A_361 = vector.extract_strided_slice %abs3A {offsets = [80, 0], sizes = [1, 128], strides = [1, 1]} : vector<222x128xf32> to vector<1x128xf32>
      %add3A_362 = arith.addf %add3A_360, %slice3A_361 : vector<1x128xf32>
      %slice3A_363 = vector.extract_strided_slice %abs3A {offsets = [81, 0], sizes = [1, 128], strides = [1, 1]} : vector<222x128xf32> to vector<1x128xf32>
      %add3A_364 = arith.addf %add3A_362, %slice3A_363 : vector<1x128xf32>
      %slice3A_365 = vector.extract_strided_slice %abs3A {offsets = [82, 0], sizes = [1, 128], strides = [1, 1]} : vector<222x128xf32> to vector<1x128xf32>
      %add3A_366 = arith.addf %add3A_364, %slice3A_365 : vector<1x128xf32>
      %slice3A_367 = vector.extract_strided_slice %abs3A {offsets = [83, 0], sizes = [1, 128], strides = [1, 1]} : vector<222x128xf32> to vector<1x128xf32>
      %add3A_368 = arith.addf %add3A_366, %slice3A_367 : vector<1x128xf32>
      %slice3A_369 = vector.extract_strided_slice %abs3A {offsets = [84, 0], sizes = [1, 128], strides = [1, 1]} : vector<222x128xf32> to vector<1x128xf32>
      %add3A_370 = arith.addf %add3A_368, %slice3A_369 : vector<1x128xf32>
      %slice3A_371 = vector.extract_strided_slice %abs3A {offsets = [85, 0], sizes = [1, 128], strides = [1, 1]} : vector<222x128xf32> to vector<1x128xf32>
      %add3A_372 = arith.addf %add3A_370, %slice3A_371 : vector<1x128xf32>
      %slice3A_373 = vector.extract_strided_slice %abs3A {offsets = [86, 0], sizes = [1, 128], strides = [1, 1]} : vector<222x128xf32> to vector<1x128xf32>
      %add3A_374 = arith.addf %add3A_372, %slice3A_373 : vector<1x128xf32>
      %slice3A_375 = vector.extract_strided_slice %abs3A {offsets = [87, 0], sizes = [1, 128], strides = [1, 1]} : vector<222x128xf32> to vector<1x128xf32>
      %add3A_376 = arith.addf %add3A_374, %slice3A_375 : vector<1x128xf32>
      %slice3A_377 = vector.extract_strided_slice %abs3A {offsets = [88, 0], sizes = [1, 128], strides = [1, 1]} : vector<222x128xf32> to vector<1x128xf32>
      %add3A_378 = arith.addf %add3A_376, %slice3A_377 : vector<1x128xf32>
      %slice3A_379 = vector.extract_strided_slice %abs3A {offsets = [89, 0], sizes = [1, 128], strides = [1, 1]} : vector<222x128xf32> to vector<1x128xf32>
      %add3A_380 = arith.addf %add3A_378, %slice3A_379 : vector<1x128xf32>
      %slice3A_381 = vector.extract_strided_slice %abs3A {offsets = [90, 0], sizes = [1, 128], strides = [1, 1]} : vector<222x128xf32> to vector<1x128xf32>
      %add3A_382 = arith.addf %add3A_380, %slice3A_381 : vector<1x128xf32>
      %slice3A_383 = vector.extract_strided_slice %abs3A {offsets = [91, 0], sizes = [1, 128], strides = [1, 1]} : vector<222x128xf32> to vector<1x128xf32>
      %add3A_384 = arith.addf %add3A_382, %slice3A_383 : vector<1x128xf32>
      %slice3A_385 = vector.extract_strided_slice %abs3A {offsets = [92, 0], sizes = [1, 128], strides = [1, 1]} : vector<222x128xf32> to vector<1x128xf32>
      %add3A_386 = arith.addf %add3A_384, %slice3A_385 : vector<1x128xf32>
      %slice3A_387 = vector.extract_strided_slice %abs3A {offsets = [93, 0], sizes = [1, 128], strides = [1, 1]} : vector<222x128xf32> to vector<1x128xf32>
      %add3A_388 = arith.addf %add3A_386, %slice3A_387 : vector<1x128xf32>
      %slice3A_389 = vector.extract_strided_slice %abs3A {offsets = [94, 0], sizes = [1, 128], strides = [1, 1]} : vector<222x128xf32> to vector<1x128xf32>
      %add3A_390 = arith.addf %add3A_388, %slice3A_389 : vector<1x128xf32>
      %slice3A_391 = vector.extract_strided_slice %abs3A {offsets = [95, 0], sizes = [1, 128], strides = [1, 1]} : vector<222x128xf32> to vector<1x128xf32>
      %add3A_392 = arith.addf %add3A_390, %slice3A_391 : vector<1x128xf32>
      %slice3A_393 = vector.extract_strided_slice %abs3A {offsets = [96, 0], sizes = [1, 128], strides = [1, 1]} : vector<222x128xf32> to vector<1x128xf32>
      %add3A_394 = arith.addf %add3A_392, %slice3A_393 : vector<1x128xf32>
      %slice3A_395 = vector.extract_strided_slice %abs3A {offsets = [97, 0], sizes = [1, 128], strides = [1, 1]} : vector<222x128xf32> to vector<1x128xf32>
      %add3A_396 = arith.addf %add3A_394, %slice3A_395 : vector<1x128xf32>
      %slice3A_397 = vector.extract_strided_slice %abs3A {offsets = [98, 0], sizes = [1, 128], strides = [1, 1]} : vector<222x128xf32> to vector<1x128xf32>
      %add3A_398 = arith.addf %add3A_396, %slice3A_397 : vector<1x128xf32>
      %slice3A_399 = vector.extract_strided_slice %abs3A {offsets = [99, 0], sizes = [1, 128], strides = [1, 1]} : vector<222x128xf32> to vector<1x128xf32>
      %add3A_400 = arith.addf %add3A_398, %slice3A_399 : vector<1x128xf32>
      %slice3A_401 = vector.extract_strided_slice %abs3A {offsets = [100, 0], sizes = [1, 128], strides = [1, 1]} : vector<222x128xf32> to vector<1x128xf32>
      %add3A_402 = arith.addf %add3A_400, %slice3A_401 : vector<1x128xf32>
      %slice3A_403 = vector.extract_strided_slice %abs3A {offsets = [101, 0], sizes = [1, 128], strides = [1, 1]} : vector<222x128xf32> to vector<1x128xf32>
      %add3A_404 = arith.addf %add3A_402, %slice3A_403 : vector<1x128xf32>
      %slice3A_405 = vector.extract_strided_slice %abs3A {offsets = [102, 0], sizes = [1, 128], strides = [1, 1]} : vector<222x128xf32> to vector<1x128xf32>
      %add3A_406 = arith.addf %add3A_404, %slice3A_405 : vector<1x128xf32>
      %slice3A_407 = vector.extract_strided_slice %abs3A {offsets = [103, 0], sizes = [1, 128], strides = [1, 1]} : vector<222x128xf32> to vector<1x128xf32>
      %add3A_408 = arith.addf %add3A_406, %slice3A_407 : vector<1x128xf32>
      %slice3A_409 = vector.extract_strided_slice %abs3A {offsets = [104, 0], sizes = [1, 128], strides = [1, 1]} : vector<222x128xf32> to vector<1x128xf32>
      %add3A_410 = arith.addf %add3A_408, %slice3A_409 : vector<1x128xf32>
      %slice3A_411 = vector.extract_strided_slice %abs3A {offsets = [105, 0], sizes = [1, 128], strides = [1, 1]} : vector<222x128xf32> to vector<1x128xf32>
      %add3A_412 = arith.addf %add3A_410, %slice3A_411 : vector<1x128xf32>
      %slice3A_413 = vector.extract_strided_slice %abs3A {offsets = [106, 0], sizes = [1, 128], strides = [1, 1]} : vector<222x128xf32> to vector<1x128xf32>
      %add3A_414 = arith.addf %add3A_412, %slice3A_413 : vector<1x128xf32>
      %slice3A_415 = vector.extract_strided_slice %abs3A {offsets = [107, 0], sizes = [1, 128], strides = [1, 1]} : vector<222x128xf32> to vector<1x128xf32>
      %add3A_416 = arith.addf %add3A_414, %slice3A_415 : vector<1x128xf32>
      %slice3A_417 = vector.extract_strided_slice %abs3A {offsets = [108, 0], sizes = [1, 128], strides = [1, 1]} : vector<222x128xf32> to vector<1x128xf32>
      %add3A_418 = arith.addf %add3A_416, %slice3A_417 : vector<1x128xf32>
      %slice3A_419 = vector.extract_strided_slice %abs3A {offsets = [109, 0], sizes = [1, 128], strides = [1, 1]} : vector<222x128xf32> to vector<1x128xf32>
      %add3A_420 = arith.addf %add3A_418, %slice3A_419 : vector<1x128xf32>
      %slice3A_421 = vector.extract_strided_slice %abs3A {offsets = [110, 0], sizes = [1, 128], strides = [1, 1]} : vector<222x128xf32> to vector<1x128xf32>
      %add3A_422 = arith.addf %add3A_420, %slice3A_421 : vector<1x128xf32>
      %slice3A_423 = vector.extract_strided_slice %abs3A {offsets = [111, 0], sizes = [1, 128], strides = [1, 1]} : vector<222x128xf32> to vector<1x128xf32>
      %add3A_424 = arith.addf %add3A_422, %slice3A_423 : vector<1x128xf32>
      %slice3A_425 = vector.extract_strided_slice %abs3A {offsets = [112, 0], sizes = [1, 128], strides = [1, 1]} : vector<222x128xf32> to vector<1x128xf32>
      %add3A_426 = arith.addf %add3A_424, %slice3A_425 : vector<1x128xf32>
      %slice3A_427 = vector.extract_strided_slice %abs3A {offsets = [113, 0], sizes = [1, 128], strides = [1, 1]} : vector<222x128xf32> to vector<1x128xf32>
      %add3A_428 = arith.addf %add3A_426, %slice3A_427 : vector<1x128xf32>
      %slice3A_429 = vector.extract_strided_slice %abs3A {offsets = [114, 0], sizes = [1, 128], strides = [1, 1]} : vector<222x128xf32> to vector<1x128xf32>
      %add3A_430 = arith.addf %add3A_428, %slice3A_429 : vector<1x128xf32>
      %slice3A_431 = vector.extract_strided_slice %abs3A {offsets = [115, 0], sizes = [1, 128], strides = [1, 1]} : vector<222x128xf32> to vector<1x128xf32>
      %add3A_432 = arith.addf %add3A_430, %slice3A_431 : vector<1x128xf32>
      %slice3A_433 = vector.extract_strided_slice %abs3A {offsets = [116, 0], sizes = [1, 128], strides = [1, 1]} : vector<222x128xf32> to vector<1x128xf32>
      %add3A_434 = arith.addf %add3A_432, %slice3A_433 : vector<1x128xf32>
      %slice3A_435 = vector.extract_strided_slice %abs3A {offsets = [117, 0], sizes = [1, 128], strides = [1, 1]} : vector<222x128xf32> to vector<1x128xf32>
      %add3A_436 = arith.addf %add3A_434, %slice3A_435 : vector<1x128xf32>
      %slice3A_437 = vector.extract_strided_slice %abs3A {offsets = [118, 0], sizes = [1, 128], strides = [1, 1]} : vector<222x128xf32> to vector<1x128xf32>
      %add3A_438 = arith.addf %add3A_436, %slice3A_437 : vector<1x128xf32>
      %slice3A_439 = vector.extract_strided_slice %abs3A {offsets = [119, 0], sizes = [1, 128], strides = [1, 1]} : vector<222x128xf32> to vector<1x128xf32>
      %add3A_440 = arith.addf %add3A_438, %slice3A_439 : vector<1x128xf32>
      %slice3A_441 = vector.extract_strided_slice %abs3A {offsets = [120, 0], sizes = [1, 128], strides = [1, 1]} : vector<222x128xf32> to vector<1x128xf32>
      %add3A_442 = arith.addf %add3A_440, %slice3A_441 : vector<1x128xf32>
      %slice3A_443 = vector.extract_strided_slice %abs3A {offsets = [121, 0], sizes = [1, 128], strides = [1, 1]} : vector<222x128xf32> to vector<1x128xf32>
      %add3A_444 = arith.addf %add3A_442, %slice3A_443 : vector<1x128xf32>
      %slice3A_445 = vector.extract_strided_slice %abs3A {offsets = [122, 0], sizes = [1, 128], strides = [1, 1]} : vector<222x128xf32> to vector<1x128xf32>
      %add3A_446 = arith.addf %add3A_444, %slice3A_445 : vector<1x128xf32>
      %slice3A_447 = vector.extract_strided_slice %abs3A {offsets = [123, 0], sizes = [1, 128], strides = [1, 1]} : vector<222x128xf32> to vector<1x128xf32>
      %add3A_448 = arith.addf %add3A_446, %slice3A_447 : vector<1x128xf32>
      %slice3A_449 = vector.extract_strided_slice %abs3A {offsets = [124, 0], sizes = [1, 128], strides = [1, 1]} : vector<222x128xf32> to vector<1x128xf32>
      %add3A_450 = arith.addf %add3A_448, %slice3A_449 : vector<1x128xf32>
      %slice3A_451 = vector.extract_strided_slice %abs3A {offsets = [125, 0], sizes = [1, 128], strides = [1, 1]} : vector<222x128xf32> to vector<1x128xf32>
      %add3A_452 = arith.addf %add3A_450, %slice3A_451 : vector<1x128xf32>
      %slice3A_453 = vector.extract_strided_slice %abs3A {offsets = [126, 0], sizes = [1, 128], strides = [1, 1]} : vector<222x128xf32> to vector<1x128xf32>
      %add3A_454 = arith.addf %add3A_452, %slice3A_453 : vector<1x128xf32>
      %slice3A_455 = vector.extract_strided_slice %abs3A {offsets = [127, 0], sizes = [1, 128], strides = [1, 1]} : vector<222x128xf32> to vector<1x128xf32>
      %add3A_456 = arith.addf %add3A_454, %slice3A_455 : vector<1x128xf32>
      %slice3A_457 = vector.extract_strided_slice %abs3A {offsets = [128, 0], sizes = [1, 128], strides = [1, 1]} : vector<222x128xf32> to vector<1x128xf32>
      %add3A_458 = arith.addf %add3A_456, %slice3A_457 : vector<1x128xf32>
      %slice3A_459 = vector.extract_strided_slice %abs3A {offsets = [129, 0], sizes = [1, 128], strides = [1, 1]} : vector<222x128xf32> to vector<1x128xf32>
      %add3A_460 = arith.addf %add3A_458, %slice3A_459 : vector<1x128xf32>
      %slice3A_461 = vector.extract_strided_slice %abs3A {offsets = [130, 0], sizes = [1, 128], strides = [1, 1]} : vector<222x128xf32> to vector<1x128xf32>
      %add3A_462 = arith.addf %add3A_460, %slice3A_461 : vector<1x128xf32>
      %slice3A_463 = vector.extract_strided_slice %abs3A {offsets = [131, 0], sizes = [1, 128], strides = [1, 1]} : vector<222x128xf32> to vector<1x128xf32>
      %add3A_464 = arith.addf %add3A_462, %slice3A_463 : vector<1x128xf32>
      %slice3A_465 = vector.extract_strided_slice %abs3A {offsets = [132, 0], sizes = [1, 128], strides = [1, 1]} : vector<222x128xf32> to vector<1x128xf32>
      %add3A_466 = arith.addf %add3A_464, %slice3A_465 : vector<1x128xf32>
      %slice3A_467 = vector.extract_strided_slice %abs3A {offsets = [133, 0], sizes = [1, 128], strides = [1, 1]} : vector<222x128xf32> to vector<1x128xf32>
      %add3A_468 = arith.addf %add3A_466, %slice3A_467 : vector<1x128xf32>
      %slice3A_469 = vector.extract_strided_slice %abs3A {offsets = [134, 0], sizes = [1, 128], strides = [1, 1]} : vector<222x128xf32> to vector<1x128xf32>
      %add3A_470 = arith.addf %add3A_468, %slice3A_469 : vector<1x128xf32>
      %slice3A_471 = vector.extract_strided_slice %abs3A {offsets = [135, 0], sizes = [1, 128], strides = [1, 1]} : vector<222x128xf32> to vector<1x128xf32>
      %add3A_472 = arith.addf %add3A_470, %slice3A_471 : vector<1x128xf32>
      %slice3A_473 = vector.extract_strided_slice %abs3A {offsets = [136, 0], sizes = [1, 128], strides = [1, 1]} : vector<222x128xf32> to vector<1x128xf32>
      %add3A_474 = arith.addf %add3A_472, %slice3A_473 : vector<1x128xf32>
      %slice3A_475 = vector.extract_strided_slice %abs3A {offsets = [137, 0], sizes = [1, 128], strides = [1, 1]} : vector<222x128xf32> to vector<1x128xf32>
      %add3A_476 = arith.addf %add3A_474, %slice3A_475 : vector<1x128xf32>
      %slice3A_477 = vector.extract_strided_slice %abs3A {offsets = [138, 0], sizes = [1, 128], strides = [1, 1]} : vector<222x128xf32> to vector<1x128xf32>
      %add3A_478 = arith.addf %add3A_476, %slice3A_477 : vector<1x128xf32>
      %slice3A_479 = vector.extract_strided_slice %abs3A {offsets = [139, 0], sizes = [1, 128], strides = [1, 1]} : vector<222x128xf32> to vector<1x128xf32>
      %add3A_480 = arith.addf %add3A_478, %slice3A_479 : vector<1x128xf32>
      %slice3A_481 = vector.extract_strided_slice %abs3A {offsets = [140, 0], sizes = [1, 128], strides = [1, 1]} : vector<222x128xf32> to vector<1x128xf32>
      %add3A_482 = arith.addf %add3A_480, %slice3A_481 : vector<1x128xf32>
      %slice3A_483 = vector.extract_strided_slice %abs3A {offsets = [141, 0], sizes = [1, 128], strides = [1, 1]} : vector<222x128xf32> to vector<1x128xf32>
      %add3A_484 = arith.addf %add3A_482, %slice3A_483 : vector<1x128xf32>
      %slice3A_485 = vector.extract_strided_slice %abs3A {offsets = [142, 0], sizes = [1, 128], strides = [1, 1]} : vector<222x128xf32> to vector<1x128xf32>
      %add3A_486 = arith.addf %add3A_484, %slice3A_485 : vector<1x128xf32>
      %slice3A_487 = vector.extract_strided_slice %abs3A {offsets = [143, 0], sizes = [1, 128], strides = [1, 1]} : vector<222x128xf32> to vector<1x128xf32>
      %add3A_488 = arith.addf %add3A_486, %slice3A_487 : vector<1x128xf32>
      %slice3A_489 = vector.extract_strided_slice %abs3A {offsets = [144, 0], sizes = [1, 128], strides = [1, 1]} : vector<222x128xf32> to vector<1x128xf32>
      %add3A_490 = arith.addf %add3A_488, %slice3A_489 : vector<1x128xf32>
      %slice3A_491 = vector.extract_strided_slice %abs3A {offsets = [145, 0], sizes = [1, 128], strides = [1, 1]} : vector<222x128xf32> to vector<1x128xf32>
      %add3A_492 = arith.addf %add3A_490, %slice3A_491 : vector<1x128xf32>
      %slice3A_493 = vector.extract_strided_slice %abs3A {offsets = [146, 0], sizes = [1, 128], strides = [1, 1]} : vector<222x128xf32> to vector<1x128xf32>
      %add3A_494 = arith.addf %add3A_492, %slice3A_493 : vector<1x128xf32>
      %slice3A_495 = vector.extract_strided_slice %abs3A {offsets = [147, 0], sizes = [1, 128], strides = [1, 1]} : vector<222x128xf32> to vector<1x128xf32>
      %add3A_496 = arith.addf %add3A_494, %slice3A_495 : vector<1x128xf32>
      %slice3A_497 = vector.extract_strided_slice %abs3A {offsets = [148, 0], sizes = [1, 128], strides = [1, 1]} : vector<222x128xf32> to vector<1x128xf32>
      %add3A_498 = arith.addf %scan3A_117, %slice3A_497 : vector<1x128xf32>
      %slice3A_499 = vector.extract_strided_slice %abs3A {offsets = [149, 0], sizes = [1, 128], strides = [1, 1]} : vector<222x128xf32> to vector<1x128xf32>
      %add3A_500 = arith.addf %add3A_498, %slice3A_499 : vector<1x128xf32>
      %slice3A_501 = vector.extract_strided_slice %abs3A {offsets = [150, 0], sizes = [1, 128], strides = [1, 1]} : vector<222x128xf32> to vector<1x128xf32>
      %add3A_502 = arith.addf %add3A_500, %slice3A_501 : vector<1x128xf32>
      %slice3A_503 = vector.extract_strided_slice %abs3A {offsets = [151, 0], sizes = [1, 128], strides = [1, 1]} : vector<222x128xf32> to vector<1x128xf32>
      %add3A_504 = arith.addf %add3A_502, %slice3A_503 : vector<1x128xf32>
      %slice3A_505 = vector.extract_strided_slice %abs3A {offsets = [152, 0], sizes = [1, 128], strides = [1, 1]} : vector<222x128xf32> to vector<1x128xf32>
      %add3A_506 = arith.addf %add3A_504, %slice3A_505 : vector<1x128xf32>
      %slice3A_507 = vector.extract_strided_slice %abs3A {offsets = [153, 0], sizes = [1, 128], strides = [1, 1]} : vector<222x128xf32> to vector<1x128xf32>
      %add3A_508 = arith.addf %add3A_506, %slice3A_507 : vector<1x128xf32>
      %slice3A_509 = vector.extract_strided_slice %abs3A {offsets = [154, 0], sizes = [1, 128], strides = [1, 1]} : vector<222x128xf32> to vector<1x128xf32>
      %add3A_510 = arith.addf %add3A_508, %slice3A_509 : vector<1x128xf32>
      %slice3A_511 = vector.extract_strided_slice %abs3A {offsets = [155, 0], sizes = [1, 128], strides = [1, 1]} : vector<222x128xf32> to vector<1x128xf32>
      %add3A_512 = arith.addf %add3A_510, %slice3A_511 : vector<1x128xf32>
      %slice3A_513 = vector.extract_strided_slice %abs3A {offsets = [156, 0], sizes = [1, 128], strides = [1, 1]} : vector<222x128xf32> to vector<1x128xf32>
      %add3A_514 = arith.addf %add3A_512, %slice3A_513 : vector<1x128xf32>
      %slice3A_515 = vector.extract_strided_slice %abs3A {offsets = [157, 0], sizes = [1, 128], strides = [1, 1]} : vector<222x128xf32> to vector<1x128xf32>
      %add3A_516 = arith.addf %add3A_514, %slice3A_515 : vector<1x128xf32>
      %slice3A_517 = vector.extract_strided_slice %abs3A {offsets = [158, 0], sizes = [1, 128], strides = [1, 1]} : vector<222x128xf32> to vector<1x128xf32>
      %add3A_518 = arith.addf %add3A_516, %slice3A_517 : vector<1x128xf32>
      %slice3A_519 = vector.extract_strided_slice %abs3A {offsets = [159, 0], sizes = [1, 128], strides = [1, 1]} : vector<222x128xf32> to vector<1x128xf32>
      %add3A_520 = arith.addf %add3A_518, %slice3A_519 : vector<1x128xf32>
      %slice3A_521 = vector.extract_strided_slice %abs3A {offsets = [160, 0], sizes = [1, 128], strides = [1, 1]} : vector<222x128xf32> to vector<1x128xf32>
      %add3A_522 = arith.addf %add3A_520, %slice3A_521 : vector<1x128xf32>
      %slice3A_523 = vector.extract_strided_slice %abs3A {offsets = [161, 0], sizes = [1, 128], strides = [1, 1]} : vector<222x128xf32> to vector<1x128xf32>
      %add3A_524 = arith.addf %add3A_522, %slice3A_523 : vector<1x128xf32>
      %slice3A_525 = vector.extract_strided_slice %abs3A {offsets = [162, 0], sizes = [1, 128], strides = [1, 1]} : vector<222x128xf32> to vector<1x128xf32>
      %add3A_526 = arith.addf %add3A_524, %slice3A_525 : vector<1x128xf32>
      %slice3A_527 = vector.extract_strided_slice %abs3A {offsets = [163, 0], sizes = [1, 128], strides = [1, 1]} : vector<222x128xf32> to vector<1x128xf32>
      %add3A_528 = arith.addf %add3A_526, %slice3A_527 : vector<1x128xf32>
      %slice3A_529 = vector.extract_strided_slice %abs3A {offsets = [164, 0], sizes = [1, 128], strides = [1, 1]} : vector<222x128xf32> to vector<1x128xf32>
      %add3A_530 = arith.addf %add3A_528, %slice3A_529 : vector<1x128xf32>
      %slice3A_531 = vector.extract_strided_slice %abs3A {offsets = [165, 0], sizes = [1, 128], strides = [1, 1]} : vector<222x128xf32> to vector<1x128xf32>
      %add3A_532 = arith.addf %add3A_530, %slice3A_531 : vector<1x128xf32>
      %slice3A_533 = vector.extract_strided_slice %abs3A {offsets = [166, 0], sizes = [1, 128], strides = [1, 1]} : vector<222x128xf32> to vector<1x128xf32>
      %add3A_534 = arith.addf %add3A_532, %slice3A_533 : vector<1x128xf32>
      %slice3A_535 = vector.extract_strided_slice %abs3A {offsets = [167, 0], sizes = [1, 128], strides = [1, 1]} : vector<222x128xf32> to vector<1x128xf32>
      %add3A_536 = arith.addf %add3A_534, %slice3A_535 : vector<1x128xf32>
      %slice3A_537 = vector.extract_strided_slice %abs3A {offsets = [168, 0], sizes = [1, 128], strides = [1, 1]} : vector<222x128xf32> to vector<1x128xf32>
      %add3A_538 = arith.addf %add3A_536, %slice3A_537 : vector<1x128xf32>
      %slice3A_539 = vector.extract_strided_slice %abs3A {offsets = [169, 0], sizes = [1, 128], strides = [1, 1]} : vector<222x128xf32> to vector<1x128xf32>
      %add3A_540 = arith.addf %add3A_538, %slice3A_539 : vector<1x128xf32>
      %slice3A_541 = vector.extract_strided_slice %abs3A {offsets = [170, 0], sizes = [1, 128], strides = [1, 1]} : vector<222x128xf32> to vector<1x128xf32>
      %add3A_542 = arith.addf %add3A_540, %slice3A_541 : vector<1x128xf32>
      %slice3A_543 = vector.extract_strided_slice %abs3A {offsets = [171, 0], sizes = [1, 128], strides = [1, 1]} : vector<222x128xf32> to vector<1x128xf32>
      %add3A_544 = arith.addf %add3A_542, %slice3A_543 : vector<1x128xf32>
      %slice3A_545 = vector.extract_strided_slice %abs3A {offsets = [172, 0], sizes = [1, 128], strides = [1, 1]} : vector<222x128xf32> to vector<1x128xf32>
      %add3A_546 = arith.addf %add3A_544, %slice3A_545 : vector<1x128xf32>
      %slice3A_547 = vector.extract_strided_slice %abs3A {offsets = [173, 0], sizes = [1, 128], strides = [1, 1]} : vector<222x128xf32> to vector<1x128xf32>
      %add3A_548 = arith.addf %add3A_546, %slice3A_547 : vector<1x128xf32>
      %slice3A_549 = vector.extract_strided_slice %abs3A {offsets = [174, 0], sizes = [1, 128], strides = [1, 1]} : vector<222x128xf32> to vector<1x128xf32>
      %add3A_550 = arith.addf %add3A_548, %slice3A_549 : vector<1x128xf32>
      %slice3A_551 = vector.extract_strided_slice %abs3A {offsets = [175, 0], sizes = [1, 128], strides = [1, 1]} : vector<222x128xf32> to vector<1x128xf32>
      %add3A_552 = arith.addf %add3A_550, %slice3A_551 : vector<1x128xf32>
      %slice3A_553 = vector.extract_strided_slice %abs3A {offsets = [176, 0], sizes = [1, 128], strides = [1, 1]} : vector<222x128xf32> to vector<1x128xf32>
      %add3A_554 = arith.addf %add3A_552, %slice3A_553 : vector<1x128xf32>
      %slice3A_555 = vector.extract_strided_slice %abs3A {offsets = [177, 0], sizes = [1, 128], strides = [1, 1]} : vector<222x128xf32> to vector<1x128xf32>
      %add3A_556 = arith.addf %add3A_554, %slice3A_555 : vector<1x128xf32>
      %slice3A_557 = vector.extract_strided_slice %abs3A {offsets = [178, 0], sizes = [1, 128], strides = [1, 1]} : vector<222x128xf32> to vector<1x128xf32>
      %add3A_558 = arith.addf %add3A_556, %slice3A_557 : vector<1x128xf32>
      %slice3A_559 = vector.extract_strided_slice %abs3A {offsets = [179, 0], sizes = [1, 128], strides = [1, 1]} : vector<222x128xf32> to vector<1x128xf32>
      %add3A_560 = arith.addf %add3A_558, %slice3A_559 : vector<1x128xf32>
      %slice3A_561 = vector.extract_strided_slice %abs3A {offsets = [180, 0], sizes = [1, 128], strides = [1, 1]} : vector<222x128xf32> to vector<1x128xf32>
      %add3A_562 = arith.addf %add3A_560, %slice3A_561 : vector<1x128xf32>
      %slice3A_563 = vector.extract_strided_slice %abs3A {offsets = [181, 0], sizes = [1, 128], strides = [1, 1]} : vector<222x128xf32> to vector<1x128xf32>
      %add3A_564 = arith.addf %add3A_562, %slice3A_563 : vector<1x128xf32>
      %slice3A_565 = vector.extract_strided_slice %abs3A {offsets = [182, 0], sizes = [1, 128], strides = [1, 1]} : vector<222x128xf32> to vector<1x128xf32>
      %add3A_566 = arith.addf %add3A_564, %slice3A_565 : vector<1x128xf32>
      %slice3A_567 = vector.extract_strided_slice %abs3A {offsets = [183, 0], sizes = [1, 128], strides = [1, 1]} : vector<222x128xf32> to vector<1x128xf32>
      %add3A_568 = arith.addf %add3A_566, %slice3A_567 : vector<1x128xf32>
      %slice3A_569 = vector.extract_strided_slice %abs3A {offsets = [184, 0], sizes = [1, 128], strides = [1, 1]} : vector<222x128xf32> to vector<1x128xf32>
      %add3A_570 = arith.addf %add3A_568, %slice3A_569 : vector<1x128xf32>
      %slice3A_571 = vector.extract_strided_slice %abs3A {offsets = [185, 0], sizes = [1, 128], strides = [1, 1]} : vector<222x128xf32> to vector<1x128xf32>
      %add3A_572 = arith.addf %add3A_570, %slice3A_571 : vector<1x128xf32>
      %slice3A_573 = vector.extract_strided_slice %abs3A {offsets = [186, 0], sizes = [1, 128], strides = [1, 1]} : vector<222x128xf32> to vector<1x128xf32>
      %add3A_574 = arith.addf %add3A_572, %slice3A_573 : vector<1x128xf32>
      %slice3A_575 = vector.extract_strided_slice %abs3A {offsets = [187, 0], sizes = [1, 128], strides = [1, 1]} : vector<222x128xf32> to vector<1x128xf32>
      %add3A_576 = arith.addf %add3A_574, %slice3A_575 : vector<1x128xf32>
      %slice3A_577 = vector.extract_strided_slice %abs3A {offsets = [188, 0], sizes = [1, 128], strides = [1, 1]} : vector<222x128xf32> to vector<1x128xf32>
      %add3A_578 = arith.addf %add3A_576, %slice3A_577 : vector<1x128xf32>
      %slice3A_579 = vector.extract_strided_slice %abs3A {offsets = [189, 0], sizes = [1, 128], strides = [1, 1]} : vector<222x128xf32> to vector<1x128xf32>
      %add3A_580 = arith.addf %add3A_578, %slice3A_579 : vector<1x128xf32>
      %slice3A_581 = vector.extract_strided_slice %abs3A {offsets = [190, 0], sizes = [1, 128], strides = [1, 1]} : vector<222x128xf32> to vector<1x128xf32>
      %add3A_582 = arith.addf %add3A_580, %slice3A_581 : vector<1x128xf32>
      %slice3A_583 = vector.extract_strided_slice %abs3A {offsets = [191, 0], sizes = [1, 128], strides = [1, 1]} : vector<222x128xf32> to vector<1x128xf32>
      %add3A_584 = arith.addf %add3A_582, %slice3A_583 : vector<1x128xf32>
      %slice3A_585 = vector.extract_strided_slice %abs3A {offsets = [192, 0], sizes = [1, 128], strides = [1, 1]} : vector<222x128xf32> to vector<1x128xf32>
      %add3A_586 = arith.addf %add3A_584, %slice3A_585 : vector<1x128xf32>
      %slice3A_587 = vector.extract_strided_slice %abs3A {offsets = [193, 0], sizes = [1, 128], strides = [1, 1]} : vector<222x128xf32> to vector<1x128xf32>
      %add3A_588 = arith.addf %add3A_586, %slice3A_587 : vector<1x128xf32>
      %slice3A_589 = vector.extract_strided_slice %abs3A {offsets = [194, 0], sizes = [1, 128], strides = [1, 1]} : vector<222x128xf32> to vector<1x128xf32>
      %add3A_590 = arith.addf %add3A_588, %slice3A_589 : vector<1x128xf32>
      %slice3A_591 = vector.extract_strided_slice %abs3A {offsets = [195, 0], sizes = [1, 128], strides = [1, 1]} : vector<222x128xf32> to vector<1x128xf32>
      %add3A_592 = arith.addf %add3A_590, %slice3A_591 : vector<1x128xf32>
      %slice3A_593 = vector.extract_strided_slice %abs3A {offsets = [196, 0], sizes = [1, 128], strides = [1, 1]} : vector<222x128xf32> to vector<1x128xf32>
      %add3A_594 = arith.addf %add3A_592, %slice3A_593 : vector<1x128xf32>
      %slice3A_595 = vector.extract_strided_slice %abs3A {offsets = [197, 0], sizes = [1, 128], strides = [1, 1]} : vector<222x128xf32> to vector<1x128xf32>
      %add3A_596 = arith.addf %add3A_594, %slice3A_595 : vector<1x128xf32>
      %slice3A_597 = vector.extract_strided_slice %abs3A {offsets = [198, 0], sizes = [1, 128], strides = [1, 1]} : vector<222x128xf32> to vector<1x128xf32>
      %add3A_598 = arith.addf %add3A_596, %slice3A_597 : vector<1x128xf32>
      %slice3A_599 = vector.extract_strided_slice %abs3A {offsets = [199, 0], sizes = [1, 128], strides = [1, 1]} : vector<222x128xf32> to vector<1x128xf32>
      %add3A_600 = arith.addf %add3A_598, %slice3A_599 : vector<1x128xf32>
      %slice3A_601 = vector.extract_strided_slice %abs3A {offsets = [200, 0], sizes = [1, 128], strides = [1, 1]} : vector<222x128xf32> to vector<1x128xf32>
      %add3A_602 = arith.addf %add3A_600, %slice3A_601 : vector<1x128xf32>
      %slice3A_603 = vector.extract_strided_slice %abs3A {offsets = [201, 0], sizes = [1, 128], strides = [1, 1]} : vector<222x128xf32> to vector<1x128xf32>
      %add3A_604 = arith.addf %add3A_602, %slice3A_603 : vector<1x128xf32>
      %slice3A_605 = vector.extract_strided_slice %abs3A {offsets = [202, 0], sizes = [1, 128], strides = [1, 1]} : vector<222x128xf32> to vector<1x128xf32>
      %add3A_606 = arith.addf %add3A_604, %slice3A_605 : vector<1x128xf32>
      %slice3A_607 = vector.extract_strided_slice %abs3A {offsets = [203, 0], sizes = [1, 128], strides = [1, 1]} : vector<222x128xf32> to vector<1x128xf32>
      %add3A_608 = arith.addf %add3A_606, %slice3A_607 : vector<1x128xf32>
      %slice3A_609 = vector.extract_strided_slice %abs3A {offsets = [204, 0], sizes = [1, 128], strides = [1, 1]} : vector<222x128xf32> to vector<1x128xf32>
      %add3A_610 = arith.addf %add3A_608, %slice3A_609 : vector<1x128xf32>
      %slice3A_611 = vector.extract_strided_slice %abs3A {offsets = [205, 0], sizes = [1, 128], strides = [1, 1]} : vector<222x128xf32> to vector<1x128xf32>
      %add3A_612 = arith.addf %add3A_610, %slice3A_611 : vector<1x128xf32>
      %slice3A_613 = vector.extract_strided_slice %abs3A {offsets = [206, 0], sizes = [1, 128], strides = [1, 1]} : vector<222x128xf32> to vector<1x128xf32>
      %add3A_614 = arith.addf %add3A_612, %slice3A_613 : vector<1x128xf32>
      %slice3A_615 = vector.extract_strided_slice %abs3A {offsets = [207, 0], sizes = [1, 128], strides = [1, 1]} : vector<222x128xf32> to vector<1x128xf32>
      %add3A_616 = arith.addf %add3A_614, %slice3A_615 : vector<1x128xf32>
      %slice3A_617 = vector.extract_strided_slice %abs3A {offsets = [208, 0], sizes = [1, 128], strides = [1, 1]} : vector<222x128xf32> to vector<1x128xf32>
      %add3A_618 = arith.addf %add3A_616, %slice3A_617 : vector<1x128xf32>
      %slice3A_619 = vector.extract_strided_slice %abs3A {offsets = [209, 0], sizes = [1, 128], strides = [1, 1]} : vector<222x128xf32> to vector<1x128xf32>
      %add3A_620 = arith.addf %add3A_618, %slice3A_619 : vector<1x128xf32>
      %slice3A_621 = vector.extract_strided_slice %abs3A {offsets = [210, 0], sizes = [1, 128], strides = [1, 1]} : vector<222x128xf32> to vector<1x128xf32>
      %add3A_622 = arith.addf %add3A_620, %slice3A_621 : vector<1x128xf32>
      %slice3A_623 = vector.extract_strided_slice %abs3A {offsets = [211, 0], sizes = [1, 128], strides = [1, 1]} : vector<222x128xf32> to vector<1x128xf32>
      %add3A_624 = arith.addf %add3A_622, %slice3A_623 : vector<1x128xf32>
      %slice3A_625 = vector.extract_strided_slice %abs3A {offsets = [212, 0], sizes = [1, 128], strides = [1, 1]} : vector<222x128xf32> to vector<1x128xf32>
      %add3A_626 = arith.addf %add3A_624, %slice3A_625 : vector<1x128xf32>
      %slice3A_627 = vector.extract_strided_slice %abs3A {offsets = [213, 0], sizes = [1, 128], strides = [1, 1]} : vector<222x128xf32> to vector<1x128xf32>
      %add3A_628 = arith.addf %add3A_626, %slice3A_627 : vector<1x128xf32>
      %slice3A_629 = vector.extract_strided_slice %abs3A {offsets = [214, 0], sizes = [1, 128], strides = [1, 1]} : vector<222x128xf32> to vector<1x128xf32>
      %add3A_630 = arith.addf %add3A_628, %slice3A_629 : vector<1x128xf32>
      %slice3A_631 = vector.extract_strided_slice %abs3A {offsets = [215, 0], sizes = [1, 128], strides = [1, 1]} : vector<222x128xf32> to vector<1x128xf32>
      %add3A_632 = arith.addf %add3A_630, %slice3A_631 : vector<1x128xf32>
      %slice3A_633 = vector.extract_strided_slice %abs3A {offsets = [216, 0], sizes = [1, 128], strides = [1, 1]} : vector<222x128xf32> to vector<1x128xf32>
      %add3A_634 = arith.addf %add3A_632, %slice3A_633 : vector<1x128xf32>
      %slice3A_635 = vector.extract_strided_slice %abs3A {offsets = [217, 0], sizes = [1, 128], strides = [1, 1]} : vector<222x128xf32> to vector<1x128xf32>
      %add3A_636 = arith.addf %add3A_634, %slice3A_635 : vector<1x128xf32>
      %slice3A_637 = vector.extract_strided_slice %abs3A {offsets = [218, 0], sizes = [1, 128], strides = [1, 1]} : vector<222x128xf32> to vector<1x128xf32>
      %add3A_638 = arith.addf %add3A_636, %slice3A_637 : vector<1x128xf32>
      %slice3A_639 = vector.extract_strided_slice %abs3A {offsets = [219, 0], sizes = [1, 128], strides = [1, 1]} : vector<222x128xf32> to vector<1x128xf32>
      %add3A_640 = arith.addf %add3A_638, %slice3A_639 : vector<1x128xf32>
      %slice3A_641 = vector.extract_strided_slice %abs3A {offsets = [220, 0], sizes = [1, 128], strides = [1, 1]} : vector<222x128xf32> to vector<1x128xf32>
      %add3A_642 = arith.addf %add3A_640, %slice3A_641 : vector<1x128xf32>
      %slice3A_643 = vector.extract_strided_slice %abs3A {offsets = [221, 0], sizes = [1, 128], strides = [1, 1]} : vector<222x128xf32> to vector<1x128xf32>
      %add3A_644 = arith.addf %add3A_642, %slice3A_643 : vector<1x128xf32>
      %add3A_645 = arith.constant 37 : i32
      %add3A_646 = arith.addi %add3A_645, %scan3A_114 : i32
      %add3A_647 = arith.constant 0 : i32
      %add3A_648 = arith.addi %add3A_646, %add3A_647 : i32
      %get3A_649 = arith.constant 0 : index
      %get3A_650 = arith.index_cast %add3A_648 : i32 to index
      %get3A_651 = arith.constant 0 : index
      %get3A_652 = arith.constant 0 : index
      %get3A_653 = vector.load %arg2[%get3A_649, %get3A_650, %get3A_651, %get3A_652] : memref<1x224x224x128xbf16, #tpu.memory_space<vmem>>, vector<1x1x224x128xbf16>
      %get3A_654 = vector.shape_cast %get3A_653 : vector<1x1x224x128xbf16> to vector<1x224x128xbf16>
      %reshape3A_655 = vector.shape_cast %get3A_654 : vector<1x224x128xbf16> to vector<224x128xbf16>
      %convert_element_type3A_656 = arith.extf %reshape3A_655 : vector<224x128xbf16> to vector<224x128xf32>
      %add3A_657 = arith.constant 37 : i32
      %add3A_658 = arith.addi %add3A_657, %scan3A_114 : i32
      %add3A_659 = arith.constant 1 : i32
      %add3A_660 = arith.addi %add3A_658, %add3A_659 : i32
      %get3A_661 = arith.constant 0 : index
      %get3A_662 = arith.index_cast %add3A_660 : i32 to index
      %get3A_663 = arith.constant 0 : index
      %get3A_664 = arith.constant 0 : index
      %get3A_665 = vector.load %arg2[%get3A_661, %get3A_662, %get3A_663, %get3A_664] : memref<1x224x224x128xbf16, #tpu.memory_space<vmem>>, vector<1x1x224x128xbf16>
      %get3A_666 = vector.shape_cast %get3A_665 : vector<1x1x224x128xbf16> to vector<1x224x128xbf16>
      %reshape3A_667 = vector.shape_cast %get3A_666 : vector<1x224x128xbf16> to vector<224x128xbf16>
      %convert_element_type3A_668 = arith.extf %reshape3A_667 : vector<224x128xbf16> to vector<224x128xf32>
      %add3A_669 = arith.constant 37 : i32
      %add3A_670 = arith.addi %add3A_669, %scan3A_114 : i32
      %add3A_671 = arith.constant 2 : i32
      %add3A_672 = arith.addi %add3A_670, %add3A_671 : i32
      %get3A_673 = arith.constant 0 : index
      %get3A_674 = arith.index_cast %add3A_672 : i32 to index
      %get3A_675 = arith.constant 0 : index
      %get3A_676 = arith.constant 0 : index
      %get3A_677 = vector.load %arg2[%get3A_673, %get3A_674, %get3A_675, %get3A_676] : memref<1x224x224x128xbf16, #tpu.memory_space<vmem>>, vector<1x1x224x128xbf16>
      %get3A_678 = vector.shape_cast %get3A_677 : vector<1x1x224x128xbf16> to vector<1x224x128xbf16>
      %reshape3A_679 = vector.shape_cast %get3A_678 : vector<1x224x128xbf16> to vector<224x128xbf16>
      %convert_element_type3A_680 = arith.extf %reshape3A_679 : vector<224x128xbf16> to vector<224x128xf32>
      %slice3A_681 = vector.extract_strided_slice %convert_element_type3A_656 {offsets = [0, 0], sizes = [222, 128], strides = [1, 1]} : vector<224x128xf32> to vector<222x128xf32>
      %mul3A_682 = vector.broadcast %convert_element_type3A_5 : f32 to vector<222x128xf32>
      %mul3A_683 = arith.mulf %slice3A_681, %mul3A_682 : vector<222x128xf32>
      %slice3A_684 = vector.extract_strided_slice %convert_element_type3A_656 {offsets = [1, 0], sizes = [222, 128], strides = [1, 1]} : vector<224x128xf32> to vector<222x128xf32>
      %mul3A_685 = vector.broadcast %convert_element_type3A_13 : f32 to vector<222x128xf32>
      %mul3A_686 = arith.mulf %slice3A_684, %mul3A_685 : vector<222x128xf32>
      %add3A_687 = arith.addf %mul3A_683, %mul3A_686 : vector<222x128xf32>
      %slice3A_688 = vector.extract_strided_slice %convert_element_type3A_656 {offsets = [2, 0], sizes = [222, 128], strides = [1, 1]} : vector<224x128xf32> to vector<222x128xf32>
      %mul3A_689 = vector.broadcast %convert_element_type3A_21 : f32 to vector<222x128xf32>
      %mul3A_690 = arith.mulf %slice3A_688, %mul3A_689 : vector<222x128xf32>
      %add3A_691 = arith.addf %add3A_687, %mul3A_690 : vector<222x128xf32>
      %slice3A_692 = vector.extract_strided_slice %convert_element_type3A_668 {offsets = [0, 0], sizes = [222, 128], strides = [1, 1]} : vector<224x128xf32> to vector<222x128xf32>
      %mul3A_693 = vector.broadcast %convert_element_type3A_29 : f32 to vector<222x128xf32>
      %mul3A_694 = arith.mulf %slice3A_692, %mul3A_693 : vector<222x128xf32>
      %add3A_695 = arith.addf %add3A_691, %mul3A_694 : vector<222x128xf32>
      %slice3A_696 = vector.extract_strided_slice %convert_element_type3A_668 {offsets = [1, 0], sizes = [222, 128], strides = [1, 1]} : vector<224x128xf32> to vector<222x128xf32>
      %mul3A_697 = vector.broadcast %convert_element_type3A_37 : f32 to vector<222x128xf32>
      %mul3A_698 = arith.mulf %slice3A_696, %mul3A_697 : vector<222x128xf32>
      %add3A_699 = arith.addf %add3A_695, %mul3A_698 : vector<222x128xf32>
      %slice3A_700 = vector.extract_strided_slice %convert_element_type3A_668 {offsets = [2, 0], sizes = [222, 128], strides = [1, 1]} : vector<224x128xf32> to vector<222x128xf32>
      %mul3A_701 = vector.broadcast %convert_element_type3A_45 : f32 to vector<222x128xf32>
      %mul3A_702 = arith.mulf %slice3A_700, %mul3A_701 : vector<222x128xf32>
      %add3A_703 = arith.addf %add3A_699, %mul3A_702 : vector<222x128xf32>
      %slice3A_704 = vector.extract_strided_slice %convert_element_type3A_680 {offsets = [0, 0], sizes = [222, 128], strides = [1, 1]} : vector<224x128xf32> to vector<222x128xf32>
      %mul3A_705 = vector.broadcast %convert_element_type3A_53 : f32 to vector<222x128xf32>
      %mul3A_706 = arith.mulf %slice3A_704, %mul3A_705 : vector<222x128xf32>
      %add3A_707 = arith.addf %add3A_703, %mul3A_706 : vector<222x128xf32>
      %slice3A_708 = vector.extract_strided_slice %convert_element_type3A_680 {offsets = [1, 0], sizes = [222, 128], strides = [1, 1]} : vector<224x128xf32> to vector<222x128xf32>
      %mul3A_709 = vector.broadcast %convert_element_type3A_61 : f32 to vector<222x128xf32>
      %mul3A_710 = arith.mulf %slice3A_708, %mul3A_709 : vector<222x128xf32>
      %add3A_711 = arith.addf %add3A_707, %mul3A_710 : vector<222x128xf32>
      %slice3A_712 = vector.extract_strided_slice %convert_element_type3A_680 {offsets = [2, 0], sizes = [222, 128], strides = [1, 1]} : vector<224x128xf32> to vector<222x128xf32>
      %mul3A_713 = vector.broadcast %convert_element_type3A_69 : f32 to vector<222x128xf32>
      %mul3A_714 = arith.mulf %slice3A_712, %mul3A_713 : vector<222x128xf32>
      %add3A_715 = arith.addf %add3A_711, %mul3A_714 : vector<222x128xf32>
      %abs3A_716 = math.absf %add3A_715 : vector<222x128xf32>
      %slice3A_717 = vector.extract_strided_slice %abs3A_716 {offsets = [0, 0], sizes = [1, 128], strides = [1, 1]} : vector<222x128xf32> to vector<1x128xf32>
      %add3A_718 = arith.addf %scan3A_118, %slice3A_717 : vector<1x128xf32>
      %slice3A_719 = vector.extract_strided_slice %abs3A_716 {offsets = [1, 0], sizes = [1, 128], strides = [1, 1]} : vector<222x128xf32> to vector<1x128xf32>
      %add3A_720 = arith.addf %add3A_718, %slice3A_719 : vector<1x128xf32>
      %slice3A_721 = vector.extract_strided_slice %abs3A_716 {offsets = [2, 0], sizes = [1, 128], strides = [1, 1]} : vector<222x128xf32> to vector<1x128xf32>
      %add3A_722 = arith.addf %add3A_720, %slice3A_721 : vector<1x128xf32>
      %slice3A_723 = vector.extract_strided_slice %abs3A_716 {offsets = [3, 0], sizes = [1, 128], strides = [1, 1]} : vector<222x128xf32> to vector<1x128xf32>
      %add3A_724 = arith.addf %add3A_722, %slice3A_723 : vector<1x128xf32>
      %slice3A_725 = vector.extract_strided_slice %abs3A_716 {offsets = [4, 0], sizes = [1, 128], strides = [1, 1]} : vector<222x128xf32> to vector<1x128xf32>
      %add3A_726 = arith.addf %add3A_724, %slice3A_725 : vector<1x128xf32>
      %slice3A_727 = vector.extract_strided_slice %abs3A_716 {offsets = [5, 0], sizes = [1, 128], strides = [1, 1]} : vector<222x128xf32> to vector<1x128xf32>
      %add3A_728 = arith.addf %add3A_726, %slice3A_727 : vector<1x128xf32>
      %slice3A_729 = vector.extract_strided_slice %abs3A_716 {offsets = [6, 0], sizes = [1, 128], strides = [1, 1]} : vector<222x128xf32> to vector<1x128xf32>
      %add3A_730 = arith.addf %add3A_728, %slice3A_729 : vector<1x128xf32>
      %slice3A_731 = vector.extract_strided_slice %abs3A_716 {offsets = [7, 0], sizes = [1, 128], strides = [1, 1]} : vector<222x128xf32> to vector<1x128xf32>
      %add3A_732 = arith.addf %add3A_730, %slice3A_731 : vector<1x128xf32>
      %slice3A_733 = vector.extract_strided_slice %abs3A_716 {offsets = [8, 0], sizes = [1, 128], strides = [1, 1]} : vector<222x128xf32> to vector<1x128xf32>
      %add3A_734 = arith.addf %add3A_732, %slice3A_733 : vector<1x128xf32>
      %slice3A_735 = vector.extract_strided_slice %abs3A_716 {offsets = [9, 0], sizes = [1, 128], strides = [1, 1]} : vector<222x128xf32> to vector<1x128xf32>
      %add3A_736 = arith.addf %add3A_734, %slice3A_735 : vector<1x128xf32>
      %slice3A_737 = vector.extract_strided_slice %abs3A_716 {offsets = [10, 0], sizes = [1, 128], strides = [1, 1]} : vector<222x128xf32> to vector<1x128xf32>
      %add3A_738 = arith.addf %add3A_736, %slice3A_737 : vector<1x128xf32>
      %slice3A_739 = vector.extract_strided_slice %abs3A_716 {offsets = [11, 0], sizes = [1, 128], strides = [1, 1]} : vector<222x128xf32> to vector<1x128xf32>
      %add3A_740 = arith.addf %add3A_738, %slice3A_739 : vector<1x128xf32>
      %slice3A_741 = vector.extract_strided_slice %abs3A_716 {offsets = [12, 0], sizes = [1, 128], strides = [1, 1]} : vector<222x128xf32> to vector<1x128xf32>
      %add3A_742 = arith.addf %add3A_740, %slice3A_741 : vector<1x128xf32>
      %slice3A_743 = vector.extract_strided_slice %abs3A_716 {offsets = [13, 0], sizes = [1, 128], strides = [1, 1]} : vector<222x128xf32> to vector<1x128xf32>
      %add3A_744 = arith.addf %add3A_742, %slice3A_743 : vector<1x128xf32>
      %slice3A_745 = vector.extract_strided_slice %abs3A_716 {offsets = [14, 0], sizes = [1, 128], strides = [1, 1]} : vector<222x128xf32> to vector<1x128xf32>
      %add3A_746 = arith.addf %add3A_744, %slice3A_745 : vector<1x128xf32>
      %slice3A_747 = vector.extract_strided_slice %abs3A_716 {offsets = [15, 0], sizes = [1, 128], strides = [1, 1]} : vector<222x128xf32> to vector<1x128xf32>
      %add3A_748 = arith.addf %add3A_746, %slice3A_747 : vector<1x128xf32>
      %slice3A_749 = vector.extract_strided_slice %abs3A_716 {offsets = [16, 0], sizes = [1, 128], strides = [1, 1]} : vector<222x128xf32> to vector<1x128xf32>
      %add3A_750 = arith.addf %add3A_748, %slice3A_749 : vector<1x128xf32>
      %slice3A_751 = vector.extract_strided_slice %abs3A_716 {offsets = [17, 0], sizes = [1, 128], strides = [1, 1]} : vector<222x128xf32> to vector<1x128xf32>
      %add3A_752 = arith.addf %add3A_750, %slice3A_751 : vector<1x128xf32>
      %slice3A_753 = vector.extract_strided_slice %abs3A_716 {offsets = [18, 0], sizes = [1, 128], strides = [1, 1]} : vector<222x128xf32> to vector<1x128xf32>
      %add3A_754 = arith.addf %add3A_752, %slice3A_753 : vector<1x128xf32>
      %slice3A_755 = vector.extract_strided_slice %abs3A_716 {offsets = [19, 0], sizes = [1, 128], strides = [1, 1]} : vector<222x128xf32> to vector<1x128xf32>
      %add3A_756 = arith.addf %add3A_754, %slice3A_755 : vector<1x128xf32>
      %slice3A_757 = vector.extract_strided_slice %abs3A_716 {offsets = [20, 0], sizes = [1, 128], strides = [1, 1]} : vector<222x128xf32> to vector<1x128xf32>
      %add3A_758 = arith.addf %add3A_756, %slice3A_757 : vector<1x128xf32>
      %slice3A_759 = vector.extract_strided_slice %abs3A_716 {offsets = [21, 0], sizes = [1, 128], strides = [1, 1]} : vector<222x128xf32> to vector<1x128xf32>
      %add3A_760 = arith.addf %add3A_758, %slice3A_759 : vector<1x128xf32>
      %slice3A_761 = vector.extract_strided_slice %abs3A_716 {offsets = [22, 0], sizes = [1, 128], strides = [1, 1]} : vector<222x128xf32> to vector<1x128xf32>
      %add3A_762 = arith.addf %add3A_760, %slice3A_761 : vector<1x128xf32>
      %slice3A_763 = vector.extract_strided_slice %abs3A_716 {offsets = [23, 0], sizes = [1, 128], strides = [1, 1]} : vector<222x128xf32> to vector<1x128xf32>
      %add3A_764 = arith.addf %add3A_762, %slice3A_763 : vector<1x128xf32>
      %slice3A_765 = vector.extract_strided_slice %abs3A_716 {offsets = [24, 0], sizes = [1, 128], strides = [1, 1]} : vector<222x128xf32> to vector<1x128xf32>
      %add3A_766 = arith.addf %add3A_764, %slice3A_765 : vector<1x128xf32>
      %slice3A_767 = vector.extract_strided_slice %abs3A_716 {offsets = [25, 0], sizes = [1, 128], strides = [1, 1]} : vector<222x128xf32> to vector<1x128xf32>
      %add3A_768 = arith.addf %add3A_766, %slice3A_767 : vector<1x128xf32>
      %slice3A_769 = vector.extract_strided_slice %abs3A_716 {offsets = [26, 0], sizes = [1, 128], strides = [1, 1]} : vector<222x128xf32> to vector<1x128xf32>
      %add3A_770 = arith.addf %add3A_768, %slice3A_769 : vector<1x128xf32>
      %slice3A_771 = vector.extract_strided_slice %abs3A_716 {offsets = [27, 0], sizes = [1, 128], strides = [1, 1]} : vector<222x128xf32> to vector<1x128xf32>
      %add3A_772 = arith.addf %add3A_770, %slice3A_771 : vector<1x128xf32>
      %slice3A_773 = vector.extract_strided_slice %abs3A_716 {offsets = [28, 0], sizes = [1, 128], strides = [1, 1]} : vector<222x128xf32> to vector<1x128xf32>
      %add3A_774 = arith.addf %add3A_772, %slice3A_773 : vector<1x128xf32>
      %slice3A_775 = vector.extract_strided_slice %abs3A_716 {offsets = [29, 0], sizes = [1, 128], strides = [1, 1]} : vector<222x128xf32> to vector<1x128xf32>
      %add3A_776 = arith.addf %add3A_774, %slice3A_775 : vector<1x128xf32>
      %slice3A_777 = vector.extract_strided_slice %abs3A_716 {offsets = [30, 0], sizes = [1, 128], strides = [1, 1]} : vector<222x128xf32> to vector<1x128xf32>
      %add3A_778 = arith.addf %add3A_776, %slice3A_777 : vector<1x128xf32>
      %slice3A_779 = vector.extract_strided_slice %abs3A_716 {offsets = [31, 0], sizes = [1, 128], strides = [1, 1]} : vector<222x128xf32> to vector<1x128xf32>
      %add3A_780 = arith.addf %add3A_778, %slice3A_779 : vector<1x128xf32>
      %slice3A_781 = vector.extract_strided_slice %abs3A_716 {offsets = [32, 0], sizes = [1, 128], strides = [1, 1]} : vector<222x128xf32> to vector<1x128xf32>
      %add3A_782 = arith.addf %add3A_780, %slice3A_781 : vector<1x128xf32>
      %slice3A_783 = vector.extract_strided_slice %abs3A_716 {offsets = [33, 0], sizes = [1, 128], strides = [1, 1]} : vector<222x128xf32> to vector<1x128xf32>
      %add3A_784 = arith.addf %add3A_782, %slice3A_783 : vector<1x128xf32>
      %slice3A_785 = vector.extract_strided_slice %abs3A_716 {offsets = [34, 0], sizes = [1, 128], strides = [1, 1]} : vector<222x128xf32> to vector<1x128xf32>
      %add3A_786 = arith.addf %add3A_784, %slice3A_785 : vector<1x128xf32>
      %slice3A_787 = vector.extract_strided_slice %abs3A_716 {offsets = [35, 0], sizes = [1, 128], strides = [1, 1]} : vector<222x128xf32> to vector<1x128xf32>
      %add3A_788 = arith.addf %add3A_786, %slice3A_787 : vector<1x128xf32>
      %slice3A_789 = vector.extract_strided_slice %abs3A_716 {offsets = [36, 0], sizes = [1, 128], strides = [1, 1]} : vector<222x128xf32> to vector<1x128xf32>
      %add3A_790 = arith.addf %add3A_788, %slice3A_789 : vector<1x128xf32>
      %slice3A_791 = vector.extract_strided_slice %abs3A_716 {offsets = [37, 0], sizes = [1, 128], strides = [1, 1]} : vector<222x128xf32> to vector<1x128xf32>
      %add3A_792 = arith.addf %add3A_790, %slice3A_791 : vector<1x128xf32>
      %slice3A_793 = vector.extract_strided_slice %abs3A_716 {offsets = [38, 0], sizes = [1, 128], strides = [1, 1]} : vector<222x128xf32> to vector<1x128xf32>
      %add3A_794 = arith.addf %add3A_792, %slice3A_793 : vector<1x128xf32>
      %slice3A_795 = vector.extract_strided_slice %abs3A_716 {offsets = [39, 0], sizes = [1, 128], strides = [1, 1]} : vector<222x128xf32> to vector<1x128xf32>
      %add3A_796 = arith.addf %add3A_794, %slice3A_795 : vector<1x128xf32>
      %slice3A_797 = vector.extract_strided_slice %abs3A_716 {offsets = [40, 0], sizes = [1, 128], strides = [1, 1]} : vector<222x128xf32> to vector<1x128xf32>
      %add3A_798 = arith.addf %add3A_796, %slice3A_797 : vector<1x128xf32>
      %slice3A_799 = vector.extract_strided_slice %abs3A_716 {offsets = [41, 0], sizes = [1, 128], strides = [1, 1]} : vector<222x128xf32> to vector<1x128xf32>
      %add3A_800 = arith.addf %add3A_798, %slice3A_799 : vector<1x128xf32>
      %slice3A_801 = vector.extract_strided_slice %abs3A_716 {offsets = [42, 0], sizes = [1, 128], strides = [1, 1]} : vector<222x128xf32> to vector<1x128xf32>
      %add3A_802 = arith.addf %add3A_800, %slice3A_801 : vector<1x128xf32>
      %slice3A_803 = vector.extract_strided_slice %abs3A_716 {offsets = [43, 0], sizes = [1, 128], strides = [1, 1]} : vector<222x128xf32> to vector<1x128xf32>
      %add3A_804 = arith.addf %add3A_802, %slice3A_803 : vector<1x128xf32>
      %slice3A_805 = vector.extract_strided_slice %abs3A_716 {offsets = [44, 0], sizes = [1, 128], strides = [1, 1]} : vector<222x128xf32> to vector<1x128xf32>
      %add3A_806 = arith.addf %add3A_804, %slice3A_805 : vector<1x128xf32>
      %slice3A_807 = vector.extract_strided_slice %abs3A_716 {offsets = [45, 0], sizes = [1, 128], strides = [1, 1]} : vector<222x128xf32> to vector<1x128xf32>
      %add3A_808 = arith.addf %add3A_806, %slice3A_807 : vector<1x128xf32>
      %slice3A_809 = vector.extract_strided_slice %abs3A_716 {offsets = [46, 0], sizes = [1, 128], strides = [1, 1]} : vector<222x128xf32> to vector<1x128xf32>
      %add3A_810 = arith.addf %add3A_808, %slice3A_809 : vector<1x128xf32>
      %slice3A_811 = vector.extract_strided_slice %abs3A_716 {offsets = [47, 0], sizes = [1, 128], strides = [1, 1]} : vector<222x128xf32> to vector<1x128xf32>
      %add3A_812 = arith.addf %add3A_810, %slice3A_811 : vector<1x128xf32>
      %slice3A_813 = vector.extract_strided_slice %abs3A_716 {offsets = [48, 0], sizes = [1, 128], strides = [1, 1]} : vector<222x128xf32> to vector<1x128xf32>
      %add3A_814 = arith.addf %add3A_812, %slice3A_813 : vector<1x128xf32>
      %slice3A_815 = vector.extract_strided_slice %abs3A_716 {offsets = [49, 0], sizes = [1, 128], strides = [1, 1]} : vector<222x128xf32> to vector<1x128xf32>
      %add3A_816 = arith.addf %add3A_814, %slice3A_815 : vector<1x128xf32>
      %slice3A_817 = vector.extract_strided_slice %abs3A_716 {offsets = [50, 0], sizes = [1, 128], strides = [1, 1]} : vector<222x128xf32> to vector<1x128xf32>
      %add3A_818 = arith.addf %add3A_816, %slice3A_817 : vector<1x128xf32>
      %slice3A_819 = vector.extract_strided_slice %abs3A_716 {offsets = [51, 0], sizes = [1, 128], strides = [1, 1]} : vector<222x128xf32> to vector<1x128xf32>
      %add3A_820 = arith.addf %add3A_818, %slice3A_819 : vector<1x128xf32>
      %slice3A_821 = vector.extract_strided_slice %abs3A_716 {offsets = [52, 0], sizes = [1, 128], strides = [1, 1]} : vector<222x128xf32> to vector<1x128xf32>
      %add3A_822 = arith.addf %add3A_820, %slice3A_821 : vector<1x128xf32>
      %slice3A_823 = vector.extract_strided_slice %abs3A_716 {offsets = [53, 0], sizes = [1, 128], strides = [1, 1]} : vector<222x128xf32> to vector<1x128xf32>
      %add3A_824 = arith.addf %add3A_822, %slice3A_823 : vector<1x128xf32>
      %slice3A_825 = vector.extract_strided_slice %abs3A_716 {offsets = [54, 0], sizes = [1, 128], strides = [1, 1]} : vector<222x128xf32> to vector<1x128xf32>
      %add3A_826 = arith.addf %add3A_824, %slice3A_825 : vector<1x128xf32>
      %slice3A_827 = vector.extract_strided_slice %abs3A_716 {offsets = [55, 0], sizes = [1, 128], strides = [1, 1]} : vector<222x128xf32> to vector<1x128xf32>
      %add3A_828 = arith.addf %add3A_826, %slice3A_827 : vector<1x128xf32>
      %slice3A_829 = vector.extract_strided_slice %abs3A_716 {offsets = [56, 0], sizes = [1, 128], strides = [1, 1]} : vector<222x128xf32> to vector<1x128xf32>
      %add3A_830 = arith.addf %add3A_828, %slice3A_829 : vector<1x128xf32>
      %slice3A_831 = vector.extract_strided_slice %abs3A_716 {offsets = [57, 0], sizes = [1, 128], strides = [1, 1]} : vector<222x128xf32> to vector<1x128xf32>
      %add3A_832 = arith.addf %add3A_830, %slice3A_831 : vector<1x128xf32>
      %slice3A_833 = vector.extract_strided_slice %abs3A_716 {offsets = [58, 0], sizes = [1, 128], strides = [1, 1]} : vector<222x128xf32> to vector<1x128xf32>
      %add3A_834 = arith.addf %add3A_832, %slice3A_833 : vector<1x128xf32>
      %slice3A_835 = vector.extract_strided_slice %abs3A_716 {offsets = [59, 0], sizes = [1, 128], strides = [1, 1]} : vector<222x128xf32> to vector<1x128xf32>
      %add3A_836 = arith.addf %add3A_834, %slice3A_835 : vector<1x128xf32>
      %slice3A_837 = vector.extract_strided_slice %abs3A_716 {offsets = [60, 0], sizes = [1, 128], strides = [1, 1]} : vector<222x128xf32> to vector<1x128xf32>
      %add3A_838 = arith.addf %add3A_836, %slice3A_837 : vector<1x128xf32>
      %slice3A_839 = vector.extract_strided_slice %abs3A_716 {offsets = [61, 0], sizes = [1, 128], strides = [1, 1]} : vector<222x128xf32> to vector<1x128xf32>
      %add3A_840 = arith.addf %add3A_838, %slice3A_839 : vector<1x128xf32>
      %slice3A_841 = vector.extract_strided_slice %abs3A_716 {offsets = [62, 0], sizes = [1, 128], strides = [1, 1]} : vector<222x128xf32> to vector<1x128xf32>
      %add3A_842 = arith.addf %add3A_840, %slice3A_841 : vector<1x128xf32>
      %slice3A_843 = vector.extract_strided_slice %abs3A_716 {offsets = [63, 0], sizes = [1, 128], strides = [1, 1]} : vector<222x128xf32> to vector<1x128xf32>
      %add3A_844 = arith.addf %add3A_842, %slice3A_843 : vector<1x128xf32>
      %slice3A_845 = vector.extract_strided_slice %abs3A_716 {offsets = [64, 0], sizes = [1, 128], strides = [1, 1]} : vector<222x128xf32> to vector<1x128xf32>
      %add3A_846 = arith.addf %add3A_844, %slice3A_845 : vector<1x128xf32>
      %slice3A_847 = vector.extract_strided_slice %abs3A_716 {offsets = [65, 0], sizes = [1, 128], strides = [1, 1]} : vector<222x128xf32> to vector<1x128xf32>
      %add3A_848 = arith.addf %add3A_846, %slice3A_847 : vector<1x128xf32>
      %slice3A_849 = vector.extract_strided_slice %abs3A_716 {offsets = [66, 0], sizes = [1, 128], strides = [1, 1]} : vector<222x128xf32> to vector<1x128xf32>
      %add3A_850 = arith.addf %add3A_848, %slice3A_849 : vector<1x128xf32>
      %slice3A_851 = vector.extract_strided_slice %abs3A_716 {offsets = [67, 0], sizes = [1, 128], strides = [1, 1]} : vector<222x128xf32> to vector<1x128xf32>
      %add3A_852 = arith.addf %add3A_850, %slice3A_851 : vector<1x128xf32>
      %slice3A_853 = vector.extract_strided_slice %abs3A_716 {offsets = [68, 0], sizes = [1, 128], strides = [1, 1]} : vector<222x128xf32> to vector<1x128xf32>
      %add3A_854 = arith.addf %add3A_852, %slice3A_853 : vector<1x128xf32>
      %slice3A_855 = vector.extract_strided_slice %abs3A_716 {offsets = [69, 0], sizes = [1, 128], strides = [1, 1]} : vector<222x128xf32> to vector<1x128xf32>
      %add3A_856 = arith.addf %add3A_854, %slice3A_855 : vector<1x128xf32>
      %slice3A_857 = vector.extract_strided_slice %abs3A_716 {offsets = [70, 0], sizes = [1, 128], strides = [1, 1]} : vector<222x128xf32> to vector<1x128xf32>
      %add3A_858 = arith.addf %add3A_856, %slice3A_857 : vector<1x128xf32>
      %slice3A_859 = vector.extract_strided_slice %abs3A_716 {offsets = [71, 0], sizes = [1, 128], strides = [1, 1]} : vector<222x128xf32> to vector<1x128xf32>
      %add3A_860 = arith.addf %add3A_858, %slice3A_859 : vector<1x128xf32>
      %slice3A_861 = vector.extract_strided_slice %abs3A_716 {offsets = [72, 0], sizes = [1, 128], strides = [1, 1]} : vector<222x128xf32> to vector<1x128xf32>
      %add3A_862 = arith.addf %add3A_860, %slice3A_861 : vector<1x128xf32>
      %slice3A_863 = vector.extract_strided_slice %abs3A_716 {offsets = [73, 0], sizes = [1, 128], strides = [1, 1]} : vector<222x128xf32> to vector<1x128xf32>
      %add3A_864 = arith.addf %add3A_862, %slice3A_863 : vector<1x128xf32>
      %slice3A_865 = vector.extract_strided_slice %abs3A_716 {offsets = [74, 0], sizes = [1, 128], strides = [1, 1]} : vector<222x128xf32> to vector<1x128xf32>
      %add3A_866 = arith.addf %scan3A_119, %slice3A_865 : vector<1x128xf32>
      %slice3A_867 = vector.extract_strided_slice %abs3A_716 {offsets = [75, 0], sizes = [1, 128], strides = [1, 1]} : vector<222x128xf32> to vector<1x128xf32>
      %add3A_868 = arith.addf %add3A_866, %slice3A_867 : vector<1x128xf32>
      %slice3A_869 = vector.extract_strided_slice %abs3A_716 {offsets = [76, 0], sizes = [1, 128], strides = [1, 1]} : vector<222x128xf32> to vector<1x128xf32>
      %add3A_870 = arith.addf %add3A_868, %slice3A_869 : vector<1x128xf32>
      %slice3A_871 = vector.extract_strided_slice %abs3A_716 {offsets = [77, 0], sizes = [1, 128], strides = [1, 1]} : vector<222x128xf32> to vector<1x128xf32>
      %add3A_872 = arith.addf %add3A_870, %slice3A_871 : vector<1x128xf32>
      %slice3A_873 = vector.extract_strided_slice %abs3A_716 {offsets = [78, 0], sizes = [1, 128], strides = [1, 1]} : vector<222x128xf32> to vector<1x128xf32>
      %add3A_874 = arith.addf %add3A_872, %slice3A_873 : vector<1x128xf32>
      %slice3A_875 = vector.extract_strided_slice %abs3A_716 {offsets = [79, 0], sizes = [1, 128], strides = [1, 1]} : vector<222x128xf32> to vector<1x128xf32>
      %add3A_876 = arith.addf %add3A_874, %slice3A_875 : vector<1x128xf32>
      %slice3A_877 = vector.extract_strided_slice %abs3A_716 {offsets = [80, 0], sizes = [1, 128], strides = [1, 1]} : vector<222x128xf32> to vector<1x128xf32>
      %add3A_878 = arith.addf %add3A_876, %slice3A_877 : vector<1x128xf32>
      %slice3A_879 = vector.extract_strided_slice %abs3A_716 {offsets = [81, 0], sizes = [1, 128], strides = [1, 1]} : vector<222x128xf32> to vector<1x128xf32>
      %add3A_880 = arith.addf %add3A_878, %slice3A_879 : vector<1x128xf32>
      %slice3A_881 = vector.extract_strided_slice %abs3A_716 {offsets = [82, 0], sizes = [1, 128], strides = [1, 1]} : vector<222x128xf32> to vector<1x128xf32>
      %add3A_882 = arith.addf %add3A_880, %slice3A_881 : vector<1x128xf32>
      %slice3A_883 = vector.extract_strided_slice %abs3A_716 {offsets = [83, 0], sizes = [1, 128], strides = [1, 1]} : vector<222x128xf32> to vector<1x128xf32>
      %add3A_884 = arith.addf %add3A_882, %slice3A_883 : vector<1x128xf32>
      %slice3A_885 = vector.extract_strided_slice %abs3A_716 {offsets = [84, 0], sizes = [1, 128], strides = [1, 1]} : vector<222x128xf32> to vector<1x128xf32>
      %add3A_886 = arith.addf %add3A_884, %slice3A_885 : vector<1x128xf32>
      %slice3A_887 = vector.extract_strided_slice %abs3A_716 {offsets = [85, 0], sizes = [1, 128], strides = [1, 1]} : vector<222x128xf32> to vector<1x128xf32>
      %add3A_888 = arith.addf %add3A_886, %slice3A_887 : vector<1x128xf32>
      %slice3A_889 = vector.extract_strided_slice %abs3A_716 {offsets = [86, 0], sizes = [1, 128], strides = [1, 1]} : vector<222x128xf32> to vector<1x128xf32>
      %add3A_890 = arith.addf %add3A_888, %slice3A_889 : vector<1x128xf32>
      %slice3A_891 = vector.extract_strided_slice %abs3A_716 {offsets = [87, 0], sizes = [1, 128], strides = [1, 1]} : vector<222x128xf32> to vector<1x128xf32>
      %add3A_892 = arith.addf %add3A_890, %slice3A_891 : vector<1x128xf32>
      %slice3A_893 = vector.extract_strided_slice %abs3A_716 {offsets = [88, 0], sizes = [1, 128], strides = [1, 1]} : vector<222x128xf32> to vector<1x128xf32>
      %add3A_894 = arith.addf %add3A_892, %slice3A_893 : vector<1x128xf32>
      %slice3A_895 = vector.extract_strided_slice %abs3A_716 {offsets = [89, 0], sizes = [1, 128], strides = [1, 1]} : vector<222x128xf32> to vector<1x128xf32>
      %add3A_896 = arith.addf %add3A_894, %slice3A_895 : vector<1x128xf32>
      %slice3A_897 = vector.extract_strided_slice %abs3A_716 {offsets = [90, 0], sizes = [1, 128], strides = [1, 1]} : vector<222x128xf32> to vector<1x128xf32>
      %add3A_898 = arith.addf %add3A_896, %slice3A_897 : vector<1x128xf32>
      %slice3A_899 = vector.extract_strided_slice %abs3A_716 {offsets = [91, 0], sizes = [1, 128], strides = [1, 1]} : vector<222x128xf32> to vector<1x128xf32>
      %add3A_900 = arith.addf %add3A_898, %slice3A_899 : vector<1x128xf32>
      %slice3A_901 = vector.extract_strided_slice %abs3A_716 {offsets = [92, 0], sizes = [1, 128], strides = [1, 1]} : vector<222x128xf32> to vector<1x128xf32>
      %add3A_902 = arith.addf %add3A_900, %slice3A_901 : vector<1x128xf32>
      %slice3A_903 = vector.extract_strided_slice %abs3A_716 {offsets = [93, 0], sizes = [1, 128], strides = [1, 1]} : vector<222x128xf32> to vector<1x128xf32>
      %add3A_904 = arith.addf %add3A_902, %slice3A_903 : vector<1x128xf32>
      %slice3A_905 = vector.extract_strided_slice %abs3A_716 {offsets = [94, 0], sizes = [1, 128], strides = [1, 1]} : vector<222x128xf32> to vector<1x128xf32>
      %add3A_906 = arith.addf %add3A_904, %slice3A_905 : vector<1x128xf32>
      %slice3A_907 = vector.extract_strided_slice %abs3A_716 {offsets = [95, 0], sizes = [1, 128], strides = [1, 1]} : vector<222x128xf32> to vector<1x128xf32>
      %add3A_908 = arith.addf %add3A_906, %slice3A_907 : vector<1x128xf32>
      %slice3A_909 = vector.extract_strided_slice %abs3A_716 {offsets = [96, 0], sizes = [1, 128], strides = [1, 1]} : vector<222x128xf32> to vector<1x128xf32>
      %add3A_910 = arith.addf %add3A_908, %slice3A_909 : vector<1x128xf32>
      %slice3A_911 = vector.extract_strided_slice %abs3A_716 {offsets = [97, 0], sizes = [1, 128], strides = [1, 1]} : vector<222x128xf32> to vector<1x128xf32>
      %add3A_912 = arith.addf %add3A_910, %slice3A_911 : vector<1x128xf32>
      %slice3A_913 = vector.extract_strided_slice %abs3A_716 {offsets = [98, 0], sizes = [1, 128], strides = [1, 1]} : vector<222x128xf32> to vector<1x128xf32>
      %add3A_914 = arith.addf %add3A_912, %slice3A_913 : vector<1x128xf32>
      %slice3A_915 = vector.extract_strided_slice %abs3A_716 {offsets = [99, 0], sizes = [1, 128], strides = [1, 1]} : vector<222x128xf32> to vector<1x128xf32>
      %add3A_916 = arith.addf %add3A_914, %slice3A_915 : vector<1x128xf32>
      %slice3A_917 = vector.extract_strided_slice %abs3A_716 {offsets = [100, 0], sizes = [1, 128], strides = [1, 1]} : vector<222x128xf32> to vector<1x128xf32>
      %add3A_918 = arith.addf %add3A_916, %slice3A_917 : vector<1x128xf32>
      %slice3A_919 = vector.extract_strided_slice %abs3A_716 {offsets = [101, 0], sizes = [1, 128], strides = [1, 1]} : vector<222x128xf32> to vector<1x128xf32>
      %add3A_920 = arith.addf %add3A_918, %slice3A_919 : vector<1x128xf32>
      %slice3A_921 = vector.extract_strided_slice %abs3A_716 {offsets = [102, 0], sizes = [1, 128], strides = [1, 1]} : vector<222x128xf32> to vector<1x128xf32>
      %add3A_922 = arith.addf %add3A_920, %slice3A_921 : vector<1x128xf32>
      %slice3A_923 = vector.extract_strided_slice %abs3A_716 {offsets = [103, 0], sizes = [1, 128], strides = [1, 1]} : vector<222x128xf32> to vector<1x128xf32>
      %add3A_924 = arith.addf %add3A_922, %slice3A_923 : vector<1x128xf32>
      %slice3A_925 = vector.extract_strided_slice %abs3A_716 {offsets = [104, 0], sizes = [1, 128], strides = [1, 1]} : vector<222x128xf32> to vector<1x128xf32>
      %add3A_926 = arith.addf %add3A_924, %slice3A_925 : vector<1x128xf32>
      %slice3A_927 = vector.extract_strided_slice %abs3A_716 {offsets = [105, 0], sizes = [1, 128], strides = [1, 1]} : vector<222x128xf32> to vector<1x128xf32>
      %add3A_928 = arith.addf %add3A_926, %slice3A_927 : vector<1x128xf32>
      %slice3A_929 = vector.extract_strided_slice %abs3A_716 {offsets = [106, 0], sizes = [1, 128], strides = [1, 1]} : vector<222x128xf32> to vector<1x128xf32>
      %add3A_930 = arith.addf %add3A_928, %slice3A_929 : vector<1x128xf32>
      %slice3A_931 = vector.extract_strided_slice %abs3A_716 {offsets = [107, 0], sizes = [1, 128], strides = [1, 1]} : vector<222x128xf32> to vector<1x128xf32>
      %add3A_932 = arith.addf %add3A_930, %slice3A_931 : vector<1x128xf32>
      %slice3A_933 = vector.extract_strided_slice %abs3A_716 {offsets = [108, 0], sizes = [1, 128], strides = [1, 1]} : vector<222x128xf32> to vector<1x128xf32>
      %add3A_934 = arith.addf %add3A_932, %slice3A_933 : vector<1x128xf32>
      %slice3A_935 = vector.extract_strided_slice %abs3A_716 {offsets = [109, 0], sizes = [1, 128], strides = [1, 1]} : vector<222x128xf32> to vector<1x128xf32>
      %add3A_936 = arith.addf %add3A_934, %slice3A_935 : vector<1x128xf32>
      %slice3A_937 = vector.extract_strided_slice %abs3A_716 {offsets = [110, 0], sizes = [1, 128], strides = [1, 1]} : vector<222x128xf32> to vector<1x128xf32>
      %add3A_938 = arith.addf %add3A_936, %slice3A_937 : vector<1x128xf32>
      %slice3A_939 = vector.extract_strided_slice %abs3A_716 {offsets = [111, 0], sizes = [1, 128], strides = [1, 1]} : vector<222x128xf32> to vector<1x128xf32>
      %add3A_940 = arith.addf %add3A_938, %slice3A_939 : vector<1x128xf32>
      %slice3A_941 = vector.extract_strided_slice %abs3A_716 {offsets = [112, 0], sizes = [1, 128], strides = [1, 1]} : vector<222x128xf32> to vector<1x128xf32>
      %add3A_942 = arith.addf %add3A_940, %slice3A_941 : vector<1x128xf32>
      %slice3A_943 = vector.extract_strided_slice %abs3A_716 {offsets = [113, 0], sizes = [1, 128], strides = [1, 1]} : vector<222x128xf32> to vector<1x128xf32>
      %add3A_944 = arith.addf %add3A_942, %slice3A_943 : vector<1x128xf32>
      %slice3A_945 = vector.extract_strided_slice %abs3A_716 {offsets = [114, 0], sizes = [1, 128], strides = [1, 1]} : vector<222x128xf32> to vector<1x128xf32>
      %add3A_946 = arith.addf %add3A_944, %slice3A_945 : vector<1x128xf32>
      %slice3A_947 = vector.extract_strided_slice %abs3A_716 {offsets = [115, 0], sizes = [1, 128], strides = [1, 1]} : vector<222x128xf32> to vector<1x128xf32>
      %add3A_948 = arith.addf %add3A_946, %slice3A_947 : vector<1x128xf32>
      %slice3A_949 = vector.extract_strided_slice %abs3A_716 {offsets = [116, 0], sizes = [1, 128], strides = [1, 1]} : vector<222x128xf32> to vector<1x128xf32>
      %add3A_950 = arith.addf %add3A_948, %slice3A_949 : vector<1x128xf32>
      %slice3A_951 = vector.extract_strided_slice %abs3A_716 {offsets = [117, 0], sizes = [1, 128], strides = [1, 1]} : vector<222x128xf32> to vector<1x128xf32>
      %add3A_952 = arith.addf %add3A_950, %slice3A_951 : vector<1x128xf32>
      %slice3A_953 = vector.extract_strided_slice %abs3A_716 {offsets = [118, 0], sizes = [1, 128], strides = [1, 1]} : vector<222x128xf32> to vector<1x128xf32>
      %add3A_954 = arith.addf %add3A_952, %slice3A_953 : vector<1x128xf32>
      %slice3A_955 = vector.extract_strided_slice %abs3A_716 {offsets = [119, 0], sizes = [1, 128], strides = [1, 1]} : vector<222x128xf32> to vector<1x128xf32>
      %add3A_956 = arith.addf %add3A_954, %slice3A_955 : vector<1x128xf32>
      %slice3A_957 = vector.extract_strided_slice %abs3A_716 {offsets = [120, 0], sizes = [1, 128], strides = [1, 1]} : vector<222x128xf32> to vector<1x128xf32>
      %add3A_958 = arith.addf %add3A_956, %slice3A_957 : vector<1x128xf32>
      %slice3A_959 = vector.extract_strided_slice %abs3A_716 {offsets = [121, 0], sizes = [1, 128], strides = [1, 1]} : vector<222x128xf32> to vector<1x128xf32>
      %add3A_960 = arith.addf %add3A_958, %slice3A_959 : vector<1x128xf32>
      %slice3A_961 = vector.extract_strided_slice %abs3A_716 {offsets = [122, 0], sizes = [1, 128], strides = [1, 1]} : vector<222x128xf32> to vector<1x128xf32>
      %add3A_962 = arith.addf %add3A_960, %slice3A_961 : vector<1x128xf32>
      %slice3A_963 = vector.extract_strided_slice %abs3A_716 {offsets = [123, 0], sizes = [1, 128], strides = [1, 1]} : vector<222x128xf32> to vector<1x128xf32>
      %add3A_964 = arith.addf %add3A_962, %slice3A_963 : vector<1x128xf32>
      %slice3A_965 = vector.extract_strided_slice %abs3A_716 {offsets = [124, 0], sizes = [1, 128], strides = [1, 1]} : vector<222x128xf32> to vector<1x128xf32>
      %add3A_966 = arith.addf %add3A_964, %slice3A_965 : vector<1x128xf32>
      %slice3A_967 = vector.extract_strided_slice %abs3A_716 {offsets = [125, 0], sizes = [1, 128], strides = [1, 1]} : vector<222x128xf32> to vector<1x128xf32>
      %add3A_968 = arith.addf %add3A_966, %slice3A_967 : vector<1x128xf32>
      %slice3A_969 = vector.extract_strided_slice %abs3A_716 {offsets = [126, 0], sizes = [1, 128], strides = [1, 1]} : vector<222x128xf32> to vector<1x128xf32>
      %add3A_970 = arith.addf %add3A_968, %slice3A_969 : vector<1x128xf32>
      %slice3A_971 = vector.extract_strided_slice %abs3A_716 {offsets = [127, 0], sizes = [1, 128], strides = [1, 1]} : vector<222x128xf32> to vector<1x128xf32>
      %add3A_972 = arith.addf %add3A_970, %slice3A_971 : vector<1x128xf32>
      %slice3A_973 = vector.extract_strided_slice %abs3A_716 {offsets = [128, 0], sizes = [1, 128], strides = [1, 1]} : vector<222x128xf32> to vector<1x128xf32>
      %add3A_974 = arith.addf %add3A_972, %slice3A_973 : vector<1x128xf32>
      %slice3A_975 = vector.extract_strided_slice %abs3A_716 {offsets = [129, 0], sizes = [1, 128], strides = [1, 1]} : vector<222x128xf32> to vector<1x128xf32>
      %add3A_976 = arith.addf %add3A_974, %slice3A_975 : vector<1x128xf32>
      %slice3A_977 = vector.extract_strided_slice %abs3A_716 {offsets = [130, 0], sizes = [1, 128], strides = [1, 1]} : vector<222x128xf32> to vector<1x128xf32>
      %add3A_978 = arith.addf %add3A_976, %slice3A_977 : vector<1x128xf32>
      %slice3A_979 = vector.extract_strided_slice %abs3A_716 {offsets = [131, 0], sizes = [1, 128], strides = [1, 1]} : vector<222x128xf32> to vector<1x128xf32>
      %add3A_980 = arith.addf %add3A_978, %slice3A_979 : vector<1x128xf32>
      %slice3A_981 = vector.extract_strided_slice %abs3A_716 {offsets = [132, 0], sizes = [1, 128], strides = [1, 1]} : vector<222x128xf32> to vector<1x128xf32>
      %add3A_982 = arith.addf %add3A_980, %slice3A_981 : vector<1x128xf32>
      %slice3A_983 = vector.extract_strided_slice %abs3A_716 {offsets = [133, 0], sizes = [1, 128], strides = [1, 1]} : vector<222x128xf32> to vector<1x128xf32>
      %add3A_984 = arith.addf %add3A_982, %slice3A_983 : vector<1x128xf32>
      %slice3A_985 = vector.extract_strided_slice %abs3A_716 {offsets = [134, 0], sizes = [1, 128], strides = [1, 1]} : vector<222x128xf32> to vector<1x128xf32>
      %add3A_986 = arith.addf %add3A_984, %slice3A_985 : vector<1x128xf32>
      %slice3A_987 = vector.extract_strided_slice %abs3A_716 {offsets = [135, 0], sizes = [1, 128], strides = [1, 1]} : vector<222x128xf32> to vector<1x128xf32>
      %add3A_988 = arith.addf %add3A_986, %slice3A_987 : vector<1x128xf32>
      %slice3A_989 = vector.extract_strided_slice %abs3A_716 {offsets = [136, 0], sizes = [1, 128], strides = [1, 1]} : vector<222x128xf32> to vector<1x128xf32>
      %add3A_990 = arith.addf %add3A_988, %slice3A_989 : vector<1x128xf32>
      %slice3A_991 = vector.extract_strided_slice %abs3A_716 {offsets = [137, 0], sizes = [1, 128], strides = [1, 1]} : vector<222x128xf32> to vector<1x128xf32>
      %add3A_992 = arith.addf %add3A_990, %slice3A_991 : vector<1x128xf32>
      %slice3A_993 = vector.extract_strided_slice %abs3A_716 {offsets = [138, 0], sizes = [1, 128], strides = [1, 1]} : vector<222x128xf32> to vector<1x128xf32>
      %add3A_994 = arith.addf %add3A_992, %slice3A_993 : vector<1x128xf32>
      %slice3A_995 = vector.extract_strided_slice %abs3A_716 {offsets = [139, 0], sizes = [1, 128], strides = [1, 1]} : vector<222x128xf32> to vector<1x128xf32>
      %add3A_996 = arith.addf %add3A_994, %slice3A_995 : vector<1x128xf32>
      %slice3A_997 = vector.extract_strided_slice %abs3A_716 {offsets = [140, 0], sizes = [1, 128], strides = [1, 1]} : vector<222x128xf32> to vector<1x128xf32>
      %add3A_998 = arith.addf %add3A_996, %slice3A_997 : vector<1x128xf32>
      %slice3A_999 = vector.extract_strided_slice %abs3A_716 {offsets = [141, 0], sizes = [1, 128], strides = [1, 1]} : vector<222x128xf32> to vector<1x128xf32>
      %add3A_1000 = arith.addf %add3A_998, %slice3A_999 : vector<1x128xf32>
      %slice3A_1001 = vector.extract_strided_slice %abs3A_716 {offsets = [142, 0], sizes = [1, 128], strides = [1, 1]} : vector<222x128xf32> to vector<1x128xf32>
      %add3A_1002 = arith.addf %add3A_1000, %slice3A_1001 : vector<1x128xf32>
      %slice3A_1003 = vector.extract_strided_slice %abs3A_716 {offsets = [143, 0], sizes = [1, 128], strides = [1, 1]} : vector<222x128xf32> to vector<1x128xf32>
      %add3A_1004 = arith.addf %add3A_1002, %slice3A_1003 : vector<1x128xf32>
      %slice3A_1005 = vector.extract_strided_slice %abs3A_716 {offsets = [144, 0], sizes = [1, 128], strides = [1, 1]} : vector<222x128xf32> to vector<1x128xf32>
      %add3A_1006 = arith.addf %add3A_1004, %slice3A_1005 : vector<1x128xf32>
      %slice3A_1007 = vector.extract_strided_slice %abs3A_716 {offsets = [145, 0], sizes = [1, 128], strides = [1, 1]} : vector<222x128xf32> to vector<1x128xf32>
      %add3A_1008 = arith.addf %add3A_1006, %slice3A_1007 : vector<1x128xf32>
      %slice3A_1009 = vector.extract_strided_slice %abs3A_716 {offsets = [146, 0], sizes = [1, 128], strides = [1, 1]} : vector<222x128xf32> to vector<1x128xf32>
      %add3A_1010 = arith.addf %add3A_1008, %slice3A_1009 : vector<1x128xf32>
      %slice3A_1011 = vector.extract_strided_slice %abs3A_716 {offsets = [147, 0], sizes = [1, 128], strides = [1, 1]} : vector<222x128xf32> to vector<1x128xf32>
      %add3A_1012 = arith.addf %add3A_1010, %slice3A_1011 : vector<1x128xf32>
      %slice3A_1013 = vector.extract_strided_slice %abs3A_716 {offsets = [148, 0], sizes = [1, 128], strides = [1, 1]} : vector<222x128xf32> to vector<1x128xf32>
      %add3A_1014 = arith.addf %scan3A_120, %slice3A_1013 : vector<1x128xf32>
      %slice3A_1015 = vector.extract_strided_slice %abs3A_716 {offsets = [149, 0], sizes = [1, 128], strides = [1, 1]} : vector<222x128xf32> to vector<1x128xf32>
      %add3A_1016 = arith.addf %add3A_1014, %slice3A_1015 : vector<1x128xf32>
      %slice3A_1017 = vector.extract_strided_slice %abs3A_716 {offsets = [150, 0], sizes = [1, 128], strides = [1, 1]} : vector<222x128xf32> to vector<1x128xf32>
      %add3A_1018 = arith.addf %add3A_1016, %slice3A_1017 : vector<1x128xf32>
      %slice3A_1019 = vector.extract_strided_slice %abs3A_716 {offsets = [151, 0], sizes = [1, 128], strides = [1, 1]} : vector<222x128xf32> to vector<1x128xf32>
      %add3A_1020 = arith.addf %add3A_1018, %slice3A_1019 : vector<1x128xf32>
      %slice3A_1021 = vector.extract_strided_slice %abs3A_716 {offsets = [152, 0], sizes = [1, 128], strides = [1, 1]} : vector<222x128xf32> to vector<1x128xf32>
      %add3A_1022 = arith.addf %add3A_1020, %slice3A_1021 : vector<1x128xf32>
      %slice3A_1023 = vector.extract_strided_slice %abs3A_716 {offsets = [153, 0], sizes = [1, 128], strides = [1, 1]} : vector<222x128xf32> to vector<1x128xf32>
      %add3A_1024 = arith.addf %add3A_1022, %slice3A_1023 : vector<1x128xf32>
      %slice3A_1025 = vector.extract_strided_slice %abs3A_716 {offsets = [154, 0], sizes = [1, 128], strides = [1, 1]} : vector<222x128xf32> to vector<1x128xf32>
      %add3A_1026 = arith.addf %add3A_1024, %slice3A_1025 : vector<1x128xf32>
      %slice3A_1027 = vector.extract_strided_slice %abs3A_716 {offsets = [155, 0], sizes = [1, 128], strides = [1, 1]} : vector<222x128xf32> to vector<1x128xf32>
      %add3A_1028 = arith.addf %add3A_1026, %slice3A_1027 : vector<1x128xf32>
      %slice3A_1029 = vector.extract_strided_slice %abs3A_716 {offsets = [156, 0], sizes = [1, 128], strides = [1, 1]} : vector<222x128xf32> to vector<1x128xf32>
      %add3A_1030 = arith.addf %add3A_1028, %slice3A_1029 : vector<1x128xf32>
      %slice3A_1031 = vector.extract_strided_slice %abs3A_716 {offsets = [157, 0], sizes = [1, 128], strides = [1, 1]} : vector<222x128xf32> to vector<1x128xf32>
      %add3A_1032 = arith.addf %add3A_1030, %slice3A_1031 : vector<1x128xf32>
      %slice3A_1033 = vector.extract_strided_slice %abs3A_716 {offsets = [158, 0], sizes = [1, 128], strides = [1, 1]} : vector<222x128xf32> to vector<1x128xf32>
      %add3A_1034 = arith.addf %add3A_1032, %slice3A_1033 : vector<1x128xf32>
      %slice3A_1035 = vector.extract_strided_slice %abs3A_716 {offsets = [159, 0], sizes = [1, 128], strides = [1, 1]} : vector<222x128xf32> to vector<1x128xf32>
      %add3A_1036 = arith.addf %add3A_1034, %slice3A_1035 : vector<1x128xf32>
      %slice3A_1037 = vector.extract_strided_slice %abs3A_716 {offsets = [160, 0], sizes = [1, 128], strides = [1, 1]} : vector<222x128xf32> to vector<1x128xf32>
      %add3A_1038 = arith.addf %add3A_1036, %slice3A_1037 : vector<1x128xf32>
      %slice3A_1039 = vector.extract_strided_slice %abs3A_716 {offsets = [161, 0], sizes = [1, 128], strides = [1, 1]} : vector<222x128xf32> to vector<1x128xf32>
      %add3A_1040 = arith.addf %add3A_1038, %slice3A_1039 : vector<1x128xf32>
      %slice3A_1041 = vector.extract_strided_slice %abs3A_716 {offsets = [162, 0], sizes = [1, 128], strides = [1, 1]} : vector<222x128xf32> to vector<1x128xf32>
      %add3A_1042 = arith.addf %add3A_1040, %slice3A_1041 : vector<1x128xf32>
      %slice3A_1043 = vector.extract_strided_slice %abs3A_716 {offsets = [163, 0], sizes = [1, 128], strides = [1, 1]} : vector<222x128xf32> to vector<1x128xf32>
      %add3A_1044 = arith.addf %add3A_1042, %slice3A_1043 : vector<1x128xf32>
      %slice3A_1045 = vector.extract_strided_slice %abs3A_716 {offsets = [164, 0], sizes = [1, 128], strides = [1, 1]} : vector<222x128xf32> to vector<1x128xf32>
      %add3A_1046 = arith.addf %add3A_1044, %slice3A_1045 : vector<1x128xf32>
      %slice3A_1047 = vector.extract_strided_slice %abs3A_716 {offsets = [165, 0], sizes = [1, 128], strides = [1, 1]} : vector<222x128xf32> to vector<1x128xf32>
      %add3A_1048 = arith.addf %add3A_1046, %slice3A_1047 : vector<1x128xf32>
      %slice3A_1049 = vector.extract_strided_slice %abs3A_716 {offsets = [166, 0], sizes = [1, 128], strides = [1, 1]} : vector<222x128xf32> to vector<1x128xf32>
      %add3A_1050 = arith.addf %add3A_1048, %slice3A_1049 : vector<1x128xf32>
      %slice3A_1051 = vector.extract_strided_slice %abs3A_716 {offsets = [167, 0], sizes = [1, 128], strides = [1, 1]} : vector<222x128xf32> to vector<1x128xf32>
      %add3A_1052 = arith.addf %add3A_1050, %slice3A_1051 : vector<1x128xf32>
      %slice3A_1053 = vector.extract_strided_slice %abs3A_716 {offsets = [168, 0], sizes = [1, 128], strides = [1, 1]} : vector<222x128xf32> to vector<1x128xf32>
      %add3A_1054 = arith.addf %add3A_1052, %slice3A_1053 : vector<1x128xf32>
      %slice3A_1055 = vector.extract_strided_slice %abs3A_716 {offsets = [169, 0], sizes = [1, 128], strides = [1, 1]} : vector<222x128xf32> to vector<1x128xf32>
      %add3A_1056 = arith.addf %add3A_1054, %slice3A_1055 : vector<1x128xf32>
      %slice3A_1057 = vector.extract_strided_slice %abs3A_716 {offsets = [170, 0], sizes = [1, 128], strides = [1, 1]} : vector<222x128xf32> to vector<1x128xf32>
      %add3A_1058 = arith.addf %add3A_1056, %slice3A_1057 : vector<1x128xf32>
      %slice3A_1059 = vector.extract_strided_slice %abs3A_716 {offsets = [171, 0], sizes = [1, 128], strides = [1, 1]} : vector<222x128xf32> to vector<1x128xf32>
      %add3A_1060 = arith.addf %add3A_1058, %slice3A_1059 : vector<1x128xf32>
      %slice3A_1061 = vector.extract_strided_slice %abs3A_716 {offsets = [172, 0], sizes = [1, 128], strides = [1, 1]} : vector<222x128xf32> to vector<1x128xf32>
      %add3A_1062 = arith.addf %add3A_1060, %slice3A_1061 : vector<1x128xf32>
      %slice3A_1063 = vector.extract_strided_slice %abs3A_716 {offsets = [173, 0], sizes = [1, 128], strides = [1, 1]} : vector<222x128xf32> to vector<1x128xf32>
      %add3A_1064 = arith.addf %add3A_1062, %slice3A_1063 : vector<1x128xf32>
      %slice3A_1065 = vector.extract_strided_slice %abs3A_716 {offsets = [174, 0], sizes = [1, 128], strides = [1, 1]} : vector<222x128xf32> to vector<1x128xf32>
      %add3A_1066 = arith.addf %add3A_1064, %slice3A_1065 : vector<1x128xf32>
      %slice3A_1067 = vector.extract_strided_slice %abs3A_716 {offsets = [175, 0], sizes = [1, 128], strides = [1, 1]} : vector<222x128xf32> to vector<1x128xf32>
      %add3A_1068 = arith.addf %add3A_1066, %slice3A_1067 : vector<1x128xf32>
      %slice3A_1069 = vector.extract_strided_slice %abs3A_716 {offsets = [176, 0], sizes = [1, 128], strides = [1, 1]} : vector<222x128xf32> to vector<1x128xf32>
      %add3A_1070 = arith.addf %add3A_1068, %slice3A_1069 : vector<1x128xf32>
      %slice3A_1071 = vector.extract_strided_slice %abs3A_716 {offsets = [177, 0], sizes = [1, 128], strides = [1, 1]} : vector<222x128xf32> to vector<1x128xf32>
      %add3A_1072 = arith.addf %add3A_1070, %slice3A_1071 : vector<1x128xf32>
      %slice3A_1073 = vector.extract_strided_slice %abs3A_716 {offsets = [178, 0], sizes = [1, 128], strides = [1, 1]} : vector<222x128xf32> to vector<1x128xf32>
      %add3A_1074 = arith.addf %add3A_1072, %slice3A_1073 : vector<1x128xf32>
      %slice3A_1075 = vector.extract_strided_slice %abs3A_716 {offsets = [179, 0], sizes = [1, 128], strides = [1, 1]} : vector<222x128xf32> to vector<1x128xf32>
      %add3A_1076 = arith.addf %add3A_1074, %slice3A_1075 : vector<1x128xf32>
      %slice3A_1077 = vector.extract_strided_slice %abs3A_716 {offsets = [180, 0], sizes = [1, 128], strides = [1, 1]} : vector<222x128xf32> to vector<1x128xf32>
      %add3A_1078 = arith.addf %add3A_1076, %slice3A_1077 : vector<1x128xf32>
      %slice3A_1079 = vector.extract_strided_slice %abs3A_716 {offsets = [181, 0], sizes = [1, 128], strides = [1, 1]} : vector<222x128xf32> to vector<1x128xf32>
      %add3A_1080 = arith.addf %add3A_1078, %slice3A_1079 : vector<1x128xf32>
      %slice3A_1081 = vector.extract_strided_slice %abs3A_716 {offsets = [182, 0], sizes = [1, 128], strides = [1, 1]} : vector<222x128xf32> to vector<1x128xf32>
      %add3A_1082 = arith.addf %add3A_1080, %slice3A_1081 : vector<1x128xf32>
      %slice3A_1083 = vector.extract_strided_slice %abs3A_716 {offsets = [183, 0], sizes = [1, 128], strides = [1, 1]} : vector<222x128xf32> to vector<1x128xf32>
      %add3A_1084 = arith.addf %add3A_1082, %slice3A_1083 : vector<1x128xf32>
      %slice3A_1085 = vector.extract_strided_slice %abs3A_716 {offsets = [184, 0], sizes = [1, 128], strides = [1, 1]} : vector<222x128xf32> to vector<1x128xf32>
      %add3A_1086 = arith.addf %add3A_1084, %slice3A_1085 : vector<1x128xf32>
      %slice3A_1087 = vector.extract_strided_slice %abs3A_716 {offsets = [185, 0], sizes = [1, 128], strides = [1, 1]} : vector<222x128xf32> to vector<1x128xf32>
      %add3A_1088 = arith.addf %add3A_1086, %slice3A_1087 : vector<1x128xf32>
      %slice3A_1089 = vector.extract_strided_slice %abs3A_716 {offsets = [186, 0], sizes = [1, 128], strides = [1, 1]} : vector<222x128xf32> to vector<1x128xf32>
      %add3A_1090 = arith.addf %add3A_1088, %slice3A_1089 : vector<1x128xf32>
      %slice3A_1091 = vector.extract_strided_slice %abs3A_716 {offsets = [187, 0], sizes = [1, 128], strides = [1, 1]} : vector<222x128xf32> to vector<1x128xf32>
      %add3A_1092 = arith.addf %add3A_1090, %slice3A_1091 : vector<1x128xf32>
      %slice3A_1093 = vector.extract_strided_slice %abs3A_716 {offsets = [188, 0], sizes = [1, 128], strides = [1, 1]} : vector<222x128xf32> to vector<1x128xf32>
      %add3A_1094 = arith.addf %add3A_1092, %slice3A_1093 : vector<1x128xf32>
      %slice3A_1095 = vector.extract_strided_slice %abs3A_716 {offsets = [189, 0], sizes = [1, 128], strides = [1, 1]} : vector<222x128xf32> to vector<1x128xf32>
      %add3A_1096 = arith.addf %add3A_1094, %slice3A_1095 : vector<1x128xf32>
      %slice3A_1097 = vector.extract_strided_slice %abs3A_716 {offsets = [190, 0], sizes = [1, 128], strides = [1, 1]} : vector<222x128xf32> to vector<1x128xf32>
      %add3A_1098 = arith.addf %add3A_1096, %slice3A_1097 : vector<1x128xf32>
      %slice3A_1099 = vector.extract_strided_slice %abs3A_716 {offsets = [191, 0], sizes = [1, 128], strides = [1, 1]} : vector<222x128xf32> to vector<1x128xf32>
      %add3A_1100 = arith.addf %add3A_1098, %slice3A_1099 : vector<1x128xf32>
      %slice3A_1101 = vector.extract_strided_slice %abs3A_716 {offsets = [192, 0], sizes = [1, 128], strides = [1, 1]} : vector<222x128xf32> to vector<1x128xf32>
      %add3A_1102 = arith.addf %add3A_1100, %slice3A_1101 : vector<1x128xf32>
      %slice3A_1103 = vector.extract_strided_slice %abs3A_716 {offsets = [193, 0], sizes = [1, 128], strides = [1, 1]} : vector<222x128xf32> to vector<1x128xf32>
      %add3A_1104 = arith.addf %add3A_1102, %slice3A_1103 : vector<1x128xf32>
      %slice3A_1105 = vector.extract_strided_slice %abs3A_716 {offsets = [194, 0], sizes = [1, 128], strides = [1, 1]} : vector<222x128xf32> to vector<1x128xf32>
      %add3A_1106 = arith.addf %add3A_1104, %slice3A_1105 : vector<1x128xf32>
      %slice3A_1107 = vector.extract_strided_slice %abs3A_716 {offsets = [195, 0], sizes = [1, 128], strides = [1, 1]} : vector<222x128xf32> to vector<1x128xf32>
      %add3A_1108 = arith.addf %add3A_1106, %slice3A_1107 : vector<1x128xf32>
      %slice3A_1109 = vector.extract_strided_slice %abs3A_716 {offsets = [196, 0], sizes = [1, 128], strides = [1, 1]} : vector<222x128xf32> to vector<1x128xf32>
      %add3A_1110 = arith.addf %add3A_1108, %slice3A_1109 : vector<1x128xf32>
      %slice3A_1111 = vector.extract_strided_slice %abs3A_716 {offsets = [197, 0], sizes = [1, 128], strides = [1, 1]} : vector<222x128xf32> to vector<1x128xf32>
      %add3A_1112 = arith.addf %add3A_1110, %slice3A_1111 : vector<1x128xf32>
      %slice3A_1113 = vector.extract_strided_slice %abs3A_716 {offsets = [198, 0], sizes = [1, 128], strides = [1, 1]} : vector<222x128xf32> to vector<1x128xf32>
      %add3A_1114 = arith.addf %add3A_1112, %slice3A_1113 : vector<1x128xf32>
      %slice3A_1115 = vector.extract_strided_slice %abs3A_716 {offsets = [199, 0], sizes = [1, 128], strides = [1, 1]} : vector<222x128xf32> to vector<1x128xf32>
      %add3A_1116 = arith.addf %add3A_1114, %slice3A_1115 : vector<1x128xf32>
      %slice3A_1117 = vector.extract_strided_slice %abs3A_716 {offsets = [200, 0], sizes = [1, 128], strides = [1, 1]} : vector<222x128xf32> to vector<1x128xf32>
      %add3A_1118 = arith.addf %add3A_1116, %slice3A_1117 : vector<1x128xf32>
      %slice3A_1119 = vector.extract_strided_slice %abs3A_716 {offsets = [201, 0], sizes = [1, 128], strides = [1, 1]} : vector<222x128xf32> to vector<1x128xf32>
      %add3A_1120 = arith.addf %add3A_1118, %slice3A_1119 : vector<1x128xf32>
      %slice3A_1121 = vector.extract_strided_slice %abs3A_716 {offsets = [202, 0], sizes = [1, 128], strides = [1, 1]} : vector<222x128xf32> to vector<1x128xf32>
      %add3A_1122 = arith.addf %add3A_1120, %slice3A_1121 : vector<1x128xf32>
      %slice3A_1123 = vector.extract_strided_slice %abs3A_716 {offsets = [203, 0], sizes = [1, 128], strides = [1, 1]} : vector<222x128xf32> to vector<1x128xf32>
      %add3A_1124 = arith.addf %add3A_1122, %slice3A_1123 : vector<1x128xf32>
      %slice3A_1125 = vector.extract_strided_slice %abs3A_716 {offsets = [204, 0], sizes = [1, 128], strides = [1, 1]} : vector<222x128xf32> to vector<1x128xf32>
      %add3A_1126 = arith.addf %add3A_1124, %slice3A_1125 : vector<1x128xf32>
      %slice3A_1127 = vector.extract_strided_slice %abs3A_716 {offsets = [205, 0], sizes = [1, 128], strides = [1, 1]} : vector<222x128xf32> to vector<1x128xf32>
      %add3A_1128 = arith.addf %add3A_1126, %slice3A_1127 : vector<1x128xf32>
      %slice3A_1129 = vector.extract_strided_slice %abs3A_716 {offsets = [206, 0], sizes = [1, 128], strides = [1, 1]} : vector<222x128xf32> to vector<1x128xf32>
      %add3A_1130 = arith.addf %add3A_1128, %slice3A_1129 : vector<1x128xf32>
      %slice3A_1131 = vector.extract_strided_slice %abs3A_716 {offsets = [207, 0], sizes = [1, 128], strides = [1, 1]} : vector<222x128xf32> to vector<1x128xf32>
      %add3A_1132 = arith.addf %add3A_1130, %slice3A_1131 : vector<1x128xf32>
      %slice3A_1133 = vector.extract_strided_slice %abs3A_716 {offsets = [208, 0], sizes = [1, 128], strides = [1, 1]} : vector<222x128xf32> to vector<1x128xf32>
      %add3A_1134 = arith.addf %add3A_1132, %slice3A_1133 : vector<1x128xf32>
      %slice3A_1135 = vector.extract_strided_slice %abs3A_716 {offsets = [209, 0], sizes = [1, 128], strides = [1, 1]} : vector<222x128xf32> to vector<1x128xf32>
      %add3A_1136 = arith.addf %add3A_1134, %slice3A_1135 : vector<1x128xf32>
      %slice3A_1137 = vector.extract_strided_slice %abs3A_716 {offsets = [210, 0], sizes = [1, 128], strides = [1, 1]} : vector<222x128xf32> to vector<1x128xf32>
      %add3A_1138 = arith.addf %add3A_1136, %slice3A_1137 : vector<1x128xf32>
      %slice3A_1139 = vector.extract_strided_slice %abs3A_716 {offsets = [211, 0], sizes = [1, 128], strides = [1, 1]} : vector<222x128xf32> to vector<1x128xf32>
      %add3A_1140 = arith.addf %add3A_1138, %slice3A_1139 : vector<1x128xf32>
      %slice3A_1141 = vector.extract_strided_slice %abs3A_716 {offsets = [212, 0], sizes = [1, 128], strides = [1, 1]} : vector<222x128xf32> to vector<1x128xf32>
      %add3A_1142 = arith.addf %add3A_1140, %slice3A_1141 : vector<1x128xf32>
      %slice3A_1143 = vector.extract_strided_slice %abs3A_716 {offsets = [213, 0], sizes = [1, 128], strides = [1, 1]} : vector<222x128xf32> to vector<1x128xf32>
      %add3A_1144 = arith.addf %add3A_1142, %slice3A_1143 : vector<1x128xf32>
      %slice3A_1145 = vector.extract_strided_slice %abs3A_716 {offsets = [214, 0], sizes = [1, 128], strides = [1, 1]} : vector<222x128xf32> to vector<1x128xf32>
      %add3A_1146 = arith.addf %add3A_1144, %slice3A_1145 : vector<1x128xf32>
      %slice3A_1147 = vector.extract_strided_slice %abs3A_716 {offsets = [215, 0], sizes = [1, 128], strides = [1, 1]} : vector<222x128xf32> to vector<1x128xf32>
      %add3A_1148 = arith.addf %add3A_1146, %slice3A_1147 : vector<1x128xf32>
      %slice3A_1149 = vector.extract_strided_slice %abs3A_716 {offsets = [216, 0], sizes = [1, 128], strides = [1, 1]} : vector<222x128xf32> to vector<1x128xf32>
      %add3A_1150 = arith.addf %add3A_1148, %slice3A_1149 : vector<1x128xf32>
      %slice3A_1151 = vector.extract_strided_slice %abs3A_716 {offsets = [217, 0], sizes = [1, 128], strides = [1, 1]} : vector<222x128xf32> to vector<1x128xf32>
      %add3A_1152 = arith.addf %add3A_1150, %slice3A_1151 : vector<1x128xf32>
      %slice3A_1153 = vector.extract_strided_slice %abs3A_716 {offsets = [218, 0], sizes = [1, 128], strides = [1, 1]} : vector<222x128xf32> to vector<1x128xf32>
      %add3A_1154 = arith.addf %add3A_1152, %slice3A_1153 : vector<1x128xf32>
      %slice3A_1155 = vector.extract_strided_slice %abs3A_716 {offsets = [219, 0], sizes = [1, 128], strides = [1, 1]} : vector<222x128xf32> to vector<1x128xf32>
      %add3A_1156 = arith.addf %add3A_1154, %slice3A_1155 : vector<1x128xf32>
      %slice3A_1157 = vector.extract_strided_slice %abs3A_716 {offsets = [220, 0], sizes = [1, 128], strides = [1, 1]} : vector<222x128xf32> to vector<1x128xf32>
      %add3A_1158 = arith.addf %add3A_1156, %slice3A_1157 : vector<1x128xf32>
      %slice3A_1159 = vector.extract_strided_slice %abs3A_716 {offsets = [221, 0], sizes = [1, 128], strides = [1, 1]} : vector<222x128xf32> to vector<1x128xf32>
      %add3A_1160 = arith.addf %add3A_1158, %slice3A_1159 : vector<1x128xf32>
      %add3A_1161 = arith.constant 74 : i32
      %add3A_1162 = arith.addi %add3A_1161, %scan3A_114 : i32
      %add3A_1163 = arith.constant 0 : i32
      %add3A_1164 = arith.addi %add3A_1162, %add3A_1163 : i32
      %get3A_1165 = arith.constant 0 : index
      %get3A_1166 = arith.index_cast %add3A_1164 : i32 to index
      %get3A_1167 = arith.constant 0 : index
      %get3A_1168 = arith.constant 0 : index
      %get3A_1169 = vector.load %arg2[%get3A_1165, %get3A_1166, %get3A_1167, %get3A_1168] : memref<1x224x224x128xbf16, #tpu.memory_space<vmem>>, vector<1x1x224x128xbf16>
      %get3A_1170 = vector.shape_cast %get3A_1169 : vector<1x1x224x128xbf16> to vector<1x224x128xbf16>
      %reshape3A_1171 = vector.shape_cast %get3A_1170 : vector<1x224x128xbf16> to vector<224x128xbf16>
      %convert_element_type3A_1172 = arith.extf %reshape3A_1171 : vector<224x128xbf16> to vector<224x128xf32>
      %add3A_1173 = arith.constant 74 : i32
      %add3A_1174 = arith.addi %add3A_1173, %scan3A_114 : i32
      %add3A_1175 = arith.constant 1 : i32
      %add3A_1176 = arith.addi %add3A_1174, %add3A_1175 : i32
      %get3A_1177 = arith.constant 0 : index
      %get3A_1178 = arith.index_cast %add3A_1176 : i32 to index
      %get3A_1179 = arith.constant 0 : index
      %get3A_1180 = arith.constant 0 : index
      %get3A_1181 = vector.load %arg2[%get3A_1177, %get3A_1178, %get3A_1179, %get3A_1180] : memref<1x224x224x128xbf16, #tpu.memory_space<vmem>>, vector<1x1x224x128xbf16>
      %get3A_1182 = vector.shape_cast %get3A_1181 : vector<1x1x224x128xbf16> to vector<1x224x128xbf16>
      %reshape3A_1183 = vector.shape_cast %get3A_1182 : vector<1x224x128xbf16> to vector<224x128xbf16>
      %convert_element_type3A_1184 = arith.extf %reshape3A_1183 : vector<224x128xbf16> to vector<224x128xf32>
      %add3A_1185 = arith.constant 74 : i32
      %add3A_1186 = arith.addi %add3A_1185, %scan3A_114 : i32
      %add3A_1187 = arith.constant 2 : i32
      %add3A_1188 = arith.addi %add3A_1186, %add3A_1187 : i32
      %get3A_1189 = arith.constant 0 : index
      %get3A_1190 = arith.index_cast %add3A_1188 : i32 to index
      %get3A_1191 = arith.constant 0 : index
      %get3A_1192 = arith.constant 0 : index
      %get3A_1193 = vector.load %arg2[%get3A_1189, %get3A_1190, %get3A_1191, %get3A_1192] : memref<1x224x224x128xbf16, #tpu.memory_space<vmem>>, vector<1x1x224x128xbf16>
      %get3A_1194 = vector.shape_cast %get3A_1193 : vector<1x1x224x128xbf16> to vector<1x224x128xbf16>
      %reshape3A_1195 = vector.shape_cast %get3A_1194 : vector<1x224x128xbf16> to vector<224x128xbf16>
      %convert_element_type3A_1196 = arith.extf %reshape3A_1195 : vector<224x128xbf16> to vector<224x128xf32>
      %slice3A_1197 = vector.extract_strided_slice %convert_element_type3A_1172 {offsets = [0, 0], sizes = [222, 128], strides = [1, 1]} : vector<224x128xf32> to vector<222x128xf32>
      %mul3A_1198 = vector.broadcast %convert_element_type3A_5 : f32 to vector<222x128xf32>
      %mul3A_1199 = arith.mulf %slice3A_1197, %mul3A_1198 : vector<222x128xf32>
      %slice3A_1200 = vector.extract_strided_slice %convert_element_type3A_1172 {offsets = [1, 0], sizes = [222, 128], strides = [1, 1]} : vector<224x128xf32> to vector<222x128xf32>
      %mul3A_1201 = vector.broadcast %convert_element_type3A_13 : f32 to vector<222x128xf32>
      %mul3A_1202 = arith.mulf %slice3A_1200, %mul3A_1201 : vector<222x128xf32>
      %add3A_1203 = arith.addf %mul3A_1199, %mul3A_1202 : vector<222x128xf32>
      %slice3A_1204 = vector.extract_strided_slice %convert_element_type3A_1172 {offsets = [2, 0], sizes = [222, 128], strides = [1, 1]} : vector<224x128xf32> to vector<222x128xf32>
      %mul3A_1205 = vector.broadcast %convert_element_type3A_21 : f32 to vector<222x128xf32>
      %mul3A_1206 = arith.mulf %slice3A_1204, %mul3A_1205 : vector<222x128xf32>
      %add3A_1207 = arith.addf %add3A_1203, %mul3A_1206 : vector<222x128xf32>
      %slice3A_1208 = vector.extract_strided_slice %convert_element_type3A_1184 {offsets = [0, 0], sizes = [222, 128], strides = [1, 1]} : vector<224x128xf32> to vector<222x128xf32>
      %mul3A_1209 = vector.broadcast %convert_element_type3A_29 : f32 to vector<222x128xf32>
      %mul3A_1210 = arith.mulf %slice3A_1208, %mul3A_1209 : vector<222x128xf32>
      %add3A_1211 = arith.addf %add3A_1207, %mul3A_1210 : vector<222x128xf32>
      %slice3A_1212 = vector.extract_strided_slice %convert_element_type3A_1184 {offsets = [1, 0], sizes = [222, 128], strides = [1, 1]} : vector<224x128xf32> to vector<222x128xf32>
      %mul3A_1213 = vector.broadcast %convert_element_type3A_37 : f32 to vector<222x128xf32>
      %mul3A_1214 = arith.mulf %slice3A_1212, %mul3A_1213 : vector<222x128xf32>
      %add3A_1215 = arith.addf %add3A_1211, %mul3A_1214 : vector<222x128xf32>
      %slice3A_1216 = vector.extract_strided_slice %convert_element_type3A_1184 {offsets = [2, 0], sizes = [222, 128], strides = [1, 1]} : vector<224x128xf32> to vector<222x128xf32>
      %mul3A_1217 = vector.broadcast %convert_element_type3A_45 : f32 to vector<222x128xf32>
      %mul3A_1218 = arith.mulf %slice3A_1216, %mul3A_1217 : vector<222x128xf32>
      %add3A_1219 = arith.addf %add3A_1215, %mul3A_1218 : vector<222x128xf32>
      %slice3A_1220 = vector.extract_strided_slice %convert_element_type3A_1196 {offsets = [0, 0], sizes = [222, 128], strides = [1, 1]} : vector<224x128xf32> to vector<222x128xf32>
      %mul3A_1221 = vector.broadcast %convert_element_type3A_53 : f32 to vector<222x128xf32>
      %mul3A_1222 = arith.mulf %slice3A_1220, %mul3A_1221 : vector<222x128xf32>
      %add3A_1223 = arith.addf %add3A_1219, %mul3A_1222 : vector<222x128xf32>
      %slice3A_1224 = vector.extract_strided_slice %convert_element_type3A_1196 {offsets = [1, 0], sizes = [222, 128], strides = [1, 1]} : vector<224x128xf32> to vector<222x128xf32>
      %mul3A_1225 = vector.broadcast %convert_element_type3A_61 : f32 to vector<222x128xf32>
      %mul3A_1226 = arith.mulf %slice3A_1224, %mul3A_1225 : vector<222x128xf32>
      %add3A_1227 = arith.addf %add3A_1223, %mul3A_1226 : vector<222x128xf32>
      %slice3A_1228 = vector.extract_strided_slice %convert_element_type3A_1196 {offsets = [2, 0], sizes = [222, 128], strides = [1, 1]} : vector<224x128xf32> to vector<222x128xf32>
      %mul3A_1229 = vector.broadcast %convert_element_type3A_69 : f32 to vector<222x128xf32>
      %mul3A_1230 = arith.mulf %slice3A_1228, %mul3A_1229 : vector<222x128xf32>
      %add3A_1231 = arith.addf %add3A_1227, %mul3A_1230 : vector<222x128xf32>
      %abs3A_1232 = math.absf %add3A_1231 : vector<222x128xf32>
      %slice3A_1233 = vector.extract_strided_slice %abs3A_1232 {offsets = [0, 0], sizes = [1, 128], strides = [1, 1]} : vector<222x128xf32> to vector<1x128xf32>
      %add3A_1234 = arith.addf %scan3A_121, %slice3A_1233 : vector<1x128xf32>
      %slice3A_1235 = vector.extract_strided_slice %abs3A_1232 {offsets = [1, 0], sizes = [1, 128], strides = [1, 1]} : vector<222x128xf32> to vector<1x128xf32>
      %add3A_1236 = arith.addf %add3A_1234, %slice3A_1235 : vector<1x128xf32>
      %slice3A_1237 = vector.extract_strided_slice %abs3A_1232 {offsets = [2, 0], sizes = [1, 128], strides = [1, 1]} : vector<222x128xf32> to vector<1x128xf32>
      %add3A_1238 = arith.addf %add3A_1236, %slice3A_1237 : vector<1x128xf32>
      %slice3A_1239 = vector.extract_strided_slice %abs3A_1232 {offsets = [3, 0], sizes = [1, 128], strides = [1, 1]} : vector<222x128xf32> to vector<1x128xf32>
      %add3A_1240 = arith.addf %add3A_1238, %slice3A_1239 : vector<1x128xf32>
      %slice3A_1241 = vector.extract_strided_slice %abs3A_1232 {offsets = [4, 0], sizes = [1, 128], strides = [1, 1]} : vector<222x128xf32> to vector<1x128xf32>
      %add3A_1242 = arith.addf %add3A_1240, %slice3A_1241 : vector<1x128xf32>
      %slice3A_1243 = vector.extract_strided_slice %abs3A_1232 {offsets = [5, 0], sizes = [1, 128], strides = [1, 1]} : vector<222x128xf32> to vector<1x128xf32>
      %add3A_1244 = arith.addf %add3A_1242, %slice3A_1243 : vector<1x128xf32>
      %slice3A_1245 = vector.extract_strided_slice %abs3A_1232 {offsets = [6, 0], sizes = [1, 128], strides = [1, 1]} : vector<222x128xf32> to vector<1x128xf32>
      %add3A_1246 = arith.addf %add3A_1244, %slice3A_1245 : vector<1x128xf32>
      %slice3A_1247 = vector.extract_strided_slice %abs3A_1232 {offsets = [7, 0], sizes = [1, 128], strides = [1, 1]} : vector<222x128xf32> to vector<1x128xf32>
      %add3A_1248 = arith.addf %add3A_1246, %slice3A_1247 : vector<1x128xf32>
      %slice3A_1249 = vector.extract_strided_slice %abs3A_1232 {offsets = [8, 0], sizes = [1, 128], strides = [1, 1]} : vector<222x128xf32> to vector<1x128xf32>
      %add3A_1250 = arith.addf %add3A_1248, %slice3A_1249 : vector<1x128xf32>
      %slice3A_1251 = vector.extract_strided_slice %abs3A_1232 {offsets = [9, 0], sizes = [1, 128], strides = [1, 1]} : vector<222x128xf32> to vector<1x128xf32>
      %add3A_1252 = arith.addf %add3A_1250, %slice3A_1251 : vector<1x128xf32>
      %slice3A_1253 = vector.extract_strided_slice %abs3A_1232 {offsets = [10, 0], sizes = [1, 128], strides = [1, 1]} : vector<222x128xf32> to vector<1x128xf32>
      %add3A_1254 = arith.addf %add3A_1252, %slice3A_1253 : vector<1x128xf32>
      %slice3A_1255 = vector.extract_strided_slice %abs3A_1232 {offsets = [11, 0], sizes = [1, 128], strides = [1, 1]} : vector<222x128xf32> to vector<1x128xf32>
      %add3A_1256 = arith.addf %add3A_1254, %slice3A_1255 : vector<1x128xf32>
      %slice3A_1257 = vector.extract_strided_slice %abs3A_1232 {offsets = [12, 0], sizes = [1, 128], strides = [1, 1]} : vector<222x128xf32> to vector<1x128xf32>
      %add3A_1258 = arith.addf %add3A_1256, %slice3A_1257 : vector<1x128xf32>
      %slice3A_1259 = vector.extract_strided_slice %abs3A_1232 {offsets = [13, 0], sizes = [1, 128], strides = [1, 1]} : vector<222x128xf32> to vector<1x128xf32>
      %add3A_1260 = arith.addf %add3A_1258, %slice3A_1259 : vector<1x128xf32>
      %slice3A_1261 = vector.extract_strided_slice %abs3A_1232 {offsets = [14, 0], sizes = [1, 128], strides = [1, 1]} : vector<222x128xf32> to vector<1x128xf32>
      %add3A_1262 = arith.addf %add3A_1260, %slice3A_1261 : vector<1x128xf32>
      %slice3A_1263 = vector.extract_strided_slice %abs3A_1232 {offsets = [15, 0], sizes = [1, 128], strides = [1, 1]} : vector<222x128xf32> to vector<1x128xf32>
      %add3A_1264 = arith.addf %add3A_1262, %slice3A_1263 : vector<1x128xf32>
      %slice3A_1265 = vector.extract_strided_slice %abs3A_1232 {offsets = [16, 0], sizes = [1, 128], strides = [1, 1]} : vector<222x128xf32> to vector<1x128xf32>
      %add3A_1266 = arith.addf %add3A_1264, %slice3A_1265 : vector<1x128xf32>
      %slice3A_1267 = vector.extract_strided_slice %abs3A_1232 {offsets = [17, 0], sizes = [1, 128], strides = [1, 1]} : vector<222x128xf32> to vector<1x128xf32>
      %add3A_1268 = arith.addf %add3A_1266, %slice3A_1267 : vector<1x128xf32>
      %slice3A_1269 = vector.extract_strided_slice %abs3A_1232 {offsets = [18, 0], sizes = [1, 128], strides = [1, 1]} : vector<222x128xf32> to vector<1x128xf32>
      %add3A_1270 = arith.addf %add3A_1268, %slice3A_1269 : vector<1x128xf32>
      %slice3A_1271 = vector.extract_strided_slice %abs3A_1232 {offsets = [19, 0], sizes = [1, 128], strides = [1, 1]} : vector<222x128xf32> to vector<1x128xf32>
      %add3A_1272 = arith.addf %add3A_1270, %slice3A_1271 : vector<1x128xf32>
      %slice3A_1273 = vector.extract_strided_slice %abs3A_1232 {offsets = [20, 0], sizes = [1, 128], strides = [1, 1]} : vector<222x128xf32> to vector<1x128xf32>
      %add3A_1274 = arith.addf %add3A_1272, %slice3A_1273 : vector<1x128xf32>
      %slice3A_1275 = vector.extract_strided_slice %abs3A_1232 {offsets = [21, 0], sizes = [1, 128], strides = [1, 1]} : vector<222x128xf32> to vector<1x128xf32>
      %add3A_1276 = arith.addf %add3A_1274, %slice3A_1275 : vector<1x128xf32>
      %slice3A_1277 = vector.extract_strided_slice %abs3A_1232 {offsets = [22, 0], sizes = [1, 128], strides = [1, 1]} : vector<222x128xf32> to vector<1x128xf32>
      %add3A_1278 = arith.addf %add3A_1276, %slice3A_1277 : vector<1x128xf32>
      %slice3A_1279 = vector.extract_strided_slice %abs3A_1232 {offsets = [23, 0], sizes = [1, 128], strides = [1, 1]} : vector<222x128xf32> to vector<1x128xf32>
      %add3A_1280 = arith.addf %add3A_1278, %slice3A_1279 : vector<1x128xf32>
      %slice3A_1281 = vector.extract_strided_slice %abs3A_1232 {offsets = [24, 0], sizes = [1, 128], strides = [1, 1]} : vector<222x128xf32> to vector<1x128xf32>
      %add3A_1282 = arith.addf %add3A_1280, %slice3A_1281 : vector<1x128xf32>
      %slice3A_1283 = vector.extract_strided_slice %abs3A_1232 {offsets = [25, 0], sizes = [1, 128], strides = [1, 1]} : vector<222x128xf32> to vector<1x128xf32>
      %add3A_1284 = arith.addf %add3A_1282, %slice3A_1283 : vector<1x128xf32>
      %slice3A_1285 = vector.extract_strided_slice %abs3A_1232 {offsets = [26, 0], sizes = [1, 128], strides = [1, 1]} : vector<222x128xf32> to vector<1x128xf32>
      %add3A_1286 = arith.addf %add3A_1284, %slice3A_1285 : vector<1x128xf32>
      %slice3A_1287 = vector.extract_strided_slice %abs3A_1232 {offsets = [27, 0], sizes = [1, 128], strides = [1, 1]} : vector<222x128xf32> to vector<1x128xf32>
      %add3A_1288 = arith.addf %add3A_1286, %slice3A_1287 : vector<1x128xf32>
      %slice3A_1289 = vector.extract_strided_slice %abs3A_1232 {offsets = [28, 0], sizes = [1, 128], strides = [1, 1]} : vector<222x128xf32> to vector<1x128xf32>
      %add3A_1290 = arith.addf %add3A_1288, %slice3A_1289 : vector<1x128xf32>
      %slice3A_1291 = vector.extract_strided_slice %abs3A_1232 {offsets = [29, 0], sizes = [1, 128], strides = [1, 1]} : vector<222x128xf32> to vector<1x128xf32>
      %add3A_1292 = arith.addf %add3A_1290, %slice3A_1291 : vector<1x128xf32>
      %slice3A_1293 = vector.extract_strided_slice %abs3A_1232 {offsets = [30, 0], sizes = [1, 128], strides = [1, 1]} : vector<222x128xf32> to vector<1x128xf32>
      %add3A_1294 = arith.addf %add3A_1292, %slice3A_1293 : vector<1x128xf32>
      %slice3A_1295 = vector.extract_strided_slice %abs3A_1232 {offsets = [31, 0], sizes = [1, 128], strides = [1, 1]} : vector<222x128xf32> to vector<1x128xf32>
      %add3A_1296 = arith.addf %add3A_1294, %slice3A_1295 : vector<1x128xf32>
      %slice3A_1297 = vector.extract_strided_slice %abs3A_1232 {offsets = [32, 0], sizes = [1, 128], strides = [1, 1]} : vector<222x128xf32> to vector<1x128xf32>
      %add3A_1298 = arith.addf %add3A_1296, %slice3A_1297 : vector<1x128xf32>
      %slice3A_1299 = vector.extract_strided_slice %abs3A_1232 {offsets = [33, 0], sizes = [1, 128], strides = [1, 1]} : vector<222x128xf32> to vector<1x128xf32>
      %add3A_1300 = arith.addf %add3A_1298, %slice3A_1299 : vector<1x128xf32>
      %slice3A_1301 = vector.extract_strided_slice %abs3A_1232 {offsets = [34, 0], sizes = [1, 128], strides = [1, 1]} : vector<222x128xf32> to vector<1x128xf32>
      %add3A_1302 = arith.addf %add3A_1300, %slice3A_1301 : vector<1x128xf32>
      %slice3A_1303 = vector.extract_strided_slice %abs3A_1232 {offsets = [35, 0], sizes = [1, 128], strides = [1, 1]} : vector<222x128xf32> to vector<1x128xf32>
      %add3A_1304 = arith.addf %add3A_1302, %slice3A_1303 : vector<1x128xf32>
      %slice3A_1305 = vector.extract_strided_slice %abs3A_1232 {offsets = [36, 0], sizes = [1, 128], strides = [1, 1]} : vector<222x128xf32> to vector<1x128xf32>
      %add3A_1306 = arith.addf %add3A_1304, %slice3A_1305 : vector<1x128xf32>
      %slice3A_1307 = vector.extract_strided_slice %abs3A_1232 {offsets = [37, 0], sizes = [1, 128], strides = [1, 1]} : vector<222x128xf32> to vector<1x128xf32>
      %add3A_1308 = arith.addf %add3A_1306, %slice3A_1307 : vector<1x128xf32>
      %slice3A_1309 = vector.extract_strided_slice %abs3A_1232 {offsets = [38, 0], sizes = [1, 128], strides = [1, 1]} : vector<222x128xf32> to vector<1x128xf32>
      %add3A_1310 = arith.addf %add3A_1308, %slice3A_1309 : vector<1x128xf32>
      %slice3A_1311 = vector.extract_strided_slice %abs3A_1232 {offsets = [39, 0], sizes = [1, 128], strides = [1, 1]} : vector<222x128xf32> to vector<1x128xf32>
      %add3A_1312 = arith.addf %add3A_1310, %slice3A_1311 : vector<1x128xf32>
      %slice3A_1313 = vector.extract_strided_slice %abs3A_1232 {offsets = [40, 0], sizes = [1, 128], strides = [1, 1]} : vector<222x128xf32> to vector<1x128xf32>
      %add3A_1314 = arith.addf %add3A_1312, %slice3A_1313 : vector<1x128xf32>
      %slice3A_1315 = vector.extract_strided_slice %abs3A_1232 {offsets = [41, 0], sizes = [1, 128], strides = [1, 1]} : vector<222x128xf32> to vector<1x128xf32>
      %add3A_1316 = arith.addf %add3A_1314, %slice3A_1315 : vector<1x128xf32>
      %slice3A_1317 = vector.extract_strided_slice %abs3A_1232 {offsets = [42, 0], sizes = [1, 128], strides = [1, 1]} : vector<222x128xf32> to vector<1x128xf32>
      %add3A_1318 = arith.addf %add3A_1316, %slice3A_1317 : vector<1x128xf32>
      %slice3A_1319 = vector.extract_strided_slice %abs3A_1232 {offsets = [43, 0], sizes = [1, 128], strides = [1, 1]} : vector<222x128xf32> to vector<1x128xf32>
      %add3A_1320 = arith.addf %add3A_1318, %slice3A_1319 : vector<1x128xf32>
      %slice3A_1321 = vector.extract_strided_slice %abs3A_1232 {offsets = [44, 0], sizes = [1, 128], strides = [1, 1]} : vector<222x128xf32> to vector<1x128xf32>
      %add3A_1322 = arith.addf %add3A_1320, %slice3A_1321 : vector<1x128xf32>
      %slice3A_1323 = vector.extract_strided_slice %abs3A_1232 {offsets = [45, 0], sizes = [1, 128], strides = [1, 1]} : vector<222x128xf32> to vector<1x128xf32>
      %add3A_1324 = arith.addf %add3A_1322, %slice3A_1323 : vector<1x128xf32>
      %slice3A_1325 = vector.extract_strided_slice %abs3A_1232 {offsets = [46, 0], sizes = [1, 128], strides = [1, 1]} : vector<222x128xf32> to vector<1x128xf32>
      %add3A_1326 = arith.addf %add3A_1324, %slice3A_1325 : vector<1x128xf32>
      %slice3A_1327 = vector.extract_strided_slice %abs3A_1232 {offsets = [47, 0], sizes = [1, 128], strides = [1, 1]} : vector<222x128xf32> to vector<1x128xf32>
      %add3A_1328 = arith.addf %add3A_1326, %slice3A_1327 : vector<1x128xf32>
      %slice3A_1329 = vector.extract_strided_slice %abs3A_1232 {offsets = [48, 0], sizes = [1, 128], strides = [1, 1]} : vector<222x128xf32> to vector<1x128xf32>
      %add3A_1330 = arith.addf %add3A_1328, %slice3A_1329 : vector<1x128xf32>
      %slice3A_1331 = vector.extract_strided_slice %abs3A_1232 {offsets = [49, 0], sizes = [1, 128], strides = [1, 1]} : vector<222x128xf32> to vector<1x128xf32>
      %add3A_1332 = arith.addf %add3A_1330, %slice3A_1331 : vector<1x128xf32>
      %slice3A_1333 = vector.extract_strided_slice %abs3A_1232 {offsets = [50, 0], sizes = [1, 128], strides = [1, 1]} : vector<222x128xf32> to vector<1x128xf32>
      %add3A_1334 = arith.addf %add3A_1332, %slice3A_1333 : vector<1x128xf32>
      %slice3A_1335 = vector.extract_strided_slice %abs3A_1232 {offsets = [51, 0], sizes = [1, 128], strides = [1, 1]} : vector<222x128xf32> to vector<1x128xf32>
      %add3A_1336 = arith.addf %add3A_1334, %slice3A_1335 : vector<1x128xf32>
      %slice3A_1337 = vector.extract_strided_slice %abs3A_1232 {offsets = [52, 0], sizes = [1, 128], strides = [1, 1]} : vector<222x128xf32> to vector<1x128xf32>
      %add3A_1338 = arith.addf %add3A_1336, %slice3A_1337 : vector<1x128xf32>
      %slice3A_1339 = vector.extract_strided_slice %abs3A_1232 {offsets = [53, 0], sizes = [1, 128], strides = [1, 1]} : vector<222x128xf32> to vector<1x128xf32>
      %add3A_1340 = arith.addf %add3A_1338, %slice3A_1339 : vector<1x128xf32>
      %slice3A_1341 = vector.extract_strided_slice %abs3A_1232 {offsets = [54, 0], sizes = [1, 128], strides = [1, 1]} : vector<222x128xf32> to vector<1x128xf32>
      %add3A_1342 = arith.addf %add3A_1340, %slice3A_1341 : vector<1x128xf32>
      %slice3A_1343 = vector.extract_strided_slice %abs3A_1232 {offsets = [55, 0], sizes = [1, 128], strides = [1, 1]} : vector<222x128xf32> to vector<1x128xf32>
      %add3A_1344 = arith.addf %add3A_1342, %slice3A_1343 : vector<1x128xf32>
      %slice3A_1345 = vector.extract_strided_slice %abs3A_1232 {offsets = [56, 0], sizes = [1, 128], strides = [1, 1]} : vector<222x128xf32> to vector<1x128xf32>
      %add3A_1346 = arith.addf %add3A_1344, %slice3A_1345 : vector<1x128xf32>
      %slice3A_1347 = vector.extract_strided_slice %abs3A_1232 {offsets = [57, 0], sizes = [1, 128], strides = [1, 1]} : vector<222x128xf32> to vector<1x128xf32>
      %add3A_1348 = arith.addf %add3A_1346, %slice3A_1347 : vector<1x128xf32>
      %slice3A_1349 = vector.extract_strided_slice %abs3A_1232 {offsets = [58, 0], sizes = [1, 128], strides = [1, 1]} : vector<222x128xf32> to vector<1x128xf32>
      %add3A_1350 = arith.addf %add3A_1348, %slice3A_1349 : vector<1x128xf32>
      %slice3A_1351 = vector.extract_strided_slice %abs3A_1232 {offsets = [59, 0], sizes = [1, 128], strides = [1, 1]} : vector<222x128xf32> to vector<1x128xf32>
      %add3A_1352 = arith.addf %add3A_1350, %slice3A_1351 : vector<1x128xf32>
      %slice3A_1353 = vector.extract_strided_slice %abs3A_1232 {offsets = [60, 0], sizes = [1, 128], strides = [1, 1]} : vector<222x128xf32> to vector<1x128xf32>
      %add3A_1354 = arith.addf %add3A_1352, %slice3A_1353 : vector<1x128xf32>
      %slice3A_1355 = vector.extract_strided_slice %abs3A_1232 {offsets = [61, 0], sizes = [1, 128], strides = [1, 1]} : vector<222x128xf32> to vector<1x128xf32>
      %add3A_1356 = arith.addf %add3A_1354, %slice3A_1355 : vector<1x128xf32>
      %slice3A_1357 = vector.extract_strided_slice %abs3A_1232 {offsets = [62, 0], sizes = [1, 128], strides = [1, 1]} : vector<222x128xf32> to vector<1x128xf32>
      %add3A_1358 = arith.addf %add3A_1356, %slice3A_1357 : vector<1x128xf32>
      %slice3A_1359 = vector.extract_strided_slice %abs3A_1232 {offsets = [63, 0], sizes = [1, 128], strides = [1, 1]} : vector<222x128xf32> to vector<1x128xf32>
      %add3A_1360 = arith.addf %add3A_1358, %slice3A_1359 : vector<1x128xf32>
      %slice3A_1361 = vector.extract_strided_slice %abs3A_1232 {offsets = [64, 0], sizes = [1, 128], strides = [1, 1]} : vector<222x128xf32> to vector<1x128xf32>
      %add3A_1362 = arith.addf %add3A_1360, %slice3A_1361 : vector<1x128xf32>
      %slice3A_1363 = vector.extract_strided_slice %abs3A_1232 {offsets = [65, 0], sizes = [1, 128], strides = [1, 1]} : vector<222x128xf32> to vector<1x128xf32>
      %add3A_1364 = arith.addf %add3A_1362, %slice3A_1363 : vector<1x128xf32>
      %slice3A_1365 = vector.extract_strided_slice %abs3A_1232 {offsets = [66, 0], sizes = [1, 128], strides = [1, 1]} : vector<222x128xf32> to vector<1x128xf32>
      %add3A_1366 = arith.addf %add3A_1364, %slice3A_1365 : vector<1x128xf32>
      %slice3A_1367 = vector.extract_strided_slice %abs3A_1232 {offsets = [67, 0], sizes = [1, 128], strides = [1, 1]} : vector<222x128xf32> to vector<1x128xf32>
      %add3A_1368 = arith.addf %add3A_1366, %slice3A_1367 : vector<1x128xf32>
      %slice3A_1369 = vector.extract_strided_slice %abs3A_1232 {offsets = [68, 0], sizes = [1, 128], strides = [1, 1]} : vector<222x128xf32> to vector<1x128xf32>
      %add3A_1370 = arith.addf %add3A_1368, %slice3A_1369 : vector<1x128xf32>
      %slice3A_1371 = vector.extract_strided_slice %abs3A_1232 {offsets = [69, 0], sizes = [1, 128], strides = [1, 1]} : vector<222x128xf32> to vector<1x128xf32>
      %add3A_1372 = arith.addf %add3A_1370, %slice3A_1371 : vector<1x128xf32>
      %slice3A_1373 = vector.extract_strided_slice %abs3A_1232 {offsets = [70, 0], sizes = [1, 128], strides = [1, 1]} : vector<222x128xf32> to vector<1x128xf32>
      %add3A_1374 = arith.addf %add3A_1372, %slice3A_1373 : vector<1x128xf32>
      %slice3A_1375 = vector.extract_strided_slice %abs3A_1232 {offsets = [71, 0], sizes = [1, 128], strides = [1, 1]} : vector<222x128xf32> to vector<1x128xf32>
      %add3A_1376 = arith.addf %add3A_1374, %slice3A_1375 : vector<1x128xf32>
      %slice3A_1377 = vector.extract_strided_slice %abs3A_1232 {offsets = [72, 0], sizes = [1, 128], strides = [1, 1]} : vector<222x128xf32> to vector<1x128xf32>
      %add3A_1378 = arith.addf %add3A_1376, %slice3A_1377 : vector<1x128xf32>
      %slice3A_1379 = vector.extract_strided_slice %abs3A_1232 {offsets = [73, 0], sizes = [1, 128], strides = [1, 1]} : vector<222x128xf32> to vector<1x128xf32>
      %add3A_1380 = arith.addf %add3A_1378, %slice3A_1379 : vector<1x128xf32>
      %slice3A_1381 = vector.extract_strided_slice %abs3A_1232 {offsets = [74, 0], sizes = [1, 128], strides = [1, 1]} : vector<222x128xf32> to vector<1x128xf32>
      %add3A_1382 = arith.addf %scan3A_122, %slice3A_1381 : vector<1x128xf32>
      %slice3A_1383 = vector.extract_strided_slice %abs3A_1232 {offsets = [75, 0], sizes = [1, 128], strides = [1, 1]} : vector<222x128xf32> to vector<1x128xf32>
      %add3A_1384 = arith.addf %add3A_1382, %slice3A_1383 : vector<1x128xf32>
      %slice3A_1385 = vector.extract_strided_slice %abs3A_1232 {offsets = [76, 0], sizes = [1, 128], strides = [1, 1]} : vector<222x128xf32> to vector<1x128xf32>
      %add3A_1386 = arith.addf %add3A_1384, %slice3A_1385 : vector<1x128xf32>
      %slice3A_1387 = vector.extract_strided_slice %abs3A_1232 {offsets = [77, 0], sizes = [1, 128], strides = [1, 1]} : vector<222x128xf32> to vector<1x128xf32>
      %add3A_1388 = arith.addf %add3A_1386, %slice3A_1387 : vector<1x128xf32>
      %slice3A_1389 = vector.extract_strided_slice %abs3A_1232 {offsets = [78, 0], sizes = [1, 128], strides = [1, 1]} : vector<222x128xf32> to vector<1x128xf32>
      %add3A_1390 = arith.addf %add3A_1388, %slice3A_1389 : vector<1x128xf32>
      %slice3A_1391 = vector.extract_strided_slice %abs3A_1232 {offsets = [79, 0], sizes = [1, 128], strides = [1, 1]} : vector<222x128xf32> to vector<1x128xf32>
      %add3A_1392 = arith.addf %add3A_1390, %slice3A_1391 : vector<1x128xf32>
      %slice3A_1393 = vector.extract_strided_slice %abs3A_1232 {offsets = [80, 0], sizes = [1, 128], strides = [1, 1]} : vector<222x128xf32> to vector<1x128xf32>
      %add3A_1394 = arith.addf %add3A_1392, %slice3A_1393 : vector<1x128xf32>
      %slice3A_1395 = vector.extract_strided_slice %abs3A_1232 {offsets = [81, 0], sizes = [1, 128], strides = [1, 1]} : vector<222x128xf32> to vector<1x128xf32>
      %add3A_1396 = arith.addf %add3A_1394, %slice3A_1395 : vector<1x128xf32>
      %slice3A_1397 = vector.extract_strided_slice %abs3A_1232 {offsets = [82, 0], sizes = [1, 128], strides = [1, 1]} : vector<222x128xf32> to vector<1x128xf32>
      %add3A_1398 = arith.addf %add3A_1396, %slice3A_1397 : vector<1x128xf32>
      %slice3A_1399 = vector.extract_strided_slice %abs3A_1232 {offsets = [83, 0], sizes = [1, 128], strides = [1, 1]} : vector<222x128xf32> to vector<1x128xf32>
      %add3A_1400 = arith.addf %add3A_1398, %slice3A_1399 : vector<1x128xf32>
      %slice3A_1401 = vector.extract_strided_slice %abs3A_1232 {offsets = [84, 0], sizes = [1, 128], strides = [1, 1]} : vector<222x128xf32> to vector<1x128xf32>
      %add3A_1402 = arith.addf %add3A_1400, %slice3A_1401 : vector<1x128xf32>
      %slice3A_1403 = vector.extract_strided_slice %abs3A_1232 {offsets = [85, 0], sizes = [1, 128], strides = [1, 1]} : vector<222x128xf32> to vector<1x128xf32>
      %add3A_1404 = arith.addf %add3A_1402, %slice3A_1403 : vector<1x128xf32>
      %slice3A_1405 = vector.extract_strided_slice %abs3A_1232 {offsets = [86, 0], sizes = [1, 128], strides = [1, 1]} : vector<222x128xf32> to vector<1x128xf32>
      %add3A_1406 = arith.addf %add3A_1404, %slice3A_1405 : vector<1x128xf32>
      %slice3A_1407 = vector.extract_strided_slice %abs3A_1232 {offsets = [87, 0], sizes = [1, 128], strides = [1, 1]} : vector<222x128xf32> to vector<1x128xf32>
      %add3A_1408 = arith.addf %add3A_1406, %slice3A_1407 : vector<1x128xf32>
      %slice3A_1409 = vector.extract_strided_slice %abs3A_1232 {offsets = [88, 0], sizes = [1, 128], strides = [1, 1]} : vector<222x128xf32> to vector<1x128xf32>
      %add3A_1410 = arith.addf %add3A_1408, %slice3A_1409 : vector<1x128xf32>
      %slice3A_1411 = vector.extract_strided_slice %abs3A_1232 {offsets = [89, 0], sizes = [1, 128], strides = [1, 1]} : vector<222x128xf32> to vector<1x128xf32>
      %add3A_1412 = arith.addf %add3A_1410, %slice3A_1411 : vector<1x128xf32>
      %slice3A_1413 = vector.extract_strided_slice %abs3A_1232 {offsets = [90, 0], sizes = [1, 128], strides = [1, 1]} : vector<222x128xf32> to vector<1x128xf32>
      %add3A_1414 = arith.addf %add3A_1412, %slice3A_1413 : vector<1x128xf32>
      %slice3A_1415 = vector.extract_strided_slice %abs3A_1232 {offsets = [91, 0], sizes = [1, 128], strides = [1, 1]} : vector<222x128xf32> to vector<1x128xf32>
      %add3A_1416 = arith.addf %add3A_1414, %slice3A_1415 : vector<1x128xf32>
      %slice3A_1417 = vector.extract_strided_slice %abs3A_1232 {offsets = [92, 0], sizes = [1, 128], strides = [1, 1]} : vector<222x128xf32> to vector<1x128xf32>
      %add3A_1418 = arith.addf %add3A_1416, %slice3A_1417 : vector<1x128xf32>
      %slice3A_1419 = vector.extract_strided_slice %abs3A_1232 {offsets = [93, 0], sizes = [1, 128], strides = [1, 1]} : vector<222x128xf32> to vector<1x128xf32>
      %add3A_1420 = arith.addf %add3A_1418, %slice3A_1419 : vector<1x128xf32>
      %slice3A_1421 = vector.extract_strided_slice %abs3A_1232 {offsets = [94, 0], sizes = [1, 128], strides = [1, 1]} : vector<222x128xf32> to vector<1x128xf32>
      %add3A_1422 = arith.addf %add3A_1420, %slice3A_1421 : vector<1x128xf32>
      %slice3A_1423 = vector.extract_strided_slice %abs3A_1232 {offsets = [95, 0], sizes = [1, 128], strides = [1, 1]} : vector<222x128xf32> to vector<1x128xf32>
      %add3A_1424 = arith.addf %add3A_1422, %slice3A_1423 : vector<1x128xf32>
      %slice3A_1425 = vector.extract_strided_slice %abs3A_1232 {offsets = [96, 0], sizes = [1, 128], strides = [1, 1]} : vector<222x128xf32> to vector<1x128xf32>
      %add3A_1426 = arith.addf %add3A_1424, %slice3A_1425 : vector<1x128xf32>
      %slice3A_1427 = vector.extract_strided_slice %abs3A_1232 {offsets = [97, 0], sizes = [1, 128], strides = [1, 1]} : vector<222x128xf32> to vector<1x128xf32>
      %add3A_1428 = arith.addf %add3A_1426, %slice3A_1427 : vector<1x128xf32>
      %slice3A_1429 = vector.extract_strided_slice %abs3A_1232 {offsets = [98, 0], sizes = [1, 128], strides = [1, 1]} : vector<222x128xf32> to vector<1x128xf32>
      %add3A_1430 = arith.addf %add3A_1428, %slice3A_1429 : vector<1x128xf32>
      %slice3A_1431 = vector.extract_strided_slice %abs3A_1232 {offsets = [99, 0], sizes = [1, 128], strides = [1, 1]} : vector<222x128xf32> to vector<1x128xf32>
      %add3A_1432 = arith.addf %add3A_1430, %slice3A_1431 : vector<1x128xf32>
      %slice3A_1433 = vector.extract_strided_slice %abs3A_1232 {offsets = [100, 0], sizes = [1, 128], strides = [1, 1]} : vector<222x128xf32> to vector<1x128xf32>
      %add3A_1434 = arith.addf %add3A_1432, %slice3A_1433 : vector<1x128xf32>
      %slice3A_1435 = vector.extract_strided_slice %abs3A_1232 {offsets = [101, 0], sizes = [1, 128], strides = [1, 1]} : vector<222x128xf32> to vector<1x128xf32>
      %add3A_1436 = arith.addf %add3A_1434, %slice3A_1435 : vector<1x128xf32>
      %slice3A_1437 = vector.extract_strided_slice %abs3A_1232 {offsets = [102, 0], sizes = [1, 128], strides = [1, 1]} : vector<222x128xf32> to vector<1x128xf32>
      %add3A_1438 = arith.addf %add3A_1436, %slice3A_1437 : vector<1x128xf32>
      %slice3A_1439 = vector.extract_strided_slice %abs3A_1232 {offsets = [103, 0], sizes = [1, 128], strides = [1, 1]} : vector<222x128xf32> to vector<1x128xf32>
      %add3A_1440 = arith.addf %add3A_1438, %slice3A_1439 : vector<1x128xf32>
      %slice3A_1441 = vector.extract_strided_slice %abs3A_1232 {offsets = [104, 0], sizes = [1, 128], strides = [1, 1]} : vector<222x128xf32> to vector<1x128xf32>
      %add3A_1442 = arith.addf %add3A_1440, %slice3A_1441 : vector<1x128xf32>
      %slice3A_1443 = vector.extract_strided_slice %abs3A_1232 {offsets = [105, 0], sizes = [1, 128], strides = [1, 1]} : vector<222x128xf32> to vector<1x128xf32>
      %add3A_1444 = arith.addf %add3A_1442, %slice3A_1443 : vector<1x128xf32>
      %slice3A_1445 = vector.extract_strided_slice %abs3A_1232 {offsets = [106, 0], sizes = [1, 128], strides = [1, 1]} : vector<222x128xf32> to vector<1x128xf32>
      %add3A_1446 = arith.addf %add3A_1444, %slice3A_1445 : vector<1x128xf32>
      %slice3A_1447 = vector.extract_strided_slice %abs3A_1232 {offsets = [107, 0], sizes = [1, 128], strides = [1, 1]} : vector<222x128xf32> to vector<1x128xf32>
      %add3A_1448 = arith.addf %add3A_1446, %slice3A_1447 : vector<1x128xf32>
      %slice3A_1449 = vector.extract_strided_slice %abs3A_1232 {offsets = [108, 0], sizes = [1, 128], strides = [1, 1]} : vector<222x128xf32> to vector<1x128xf32>
      %add3A_1450 = arith.addf %add3A_1448, %slice3A_1449 : vector<1x128xf32>
      %slice3A_1451 = vector.extract_strided_slice %abs3A_1232 {offsets = [109, 0], sizes = [1, 128], strides = [1, 1]} : vector<222x128xf32> to vector<1x128xf32>
      %add3A_1452 = arith.addf %add3A_1450, %slice3A_1451 : vector<1x128xf32>
      %slice3A_1453 = vector.extract_strided_slice %abs3A_1232 {offsets = [110, 0], sizes = [1, 128], strides = [1, 1]} : vector<222x128xf32> to vector<1x128xf32>
      %add3A_1454 = arith.addf %add3A_1452, %slice3A_1453 : vector<1x128xf32>
      %slice3A_1455 = vector.extract_strided_slice %abs3A_1232 {offsets = [111, 0], sizes = [1, 128], strides = [1, 1]} : vector<222x128xf32> to vector<1x128xf32>
      %add3A_1456 = arith.addf %add3A_1454, %slice3A_1455 : vector<1x128xf32>
      %slice3A_1457 = vector.extract_strided_slice %abs3A_1232 {offsets = [112, 0], sizes = [1, 128], strides = [1, 1]} : vector<222x128xf32> to vector<1x128xf32>
      %add3A_1458 = arith.addf %add3A_1456, %slice3A_1457 : vector<1x128xf32>
      %slice3A_1459 = vector.extract_strided_slice %abs3A_1232 {offsets = [113, 0], sizes = [1, 128], strides = [1, 1]} : vector<222x128xf32> to vector<1x128xf32>
      %add3A_1460 = arith.addf %add3A_1458, %slice3A_1459 : vector<1x128xf32>
      %slice3A_1461 = vector.extract_strided_slice %abs3A_1232 {offsets = [114, 0], sizes = [1, 128], strides = [1, 1]} : vector<222x128xf32> to vector<1x128xf32>
      %add3A_1462 = arith.addf %add3A_1460, %slice3A_1461 : vector<1x128xf32>
      %slice3A_1463 = vector.extract_strided_slice %abs3A_1232 {offsets = [115, 0], sizes = [1, 128], strides = [1, 1]} : vector<222x128xf32> to vector<1x128xf32>
      %add3A_1464 = arith.addf %add3A_1462, %slice3A_1463 : vector<1x128xf32>
      %slice3A_1465 = vector.extract_strided_slice %abs3A_1232 {offsets = [116, 0], sizes = [1, 128], strides = [1, 1]} : vector<222x128xf32> to vector<1x128xf32>
      %add3A_1466 = arith.addf %add3A_1464, %slice3A_1465 : vector<1x128xf32>
      %slice3A_1467 = vector.extract_strided_slice %abs3A_1232 {offsets = [117, 0], sizes = [1, 128], strides = [1, 1]} : vector<222x128xf32> to vector<1x128xf32>
      %add3A_1468 = arith.addf %add3A_1466, %slice3A_1467 : vector<1x128xf32>
      %slice3A_1469 = vector.extract_strided_slice %abs3A_1232 {offsets = [118, 0], sizes = [1, 128], strides = [1, 1]} : vector<222x128xf32> to vector<1x128xf32>
      %add3A_1470 = arith.addf %add3A_1468, %slice3A_1469 : vector<1x128xf32>
      %slice3A_1471 = vector.extract_strided_slice %abs3A_1232 {offsets = [119, 0], sizes = [1, 128], strides = [1, 1]} : vector<222x128xf32> to vector<1x128xf32>
      %add3A_1472 = arith.addf %add3A_1470, %slice3A_1471 : vector<1x128xf32>
      %slice3A_1473 = vector.extract_strided_slice %abs3A_1232 {offsets = [120, 0], sizes = [1, 128], strides = [1, 1]} : vector<222x128xf32> to vector<1x128xf32>
      %add3A_1474 = arith.addf %add3A_1472, %slice3A_1473 : vector<1x128xf32>
      %slice3A_1475 = vector.extract_strided_slice %abs3A_1232 {offsets = [121, 0], sizes = [1, 128], strides = [1, 1]} : vector<222x128xf32> to vector<1x128xf32>
      %add3A_1476 = arith.addf %add3A_1474, %slice3A_1475 : vector<1x128xf32>
      %slice3A_1477 = vector.extract_strided_slice %abs3A_1232 {offsets = [122, 0], sizes = [1, 128], strides = [1, 1]} : vector<222x128xf32> to vector<1x128xf32>
      %add3A_1478 = arith.addf %add3A_1476, %slice3A_1477 : vector<1x128xf32>
      %slice3A_1479 = vector.extract_strided_slice %abs3A_1232 {offsets = [123, 0], sizes = [1, 128], strides = [1, 1]} : vector<222x128xf32> to vector<1x128xf32>
      %add3A_1480 = arith.addf %add3A_1478, %slice3A_1479 : vector<1x128xf32>
      %slice3A_1481 = vector.extract_strided_slice %abs3A_1232 {offsets = [124, 0], sizes = [1, 128], strides = [1, 1]} : vector<222x128xf32> to vector<1x128xf32>
      %add3A_1482 = arith.addf %add3A_1480, %slice3A_1481 : vector<1x128xf32>
      %slice3A_1483 = vector.extract_strided_slice %abs3A_1232 {offsets = [125, 0], sizes = [1, 128], strides = [1, 1]} : vector<222x128xf32> to vector<1x128xf32>
      %add3A_1484 = arith.addf %add3A_1482, %slice3A_1483 : vector<1x128xf32>
      %slice3A_1485 = vector.extract_strided_slice %abs3A_1232 {offsets = [126, 0], sizes = [1, 128], strides = [1, 1]} : vector<222x128xf32> to vector<1x128xf32>
      %add3A_1486 = arith.addf %add3A_1484, %slice3A_1485 : vector<1x128xf32>
      %slice3A_1487 = vector.extract_strided_slice %abs3A_1232 {offsets = [127, 0], sizes = [1, 128], strides = [1, 1]} : vector<222x128xf32> to vector<1x128xf32>
      %add3A_1488 = arith.addf %add3A_1486, %slice3A_1487 : vector<1x128xf32>
      %slice3A_1489 = vector.extract_strided_slice %abs3A_1232 {offsets = [128, 0], sizes = [1, 128], strides = [1, 1]} : vector<222x128xf32> to vector<1x128xf32>
      %add3A_1490 = arith.addf %add3A_1488, %slice3A_1489 : vector<1x128xf32>
      %slice3A_1491 = vector.extract_strided_slice %abs3A_1232 {offsets = [129, 0], sizes = [1, 128], strides = [1, 1]} : vector<222x128xf32> to vector<1x128xf32>
      %add3A_1492 = arith.addf %add3A_1490, %slice3A_1491 : vector<1x128xf32>
      %slice3A_1493 = vector.extract_strided_slice %abs3A_1232 {offsets = [130, 0], sizes = [1, 128], strides = [1, 1]} : vector<222x128xf32> to vector<1x128xf32>
      %add3A_1494 = arith.addf %add3A_1492, %slice3A_1493 : vector<1x128xf32>
      %slice3A_1495 = vector.extract_strided_slice %abs3A_1232 {offsets = [131, 0], sizes = [1, 128], strides = [1, 1]} : vector<222x128xf32> to vector<1x128xf32>
      %add3A_1496 = arith.addf %add3A_1494, %slice3A_1495 : vector<1x128xf32>
      %slice3A_1497 = vector.extract_strided_slice %abs3A_1232 {offsets = [132, 0], sizes = [1, 128], strides = [1, 1]} : vector<222x128xf32> to vector<1x128xf32>
      %add3A_1498 = arith.addf %add3A_1496, %slice3A_1497 : vector<1x128xf32>
      %slice3A_1499 = vector.extract_strided_slice %abs3A_1232 {offsets = [133, 0], sizes = [1, 128], strides = [1, 1]} : vector<222x128xf32> to vector<1x128xf32>
      %add3A_1500 = arith.addf %add3A_1498, %slice3A_1499 : vector<1x128xf32>
      %slice3A_1501 = vector.extract_strided_slice %abs3A_1232 {offsets = [134, 0], sizes = [1, 128], strides = [1, 1]} : vector<222x128xf32> to vector<1x128xf32>
      %add3A_1502 = arith.addf %add3A_1500, %slice3A_1501 : vector<1x128xf32>
      %slice3A_1503 = vector.extract_strided_slice %abs3A_1232 {offsets = [135, 0], sizes = [1, 128], strides = [1, 1]} : vector<222x128xf32> to vector<1x128xf32>
      %add3A_1504 = arith.addf %add3A_1502, %slice3A_1503 : vector<1x128xf32>
      %slice3A_1505 = vector.extract_strided_slice %abs3A_1232 {offsets = [136, 0], sizes = [1, 128], strides = [1, 1]} : vector<222x128xf32> to vector<1x128xf32>
      %add3A_1506 = arith.addf %add3A_1504, %slice3A_1505 : vector<1x128xf32>
      %slice3A_1507 = vector.extract_strided_slice %abs3A_1232 {offsets = [137, 0], sizes = [1, 128], strides = [1, 1]} : vector<222x128xf32> to vector<1x128xf32>
      %add3A_1508 = arith.addf %add3A_1506, %slice3A_1507 : vector<1x128xf32>
      %slice3A_1509 = vector.extract_strided_slice %abs3A_1232 {offsets = [138, 0], sizes = [1, 128], strides = [1, 1]} : vector<222x128xf32> to vector<1x128xf32>
      %add3A_1510 = arith.addf %add3A_1508, %slice3A_1509 : vector<1x128xf32>
      %slice3A_1511 = vector.extract_strided_slice %abs3A_1232 {offsets = [139, 0], sizes = [1, 128], strides = [1, 1]} : vector<222x128xf32> to vector<1x128xf32>
      %add3A_1512 = arith.addf %add3A_1510, %slice3A_1511 : vector<1x128xf32>
      %slice3A_1513 = vector.extract_strided_slice %abs3A_1232 {offsets = [140, 0], sizes = [1, 128], strides = [1, 1]} : vector<222x128xf32> to vector<1x128xf32>
      %add3A_1514 = arith.addf %add3A_1512, %slice3A_1513 : vector<1x128xf32>
      %slice3A_1515 = vector.extract_strided_slice %abs3A_1232 {offsets = [141, 0], sizes = [1, 128], strides = [1, 1]} : vector<222x128xf32> to vector<1x128xf32>
      %add3A_1516 = arith.addf %add3A_1514, %slice3A_1515 : vector<1x128xf32>
      %slice3A_1517 = vector.extract_strided_slice %abs3A_1232 {offsets = [142, 0], sizes = [1, 128], strides = [1, 1]} : vector<222x128xf32> to vector<1x128xf32>
      %add3A_1518 = arith.addf %add3A_1516, %slice3A_1517 : vector<1x128xf32>
      %slice3A_1519 = vector.extract_strided_slice %abs3A_1232 {offsets = [143, 0], sizes = [1, 128], strides = [1, 1]} : vector<222x128xf32> to vector<1x128xf32>
      %add3A_1520 = arith.addf %add3A_1518, %slice3A_1519 : vector<1x128xf32>
      %slice3A_1521 = vector.extract_strided_slice %abs3A_1232 {offsets = [144, 0], sizes = [1, 128], strides = [1, 1]} : vector<222x128xf32> to vector<1x128xf32>
      %add3A_1522 = arith.addf %add3A_1520, %slice3A_1521 : vector<1x128xf32>
      %slice3A_1523 = vector.extract_strided_slice %abs3A_1232 {offsets = [145, 0], sizes = [1, 128], strides = [1, 1]} : vector<222x128xf32> to vector<1x128xf32>
      %add3A_1524 = arith.addf %add3A_1522, %slice3A_1523 : vector<1x128xf32>
      %slice3A_1525 = vector.extract_strided_slice %abs3A_1232 {offsets = [146, 0], sizes = [1, 128], strides = [1, 1]} : vector<222x128xf32> to vector<1x128xf32>
      %add3A_1526 = arith.addf %add3A_1524, %slice3A_1525 : vector<1x128xf32>
      %slice3A_1527 = vector.extract_strided_slice %abs3A_1232 {offsets = [147, 0], sizes = [1, 128], strides = [1, 1]} : vector<222x128xf32> to vector<1x128xf32>
      %add3A_1528 = arith.addf %add3A_1526, %slice3A_1527 : vector<1x128xf32>
      %slice3A_1529 = vector.extract_strided_slice %abs3A_1232 {offsets = [148, 0], sizes = [1, 128], strides = [1, 1]} : vector<222x128xf32> to vector<1x128xf32>
      %add3A_1530 = arith.addf %scan3A_123, %slice3A_1529 : vector<1x128xf32>
      %slice3A_1531 = vector.extract_strided_slice %abs3A_1232 {offsets = [149, 0], sizes = [1, 128], strides = [1, 1]} : vector<222x128xf32> to vector<1x128xf32>
      %add3A_1532 = arith.addf %add3A_1530, %slice3A_1531 : vector<1x128xf32>
      %slice3A_1533 = vector.extract_strided_slice %abs3A_1232 {offsets = [150, 0], sizes = [1, 128], strides = [1, 1]} : vector<222x128xf32> to vector<1x128xf32>
      %add3A_1534 = arith.addf %add3A_1532, %slice3A_1533 : vector<1x128xf32>
      %slice3A_1535 = vector.extract_strided_slice %abs3A_1232 {offsets = [151, 0], sizes = [1, 128], strides = [1, 1]} : vector<222x128xf32> to vector<1x128xf32>
      %add3A_1536 = arith.addf %add3A_1534, %slice3A_1535 : vector<1x128xf32>
      %slice3A_1537 = vector.extract_strided_slice %abs3A_1232 {offsets = [152, 0], sizes = [1, 128], strides = [1, 1]} : vector<222x128xf32> to vector<1x128xf32>
      %add3A_1538 = arith.addf %add3A_1536, %slice3A_1537 : vector<1x128xf32>
      %slice3A_1539 = vector.extract_strided_slice %abs3A_1232 {offsets = [153, 0], sizes = [1, 128], strides = [1, 1]} : vector<222x128xf32> to vector<1x128xf32>
      %add3A_1540 = arith.addf %add3A_1538, %slice3A_1539 : vector<1x128xf32>
      %slice3A_1541 = vector.extract_strided_slice %abs3A_1232 {offsets = [154, 0], sizes = [1, 128], strides = [1, 1]} : vector<222x128xf32> to vector<1x128xf32>
      %add3A_1542 = arith.addf %add3A_1540, %slice3A_1541 : vector<1x128xf32>
      %slice3A_1543 = vector.extract_strided_slice %abs3A_1232 {offsets = [155, 0], sizes = [1, 128], strides = [1, 1]} : vector<222x128xf32> to vector<1x128xf32>
      %add3A_1544 = arith.addf %add3A_1542, %slice3A_1543 : vector<1x128xf32>
      %slice3A_1545 = vector.extract_strided_slice %abs3A_1232 {offsets = [156, 0], sizes = [1, 128], strides = [1, 1]} : vector<222x128xf32> to vector<1x128xf32>
      %add3A_1546 = arith.addf %add3A_1544, %slice3A_1545 : vector<1x128xf32>
      %slice3A_1547 = vector.extract_strided_slice %abs3A_1232 {offsets = [157, 0], sizes = [1, 128], strides = [1, 1]} : vector<222x128xf32> to vector<1x128xf32>
      %add3A_1548 = arith.addf %add3A_1546, %slice3A_1547 : vector<1x128xf32>
      %slice3A_1549 = vector.extract_strided_slice %abs3A_1232 {offsets = [158, 0], sizes = [1, 128], strides = [1, 1]} : vector<222x128xf32> to vector<1x128xf32>
      %add3A_1550 = arith.addf %add3A_1548, %slice3A_1549 : vector<1x128xf32>
      %slice3A_1551 = vector.extract_strided_slice %abs3A_1232 {offsets = [159, 0], sizes = [1, 128], strides = [1, 1]} : vector<222x128xf32> to vector<1x128xf32>
      %add3A_1552 = arith.addf %add3A_1550, %slice3A_1551 : vector<1x128xf32>
      %slice3A_1553 = vector.extract_strided_slice %abs3A_1232 {offsets = [160, 0], sizes = [1, 128], strides = [1, 1]} : vector<222x128xf32> to vector<1x128xf32>
      %add3A_1554 = arith.addf %add3A_1552, %slice3A_1553 : vector<1x128xf32>
      %slice3A_1555 = vector.extract_strided_slice %abs3A_1232 {offsets = [161, 0], sizes = [1, 128], strides = [1, 1]} : vector<222x128xf32> to vector<1x128xf32>
      %add3A_1556 = arith.addf %add3A_1554, %slice3A_1555 : vector<1x128xf32>
      %slice3A_1557 = vector.extract_strided_slice %abs3A_1232 {offsets = [162, 0], sizes = [1, 128], strides = [1, 1]} : vector<222x128xf32> to vector<1x128xf32>
      %add3A_1558 = arith.addf %add3A_1556, %slice3A_1557 : vector<1x128xf32>
      %slice3A_1559 = vector.extract_strided_slice %abs3A_1232 {offsets = [163, 0], sizes = [1, 128], strides = [1, 1]} : vector<222x128xf32> to vector<1x128xf32>
      %add3A_1560 = arith.addf %add3A_1558, %slice3A_1559 : vector<1x128xf32>
      %slice3A_1561 = vector.extract_strided_slice %abs3A_1232 {offsets = [164, 0], sizes = [1, 128], strides = [1, 1]} : vector<222x128xf32> to vector<1x128xf32>
      %add3A_1562 = arith.addf %add3A_1560, %slice3A_1561 : vector<1x128xf32>
      %slice3A_1563 = vector.extract_strided_slice %abs3A_1232 {offsets = [165, 0], sizes = [1, 128], strides = [1, 1]} : vector<222x128xf32> to vector<1x128xf32>
      %add3A_1564 = arith.addf %add3A_1562, %slice3A_1563 : vector<1x128xf32>
      %slice3A_1565 = vector.extract_strided_slice %abs3A_1232 {offsets = [166, 0], sizes = [1, 128], strides = [1, 1]} : vector<222x128xf32> to vector<1x128xf32>
      %add3A_1566 = arith.addf %add3A_1564, %slice3A_1565 : vector<1x128xf32>
      %slice3A_1567 = vector.extract_strided_slice %abs3A_1232 {offsets = [167, 0], sizes = [1, 128], strides = [1, 1]} : vector<222x128xf32> to vector<1x128xf32>
      %add3A_1568 = arith.addf %add3A_1566, %slice3A_1567 : vector<1x128xf32>
      %slice3A_1569 = vector.extract_strided_slice %abs3A_1232 {offsets = [168, 0], sizes = [1, 128], strides = [1, 1]} : vector<222x128xf32> to vector<1x128xf32>
      %add3A_1570 = arith.addf %add3A_1568, %slice3A_1569 : vector<1x128xf32>
      %slice3A_1571 = vector.extract_strided_slice %abs3A_1232 {offsets = [169, 0], sizes = [1, 128], strides = [1, 1]} : vector<222x128xf32> to vector<1x128xf32>
      %add3A_1572 = arith.addf %add3A_1570, %slice3A_1571 : vector<1x128xf32>
      %slice3A_1573 = vector.extract_strided_slice %abs3A_1232 {offsets = [170, 0], sizes = [1, 128], strides = [1, 1]} : vector<222x128xf32> to vector<1x128xf32>
      %add3A_1574 = arith.addf %add3A_1572, %slice3A_1573 : vector<1x128xf32>
      %slice3A_1575 = vector.extract_strided_slice %abs3A_1232 {offsets = [171, 0], sizes = [1, 128], strides = [1, 1]} : vector<222x128xf32> to vector<1x128xf32>
      %add3A_1576 = arith.addf %add3A_1574, %slice3A_1575 : vector<1x128xf32>
      %slice3A_1577 = vector.extract_strided_slice %abs3A_1232 {offsets = [172, 0], sizes = [1, 128], strides = [1, 1]} : vector<222x128xf32> to vector<1x128xf32>
      %add3A_1578 = arith.addf %add3A_1576, %slice3A_1577 : vector<1x128xf32>
      %slice3A_1579 = vector.extract_strided_slice %abs3A_1232 {offsets = [173, 0], sizes = [1, 128], strides = [1, 1]} : vector<222x128xf32> to vector<1x128xf32>
      %add3A_1580 = arith.addf %add3A_1578, %slice3A_1579 : vector<1x128xf32>
      %slice3A_1581 = vector.extract_strided_slice %abs3A_1232 {offsets = [174, 0], sizes = [1, 128], strides = [1, 1]} : vector<222x128xf32> to vector<1x128xf32>
      %add3A_1582 = arith.addf %add3A_1580, %slice3A_1581 : vector<1x128xf32>
      %slice3A_1583 = vector.extract_strided_slice %abs3A_1232 {offsets = [175, 0], sizes = [1, 128], strides = [1, 1]} : vector<222x128xf32> to vector<1x128xf32>
      %add3A_1584 = arith.addf %add3A_1582, %slice3A_1583 : vector<1x128xf32>
      %slice3A_1585 = vector.extract_strided_slice %abs3A_1232 {offsets = [176, 0], sizes = [1, 128], strides = [1, 1]} : vector<222x128xf32> to vector<1x128xf32>
      %add3A_1586 = arith.addf %add3A_1584, %slice3A_1585 : vector<1x128xf32>
      %slice3A_1587 = vector.extract_strided_slice %abs3A_1232 {offsets = [177, 0], sizes = [1, 128], strides = [1, 1]} : vector<222x128xf32> to vector<1x128xf32>
      %add3A_1588 = arith.addf %add3A_1586, %slice3A_1587 : vector<1x128xf32>
      %slice3A_1589 = vector.extract_strided_slice %abs3A_1232 {offsets = [178, 0], sizes = [1, 128], strides = [1, 1]} : vector<222x128xf32> to vector<1x128xf32>
      %add3A_1590 = arith.addf %add3A_1588, %slice3A_1589 : vector<1x128xf32>
      %slice3A_1591 = vector.extract_strided_slice %abs3A_1232 {offsets = [179, 0], sizes = [1, 128], strides = [1, 1]} : vector<222x128xf32> to vector<1x128xf32>
      %add3A_1592 = arith.addf %add3A_1590, %slice3A_1591 : vector<1x128xf32>
      %slice3A_1593 = vector.extract_strided_slice %abs3A_1232 {offsets = [180, 0], sizes = [1, 128], strides = [1, 1]} : vector<222x128xf32> to vector<1x128xf32>
      %add3A_1594 = arith.addf %add3A_1592, %slice3A_1593 : vector<1x128xf32>
      %slice3A_1595 = vector.extract_strided_slice %abs3A_1232 {offsets = [181, 0], sizes = [1, 128], strides = [1, 1]} : vector<222x128xf32> to vector<1x128xf32>
      %add3A_1596 = arith.addf %add3A_1594, %slice3A_1595 : vector<1x128xf32>
      %slice3A_1597 = vector.extract_strided_slice %abs3A_1232 {offsets = [182, 0], sizes = [1, 128], strides = [1, 1]} : vector<222x128xf32> to vector<1x128xf32>
      %add3A_1598 = arith.addf %add3A_1596, %slice3A_1597 : vector<1x128xf32>
      %slice3A_1599 = vector.extract_strided_slice %abs3A_1232 {offsets = [183, 0], sizes = [1, 128], strides = [1, 1]} : vector<222x128xf32> to vector<1x128xf32>
      %add3A_1600 = arith.addf %add3A_1598, %slice3A_1599 : vector<1x128xf32>
      %slice3A_1601 = vector.extract_strided_slice %abs3A_1232 {offsets = [184, 0], sizes = [1, 128], strides = [1, 1]} : vector<222x128xf32> to vector<1x128xf32>
      %add3A_1602 = arith.addf %add3A_1600, %slice3A_1601 : vector<1x128xf32>
      %slice3A_1603 = vector.extract_strided_slice %abs3A_1232 {offsets = [185, 0], sizes = [1, 128], strides = [1, 1]} : vector<222x128xf32> to vector<1x128xf32>
      %add3A_1604 = arith.addf %add3A_1602, %slice3A_1603 : vector<1x128xf32>
      %slice3A_1605 = vector.extract_strided_slice %abs3A_1232 {offsets = [186, 0], sizes = [1, 128], strides = [1, 1]} : vector<222x128xf32> to vector<1x128xf32>
      %add3A_1606 = arith.addf %add3A_1604, %slice3A_1605 : vector<1x128xf32>
      %slice3A_1607 = vector.extract_strided_slice %abs3A_1232 {offsets = [187, 0], sizes = [1, 128], strides = [1, 1]} : vector<222x128xf32> to vector<1x128xf32>
      %add3A_1608 = arith.addf %add3A_1606, %slice3A_1607 : vector<1x128xf32>
      %slice3A_1609 = vector.extract_strided_slice %abs3A_1232 {offsets = [188, 0], sizes = [1, 128], strides = [1, 1]} : vector<222x128xf32> to vector<1x128xf32>
      %add3A_1610 = arith.addf %add3A_1608, %slice3A_1609 : vector<1x128xf32>
      %slice3A_1611 = vector.extract_strided_slice %abs3A_1232 {offsets = [189, 0], sizes = [1, 128], strides = [1, 1]} : vector<222x128xf32> to vector<1x128xf32>
      %add3A_1612 = arith.addf %add3A_1610, %slice3A_1611 : vector<1x128xf32>
      %slice3A_1613 = vector.extract_strided_slice %abs3A_1232 {offsets = [190, 0], sizes = [1, 128], strides = [1, 1]} : vector<222x128xf32> to vector<1x128xf32>
      %add3A_1614 = arith.addf %add3A_1612, %slice3A_1613 : vector<1x128xf32>
      %slice3A_1615 = vector.extract_strided_slice %abs3A_1232 {offsets = [191, 0], sizes = [1, 128], strides = [1, 1]} : vector<222x128xf32> to vector<1x128xf32>
      %add3A_1616 = arith.addf %add3A_1614, %slice3A_1615 : vector<1x128xf32>
      %slice3A_1617 = vector.extract_strided_slice %abs3A_1232 {offsets = [192, 0], sizes = [1, 128], strides = [1, 1]} : vector<222x128xf32> to vector<1x128xf32>
      %add3A_1618 = arith.addf %add3A_1616, %slice3A_1617 : vector<1x128xf32>
      %slice3A_1619 = vector.extract_strided_slice %abs3A_1232 {offsets = [193, 0], sizes = [1, 128], strides = [1, 1]} : vector<222x128xf32> to vector<1x128xf32>
      %add3A_1620 = arith.addf %add3A_1618, %slice3A_1619 : vector<1x128xf32>
      %slice3A_1621 = vector.extract_strided_slice %abs3A_1232 {offsets = [194, 0], sizes = [1, 128], strides = [1, 1]} : vector<222x128xf32> to vector<1x128xf32>
      %add3A_1622 = arith.addf %add3A_1620, %slice3A_1621 : vector<1x128xf32>
      %slice3A_1623 = vector.extract_strided_slice %abs3A_1232 {offsets = [195, 0], sizes = [1, 128], strides = [1, 1]} : vector<222x128xf32> to vector<1x128xf32>
      %add3A_1624 = arith.addf %add3A_1622, %slice3A_1623 : vector<1x128xf32>
      %slice3A_1625 = vector.extract_strided_slice %abs3A_1232 {offsets = [196, 0], sizes = [1, 128], strides = [1, 1]} : vector<222x128xf32> to vector<1x128xf32>
      %add3A_1626 = arith.addf %add3A_1624, %slice3A_1625 : vector<1x128xf32>
      %slice3A_1627 = vector.extract_strided_slice %abs3A_1232 {offsets = [197, 0], sizes = [1, 128], strides = [1, 1]} : vector<222x128xf32> to vector<1x128xf32>
      %add3A_1628 = arith.addf %add3A_1626, %slice3A_1627 : vector<1x128xf32>
      %slice3A_1629 = vector.extract_strided_slice %abs3A_1232 {offsets = [198, 0], sizes = [1, 128], strides = [1, 1]} : vector<222x128xf32> to vector<1x128xf32>
      %add3A_1630 = arith.addf %add3A_1628, %slice3A_1629 : vector<1x128xf32>
      %slice3A_1631 = vector.extract_strided_slice %abs3A_1232 {offsets = [199, 0], sizes = [1, 128], strides = [1, 1]} : vector<222x128xf32> to vector<1x128xf32>
      %add3A_1632 = arith.addf %add3A_1630, %slice3A_1631 : vector<1x128xf32>
      %slice3A_1633 = vector.extract_strided_slice %abs3A_1232 {offsets = [200, 0], sizes = [1, 128], strides = [1, 1]} : vector<222x128xf32> to vector<1x128xf32>
      %add3A_1634 = arith.addf %add3A_1632, %slice3A_1633 : vector<1x128xf32>
      %slice3A_1635 = vector.extract_strided_slice %abs3A_1232 {offsets = [201, 0], sizes = [1, 128], strides = [1, 1]} : vector<222x128xf32> to vector<1x128xf32>
      %add3A_1636 = arith.addf %add3A_1634, %slice3A_1635 : vector<1x128xf32>
      %slice3A_1637 = vector.extract_strided_slice %abs3A_1232 {offsets = [202, 0], sizes = [1, 128], strides = [1, 1]} : vector<222x128xf32> to vector<1x128xf32>
      %add3A_1638 = arith.addf %add3A_1636, %slice3A_1637 : vector<1x128xf32>
      %slice3A_1639 = vector.extract_strided_slice %abs3A_1232 {offsets = [203, 0], sizes = [1, 128], strides = [1, 1]} : vector<222x128xf32> to vector<1x128xf32>
      %add3A_1640 = arith.addf %add3A_1638, %slice3A_1639 : vector<1x128xf32>
      %slice3A_1641 = vector.extract_strided_slice %abs3A_1232 {offsets = [204, 0], sizes = [1, 128], strides = [1, 1]} : vector<222x128xf32> to vector<1x128xf32>
      %add3A_1642 = arith.addf %add3A_1640, %slice3A_1641 : vector<1x128xf32>
      %slice3A_1643 = vector.extract_strided_slice %abs3A_1232 {offsets = [205, 0], sizes = [1, 128], strides = [1, 1]} : vector<222x128xf32> to vector<1x128xf32>
      %add3A_1644 = arith.addf %add3A_1642, %slice3A_1643 : vector<1x128xf32>
      %slice3A_1645 = vector.extract_strided_slice %abs3A_1232 {offsets = [206, 0], sizes = [1, 128], strides = [1, 1]} : vector<222x128xf32> to vector<1x128xf32>
      %add3A_1646 = arith.addf %add3A_1644, %slice3A_1645 : vector<1x128xf32>
      %slice3A_1647 = vector.extract_strided_slice %abs3A_1232 {offsets = [207, 0], sizes = [1, 128], strides = [1, 1]} : vector<222x128xf32> to vector<1x128xf32>
      %add3A_1648 = arith.addf %add3A_1646, %slice3A_1647 : vector<1x128xf32>
      %slice3A_1649 = vector.extract_strided_slice %abs3A_1232 {offsets = [208, 0], sizes = [1, 128], strides = [1, 1]} : vector<222x128xf32> to vector<1x128xf32>
      %add3A_1650 = arith.addf %add3A_1648, %slice3A_1649 : vector<1x128xf32>
      %slice3A_1651 = vector.extract_strided_slice %abs3A_1232 {offsets = [209, 0], sizes = [1, 128], strides = [1, 1]} : vector<222x128xf32> to vector<1x128xf32>
      %add3A_1652 = arith.addf %add3A_1650, %slice3A_1651 : vector<1x128xf32>
      %slice3A_1653 = vector.extract_strided_slice %abs3A_1232 {offsets = [210, 0], sizes = [1, 128], strides = [1, 1]} : vector<222x128xf32> to vector<1x128xf32>
      %add3A_1654 = arith.addf %add3A_1652, %slice3A_1653 : vector<1x128xf32>
      %slice3A_1655 = vector.extract_strided_slice %abs3A_1232 {offsets = [211, 0], sizes = [1, 128], strides = [1, 1]} : vector<222x128xf32> to vector<1x128xf32>
      %add3A_1656 = arith.addf %add3A_1654, %slice3A_1655 : vector<1x128xf32>
      %slice3A_1657 = vector.extract_strided_slice %abs3A_1232 {offsets = [212, 0], sizes = [1, 128], strides = [1, 1]} : vector<222x128xf32> to vector<1x128xf32>
      %add3A_1658 = arith.addf %add3A_1656, %slice3A_1657 : vector<1x128xf32>
      %slice3A_1659 = vector.extract_strided_slice %abs3A_1232 {offsets = [213, 0], sizes = [1, 128], strides = [1, 1]} : vector<222x128xf32> to vector<1x128xf32>
      %add3A_1660 = arith.addf %add3A_1658, %slice3A_1659 : vector<1x128xf32>
      %slice3A_1661 = vector.extract_strided_slice %abs3A_1232 {offsets = [214, 0], sizes = [1, 128], strides = [1, 1]} : vector<222x128xf32> to vector<1x128xf32>
      %add3A_1662 = arith.addf %add3A_1660, %slice3A_1661 : vector<1x128xf32>
      %slice3A_1663 = vector.extract_strided_slice %abs3A_1232 {offsets = [215, 0], sizes = [1, 128], strides = [1, 1]} : vector<222x128xf32> to vector<1x128xf32>
      %add3A_1664 = arith.addf %add3A_1662, %slice3A_1663 : vector<1x128xf32>
      %slice3A_1665 = vector.extract_strided_slice %abs3A_1232 {offsets = [216, 0], sizes = [1, 128], strides = [1, 1]} : vector<222x128xf32> to vector<1x128xf32>
      %add3A_1666 = arith.addf %add3A_1664, %slice3A_1665 : vector<1x128xf32>
      %slice3A_1667 = vector.extract_strided_slice %abs3A_1232 {offsets = [217, 0], sizes = [1, 128], strides = [1, 1]} : vector<222x128xf32> to vector<1x128xf32>
      %add3A_1668 = arith.addf %add3A_1666, %slice3A_1667 : vector<1x128xf32>
      %slice3A_1669 = vector.extract_strided_slice %abs3A_1232 {offsets = [218, 0], sizes = [1, 128], strides = [1, 1]} : vector<222x128xf32> to vector<1x128xf32>
      %add3A_1670 = arith.addf %add3A_1668, %slice3A_1669 : vector<1x128xf32>
      %slice3A_1671 = vector.extract_strided_slice %abs3A_1232 {offsets = [219, 0], sizes = [1, 128], strides = [1, 1]} : vector<222x128xf32> to vector<1x128xf32>
      %add3A_1672 = arith.addf %add3A_1670, %slice3A_1671 : vector<1x128xf32>
      %slice3A_1673 = vector.extract_strided_slice %abs3A_1232 {offsets = [220, 0], sizes = [1, 128], strides = [1, 1]} : vector<222x128xf32> to vector<1x128xf32>
      %add3A_1674 = arith.addf %add3A_1672, %slice3A_1673 : vector<1x128xf32>
      %slice3A_1675 = vector.extract_strided_slice %abs3A_1232 {offsets = [221, 0], sizes = [1, 128], strides = [1, 1]} : vector<222x128xf32> to vector<1x128xf32>
      %add3A_1676 = arith.addf %add3A_1674, %slice3A_1675 : vector<1x128xf32>
      %add3A_1677 = arith.constant 111 : i32
      %add3A_1678 = arith.addi %add3A_1677, %scan3A_114 : i32
      %add3A_1679 = arith.constant 0 : i32
      %add3A_1680 = arith.addi %add3A_1678, %add3A_1679 : i32
      %get3A_1681 = arith.constant 0 : index
      %get3A_1682 = arith.index_cast %add3A_1680 : i32 to index
      %get3A_1683 = arith.constant 0 : index
      %get3A_1684 = arith.constant 0 : index
      %get3A_1685 = vector.load %arg2[%get3A_1681, %get3A_1682, %get3A_1683, %get3A_1684] : memref<1x224x224x128xbf16, #tpu.memory_space<vmem>>, vector<1x1x224x128xbf16>
      %get3A_1686 = vector.shape_cast %get3A_1685 : vector<1x1x224x128xbf16> to vector<1x224x128xbf16>
      %reshape3A_1687 = vector.shape_cast %get3A_1686 : vector<1x224x128xbf16> to vector<224x128xbf16>
      %convert_element_type3A_1688 = arith.extf %reshape3A_1687 : vector<224x128xbf16> to vector<224x128xf32>
      %add3A_1689 = arith.constant 111 : i32
      %add3A_1690 = arith.addi %add3A_1689, %scan3A_114 : i32
      %add3A_1691 = arith.constant 1 : i32
      %add3A_1692 = arith.addi %add3A_1690, %add3A_1691 : i32
      %get3A_1693 = arith.constant 0 : index
      %get3A_1694 = arith.index_cast %add3A_1692 : i32 to index
      %get3A_1695 = arith.constant 0 : index
      %get3A_1696 = arith.constant 0 : index
      %get3A_1697 = vector.load %arg2[%get3A_1693, %get3A_1694, %get3A_1695, %get3A_1696] : memref<1x224x224x128xbf16, #tpu.memory_space<vmem>>, vector<1x1x224x128xbf16>
      %get3A_1698 = vector.shape_cast %get3A_1697 : vector<1x1x224x128xbf16> to vector<1x224x128xbf16>
      %reshape3A_1699 = vector.shape_cast %get3A_1698 : vector<1x224x128xbf16> to vector<224x128xbf16>
      %convert_element_type3A_1700 = arith.extf %reshape3A_1699 : vector<224x128xbf16> to vector<224x128xf32>
      %add3A_1701 = arith.constant 111 : i32
      %add3A_1702 = arith.addi %add3A_1701, %scan3A_114 : i32
      %add3A_1703 = arith.constant 2 : i32
      %add3A_1704 = arith.addi %add3A_1702, %add3A_1703 : i32
      %get3A_1705 = arith.constant 0 : index
      %get3A_1706 = arith.index_cast %add3A_1704 : i32 to index
      %get3A_1707 = arith.constant 0 : index
      %get3A_1708 = arith.constant 0 : index
      %get3A_1709 = vector.load %arg2[%get3A_1705, %get3A_1706, %get3A_1707, %get3A_1708] : memref<1x224x224x128xbf16, #tpu.memory_space<vmem>>, vector<1x1x224x128xbf16>
      %get3A_1710 = vector.shape_cast %get3A_1709 : vector<1x1x224x128xbf16> to vector<1x224x128xbf16>
      %reshape3A_1711 = vector.shape_cast %get3A_1710 : vector<1x224x128xbf16> to vector<224x128xbf16>
      %convert_element_type3A_1712 = arith.extf %reshape3A_1711 : vector<224x128xbf16> to vector<224x128xf32>
      %slice3A_1713 = vector.extract_strided_slice %convert_element_type3A_1688 {offsets = [0, 0], sizes = [222, 128], strides = [1, 1]} : vector<224x128xf32> to vector<222x128xf32>
      %mul3A_1714 = vector.broadcast %convert_element_type3A_5 : f32 to vector<222x128xf32>
      %mul3A_1715 = arith.mulf %slice3A_1713, %mul3A_1714 : vector<222x128xf32>
      %slice3A_1716 = vector.extract_strided_slice %convert_element_type3A_1688 {offsets = [1, 0], sizes = [222, 128], strides = [1, 1]} : vector<224x128xf32> to vector<222x128xf32>
      %mul3A_1717 = vector.broadcast %convert_element_type3A_13 : f32 to vector<222x128xf32>
      %mul3A_1718 = arith.mulf %slice3A_1716, %mul3A_1717 : vector<222x128xf32>
      %add3A_1719 = arith.addf %mul3A_1715, %mul3A_1718 : vector<222x128xf32>
      %slice3A_1720 = vector.extract_strided_slice %convert_element_type3A_1688 {offsets = [2, 0], sizes = [222, 128], strides = [1, 1]} : vector<224x128xf32> to vector<222x128xf32>
      %mul3A_1721 = vector.broadcast %convert_element_type3A_21 : f32 to vector<222x128xf32>
      %mul3A_1722 = arith.mulf %slice3A_1720, %mul3A_1721 : vector<222x128xf32>
      %add3A_1723 = arith.addf %add3A_1719, %mul3A_1722 : vector<222x128xf32>
      %slice3A_1724 = vector.extract_strided_slice %convert_element_type3A_1700 {offsets = [0, 0], sizes = [222, 128], strides = [1, 1]} : vector<224x128xf32> to vector<222x128xf32>
      %mul3A_1725 = vector.broadcast %convert_element_type3A_29 : f32 to vector<222x128xf32>
      %mul3A_1726 = arith.mulf %slice3A_1724, %mul3A_1725 : vector<222x128xf32>
      %add3A_1727 = arith.addf %add3A_1723, %mul3A_1726 : vector<222x128xf32>
      %slice3A_1728 = vector.extract_strided_slice %convert_element_type3A_1700 {offsets = [1, 0], sizes = [222, 128], strides = [1, 1]} : vector<224x128xf32> to vector<222x128xf32>
      %mul3A_1729 = vector.broadcast %convert_element_type3A_37 : f32 to vector<222x128xf32>
      %mul3A_1730 = arith.mulf %slice3A_1728, %mul3A_1729 : vector<222x128xf32>
      %add3A_1731 = arith.addf %add3A_1727, %mul3A_1730 : vector<222x128xf32>
      %slice3A_1732 = vector.extract_strided_slice %convert_element_type3A_1700 {offsets = [2, 0], sizes = [222, 128], strides = [1, 1]} : vector<224x128xf32> to vector<222x128xf32>
      %mul3A_1733 = vector.broadcast %convert_element_type3A_45 : f32 to vector<222x128xf32>
      %mul3A_1734 = arith.mulf %slice3A_1732, %mul3A_1733 : vector<222x128xf32>
      %add3A_1735 = arith.addf %add3A_1731, %mul3A_1734 : vector<222x128xf32>
      %slice3A_1736 = vector.extract_strided_slice %convert_element_type3A_1712 {offsets = [0, 0], sizes = [222, 128], strides = [1, 1]} : vector<224x128xf32> to vector<222x128xf32>
      %mul3A_1737 = vector.broadcast %convert_element_type3A_53 : f32 to vector<222x128xf32>
      %mul3A_1738 = arith.mulf %slice3A_1736, %mul3A_1737 : vector<222x128xf32>
      %add3A_1739 = arith.addf %add3A_1735, %mul3A_1738 : vector<222x128xf32>
      %slice3A_1740 = vector.extract_strided_slice %convert_element_type3A_1712 {offsets = [1, 0], sizes = [222, 128], strides = [1, 1]} : vector<224x128xf32> to vector<222x128xf32>
      %mul3A_1741 = vector.broadcast %convert_element_type3A_61 : f32 to vector<222x128xf32>
      %mul3A_1742 = arith.mulf %slice3A_1740, %mul3A_1741 : vector<222x128xf32>
      %add3A_1743 = arith.addf %add3A_1739, %mul3A_1742 : vector<222x128xf32>
      %slice3A_1744 = vector.extract_strided_slice %convert_element_type3A_1712 {offsets = [2, 0], sizes = [222, 128], strides = [1, 1]} : vector<224x128xf32> to vector<222x128xf32>
      %mul3A_1745 = vector.broadcast %convert_element_type3A_69 : f32 to vector<222x128xf32>
      %mul3A_1746 = arith.mulf %slice3A_1744, %mul3A_1745 : vector<222x128xf32>
      %add3A_1747 = arith.addf %add3A_1743, %mul3A_1746 : vector<222x128xf32>
      %abs3A_1748 = math.absf %add3A_1747 : vector<222x128xf32>
      %slice3A_1749 = vector.extract_strided_slice %abs3A_1748 {offsets = [0, 0], sizes = [1, 128], strides = [1, 1]} : vector<222x128xf32> to vector<1x128xf32>
      %add3A_1750 = arith.addf %scan3A_124, %slice3A_1749 : vector<1x128xf32>
      %slice3A_1751 = vector.extract_strided_slice %abs3A_1748 {offsets = [1, 0], sizes = [1, 128], strides = [1, 1]} : vector<222x128xf32> to vector<1x128xf32>
      %add3A_1752 = arith.addf %add3A_1750, %slice3A_1751 : vector<1x128xf32>
      %slice3A_1753 = vector.extract_strided_slice %abs3A_1748 {offsets = [2, 0], sizes = [1, 128], strides = [1, 1]} : vector<222x128xf32> to vector<1x128xf32>
      %add3A_1754 = arith.addf %add3A_1752, %slice3A_1753 : vector<1x128xf32>
      %slice3A_1755 = vector.extract_strided_slice %abs3A_1748 {offsets = [3, 0], sizes = [1, 128], strides = [1, 1]} : vector<222x128xf32> to vector<1x128xf32>
      %add3A_1756 = arith.addf %add3A_1754, %slice3A_1755 : vector<1x128xf32>
      %slice3A_1757 = vector.extract_strided_slice %abs3A_1748 {offsets = [4, 0], sizes = [1, 128], strides = [1, 1]} : vector<222x128xf32> to vector<1x128xf32>
      %add3A_1758 = arith.addf %add3A_1756, %slice3A_1757 : vector<1x128xf32>
      %slice3A_1759 = vector.extract_strided_slice %abs3A_1748 {offsets = [5, 0], sizes = [1, 128], strides = [1, 1]} : vector<222x128xf32> to vector<1x128xf32>
      %add3A_1760 = arith.addf %add3A_1758, %slice3A_1759 : vector<1x128xf32>
      %slice3A_1761 = vector.extract_strided_slice %abs3A_1748 {offsets = [6, 0], sizes = [1, 128], strides = [1, 1]} : vector<222x128xf32> to vector<1x128xf32>
      %add3A_1762 = arith.addf %add3A_1760, %slice3A_1761 : vector<1x128xf32>
      %slice3A_1763 = vector.extract_strided_slice %abs3A_1748 {offsets = [7, 0], sizes = [1, 128], strides = [1, 1]} : vector<222x128xf32> to vector<1x128xf32>
      %add3A_1764 = arith.addf %add3A_1762, %slice3A_1763 : vector<1x128xf32>
      %slice3A_1765 = vector.extract_strided_slice %abs3A_1748 {offsets = [8, 0], sizes = [1, 128], strides = [1, 1]} : vector<222x128xf32> to vector<1x128xf32>
      %add3A_1766 = arith.addf %add3A_1764, %slice3A_1765 : vector<1x128xf32>
      %slice3A_1767 = vector.extract_strided_slice %abs3A_1748 {offsets = [9, 0], sizes = [1, 128], strides = [1, 1]} : vector<222x128xf32> to vector<1x128xf32>
      %add3A_1768 = arith.addf %add3A_1766, %slice3A_1767 : vector<1x128xf32>
      %slice3A_1769 = vector.extract_strided_slice %abs3A_1748 {offsets = [10, 0], sizes = [1, 128], strides = [1, 1]} : vector<222x128xf32> to vector<1x128xf32>
      %add3A_1770 = arith.addf %add3A_1768, %slice3A_1769 : vector<1x128xf32>
      %slice3A_1771 = vector.extract_strided_slice %abs3A_1748 {offsets = [11, 0], sizes = [1, 128], strides = [1, 1]} : vector<222x128xf32> to vector<1x128xf32>
      %add3A_1772 = arith.addf %add3A_1770, %slice3A_1771 : vector<1x128xf32>
      %slice3A_1773 = vector.extract_strided_slice %abs3A_1748 {offsets = [12, 0], sizes = [1, 128], strides = [1, 1]} : vector<222x128xf32> to vector<1x128xf32>
      %add3A_1774 = arith.addf %add3A_1772, %slice3A_1773 : vector<1x128xf32>
      %slice3A_1775 = vector.extract_strided_slice %abs3A_1748 {offsets = [13, 0], sizes = [1, 128], strides = [1, 1]} : vector<222x128xf32> to vector<1x128xf32>
      %add3A_1776 = arith.addf %add3A_1774, %slice3A_1775 : vector<1x128xf32>
      %slice3A_1777 = vector.extract_strided_slice %abs3A_1748 {offsets = [14, 0], sizes = [1, 128], strides = [1, 1]} : vector<222x128xf32> to vector<1x128xf32>
      %add3A_1778 = arith.addf %add3A_1776, %slice3A_1777 : vector<1x128xf32>
      %slice3A_1779 = vector.extract_strided_slice %abs3A_1748 {offsets = [15, 0], sizes = [1, 128], strides = [1, 1]} : vector<222x128xf32> to vector<1x128xf32>
      %add3A_1780 = arith.addf %add3A_1778, %slice3A_1779 : vector<1x128xf32>
      %slice3A_1781 = vector.extract_strided_slice %abs3A_1748 {offsets = [16, 0], sizes = [1, 128], strides = [1, 1]} : vector<222x128xf32> to vector<1x128xf32>
      %add3A_1782 = arith.addf %add3A_1780, %slice3A_1781 : vector<1x128xf32>
      %slice3A_1783 = vector.extract_strided_slice %abs3A_1748 {offsets = [17, 0], sizes = [1, 128], strides = [1, 1]} : vector<222x128xf32> to vector<1x128xf32>
      %add3A_1784 = arith.addf %add3A_1782, %slice3A_1783 : vector<1x128xf32>
      %slice3A_1785 = vector.extract_strided_slice %abs3A_1748 {offsets = [18, 0], sizes = [1, 128], strides = [1, 1]} : vector<222x128xf32> to vector<1x128xf32>
      %add3A_1786 = arith.addf %add3A_1784, %slice3A_1785 : vector<1x128xf32>
      %slice3A_1787 = vector.extract_strided_slice %abs3A_1748 {offsets = [19, 0], sizes = [1, 128], strides = [1, 1]} : vector<222x128xf32> to vector<1x128xf32>
      %add3A_1788 = arith.addf %add3A_1786, %slice3A_1787 : vector<1x128xf32>
      %slice3A_1789 = vector.extract_strided_slice %abs3A_1748 {offsets = [20, 0], sizes = [1, 128], strides = [1, 1]} : vector<222x128xf32> to vector<1x128xf32>
      %add3A_1790 = arith.addf %add3A_1788, %slice3A_1789 : vector<1x128xf32>
      %slice3A_1791 = vector.extract_strided_slice %abs3A_1748 {offsets = [21, 0], sizes = [1, 128], strides = [1, 1]} : vector<222x128xf32> to vector<1x128xf32>
      %add3A_1792 = arith.addf %add3A_1790, %slice3A_1791 : vector<1x128xf32>
      %slice3A_1793 = vector.extract_strided_slice %abs3A_1748 {offsets = [22, 0], sizes = [1, 128], strides = [1, 1]} : vector<222x128xf32> to vector<1x128xf32>
      %add3A_1794 = arith.addf %add3A_1792, %slice3A_1793 : vector<1x128xf32>
      %slice3A_1795 = vector.extract_strided_slice %abs3A_1748 {offsets = [23, 0], sizes = [1, 128], strides = [1, 1]} : vector<222x128xf32> to vector<1x128xf32>
      %add3A_1796 = arith.addf %add3A_1794, %slice3A_1795 : vector<1x128xf32>
      %slice3A_1797 = vector.extract_strided_slice %abs3A_1748 {offsets = [24, 0], sizes = [1, 128], strides = [1, 1]} : vector<222x128xf32> to vector<1x128xf32>
      %add3A_1798 = arith.addf %add3A_1796, %slice3A_1797 : vector<1x128xf32>
      %slice3A_1799 = vector.extract_strided_slice %abs3A_1748 {offsets = [25, 0], sizes = [1, 128], strides = [1, 1]} : vector<222x128xf32> to vector<1x128xf32>
      %add3A_1800 = arith.addf %add3A_1798, %slice3A_1799 : vector<1x128xf32>
      %slice3A_1801 = vector.extract_strided_slice %abs3A_1748 {offsets = [26, 0], sizes = [1, 128], strides = [1, 1]} : vector<222x128xf32> to vector<1x128xf32>
      %add3A_1802 = arith.addf %add3A_1800, %slice3A_1801 : vector<1x128xf32>
      %slice3A_1803 = vector.extract_strided_slice %abs3A_1748 {offsets = [27, 0], sizes = [1, 128], strides = [1, 1]} : vector<222x128xf32> to vector<1x128xf32>
      %add3A_1804 = arith.addf %add3A_1802, %slice3A_1803 : vector<1x128xf32>
      %slice3A_1805 = vector.extract_strided_slice %abs3A_1748 {offsets = [28, 0], sizes = [1, 128], strides = [1, 1]} : vector<222x128xf32> to vector<1x128xf32>
      %add3A_1806 = arith.addf %add3A_1804, %slice3A_1805 : vector<1x128xf32>
      %slice3A_1807 = vector.extract_strided_slice %abs3A_1748 {offsets = [29, 0], sizes = [1, 128], strides = [1, 1]} : vector<222x128xf32> to vector<1x128xf32>
      %add3A_1808 = arith.addf %add3A_1806, %slice3A_1807 : vector<1x128xf32>
      %slice3A_1809 = vector.extract_strided_slice %abs3A_1748 {offsets = [30, 0], sizes = [1, 128], strides = [1, 1]} : vector<222x128xf32> to vector<1x128xf32>
      %add3A_1810 = arith.addf %add3A_1808, %slice3A_1809 : vector<1x128xf32>
      %slice3A_1811 = vector.extract_strided_slice %abs3A_1748 {offsets = [31, 0], sizes = [1, 128], strides = [1, 1]} : vector<222x128xf32> to vector<1x128xf32>
      %add3A_1812 = arith.addf %add3A_1810, %slice3A_1811 : vector<1x128xf32>
      %slice3A_1813 = vector.extract_strided_slice %abs3A_1748 {offsets = [32, 0], sizes = [1, 128], strides = [1, 1]} : vector<222x128xf32> to vector<1x128xf32>
      %add3A_1814 = arith.addf %add3A_1812, %slice3A_1813 : vector<1x128xf32>
      %slice3A_1815 = vector.extract_strided_slice %abs3A_1748 {offsets = [33, 0], sizes = [1, 128], strides = [1, 1]} : vector<222x128xf32> to vector<1x128xf32>
      %add3A_1816 = arith.addf %add3A_1814, %slice3A_1815 : vector<1x128xf32>
      %slice3A_1817 = vector.extract_strided_slice %abs3A_1748 {offsets = [34, 0], sizes = [1, 128], strides = [1, 1]} : vector<222x128xf32> to vector<1x128xf32>
      %add3A_1818 = arith.addf %add3A_1816, %slice3A_1817 : vector<1x128xf32>
      %slice3A_1819 = vector.extract_strided_slice %abs3A_1748 {offsets = [35, 0], sizes = [1, 128], strides = [1, 1]} : vector<222x128xf32> to vector<1x128xf32>
      %add3A_1820 = arith.addf %add3A_1818, %slice3A_1819 : vector<1x128xf32>
      %slice3A_1821 = vector.extract_strided_slice %abs3A_1748 {offsets = [36, 0], sizes = [1, 128], strides = [1, 1]} : vector<222x128xf32> to vector<1x128xf32>
      %add3A_1822 = arith.addf %add3A_1820, %slice3A_1821 : vector<1x128xf32>
      %slice3A_1823 = vector.extract_strided_slice %abs3A_1748 {offsets = [37, 0], sizes = [1, 128], strides = [1, 1]} : vector<222x128xf32> to vector<1x128xf32>
      %add3A_1824 = arith.addf %add3A_1822, %slice3A_1823 : vector<1x128xf32>
      %slice3A_1825 = vector.extract_strided_slice %abs3A_1748 {offsets = [38, 0], sizes = [1, 128], strides = [1, 1]} : vector<222x128xf32> to vector<1x128xf32>
      %add3A_1826 = arith.addf %add3A_1824, %slice3A_1825 : vector<1x128xf32>
      %slice3A_1827 = vector.extract_strided_slice %abs3A_1748 {offsets = [39, 0], sizes = [1, 128], strides = [1, 1]} : vector<222x128xf32> to vector<1x128xf32>
      %add3A_1828 = arith.addf %add3A_1826, %slice3A_1827 : vector<1x128xf32>
      %slice3A_1829 = vector.extract_strided_slice %abs3A_1748 {offsets = [40, 0], sizes = [1, 128], strides = [1, 1]} : vector<222x128xf32> to vector<1x128xf32>
      %add3A_1830 = arith.addf %add3A_1828, %slice3A_1829 : vector<1x128xf32>
      %slice3A_1831 = vector.extract_strided_slice %abs3A_1748 {offsets = [41, 0], sizes = [1, 128], strides = [1, 1]} : vector<222x128xf32> to vector<1x128xf32>
      %add3A_1832 = arith.addf %add3A_1830, %slice3A_1831 : vector<1x128xf32>
      %slice3A_1833 = vector.extract_strided_slice %abs3A_1748 {offsets = [42, 0], sizes = [1, 128], strides = [1, 1]} : vector<222x128xf32> to vector<1x128xf32>
      %add3A_1834 = arith.addf %add3A_1832, %slice3A_1833 : vector<1x128xf32>
      %slice3A_1835 = vector.extract_strided_slice %abs3A_1748 {offsets = [43, 0], sizes = [1, 128], strides = [1, 1]} : vector<222x128xf32> to vector<1x128xf32>
      %add3A_1836 = arith.addf %add3A_1834, %slice3A_1835 : vector<1x128xf32>
      %slice3A_1837 = vector.extract_strided_slice %abs3A_1748 {offsets = [44, 0], sizes = [1, 128], strides = [1, 1]} : vector<222x128xf32> to vector<1x128xf32>
      %add3A_1838 = arith.addf %add3A_1836, %slice3A_1837 : vector<1x128xf32>
      %slice3A_1839 = vector.extract_strided_slice %abs3A_1748 {offsets = [45, 0], sizes = [1, 128], strides = [1, 1]} : vector<222x128xf32> to vector<1x128xf32>
      %add3A_1840 = arith.addf %add3A_1838, %slice3A_1839 : vector<1x128xf32>
      %slice3A_1841 = vector.extract_strided_slice %abs3A_1748 {offsets = [46, 0], sizes = [1, 128], strides = [1, 1]} : vector<222x128xf32> to vector<1x128xf32>
      %add3A_1842 = arith.addf %add3A_1840, %slice3A_1841 : vector<1x128xf32>
      %slice3A_1843 = vector.extract_strided_slice %abs3A_1748 {offsets = [47, 0], sizes = [1, 128], strides = [1, 1]} : vector<222x128xf32> to vector<1x128xf32>
      %add3A_1844 = arith.addf %add3A_1842, %slice3A_1843 : vector<1x128xf32>
      %slice3A_1845 = vector.extract_strided_slice %abs3A_1748 {offsets = [48, 0], sizes = [1, 128], strides = [1, 1]} : vector<222x128xf32> to vector<1x128xf32>
      %add3A_1846 = arith.addf %add3A_1844, %slice3A_1845 : vector<1x128xf32>
      %slice3A_1847 = vector.extract_strided_slice %abs3A_1748 {offsets = [49, 0], sizes = [1, 128], strides = [1, 1]} : vector<222x128xf32> to vector<1x128xf32>
      %add3A_1848 = arith.addf %add3A_1846, %slice3A_1847 : vector<1x128xf32>
      %slice3A_1849 = vector.extract_strided_slice %abs3A_1748 {offsets = [50, 0], sizes = [1, 128], strides = [1, 1]} : vector<222x128xf32> to vector<1x128xf32>
      %add3A_1850 = arith.addf %add3A_1848, %slice3A_1849 : vector<1x128xf32>
      %slice3A_1851 = vector.extract_strided_slice %abs3A_1748 {offsets = [51, 0], sizes = [1, 128], strides = [1, 1]} : vector<222x128xf32> to vector<1x128xf32>
      %add3A_1852 = arith.addf %add3A_1850, %slice3A_1851 : vector<1x128xf32>
      %slice3A_1853 = vector.extract_strided_slice %abs3A_1748 {offsets = [52, 0], sizes = [1, 128], strides = [1, 1]} : vector<222x128xf32> to vector<1x128xf32>
      %add3A_1854 = arith.addf %add3A_1852, %slice3A_1853 : vector<1x128xf32>
      %slice3A_1855 = vector.extract_strided_slice %abs3A_1748 {offsets = [53, 0], sizes = [1, 128], strides = [1, 1]} : vector<222x128xf32> to vector<1x128xf32>
      %add3A_1856 = arith.addf %add3A_1854, %slice3A_1855 : vector<1x128xf32>
      %slice3A_1857 = vector.extract_strided_slice %abs3A_1748 {offsets = [54, 0], sizes = [1, 128], strides = [1, 1]} : vector<222x128xf32> to vector<1x128xf32>
      %add3A_1858 = arith.addf %add3A_1856, %slice3A_1857 : vector<1x128xf32>
      %slice3A_1859 = vector.extract_strided_slice %abs3A_1748 {offsets = [55, 0], sizes = [1, 128], strides = [1, 1]} : vector<222x128xf32> to vector<1x128xf32>
      %add3A_1860 = arith.addf %add3A_1858, %slice3A_1859 : vector<1x128xf32>
      %slice3A_1861 = vector.extract_strided_slice %abs3A_1748 {offsets = [56, 0], sizes = [1, 128], strides = [1, 1]} : vector<222x128xf32> to vector<1x128xf32>
      %add3A_1862 = arith.addf %add3A_1860, %slice3A_1861 : vector<1x128xf32>
      %slice3A_1863 = vector.extract_strided_slice %abs3A_1748 {offsets = [57, 0], sizes = [1, 128], strides = [1, 1]} : vector<222x128xf32> to vector<1x128xf32>
      %add3A_1864 = arith.addf %add3A_1862, %slice3A_1863 : vector<1x128xf32>
      %slice3A_1865 = vector.extract_strided_slice %abs3A_1748 {offsets = [58, 0], sizes = [1, 128], strides = [1, 1]} : vector<222x128xf32> to vector<1x128xf32>
      %add3A_1866 = arith.addf %add3A_1864, %slice3A_1865 : vector<1x128xf32>
      %slice3A_1867 = vector.extract_strided_slice %abs3A_1748 {offsets = [59, 0], sizes = [1, 128], strides = [1, 1]} : vector<222x128xf32> to vector<1x128xf32>
      %add3A_1868 = arith.addf %add3A_1866, %slice3A_1867 : vector<1x128xf32>
      %slice3A_1869 = vector.extract_strided_slice %abs3A_1748 {offsets = [60, 0], sizes = [1, 128], strides = [1, 1]} : vector<222x128xf32> to vector<1x128xf32>
      %add3A_1870 = arith.addf %add3A_1868, %slice3A_1869 : vector<1x128xf32>
      %slice3A_1871 = vector.extract_strided_slice %abs3A_1748 {offsets = [61, 0], sizes = [1, 128], strides = [1, 1]} : vector<222x128xf32> to vector<1x128xf32>
      %add3A_1872 = arith.addf %add3A_1870, %slice3A_1871 : vector<1x128xf32>
      %slice3A_1873 = vector.extract_strided_slice %abs3A_1748 {offsets = [62, 0], sizes = [1, 128], strides = [1, 1]} : vector<222x128xf32> to vector<1x128xf32>
      %add3A_1874 = arith.addf %add3A_1872, %slice3A_1873 : vector<1x128xf32>
      %slice3A_1875 = vector.extract_strided_slice %abs3A_1748 {offsets = [63, 0], sizes = [1, 128], strides = [1, 1]} : vector<222x128xf32> to vector<1x128xf32>
      %add3A_1876 = arith.addf %add3A_1874, %slice3A_1875 : vector<1x128xf32>
      %slice3A_1877 = vector.extract_strided_slice %abs3A_1748 {offsets = [64, 0], sizes = [1, 128], strides = [1, 1]} : vector<222x128xf32> to vector<1x128xf32>
      %add3A_1878 = arith.addf %add3A_1876, %slice3A_1877 : vector<1x128xf32>
      %slice3A_1879 = vector.extract_strided_slice %abs3A_1748 {offsets = [65, 0], sizes = [1, 128], strides = [1, 1]} : vector<222x128xf32> to vector<1x128xf32>
      %add3A_1880 = arith.addf %add3A_1878, %slice3A_1879 : vector<1x128xf32>
      %slice3A_1881 = vector.extract_strided_slice %abs3A_1748 {offsets = [66, 0], sizes = [1, 128], strides = [1, 1]} : vector<222x128xf32> to vector<1x128xf32>
      %add3A_1882 = arith.addf %add3A_1880, %slice3A_1881 : vector<1x128xf32>
      %slice3A_1883 = vector.extract_strided_slice %abs3A_1748 {offsets = [67, 0], sizes = [1, 128], strides = [1, 1]} : vector<222x128xf32> to vector<1x128xf32>
      %add3A_1884 = arith.addf %add3A_1882, %slice3A_1883 : vector<1x128xf32>
      %slice3A_1885 = vector.extract_strided_slice %abs3A_1748 {offsets = [68, 0], sizes = [1, 128], strides = [1, 1]} : vector<222x128xf32> to vector<1x128xf32>
      %add3A_1886 = arith.addf %add3A_1884, %slice3A_1885 : vector<1x128xf32>
      %slice3A_1887 = vector.extract_strided_slice %abs3A_1748 {offsets = [69, 0], sizes = [1, 128], strides = [1, 1]} : vector<222x128xf32> to vector<1x128xf32>
      %add3A_1888 = arith.addf %add3A_1886, %slice3A_1887 : vector<1x128xf32>
      %slice3A_1889 = vector.extract_strided_slice %abs3A_1748 {offsets = [70, 0], sizes = [1, 128], strides = [1, 1]} : vector<222x128xf32> to vector<1x128xf32>
      %add3A_1890 = arith.addf %add3A_1888, %slice3A_1889 : vector<1x128xf32>
      %slice3A_1891 = vector.extract_strided_slice %abs3A_1748 {offsets = [71, 0], sizes = [1, 128], strides = [1, 1]} : vector<222x128xf32> to vector<1x128xf32>
      %add3A_1892 = arith.addf %add3A_1890, %slice3A_1891 : vector<1x128xf32>
      %slice3A_1893 = vector.extract_strided_slice %abs3A_1748 {offsets = [72, 0], sizes = [1, 128], strides = [1, 1]} : vector<222x128xf32> to vector<1x128xf32>
      %add3A_1894 = arith.addf %add3A_1892, %slice3A_1893 : vector<1x128xf32>
      %slice3A_1895 = vector.extract_strided_slice %abs3A_1748 {offsets = [73, 0], sizes = [1, 128], strides = [1, 1]} : vector<222x128xf32> to vector<1x128xf32>
      %add3A_1896 = arith.addf %add3A_1894, %slice3A_1895 : vector<1x128xf32>
      %slice3A_1897 = vector.extract_strided_slice %abs3A_1748 {offsets = [74, 0], sizes = [1, 128], strides = [1, 1]} : vector<222x128xf32> to vector<1x128xf32>
      %add3A_1898 = arith.addf %scan3A_125, %slice3A_1897 : vector<1x128xf32>
      %slice3A_1899 = vector.extract_strided_slice %abs3A_1748 {offsets = [75, 0], sizes = [1, 128], strides = [1, 1]} : vector<222x128xf32> to vector<1x128xf32>
      %add3A_1900 = arith.addf %add3A_1898, %slice3A_1899 : vector<1x128xf32>
      %slice3A_1901 = vector.extract_strided_slice %abs3A_1748 {offsets = [76, 0], sizes = [1, 128], strides = [1, 1]} : vector<222x128xf32> to vector<1x128xf32>
      %add3A_1902 = arith.addf %add3A_1900, %slice3A_1901 : vector<1x128xf32>
      %slice3A_1903 = vector.extract_strided_slice %abs3A_1748 {offsets = [77, 0], sizes = [1, 128], strides = [1, 1]} : vector<222x128xf32> to vector<1x128xf32>
      %add3A_1904 = arith.addf %add3A_1902, %slice3A_1903 : vector<1x128xf32>
      %slice3A_1905 = vector.extract_strided_slice %abs3A_1748 {offsets = [78, 0], sizes = [1, 128], strides = [1, 1]} : vector<222x128xf32> to vector<1x128xf32>
      %add3A_1906 = arith.addf %add3A_1904, %slice3A_1905 : vector<1x128xf32>
      %slice3A_1907 = vector.extract_strided_slice %abs3A_1748 {offsets = [79, 0], sizes = [1, 128], strides = [1, 1]} : vector<222x128xf32> to vector<1x128xf32>
      %add3A_1908 = arith.addf %add3A_1906, %slice3A_1907 : vector<1x128xf32>
      %slice3A_1909 = vector.extract_strided_slice %abs3A_1748 {offsets = [80, 0], sizes = [1, 128], strides = [1, 1]} : vector<222x128xf32> to vector<1x128xf32>
      %add3A_1910 = arith.addf %add3A_1908, %slice3A_1909 : vector<1x128xf32>
      %slice3A_1911 = vector.extract_strided_slice %abs3A_1748 {offsets = [81, 0], sizes = [1, 128], strides = [1, 1]} : vector<222x128xf32> to vector<1x128xf32>
      %add3A_1912 = arith.addf %add3A_1910, %slice3A_1911 : vector<1x128xf32>
      %slice3A_1913 = vector.extract_strided_slice %abs3A_1748 {offsets = [82, 0], sizes = [1, 128], strides = [1, 1]} : vector<222x128xf32> to vector<1x128xf32>
      %add3A_1914 = arith.addf %add3A_1912, %slice3A_1913 : vector<1x128xf32>
      %slice3A_1915 = vector.extract_strided_slice %abs3A_1748 {offsets = [83, 0], sizes = [1, 128], strides = [1, 1]} : vector<222x128xf32> to vector<1x128xf32>
      %add3A_1916 = arith.addf %add3A_1914, %slice3A_1915 : vector<1x128xf32>
      %slice3A_1917 = vector.extract_strided_slice %abs3A_1748 {offsets = [84, 0], sizes = [1, 128], strides = [1, 1]} : vector<222x128xf32> to vector<1x128xf32>
      %add3A_1918 = arith.addf %add3A_1916, %slice3A_1917 : vector<1x128xf32>
      %slice3A_1919 = vector.extract_strided_slice %abs3A_1748 {offsets = [85, 0], sizes = [1, 128], strides = [1, 1]} : vector<222x128xf32> to vector<1x128xf32>
      %add3A_1920 = arith.addf %add3A_1918, %slice3A_1919 : vector<1x128xf32>
      %slice3A_1921 = vector.extract_strided_slice %abs3A_1748 {offsets = [86, 0], sizes = [1, 128], strides = [1, 1]} : vector<222x128xf32> to vector<1x128xf32>
      %add3A_1922 = arith.addf %add3A_1920, %slice3A_1921 : vector<1x128xf32>
      %slice3A_1923 = vector.extract_strided_slice %abs3A_1748 {offsets = [87, 0], sizes = [1, 128], strides = [1, 1]} : vector<222x128xf32> to vector<1x128xf32>
      %add3A_1924 = arith.addf %add3A_1922, %slice3A_1923 : vector<1x128xf32>
      %slice3A_1925 = vector.extract_strided_slice %abs3A_1748 {offsets = [88, 0], sizes = [1, 128], strides = [1, 1]} : vector<222x128xf32> to vector<1x128xf32>
      %add3A_1926 = arith.addf %add3A_1924, %slice3A_1925 : vector<1x128xf32>
      %slice3A_1927 = vector.extract_strided_slice %abs3A_1748 {offsets = [89, 0], sizes = [1, 128], strides = [1, 1]} : vector<222x128xf32> to vector<1x128xf32>
      %add3A_1928 = arith.addf %add3A_1926, %slice3A_1927 : vector<1x128xf32>
      %slice3A_1929 = vector.extract_strided_slice %abs3A_1748 {offsets = [90, 0], sizes = [1, 128], strides = [1, 1]} : vector<222x128xf32> to vector<1x128xf32>
      %add3A_1930 = arith.addf %add3A_1928, %slice3A_1929 : vector<1x128xf32>
      %slice3A_1931 = vector.extract_strided_slice %abs3A_1748 {offsets = [91, 0], sizes = [1, 128], strides = [1, 1]} : vector<222x128xf32> to vector<1x128xf32>
      %add3A_1932 = arith.addf %add3A_1930, %slice3A_1931 : vector<1x128xf32>
      %slice3A_1933 = vector.extract_strided_slice %abs3A_1748 {offsets = [92, 0], sizes = [1, 128], strides = [1, 1]} : vector<222x128xf32> to vector<1x128xf32>
      %add3A_1934 = arith.addf %add3A_1932, %slice3A_1933 : vector<1x128xf32>
      %slice3A_1935 = vector.extract_strided_slice %abs3A_1748 {offsets = [93, 0], sizes = [1, 128], strides = [1, 1]} : vector<222x128xf32> to vector<1x128xf32>
      %add3A_1936 = arith.addf %add3A_1934, %slice3A_1935 : vector<1x128xf32>
      %slice3A_1937 = vector.extract_strided_slice %abs3A_1748 {offsets = [94, 0], sizes = [1, 128], strides = [1, 1]} : vector<222x128xf32> to vector<1x128xf32>
      %add3A_1938 = arith.addf %add3A_1936, %slice3A_1937 : vector<1x128xf32>
      %slice3A_1939 = vector.extract_strided_slice %abs3A_1748 {offsets = [95, 0], sizes = [1, 128], strides = [1, 1]} : vector<222x128xf32> to vector<1x128xf32>
      %add3A_1940 = arith.addf %add3A_1938, %slice3A_1939 : vector<1x128xf32>
      %slice3A_1941 = vector.extract_strided_slice %abs3A_1748 {offsets = [96, 0], sizes = [1, 128], strides = [1, 1]} : vector<222x128xf32> to vector<1x128xf32>
      %add3A_1942 = arith.addf %add3A_1940, %slice3A_1941 : vector<1x128xf32>
      %slice3A_1943 = vector.extract_strided_slice %abs3A_1748 {offsets = [97, 0], sizes = [1, 128], strides = [1, 1]} : vector<222x128xf32> to vector<1x128xf32>
      %add3A_1944 = arith.addf %add3A_1942, %slice3A_1943 : vector<1x128xf32>
      %slice3A_1945 = vector.extract_strided_slice %abs3A_1748 {offsets = [98, 0], sizes = [1, 128], strides = [1, 1]} : vector<222x128xf32> to vector<1x128xf32>
      %add3A_1946 = arith.addf %add3A_1944, %slice3A_1945 : vector<1x128xf32>
      %slice3A_1947 = vector.extract_strided_slice %abs3A_1748 {offsets = [99, 0], sizes = [1, 128], strides = [1, 1]} : vector<222x128xf32> to vector<1x128xf32>
      %add3A_1948 = arith.addf %add3A_1946, %slice3A_1947 : vector<1x128xf32>
      %slice3A_1949 = vector.extract_strided_slice %abs3A_1748 {offsets = [100, 0], sizes = [1, 128], strides = [1, 1]} : vector<222x128xf32> to vector<1x128xf32>
      %add3A_1950 = arith.addf %add3A_1948, %slice3A_1949 : vector<1x128xf32>
      %slice3A_1951 = vector.extract_strided_slice %abs3A_1748 {offsets = [101, 0], sizes = [1, 128], strides = [1, 1]} : vector<222x128xf32> to vector<1x128xf32>
      %add3A_1952 = arith.addf %add3A_1950, %slice3A_1951 : vector<1x128xf32>
      %slice3A_1953 = vector.extract_strided_slice %abs3A_1748 {offsets = [102, 0], sizes = [1, 128], strides = [1, 1]} : vector<222x128xf32> to vector<1x128xf32>
      %add3A_1954 = arith.addf %add3A_1952, %slice3A_1953 : vector<1x128xf32>
      %slice3A_1955 = vector.extract_strided_slice %abs3A_1748 {offsets = [103, 0], sizes = [1, 128], strides = [1, 1]} : vector<222x128xf32> to vector<1x128xf32>
      %add3A_1956 = arith.addf %add3A_1954, %slice3A_1955 : vector<1x128xf32>
      %slice3A_1957 = vector.extract_strided_slice %abs3A_1748 {offsets = [104, 0], sizes = [1, 128], strides = [1, 1]} : vector<222x128xf32> to vector<1x128xf32>
      %add3A_1958 = arith.addf %add3A_1956, %slice3A_1957 : vector<1x128xf32>
      %slice3A_1959 = vector.extract_strided_slice %abs3A_1748 {offsets = [105, 0], sizes = [1, 128], strides = [1, 1]} : vector<222x128xf32> to vector<1x128xf32>
      %add3A_1960 = arith.addf %add3A_1958, %slice3A_1959 : vector<1x128xf32>
      %slice3A_1961 = vector.extract_strided_slice %abs3A_1748 {offsets = [106, 0], sizes = [1, 128], strides = [1, 1]} : vector<222x128xf32> to vector<1x128xf32>
      %add3A_1962 = arith.addf %add3A_1960, %slice3A_1961 : vector<1x128xf32>
      %slice3A_1963 = vector.extract_strided_slice %abs3A_1748 {offsets = [107, 0], sizes = [1, 128], strides = [1, 1]} : vector<222x128xf32> to vector<1x128xf32>
      %add3A_1964 = arith.addf %add3A_1962, %slice3A_1963 : vector<1x128xf32>
      %slice3A_1965 = vector.extract_strided_slice %abs3A_1748 {offsets = [108, 0], sizes = [1, 128], strides = [1, 1]} : vector<222x128xf32> to vector<1x128xf32>
      %add3A_1966 = arith.addf %add3A_1964, %slice3A_1965 : vector<1x128xf32>
      %slice3A_1967 = vector.extract_strided_slice %abs3A_1748 {offsets = [109, 0], sizes = [1, 128], strides = [1, 1]} : vector<222x128xf32> to vector<1x128xf32>
      %add3A_1968 = arith.addf %add3A_1966, %slice3A_1967 : vector<1x128xf32>
      %slice3A_1969 = vector.extract_strided_slice %abs3A_1748 {offsets = [110, 0], sizes = [1, 128], strides = [1, 1]} : vector<222x128xf32> to vector<1x128xf32>
      %add3A_1970 = arith.addf %add3A_1968, %slice3A_1969 : vector<1x128xf32>
      %slice3A_1971 = vector.extract_strided_slice %abs3A_1748 {offsets = [111, 0], sizes = [1, 128], strides = [1, 1]} : vector<222x128xf32> to vector<1x128xf32>
      %add3A_1972 = arith.addf %add3A_1970, %slice3A_1971 : vector<1x128xf32>
      %slice3A_1973 = vector.extract_strided_slice %abs3A_1748 {offsets = [112, 0], sizes = [1, 128], strides = [1, 1]} : vector<222x128xf32> to vector<1x128xf32>
      %add3A_1974 = arith.addf %add3A_1972, %slice3A_1973 : vector<1x128xf32>
      %slice3A_1975 = vector.extract_strided_slice %abs3A_1748 {offsets = [113, 0], sizes = [1, 128], strides = [1, 1]} : vector<222x128xf32> to vector<1x128xf32>
      %add3A_1976 = arith.addf %add3A_1974, %slice3A_1975 : vector<1x128xf32>
      %slice3A_1977 = vector.extract_strided_slice %abs3A_1748 {offsets = [114, 0], sizes = [1, 128], strides = [1, 1]} : vector<222x128xf32> to vector<1x128xf32>
      %add3A_1978 = arith.addf %add3A_1976, %slice3A_1977 : vector<1x128xf32>
      %slice3A_1979 = vector.extract_strided_slice %abs3A_1748 {offsets = [115, 0], sizes = [1, 128], strides = [1, 1]} : vector<222x128xf32> to vector<1x128xf32>
      %add3A_1980 = arith.addf %add3A_1978, %slice3A_1979 : vector<1x128xf32>
      %slice3A_1981 = vector.extract_strided_slice %abs3A_1748 {offsets = [116, 0], sizes = [1, 128], strides = [1, 1]} : vector<222x128xf32> to vector<1x128xf32>
      %add3A_1982 = arith.addf %add3A_1980, %slice3A_1981 : vector<1x128xf32>
      %slice3A_1983 = vector.extract_strided_slice %abs3A_1748 {offsets = [117, 0], sizes = [1, 128], strides = [1, 1]} : vector<222x128xf32> to vector<1x128xf32>
      %add3A_1984 = arith.addf %add3A_1982, %slice3A_1983 : vector<1x128xf32>
      %slice3A_1985 = vector.extract_strided_slice %abs3A_1748 {offsets = [118, 0], sizes = [1, 128], strides = [1, 1]} : vector<222x128xf32> to vector<1x128xf32>
      %add3A_1986 = arith.addf %add3A_1984, %slice3A_1985 : vector<1x128xf32>
      %slice3A_1987 = vector.extract_strided_slice %abs3A_1748 {offsets = [119, 0], sizes = [1, 128], strides = [1, 1]} : vector<222x128xf32> to vector<1x128xf32>
      %add3A_1988 = arith.addf %add3A_1986, %slice3A_1987 : vector<1x128xf32>
      %slice3A_1989 = vector.extract_strided_slice %abs3A_1748 {offsets = [120, 0], sizes = [1, 128], strides = [1, 1]} : vector<222x128xf32> to vector<1x128xf32>
      %add3A_1990 = arith.addf %add3A_1988, %slice3A_1989 : vector<1x128xf32>
      %slice3A_1991 = vector.extract_strided_slice %abs3A_1748 {offsets = [121, 0], sizes = [1, 128], strides = [1, 1]} : vector<222x128xf32> to vector<1x128xf32>
      %add3A_1992 = arith.addf %add3A_1990, %slice3A_1991 : vector<1x128xf32>
      %slice3A_1993 = vector.extract_strided_slice %abs3A_1748 {offsets = [122, 0], sizes = [1, 128], strides = [1, 1]} : vector<222x128xf32> to vector<1x128xf32>
      %add3A_1994 = arith.addf %add3A_1992, %slice3A_1993 : vector<1x128xf32>
      %slice3A_1995 = vector.extract_strided_slice %abs3A_1748 {offsets = [123, 0], sizes = [1, 128], strides = [1, 1]} : vector<222x128xf32> to vector<1x128xf32>
      %add3A_1996 = arith.addf %add3A_1994, %slice3A_1995 : vector<1x128xf32>
      %slice3A_1997 = vector.extract_strided_slice %abs3A_1748 {offsets = [124, 0], sizes = [1, 128], strides = [1, 1]} : vector<222x128xf32> to vector<1x128xf32>
      %add3A_1998 = arith.addf %add3A_1996, %slice3A_1997 : vector<1x128xf32>
      %slice3A_1999 = vector.extract_strided_slice %abs3A_1748 {offsets = [125, 0], sizes = [1, 128], strides = [1, 1]} : vector<222x128xf32> to vector<1x128xf32>
      %add3A_2000 = arith.addf %add3A_1998, %slice3A_1999 : vector<1x128xf32>
      %slice3A_2001 = vector.extract_strided_slice %abs3A_1748 {offsets = [126, 0], sizes = [1, 128], strides = [1, 1]} : vector<222x128xf32> to vector<1x128xf32>
      %add3A_2002 = arith.addf %add3A_2000, %slice3A_2001 : vector<1x128xf32>
      %slice3A_2003 = vector.extract_strided_slice %abs3A_1748 {offsets = [127, 0], sizes = [1, 128], strides = [1, 1]} : vector<222x128xf32> to vector<1x128xf32>
      %add3A_2004 = arith.addf %add3A_2002, %slice3A_2003 : vector<1x128xf32>
      %slice3A_2005 = vector.extract_strided_slice %abs3A_1748 {offsets = [128, 0], sizes = [1, 128], strides = [1, 1]} : vector<222x128xf32> to vector<1x128xf32>
      %add3A_2006 = arith.addf %add3A_2004, %slice3A_2005 : vector<1x128xf32>
      %slice3A_2007 = vector.extract_strided_slice %abs3A_1748 {offsets = [129, 0], sizes = [1, 128], strides = [1, 1]} : vector<222x128xf32> to vector<1x128xf32>
      %add3A_2008 = arith.addf %add3A_2006, %slice3A_2007 : vector<1x128xf32>
      %slice3A_2009 = vector.extract_strided_slice %abs3A_1748 {offsets = [130, 0], sizes = [1, 128], strides = [1, 1]} : vector<222x128xf32> to vector<1x128xf32>
      %add3A_2010 = arith.addf %add3A_2008, %slice3A_2009 : vector<1x128xf32>
      %slice3A_2011 = vector.extract_strided_slice %abs3A_1748 {offsets = [131, 0], sizes = [1, 128], strides = [1, 1]} : vector<222x128xf32> to vector<1x128xf32>
      %add3A_2012 = arith.addf %add3A_2010, %slice3A_2011 : vector<1x128xf32>
      %slice3A_2013 = vector.extract_strided_slice %abs3A_1748 {offsets = [132, 0], sizes = [1, 128], strides = [1, 1]} : vector<222x128xf32> to vector<1x128xf32>
      %add3A_2014 = arith.addf %add3A_2012, %slice3A_2013 : vector<1x128xf32>
      %slice3A_2015 = vector.extract_strided_slice %abs3A_1748 {offsets = [133, 0], sizes = [1, 128], strides = [1, 1]} : vector<222x128xf32> to vector<1x128xf32>
      %add3A_2016 = arith.addf %add3A_2014, %slice3A_2015 : vector<1x128xf32>
      %slice3A_2017 = vector.extract_strided_slice %abs3A_1748 {offsets = [134, 0], sizes = [1, 128], strides = [1, 1]} : vector<222x128xf32> to vector<1x128xf32>
      %add3A_2018 = arith.addf %add3A_2016, %slice3A_2017 : vector<1x128xf32>
      %slice3A_2019 = vector.extract_strided_slice %abs3A_1748 {offsets = [135, 0], sizes = [1, 128], strides = [1, 1]} : vector<222x128xf32> to vector<1x128xf32>
      %add3A_2020 = arith.addf %add3A_2018, %slice3A_2019 : vector<1x128xf32>
      %slice3A_2021 = vector.extract_strided_slice %abs3A_1748 {offsets = [136, 0], sizes = [1, 128], strides = [1, 1]} : vector<222x128xf32> to vector<1x128xf32>
      %add3A_2022 = arith.addf %add3A_2020, %slice3A_2021 : vector<1x128xf32>
      %slice3A_2023 = vector.extract_strided_slice %abs3A_1748 {offsets = [137, 0], sizes = [1, 128], strides = [1, 1]} : vector<222x128xf32> to vector<1x128xf32>
      %add3A_2024 = arith.addf %add3A_2022, %slice3A_2023 : vector<1x128xf32>
      %slice3A_2025 = vector.extract_strided_slice %abs3A_1748 {offsets = [138, 0], sizes = [1, 128], strides = [1, 1]} : vector<222x128xf32> to vector<1x128xf32>
      %add3A_2026 = arith.addf %add3A_2024, %slice3A_2025 : vector<1x128xf32>
      %slice3A_2027 = vector.extract_strided_slice %abs3A_1748 {offsets = [139, 0], sizes = [1, 128], strides = [1, 1]} : vector<222x128xf32> to vector<1x128xf32>
      %add3A_2028 = arith.addf %add3A_2026, %slice3A_2027 : vector<1x128xf32>
      %slice3A_2029 = vector.extract_strided_slice %abs3A_1748 {offsets = [140, 0], sizes = [1, 128], strides = [1, 1]} : vector<222x128xf32> to vector<1x128xf32>
      %add3A_2030 = arith.addf %add3A_2028, %slice3A_2029 : vector<1x128xf32>
      %slice3A_2031 = vector.extract_strided_slice %abs3A_1748 {offsets = [141, 0], sizes = [1, 128], strides = [1, 1]} : vector<222x128xf32> to vector<1x128xf32>
      %add3A_2032 = arith.addf %add3A_2030, %slice3A_2031 : vector<1x128xf32>
      %slice3A_2033 = vector.extract_strided_slice %abs3A_1748 {offsets = [142, 0], sizes = [1, 128], strides = [1, 1]} : vector<222x128xf32> to vector<1x128xf32>
      %add3A_2034 = arith.addf %add3A_2032, %slice3A_2033 : vector<1x128xf32>
      %slice3A_2035 = vector.extract_strided_slice %abs3A_1748 {offsets = [143, 0], sizes = [1, 128], strides = [1, 1]} : vector<222x128xf32> to vector<1x128xf32>
      %add3A_2036 = arith.addf %add3A_2034, %slice3A_2035 : vector<1x128xf32>
      %slice3A_2037 = vector.extract_strided_slice %abs3A_1748 {offsets = [144, 0], sizes = [1, 128], strides = [1, 1]} : vector<222x128xf32> to vector<1x128xf32>
      %add3A_2038 = arith.addf %add3A_2036, %slice3A_2037 : vector<1x128xf32>
      %slice3A_2039 = vector.extract_strided_slice %abs3A_1748 {offsets = [145, 0], sizes = [1, 128], strides = [1, 1]} : vector<222x128xf32> to vector<1x128xf32>
      %add3A_2040 = arith.addf %add3A_2038, %slice3A_2039 : vector<1x128xf32>
      %slice3A_2041 = vector.extract_strided_slice %abs3A_1748 {offsets = [146, 0], sizes = [1, 128], strides = [1, 1]} : vector<222x128xf32> to vector<1x128xf32>
      %add3A_2042 = arith.addf %add3A_2040, %slice3A_2041 : vector<1x128xf32>
      %slice3A_2043 = vector.extract_strided_slice %abs3A_1748 {offsets = [147, 0], sizes = [1, 128], strides = [1, 1]} : vector<222x128xf32> to vector<1x128xf32>
      %add3A_2044 = arith.addf %add3A_2042, %slice3A_2043 : vector<1x128xf32>
      %slice3A_2045 = vector.extract_strided_slice %abs3A_1748 {offsets = [148, 0], sizes = [1, 128], strides = [1, 1]} : vector<222x128xf32> to vector<1x128xf32>
      %add3A_2046 = arith.addf %scan3A_126, %slice3A_2045 : vector<1x128xf32>
      %slice3A_2047 = vector.extract_strided_slice %abs3A_1748 {offsets = [149, 0], sizes = [1, 128], strides = [1, 1]} : vector<222x128xf32> to vector<1x128xf32>
      %add3A_2048 = arith.addf %add3A_2046, %slice3A_2047 : vector<1x128xf32>
      %slice3A_2049 = vector.extract_strided_slice %abs3A_1748 {offsets = [150, 0], sizes = [1, 128], strides = [1, 1]} : vector<222x128xf32> to vector<1x128xf32>
      %add3A_2050 = arith.addf %add3A_2048, %slice3A_2049 : vector<1x128xf32>
      %slice3A_2051 = vector.extract_strided_slice %abs3A_1748 {offsets = [151, 0], sizes = [1, 128], strides = [1, 1]} : vector<222x128xf32> to vector<1x128xf32>
      %add3A_2052 = arith.addf %add3A_2050, %slice3A_2051 : vector<1x128xf32>
      %slice3A_2053 = vector.extract_strided_slice %abs3A_1748 {offsets = [152, 0], sizes = [1, 128], strides = [1, 1]} : vector<222x128xf32> to vector<1x128xf32>
      %add3A_2054 = arith.addf %add3A_2052, %slice3A_2053 : vector<1x128xf32>
      %slice3A_2055 = vector.extract_strided_slice %abs3A_1748 {offsets = [153, 0], sizes = [1, 128], strides = [1, 1]} : vector<222x128xf32> to vector<1x128xf32>
      %add3A_2056 = arith.addf %add3A_2054, %slice3A_2055 : vector<1x128xf32>
      %slice3A_2057 = vector.extract_strided_slice %abs3A_1748 {offsets = [154, 0], sizes = [1, 128], strides = [1, 1]} : vector<222x128xf32> to vector<1x128xf32>
      %add3A_2058 = arith.addf %add3A_2056, %slice3A_2057 : vector<1x128xf32>
      %slice3A_2059 = vector.extract_strided_slice %abs3A_1748 {offsets = [155, 0], sizes = [1, 128], strides = [1, 1]} : vector<222x128xf32> to vector<1x128xf32>
      %add3A_2060 = arith.addf %add3A_2058, %slice3A_2059 : vector<1x128xf32>
      %slice3A_2061 = vector.extract_strided_slice %abs3A_1748 {offsets = [156, 0], sizes = [1, 128], strides = [1, 1]} : vector<222x128xf32> to vector<1x128xf32>
      %add3A_2062 = arith.addf %add3A_2060, %slice3A_2061 : vector<1x128xf32>
      %slice3A_2063 = vector.extract_strided_slice %abs3A_1748 {offsets = [157, 0], sizes = [1, 128], strides = [1, 1]} : vector<222x128xf32> to vector<1x128xf32>
      %add3A_2064 = arith.addf %add3A_2062, %slice3A_2063 : vector<1x128xf32>
      %slice3A_2065 = vector.extract_strided_slice %abs3A_1748 {offsets = [158, 0], sizes = [1, 128], strides = [1, 1]} : vector<222x128xf32> to vector<1x128xf32>
      %add3A_2066 = arith.addf %add3A_2064, %slice3A_2065 : vector<1x128xf32>
      %slice3A_2067 = vector.extract_strided_slice %abs3A_1748 {offsets = [159, 0], sizes = [1, 128], strides = [1, 1]} : vector<222x128xf32> to vector<1x128xf32>
      %add3A_2068 = arith.addf %add3A_2066, %slice3A_2067 : vector<1x128xf32>
      %slice3A_2069 = vector.extract_strided_slice %abs3A_1748 {offsets = [160, 0], sizes = [1, 128], strides = [1, 1]} : vector<222x128xf32> to vector<1x128xf32>
      %add3A_2070 = arith.addf %add3A_2068, %slice3A_2069 : vector<1x128xf32>
      %slice3A_2071 = vector.extract_strided_slice %abs3A_1748 {offsets = [161, 0], sizes = [1, 128], strides = [1, 1]} : vector<222x128xf32> to vector<1x128xf32>
      %add3A_2072 = arith.addf %add3A_2070, %slice3A_2071 : vector<1x128xf32>
      %slice3A_2073 = vector.extract_strided_slice %abs3A_1748 {offsets = [162, 0], sizes = [1, 128], strides = [1, 1]} : vector<222x128xf32> to vector<1x128xf32>
      %add3A_2074 = arith.addf %add3A_2072, %slice3A_2073 : vector<1x128xf32>
      %slice3A_2075 = vector.extract_strided_slice %abs3A_1748 {offsets = [163, 0], sizes = [1, 128], strides = [1, 1]} : vector<222x128xf32> to vector<1x128xf32>
      %add3A_2076 = arith.addf %add3A_2074, %slice3A_2075 : vector<1x128xf32>
      %slice3A_2077 = vector.extract_strided_slice %abs3A_1748 {offsets = [164, 0], sizes = [1, 128], strides = [1, 1]} : vector<222x128xf32> to vector<1x128xf32>
      %add3A_2078 = arith.addf %add3A_2076, %slice3A_2077 : vector<1x128xf32>
      %slice3A_2079 = vector.extract_strided_slice %abs3A_1748 {offsets = [165, 0], sizes = [1, 128], strides = [1, 1]} : vector<222x128xf32> to vector<1x128xf32>
      %add3A_2080 = arith.addf %add3A_2078, %slice3A_2079 : vector<1x128xf32>
      %slice3A_2081 = vector.extract_strided_slice %abs3A_1748 {offsets = [166, 0], sizes = [1, 128], strides = [1, 1]} : vector<222x128xf32> to vector<1x128xf32>
      %add3A_2082 = arith.addf %add3A_2080, %slice3A_2081 : vector<1x128xf32>
      %slice3A_2083 = vector.extract_strided_slice %abs3A_1748 {offsets = [167, 0], sizes = [1, 128], strides = [1, 1]} : vector<222x128xf32> to vector<1x128xf32>
      %add3A_2084 = arith.addf %add3A_2082, %slice3A_2083 : vector<1x128xf32>
      %slice3A_2085 = vector.extract_strided_slice %abs3A_1748 {offsets = [168, 0], sizes = [1, 128], strides = [1, 1]} : vector<222x128xf32> to vector<1x128xf32>
      %add3A_2086 = arith.addf %add3A_2084, %slice3A_2085 : vector<1x128xf32>
      %slice3A_2087 = vector.extract_strided_slice %abs3A_1748 {offsets = [169, 0], sizes = [1, 128], strides = [1, 1]} : vector<222x128xf32> to vector<1x128xf32>
      %add3A_2088 = arith.addf %add3A_2086, %slice3A_2087 : vector<1x128xf32>
      %slice3A_2089 = vector.extract_strided_slice %abs3A_1748 {offsets = [170, 0], sizes = [1, 128], strides = [1, 1]} : vector<222x128xf32> to vector<1x128xf32>
      %add3A_2090 = arith.addf %add3A_2088, %slice3A_2089 : vector<1x128xf32>
      %slice3A_2091 = vector.extract_strided_slice %abs3A_1748 {offsets = [171, 0], sizes = [1, 128], strides = [1, 1]} : vector<222x128xf32> to vector<1x128xf32>
      %add3A_2092 = arith.addf %add3A_2090, %slice3A_2091 : vector<1x128xf32>
      %slice3A_2093 = vector.extract_strided_slice %abs3A_1748 {offsets = [172, 0], sizes = [1, 128], strides = [1, 1]} : vector<222x128xf32> to vector<1x128xf32>
      %add3A_2094 = arith.addf %add3A_2092, %slice3A_2093 : vector<1x128xf32>
      %slice3A_2095 = vector.extract_strided_slice %abs3A_1748 {offsets = [173, 0], sizes = [1, 128], strides = [1, 1]} : vector<222x128xf32> to vector<1x128xf32>
      %add3A_2096 = arith.addf %add3A_2094, %slice3A_2095 : vector<1x128xf32>
      %slice3A_2097 = vector.extract_strided_slice %abs3A_1748 {offsets = [174, 0], sizes = [1, 128], strides = [1, 1]} : vector<222x128xf32> to vector<1x128xf32>
      %add3A_2098 = arith.addf %add3A_2096, %slice3A_2097 : vector<1x128xf32>
      %slice3A_2099 = vector.extract_strided_slice %abs3A_1748 {offsets = [175, 0], sizes = [1, 128], strides = [1, 1]} : vector<222x128xf32> to vector<1x128xf32>
      %add3A_2100 = arith.addf %add3A_2098, %slice3A_2099 : vector<1x128xf32>
      %slice3A_2101 = vector.extract_strided_slice %abs3A_1748 {offsets = [176, 0], sizes = [1, 128], strides = [1, 1]} : vector<222x128xf32> to vector<1x128xf32>
      %add3A_2102 = arith.addf %add3A_2100, %slice3A_2101 : vector<1x128xf32>
      %slice3A_2103 = vector.extract_strided_slice %abs3A_1748 {offsets = [177, 0], sizes = [1, 128], strides = [1, 1]} : vector<222x128xf32> to vector<1x128xf32>
      %add3A_2104 = arith.addf %add3A_2102, %slice3A_2103 : vector<1x128xf32>
      %slice3A_2105 = vector.extract_strided_slice %abs3A_1748 {offsets = [178, 0], sizes = [1, 128], strides = [1, 1]} : vector<222x128xf32> to vector<1x128xf32>
      %add3A_2106 = arith.addf %add3A_2104, %slice3A_2105 : vector<1x128xf32>
      %slice3A_2107 = vector.extract_strided_slice %abs3A_1748 {offsets = [179, 0], sizes = [1, 128], strides = [1, 1]} : vector<222x128xf32> to vector<1x128xf32>
      %add3A_2108 = arith.addf %add3A_2106, %slice3A_2107 : vector<1x128xf32>
      %slice3A_2109 = vector.extract_strided_slice %abs3A_1748 {offsets = [180, 0], sizes = [1, 128], strides = [1, 1]} : vector<222x128xf32> to vector<1x128xf32>
      %add3A_2110 = arith.addf %add3A_2108, %slice3A_2109 : vector<1x128xf32>
      %slice3A_2111 = vector.extract_strided_slice %abs3A_1748 {offsets = [181, 0], sizes = [1, 128], strides = [1, 1]} : vector<222x128xf32> to vector<1x128xf32>
      %add3A_2112 = arith.addf %add3A_2110, %slice3A_2111 : vector<1x128xf32>
      %slice3A_2113 = vector.extract_strided_slice %abs3A_1748 {offsets = [182, 0], sizes = [1, 128], strides = [1, 1]} : vector<222x128xf32> to vector<1x128xf32>
      %add3A_2114 = arith.addf %add3A_2112, %slice3A_2113 : vector<1x128xf32>
      %slice3A_2115 = vector.extract_strided_slice %abs3A_1748 {offsets = [183, 0], sizes = [1, 128], strides = [1, 1]} : vector<222x128xf32> to vector<1x128xf32>
      %add3A_2116 = arith.addf %add3A_2114, %slice3A_2115 : vector<1x128xf32>
      %slice3A_2117 = vector.extract_strided_slice %abs3A_1748 {offsets = [184, 0], sizes = [1, 128], strides = [1, 1]} : vector<222x128xf32> to vector<1x128xf32>
      %add3A_2118 = arith.addf %add3A_2116, %slice3A_2117 : vector<1x128xf32>
      %slice3A_2119 = vector.extract_strided_slice %abs3A_1748 {offsets = [185, 0], sizes = [1, 128], strides = [1, 1]} : vector<222x128xf32> to vector<1x128xf32>
      %add3A_2120 = arith.addf %add3A_2118, %slice3A_2119 : vector<1x128xf32>
      %slice3A_2121 = vector.extract_strided_slice %abs3A_1748 {offsets = [186, 0], sizes = [1, 128], strides = [1, 1]} : vector<222x128xf32> to vector<1x128xf32>
      %add3A_2122 = arith.addf %add3A_2120, %slice3A_2121 : vector<1x128xf32>
      %slice3A_2123 = vector.extract_strided_slice %abs3A_1748 {offsets = [187, 0], sizes = [1, 128], strides = [1, 1]} : vector<222x128xf32> to vector<1x128xf32>
      %add3A_2124 = arith.addf %add3A_2122, %slice3A_2123 : vector<1x128xf32>
      %slice3A_2125 = vector.extract_strided_slice %abs3A_1748 {offsets = [188, 0], sizes = [1, 128], strides = [1, 1]} : vector<222x128xf32> to vector<1x128xf32>
      %add3A_2126 = arith.addf %add3A_2124, %slice3A_2125 : vector<1x128xf32>
      %slice3A_2127 = vector.extract_strided_slice %abs3A_1748 {offsets = [189, 0], sizes = [1, 128], strides = [1, 1]} : vector<222x128xf32> to vector<1x128xf32>
      %add3A_2128 = arith.addf %add3A_2126, %slice3A_2127 : vector<1x128xf32>
      %slice3A_2129 = vector.extract_strided_slice %abs3A_1748 {offsets = [190, 0], sizes = [1, 128], strides = [1, 1]} : vector<222x128xf32> to vector<1x128xf32>
      %add3A_2130 = arith.addf %add3A_2128, %slice3A_2129 : vector<1x128xf32>
      %slice3A_2131 = vector.extract_strided_slice %abs3A_1748 {offsets = [191, 0], sizes = [1, 128], strides = [1, 1]} : vector<222x128xf32> to vector<1x128xf32>
      %add3A_2132 = arith.addf %add3A_2130, %slice3A_2131 : vector<1x128xf32>
      %slice3A_2133 = vector.extract_strided_slice %abs3A_1748 {offsets = [192, 0], sizes = [1, 128], strides = [1, 1]} : vector<222x128xf32> to vector<1x128xf32>
      %add3A_2134 = arith.addf %add3A_2132, %slice3A_2133 : vector<1x128xf32>
      %slice3A_2135 = vector.extract_strided_slice %abs3A_1748 {offsets = [193, 0], sizes = [1, 128], strides = [1, 1]} : vector<222x128xf32> to vector<1x128xf32>
      %add3A_2136 = arith.addf %add3A_2134, %slice3A_2135 : vector<1x128xf32>
      %slice3A_2137 = vector.extract_strided_slice %abs3A_1748 {offsets = [194, 0], sizes = [1, 128], strides = [1, 1]} : vector<222x128xf32> to vector<1x128xf32>
      %add3A_2138 = arith.addf %add3A_2136, %slice3A_2137 : vector<1x128xf32>
      %slice3A_2139 = vector.extract_strided_slice %abs3A_1748 {offsets = [195, 0], sizes = [1, 128], strides = [1, 1]} : vector<222x128xf32> to vector<1x128xf32>
      %add3A_2140 = arith.addf %add3A_2138, %slice3A_2139 : vector<1x128xf32>
      %slice3A_2141 = vector.extract_strided_slice %abs3A_1748 {offsets = [196, 0], sizes = [1, 128], strides = [1, 1]} : vector<222x128xf32> to vector<1x128xf32>
      %add3A_2142 = arith.addf %add3A_2140, %slice3A_2141 : vector<1x128xf32>
      %slice3A_2143 = vector.extract_strided_slice %abs3A_1748 {offsets = [197, 0], sizes = [1, 128], strides = [1, 1]} : vector<222x128xf32> to vector<1x128xf32>
      %add3A_2144 = arith.addf %add3A_2142, %slice3A_2143 : vector<1x128xf32>
      %slice3A_2145 = vector.extract_strided_slice %abs3A_1748 {offsets = [198, 0], sizes = [1, 128], strides = [1, 1]} : vector<222x128xf32> to vector<1x128xf32>
      %add3A_2146 = arith.addf %add3A_2144, %slice3A_2145 : vector<1x128xf32>
      %slice3A_2147 = vector.extract_strided_slice %abs3A_1748 {offsets = [199, 0], sizes = [1, 128], strides = [1, 1]} : vector<222x128xf32> to vector<1x128xf32>
      %add3A_2148 = arith.addf %add3A_2146, %slice3A_2147 : vector<1x128xf32>
      %slice3A_2149 = vector.extract_strided_slice %abs3A_1748 {offsets = [200, 0], sizes = [1, 128], strides = [1, 1]} : vector<222x128xf32> to vector<1x128xf32>
      %add3A_2150 = arith.addf %add3A_2148, %slice3A_2149 : vector<1x128xf32>
      %slice3A_2151 = vector.extract_strided_slice %abs3A_1748 {offsets = [201, 0], sizes = [1, 128], strides = [1, 1]} : vector<222x128xf32> to vector<1x128xf32>
      %add3A_2152 = arith.addf %add3A_2150, %slice3A_2151 : vector<1x128xf32>
      %slice3A_2153 = vector.extract_strided_slice %abs3A_1748 {offsets = [202, 0], sizes = [1, 128], strides = [1, 1]} : vector<222x128xf32> to vector<1x128xf32>
      %add3A_2154 = arith.addf %add3A_2152, %slice3A_2153 : vector<1x128xf32>
      %slice3A_2155 = vector.extract_strided_slice %abs3A_1748 {offsets = [203, 0], sizes = [1, 128], strides = [1, 1]} : vector<222x128xf32> to vector<1x128xf32>
      %add3A_2156 = arith.addf %add3A_2154, %slice3A_2155 : vector<1x128xf32>
      %slice3A_2157 = vector.extract_strided_slice %abs3A_1748 {offsets = [204, 0], sizes = [1, 128], strides = [1, 1]} : vector<222x128xf32> to vector<1x128xf32>
      %add3A_2158 = arith.addf %add3A_2156, %slice3A_2157 : vector<1x128xf32>
      %slice3A_2159 = vector.extract_strided_slice %abs3A_1748 {offsets = [205, 0], sizes = [1, 128], strides = [1, 1]} : vector<222x128xf32> to vector<1x128xf32>
      %add3A_2160 = arith.addf %add3A_2158, %slice3A_2159 : vector<1x128xf32>
      %slice3A_2161 = vector.extract_strided_slice %abs3A_1748 {offsets = [206, 0], sizes = [1, 128], strides = [1, 1]} : vector<222x128xf32> to vector<1x128xf32>
      %add3A_2162 = arith.addf %add3A_2160, %slice3A_2161 : vector<1x128xf32>
      %slice3A_2163 = vector.extract_strided_slice %abs3A_1748 {offsets = [207, 0], sizes = [1, 128], strides = [1, 1]} : vector<222x128xf32> to vector<1x128xf32>
      %add3A_2164 = arith.addf %add3A_2162, %slice3A_2163 : vector<1x128xf32>
      %slice3A_2165 = vector.extract_strided_slice %abs3A_1748 {offsets = [208, 0], sizes = [1, 128], strides = [1, 1]} : vector<222x128xf32> to vector<1x128xf32>
      %add3A_2166 = arith.addf %add3A_2164, %slice3A_2165 : vector<1x128xf32>
      %slice3A_2167 = vector.extract_strided_slice %abs3A_1748 {offsets = [209, 0], sizes = [1, 128], strides = [1, 1]} : vector<222x128xf32> to vector<1x128xf32>
      %add3A_2168 = arith.addf %add3A_2166, %slice3A_2167 : vector<1x128xf32>
      %slice3A_2169 = vector.extract_strided_slice %abs3A_1748 {offsets = [210, 0], sizes = [1, 128], strides = [1, 1]} : vector<222x128xf32> to vector<1x128xf32>
      %add3A_2170 = arith.addf %add3A_2168, %slice3A_2169 : vector<1x128xf32>
      %slice3A_2171 = vector.extract_strided_slice %abs3A_1748 {offsets = [211, 0], sizes = [1, 128], strides = [1, 1]} : vector<222x128xf32> to vector<1x128xf32>
      %add3A_2172 = arith.addf %add3A_2170, %slice3A_2171 : vector<1x128xf32>
      %slice3A_2173 = vector.extract_strided_slice %abs3A_1748 {offsets = [212, 0], sizes = [1, 128], strides = [1, 1]} : vector<222x128xf32> to vector<1x128xf32>
      %add3A_2174 = arith.addf %add3A_2172, %slice3A_2173 : vector<1x128xf32>
      %slice3A_2175 = vector.extract_strided_slice %abs3A_1748 {offsets = [213, 0], sizes = [1, 128], strides = [1, 1]} : vector<222x128xf32> to vector<1x128xf32>
      %add3A_2176 = arith.addf %add3A_2174, %slice3A_2175 : vector<1x128xf32>
      %slice3A_2177 = vector.extract_strided_slice %abs3A_1748 {offsets = [214, 0], sizes = [1, 128], strides = [1, 1]} : vector<222x128xf32> to vector<1x128xf32>
      %add3A_2178 = arith.addf %add3A_2176, %slice3A_2177 : vector<1x128xf32>
      %slice3A_2179 = vector.extract_strided_slice %abs3A_1748 {offsets = [215, 0], sizes = [1, 128], strides = [1, 1]} : vector<222x128xf32> to vector<1x128xf32>
      %add3A_2180 = arith.addf %add3A_2178, %slice3A_2179 : vector<1x128xf32>
      %slice3A_2181 = vector.extract_strided_slice %abs3A_1748 {offsets = [216, 0], sizes = [1, 128], strides = [1, 1]} : vector<222x128xf32> to vector<1x128xf32>
      %add3A_2182 = arith.addf %add3A_2180, %slice3A_2181 : vector<1x128xf32>
      %slice3A_2183 = vector.extract_strided_slice %abs3A_1748 {offsets = [217, 0], sizes = [1, 128], strides = [1, 1]} : vector<222x128xf32> to vector<1x128xf32>
      %add3A_2184 = arith.addf %add3A_2182, %slice3A_2183 : vector<1x128xf32>
      %slice3A_2185 = vector.extract_strided_slice %abs3A_1748 {offsets = [218, 0], sizes = [1, 128], strides = [1, 1]} : vector<222x128xf32> to vector<1x128xf32>
      %add3A_2186 = arith.addf %add3A_2184, %slice3A_2185 : vector<1x128xf32>
      %slice3A_2187 = vector.extract_strided_slice %abs3A_1748 {offsets = [219, 0], sizes = [1, 128], strides = [1, 1]} : vector<222x128xf32> to vector<1x128xf32>
      %add3A_2188 = arith.addf %add3A_2186, %slice3A_2187 : vector<1x128xf32>
      %slice3A_2189 = vector.extract_strided_slice %abs3A_1748 {offsets = [220, 0], sizes = [1, 128], strides = [1, 1]} : vector<222x128xf32> to vector<1x128xf32>
      %add3A_2190 = arith.addf %add3A_2188, %slice3A_2189 : vector<1x128xf32>
      %slice3A_2191 = vector.extract_strided_slice %abs3A_1748 {offsets = [221, 0], sizes = [1, 128], strides = [1, 1]} : vector<222x128xf32> to vector<1x128xf32>
      %add3A_2192 = arith.addf %add3A_2190, %slice3A_2191 : vector<1x128xf32>
      %add3A_2193 = arith.constant 148 : i32
      %add3A_2194 = arith.addi %add3A_2193, %scan3A_114 : i32
      %add3A_2195 = arith.constant 0 : i32
      %add3A_2196 = arith.addi %add3A_2194, %add3A_2195 : i32
      %get3A_2197 = arith.constant 0 : index
      %get3A_2198 = arith.index_cast %add3A_2196 : i32 to index
      %get3A_2199 = arith.constant 0 : index
      %get3A_2200 = arith.constant 0 : index
      %get3A_2201 = vector.load %arg2[%get3A_2197, %get3A_2198, %get3A_2199, %get3A_2200] : memref<1x224x224x128xbf16, #tpu.memory_space<vmem>>, vector<1x1x224x128xbf16>
      %get3A_2202 = vector.shape_cast %get3A_2201 : vector<1x1x224x128xbf16> to vector<1x224x128xbf16>
      %reshape3A_2203 = vector.shape_cast %get3A_2202 : vector<1x224x128xbf16> to vector<224x128xbf16>
      %convert_element_type3A_2204 = arith.extf %reshape3A_2203 : vector<224x128xbf16> to vector<224x128xf32>
      %add3A_2205 = arith.constant 148 : i32
      %add3A_2206 = arith.addi %add3A_2205, %scan3A_114 : i32
      %add3A_2207 = arith.constant 1 : i32
      %add3A_2208 = arith.addi %add3A_2206, %add3A_2207 : i32
      %get3A_2209 = arith.constant 0 : index
      %get3A_2210 = arith.index_cast %add3A_2208 : i32 to index
      %get3A_2211 = arith.constant 0 : index
      %get3A_2212 = arith.constant 0 : index
      %get3A_2213 = vector.load %arg2[%get3A_2209, %get3A_2210, %get3A_2211, %get3A_2212] : memref<1x224x224x128xbf16, #tpu.memory_space<vmem>>, vector<1x1x224x128xbf16>
      %get3A_2214 = vector.shape_cast %get3A_2213 : vector<1x1x224x128xbf16> to vector<1x224x128xbf16>
      %reshape3A_2215 = vector.shape_cast %get3A_2214 : vector<1x224x128xbf16> to vector<224x128xbf16>
      %convert_element_type3A_2216 = arith.extf %reshape3A_2215 : vector<224x128xbf16> to vector<224x128xf32>
      %add3A_2217 = arith.constant 148 : i32
      %add3A_2218 = arith.addi %add3A_2217, %scan3A_114 : i32
      %add3A_2219 = arith.constant 2 : i32
      %add3A_2220 = arith.addi %add3A_2218, %add3A_2219 : i32
      %get3A_2221 = arith.constant 0 : index
      %get3A_2222 = arith.index_cast %add3A_2220 : i32 to index
      %get3A_2223 = arith.constant 0 : index
      %get3A_2224 = arith.constant 0 : index
      %get3A_2225 = vector.load %arg2[%get3A_2221, %get3A_2222, %get3A_2223, %get3A_2224] : memref<1x224x224x128xbf16, #tpu.memory_space<vmem>>, vector<1x1x224x128xbf16>
      %get3A_2226 = vector.shape_cast %get3A_2225 : vector<1x1x224x128xbf16> to vector<1x224x128xbf16>
      %reshape3A_2227 = vector.shape_cast %get3A_2226 : vector<1x224x128xbf16> to vector<224x128xbf16>
      %convert_element_type3A_2228 = arith.extf %reshape3A_2227 : vector<224x128xbf16> to vector<224x128xf32>
      %slice3A_2229 = vector.extract_strided_slice %convert_element_type3A_2204 {offsets = [0, 0], sizes = [222, 128], strides = [1, 1]} : vector<224x128xf32> to vector<222x128xf32>
      %mul3A_2230 = vector.broadcast %convert_element_type3A_5 : f32 to vector<222x128xf32>
      %mul3A_2231 = arith.mulf %slice3A_2229, %mul3A_2230 : vector<222x128xf32>
      %slice3A_2232 = vector.extract_strided_slice %convert_element_type3A_2204 {offsets = [1, 0], sizes = [222, 128], strides = [1, 1]} : vector<224x128xf32> to vector<222x128xf32>
      %mul3A_2233 = vector.broadcast %convert_element_type3A_13 : f32 to vector<222x128xf32>
      %mul3A_2234 = arith.mulf %slice3A_2232, %mul3A_2233 : vector<222x128xf32>
      %add3A_2235 = arith.addf %mul3A_2231, %mul3A_2234 : vector<222x128xf32>
      %slice3A_2236 = vector.extract_strided_slice %convert_element_type3A_2204 {offsets = [2, 0], sizes = [222, 128], strides = [1, 1]} : vector<224x128xf32> to vector<222x128xf32>
      %mul3A_2237 = vector.broadcast %convert_element_type3A_21 : f32 to vector<222x128xf32>
      %mul3A_2238 = arith.mulf %slice3A_2236, %mul3A_2237 : vector<222x128xf32>
      %add3A_2239 = arith.addf %add3A_2235, %mul3A_2238 : vector<222x128xf32>
      %slice3A_2240 = vector.extract_strided_slice %convert_element_type3A_2216 {offsets = [0, 0], sizes = [222, 128], strides = [1, 1]} : vector<224x128xf32> to vector<222x128xf32>
      %mul3A_2241 = vector.broadcast %convert_element_type3A_29 : f32 to vector<222x128xf32>
      %mul3A_2242 = arith.mulf %slice3A_2240, %mul3A_2241 : vector<222x128xf32>
      %add3A_2243 = arith.addf %add3A_2239, %mul3A_2242 : vector<222x128xf32>
      %slice3A_2244 = vector.extract_strided_slice %convert_element_type3A_2216 {offsets = [1, 0], sizes = [222, 128], strides = [1, 1]} : vector<224x128xf32> to vector<222x128xf32>
      %mul3A_2245 = vector.broadcast %convert_element_type3A_37 : f32 to vector<222x128xf32>
      %mul3A_2246 = arith.mulf %slice3A_2244, %mul3A_2245 : vector<222x128xf32>
      %add3A_2247 = arith.addf %add3A_2243, %mul3A_2246 : vector<222x128xf32>
      %slice3A_2248 = vector.extract_strided_slice %convert_element_type3A_2216 {offsets = [2, 0], sizes = [222, 128], strides = [1, 1]} : vector<224x128xf32> to vector<222x128xf32>
      %mul3A_2249 = vector.broadcast %convert_element_type3A_45 : f32 to vector<222x128xf32>
      %mul3A_2250 = arith.mulf %slice3A_2248, %mul3A_2249 : vector<222x128xf32>
      %add3A_2251 = arith.addf %add3A_2247, %mul3A_2250 : vector<222x128xf32>
      %slice3A_2252 = vector.extract_strided_slice %convert_element_type3A_2228 {offsets = [0, 0], sizes = [222, 128], strides = [1, 1]} : vector<224x128xf32> to vector<222x128xf32>
      %mul3A_2253 = vector.broadcast %convert_element_type3A_53 : f32 to vector<222x128xf32>
      %mul3A_2254 = arith.mulf %slice3A_2252, %mul3A_2253 : vector<222x128xf32>
      %add3A_2255 = arith.addf %add3A_2251, %mul3A_2254 : vector<222x128xf32>
      %slice3A_2256 = vector.extract_strided_slice %convert_element_type3A_2228 {offsets = [1, 0], sizes = [222, 128], strides = [1, 1]} : vector<224x128xf32> to vector<222x128xf32>
      %mul3A_2257 = vector.broadcast %convert_element_type3A_61 : f32 to vector<222x128xf32>
      %mul3A_2258 = arith.mulf %slice3A_2256, %mul3A_2257 : vector<222x128xf32>
      %add3A_2259 = arith.addf %add3A_2255, %mul3A_2258 : vector<222x128xf32>
      %slice3A_2260 = vector.extract_strided_slice %convert_element_type3A_2228 {offsets = [2, 0], sizes = [222, 128], strides = [1, 1]} : vector<224x128xf32> to vector<222x128xf32>
      %mul3A_2261 = vector.broadcast %convert_element_type3A_69 : f32 to vector<222x128xf32>
      %mul3A_2262 = arith.mulf %slice3A_2260, %mul3A_2261 : vector<222x128xf32>
      %add3A_2263 = arith.addf %add3A_2259, %mul3A_2262 : vector<222x128xf32>
      %abs3A_2264 = math.absf %add3A_2263 : vector<222x128xf32>
      %slice3A_2265 = vector.extract_strided_slice %abs3A_2264 {offsets = [0, 0], sizes = [1, 128], strides = [1, 1]} : vector<222x128xf32> to vector<1x128xf32>
      %add3A_2266 = arith.addf %scan3A_127, %slice3A_2265 : vector<1x128xf32>
      %slice3A_2267 = vector.extract_strided_slice %abs3A_2264 {offsets = [1, 0], sizes = [1, 128], strides = [1, 1]} : vector<222x128xf32> to vector<1x128xf32>
      %add3A_2268 = arith.addf %add3A_2266, %slice3A_2267 : vector<1x128xf32>
      %slice3A_2269 = vector.extract_strided_slice %abs3A_2264 {offsets = [2, 0], sizes = [1, 128], strides = [1, 1]} : vector<222x128xf32> to vector<1x128xf32>
      %add3A_2270 = arith.addf %add3A_2268, %slice3A_2269 : vector<1x128xf32>
      %slice3A_2271 = vector.extract_strided_slice %abs3A_2264 {offsets = [3, 0], sizes = [1, 128], strides = [1, 1]} : vector<222x128xf32> to vector<1x128xf32>
      %add3A_2272 = arith.addf %add3A_2270, %slice3A_2271 : vector<1x128xf32>
      %slice3A_2273 = vector.extract_strided_slice %abs3A_2264 {offsets = [4, 0], sizes = [1, 128], strides = [1, 1]} : vector<222x128xf32> to vector<1x128xf32>
      %add3A_2274 = arith.addf %add3A_2272, %slice3A_2273 : vector<1x128xf32>
      %slice3A_2275 = vector.extract_strided_slice %abs3A_2264 {offsets = [5, 0], sizes = [1, 128], strides = [1, 1]} : vector<222x128xf32> to vector<1x128xf32>
      %add3A_2276 = arith.addf %add3A_2274, %slice3A_2275 : vector<1x128xf32>
      %slice3A_2277 = vector.extract_strided_slice %abs3A_2264 {offsets = [6, 0], sizes = [1, 128], strides = [1, 1]} : vector<222x128xf32> to vector<1x128xf32>
      %add3A_2278 = arith.addf %add3A_2276, %slice3A_2277 : vector<1x128xf32>
      %slice3A_2279 = vector.extract_strided_slice %abs3A_2264 {offsets = [7, 0], sizes = [1, 128], strides = [1, 1]} : vector<222x128xf32> to vector<1x128xf32>
      %add3A_2280 = arith.addf %add3A_2278, %slice3A_2279 : vector<1x128xf32>
      %slice3A_2281 = vector.extract_strided_slice %abs3A_2264 {offsets = [8, 0], sizes = [1, 128], strides = [1, 1]} : vector<222x128xf32> to vector<1x128xf32>
      %add3A_2282 = arith.addf %add3A_2280, %slice3A_2281 : vector<1x128xf32>
      %slice3A_2283 = vector.extract_strided_slice %abs3A_2264 {offsets = [9, 0], sizes = [1, 128], strides = [1, 1]} : vector<222x128xf32> to vector<1x128xf32>
      %add3A_2284 = arith.addf %add3A_2282, %slice3A_2283 : vector<1x128xf32>
      %slice3A_2285 = vector.extract_strided_slice %abs3A_2264 {offsets = [10, 0], sizes = [1, 128], strides = [1, 1]} : vector<222x128xf32> to vector<1x128xf32>
      %add3A_2286 = arith.addf %add3A_2284, %slice3A_2285 : vector<1x128xf32>
      %slice3A_2287 = vector.extract_strided_slice %abs3A_2264 {offsets = [11, 0], sizes = [1, 128], strides = [1, 1]} : vector<222x128xf32> to vector<1x128xf32>
      %add3A_2288 = arith.addf %add3A_2286, %slice3A_2287 : vector<1x128xf32>
      %slice3A_2289 = vector.extract_strided_slice %abs3A_2264 {offsets = [12, 0], sizes = [1, 128], strides = [1, 1]} : vector<222x128xf32> to vector<1x128xf32>
      %add3A_2290 = arith.addf %add3A_2288, %slice3A_2289 : vector<1x128xf32>
      %slice3A_2291 = vector.extract_strided_slice %abs3A_2264 {offsets = [13, 0], sizes = [1, 128], strides = [1, 1]} : vector<222x128xf32> to vector<1x128xf32>
      %add3A_2292 = arith.addf %add3A_2290, %slice3A_2291 : vector<1x128xf32>
      %slice3A_2293 = vector.extract_strided_slice %abs3A_2264 {offsets = [14, 0], sizes = [1, 128], strides = [1, 1]} : vector<222x128xf32> to vector<1x128xf32>
      %add3A_2294 = arith.addf %add3A_2292, %slice3A_2293 : vector<1x128xf32>
      %slice3A_2295 = vector.extract_strided_slice %abs3A_2264 {offsets = [15, 0], sizes = [1, 128], strides = [1, 1]} : vector<222x128xf32> to vector<1x128xf32>
      %add3A_2296 = arith.addf %add3A_2294, %slice3A_2295 : vector<1x128xf32>
      %slice3A_2297 = vector.extract_strided_slice %abs3A_2264 {offsets = [16, 0], sizes = [1, 128], strides = [1, 1]} : vector<222x128xf32> to vector<1x128xf32>
      %add3A_2298 = arith.addf %add3A_2296, %slice3A_2297 : vector<1x128xf32>
      %slice3A_2299 = vector.extract_strided_slice %abs3A_2264 {offsets = [17, 0], sizes = [1, 128], strides = [1, 1]} : vector<222x128xf32> to vector<1x128xf32>
      %add3A_2300 = arith.addf %add3A_2298, %slice3A_2299 : vector<1x128xf32>
      %slice3A_2301 = vector.extract_strided_slice %abs3A_2264 {offsets = [18, 0], sizes = [1, 128], strides = [1, 1]} : vector<222x128xf32> to vector<1x128xf32>
      %add3A_2302 = arith.addf %add3A_2300, %slice3A_2301 : vector<1x128xf32>
      %slice3A_2303 = vector.extract_strided_slice %abs3A_2264 {offsets = [19, 0], sizes = [1, 128], strides = [1, 1]} : vector<222x128xf32> to vector<1x128xf32>
      %add3A_2304 = arith.addf %add3A_2302, %slice3A_2303 : vector<1x128xf32>
      %slice3A_2305 = vector.extract_strided_slice %abs3A_2264 {offsets = [20, 0], sizes = [1, 128], strides = [1, 1]} : vector<222x128xf32> to vector<1x128xf32>
      %add3A_2306 = arith.addf %add3A_2304, %slice3A_2305 : vector<1x128xf32>
      %slice3A_2307 = vector.extract_strided_slice %abs3A_2264 {offsets = [21, 0], sizes = [1, 128], strides = [1, 1]} : vector<222x128xf32> to vector<1x128xf32>
      %add3A_2308 = arith.addf %add3A_2306, %slice3A_2307 : vector<1x128xf32>
      %slice3A_2309 = vector.extract_strided_slice %abs3A_2264 {offsets = [22, 0], sizes = [1, 128], strides = [1, 1]} : vector<222x128xf32> to vector<1x128xf32>
      %add3A_2310 = arith.addf %add3A_2308, %slice3A_2309 : vector<1x128xf32>
      %slice3A_2311 = vector.extract_strided_slice %abs3A_2264 {offsets = [23, 0], sizes = [1, 128], strides = [1, 1]} : vector<222x128xf32> to vector<1x128xf32>
      %add3A_2312 = arith.addf %add3A_2310, %slice3A_2311 : vector<1x128xf32>
      %slice3A_2313 = vector.extract_strided_slice %abs3A_2264 {offsets = [24, 0], sizes = [1, 128], strides = [1, 1]} : vector<222x128xf32> to vector<1x128xf32>
      %add3A_2314 = arith.addf %add3A_2312, %slice3A_2313 : vector<1x128xf32>
      %slice3A_2315 = vector.extract_strided_slice %abs3A_2264 {offsets = [25, 0], sizes = [1, 128], strides = [1, 1]} : vector<222x128xf32> to vector<1x128xf32>
      %add3A_2316 = arith.addf %add3A_2314, %slice3A_2315 : vector<1x128xf32>
      %slice3A_2317 = vector.extract_strided_slice %abs3A_2264 {offsets = [26, 0], sizes = [1, 128], strides = [1, 1]} : vector<222x128xf32> to vector<1x128xf32>
      %add3A_2318 = arith.addf %add3A_2316, %slice3A_2317 : vector<1x128xf32>
      %slice3A_2319 = vector.extract_strided_slice %abs3A_2264 {offsets = [27, 0], sizes = [1, 128], strides = [1, 1]} : vector<222x128xf32> to vector<1x128xf32>
      %add3A_2320 = arith.addf %add3A_2318, %slice3A_2319 : vector<1x128xf32>
      %slice3A_2321 = vector.extract_strided_slice %abs3A_2264 {offsets = [28, 0], sizes = [1, 128], strides = [1, 1]} : vector<222x128xf32> to vector<1x128xf32>
      %add3A_2322 = arith.addf %add3A_2320, %slice3A_2321 : vector<1x128xf32>
      %slice3A_2323 = vector.extract_strided_slice %abs3A_2264 {offsets = [29, 0], sizes = [1, 128], strides = [1, 1]} : vector<222x128xf32> to vector<1x128xf32>
      %add3A_2324 = arith.addf %add3A_2322, %slice3A_2323 : vector<1x128xf32>
      %slice3A_2325 = vector.extract_strided_slice %abs3A_2264 {offsets = [30, 0], sizes = [1, 128], strides = [1, 1]} : vector<222x128xf32> to vector<1x128xf32>
      %add3A_2326 = arith.addf %add3A_2324, %slice3A_2325 : vector<1x128xf32>
      %slice3A_2327 = vector.extract_strided_slice %abs3A_2264 {offsets = [31, 0], sizes = [1, 128], strides = [1, 1]} : vector<222x128xf32> to vector<1x128xf32>
      %add3A_2328 = arith.addf %add3A_2326, %slice3A_2327 : vector<1x128xf32>
      %slice3A_2329 = vector.extract_strided_slice %abs3A_2264 {offsets = [32, 0], sizes = [1, 128], strides = [1, 1]} : vector<222x128xf32> to vector<1x128xf32>
      %add3A_2330 = arith.addf %add3A_2328, %slice3A_2329 : vector<1x128xf32>
      %slice3A_2331 = vector.extract_strided_slice %abs3A_2264 {offsets = [33, 0], sizes = [1, 128], strides = [1, 1]} : vector<222x128xf32> to vector<1x128xf32>
      %add3A_2332 = arith.addf %add3A_2330, %slice3A_2331 : vector<1x128xf32>
      %slice3A_2333 = vector.extract_strided_slice %abs3A_2264 {offsets = [34, 0], sizes = [1, 128], strides = [1, 1]} : vector<222x128xf32> to vector<1x128xf32>
      %add3A_2334 = arith.addf %add3A_2332, %slice3A_2333 : vector<1x128xf32>
      %slice3A_2335 = vector.extract_strided_slice %abs3A_2264 {offsets = [35, 0], sizes = [1, 128], strides = [1, 1]} : vector<222x128xf32> to vector<1x128xf32>
      %add3A_2336 = arith.addf %add3A_2334, %slice3A_2335 : vector<1x128xf32>
      %slice3A_2337 = vector.extract_strided_slice %abs3A_2264 {offsets = [36, 0], sizes = [1, 128], strides = [1, 1]} : vector<222x128xf32> to vector<1x128xf32>
      %add3A_2338 = arith.addf %add3A_2336, %slice3A_2337 : vector<1x128xf32>
      %slice3A_2339 = vector.extract_strided_slice %abs3A_2264 {offsets = [37, 0], sizes = [1, 128], strides = [1, 1]} : vector<222x128xf32> to vector<1x128xf32>
      %add3A_2340 = arith.addf %add3A_2338, %slice3A_2339 : vector<1x128xf32>
      %slice3A_2341 = vector.extract_strided_slice %abs3A_2264 {offsets = [38, 0], sizes = [1, 128], strides = [1, 1]} : vector<222x128xf32> to vector<1x128xf32>
      %add3A_2342 = arith.addf %add3A_2340, %slice3A_2341 : vector<1x128xf32>
      %slice3A_2343 = vector.extract_strided_slice %abs3A_2264 {offsets = [39, 0], sizes = [1, 128], strides = [1, 1]} : vector<222x128xf32> to vector<1x128xf32>
      %add3A_2344 = arith.addf %add3A_2342, %slice3A_2343 : vector<1x128xf32>
      %slice3A_2345 = vector.extract_strided_slice %abs3A_2264 {offsets = [40, 0], sizes = [1, 128], strides = [1, 1]} : vector<222x128xf32> to vector<1x128xf32>
      %add3A_2346 = arith.addf %add3A_2344, %slice3A_2345 : vector<1x128xf32>
      %slice3A_2347 = vector.extract_strided_slice %abs3A_2264 {offsets = [41, 0], sizes = [1, 128], strides = [1, 1]} : vector<222x128xf32> to vector<1x128xf32>
      %add3A_2348 = arith.addf %add3A_2346, %slice3A_2347 : vector<1x128xf32>
      %slice3A_2349 = vector.extract_strided_slice %abs3A_2264 {offsets = [42, 0], sizes = [1, 128], strides = [1, 1]} : vector<222x128xf32> to vector<1x128xf32>
      %add3A_2350 = arith.addf %add3A_2348, %slice3A_2349 : vector<1x128xf32>
      %slice3A_2351 = vector.extract_strided_slice %abs3A_2264 {offsets = [43, 0], sizes = [1, 128], strides = [1, 1]} : vector<222x128xf32> to vector<1x128xf32>
      %add3A_2352 = arith.addf %add3A_2350, %slice3A_2351 : vector<1x128xf32>
      %slice3A_2353 = vector.extract_strided_slice %abs3A_2264 {offsets = [44, 0], sizes = [1, 128], strides = [1, 1]} : vector<222x128xf32> to vector<1x128xf32>
      %add3A_2354 = arith.addf %add3A_2352, %slice3A_2353 : vector<1x128xf32>
      %slice3A_2355 = vector.extract_strided_slice %abs3A_2264 {offsets = [45, 0], sizes = [1, 128], strides = [1, 1]} : vector<222x128xf32> to vector<1x128xf32>
      %add3A_2356 = arith.addf %add3A_2354, %slice3A_2355 : vector<1x128xf32>
      %slice3A_2357 = vector.extract_strided_slice %abs3A_2264 {offsets = [46, 0], sizes = [1, 128], strides = [1, 1]} : vector<222x128xf32> to vector<1x128xf32>
      %add3A_2358 = arith.addf %add3A_2356, %slice3A_2357 : vector<1x128xf32>
      %slice3A_2359 = vector.extract_strided_slice %abs3A_2264 {offsets = [47, 0], sizes = [1, 128], strides = [1, 1]} : vector<222x128xf32> to vector<1x128xf32>
      %add3A_2360 = arith.addf %add3A_2358, %slice3A_2359 : vector<1x128xf32>
      %slice3A_2361 = vector.extract_strided_slice %abs3A_2264 {offsets = [48, 0], sizes = [1, 128], strides = [1, 1]} : vector<222x128xf32> to vector<1x128xf32>
      %add3A_2362 = arith.addf %add3A_2360, %slice3A_2361 : vector<1x128xf32>
      %slice3A_2363 = vector.extract_strided_slice %abs3A_2264 {offsets = [49, 0], sizes = [1, 128], strides = [1, 1]} : vector<222x128xf32> to vector<1x128xf32>
      %add3A_2364 = arith.addf %add3A_2362, %slice3A_2363 : vector<1x128xf32>
      %slice3A_2365 = vector.extract_strided_slice %abs3A_2264 {offsets = [50, 0], sizes = [1, 128], strides = [1, 1]} : vector<222x128xf32> to vector<1x128xf32>
      %add3A_2366 = arith.addf %add3A_2364, %slice3A_2365 : vector<1x128xf32>
      %slice3A_2367 = vector.extract_strided_slice %abs3A_2264 {offsets = [51, 0], sizes = [1, 128], strides = [1, 1]} : vector<222x128xf32> to vector<1x128xf32>
      %add3A_2368 = arith.addf %add3A_2366, %slice3A_2367 : vector<1x128xf32>
      %slice3A_2369 = vector.extract_strided_slice %abs3A_2264 {offsets = [52, 0], sizes = [1, 128], strides = [1, 1]} : vector<222x128xf32> to vector<1x128xf32>
      %add3A_2370 = arith.addf %add3A_2368, %slice3A_2369 : vector<1x128xf32>
      %slice3A_2371 = vector.extract_strided_slice %abs3A_2264 {offsets = [53, 0], sizes = [1, 128], strides = [1, 1]} : vector<222x128xf32> to vector<1x128xf32>
      %add3A_2372 = arith.addf %add3A_2370, %slice3A_2371 : vector<1x128xf32>
      %slice3A_2373 = vector.extract_strided_slice %abs3A_2264 {offsets = [54, 0], sizes = [1, 128], strides = [1, 1]} : vector<222x128xf32> to vector<1x128xf32>
      %add3A_2374 = arith.addf %add3A_2372, %slice3A_2373 : vector<1x128xf32>
      %slice3A_2375 = vector.extract_strided_slice %abs3A_2264 {offsets = [55, 0], sizes = [1, 128], strides = [1, 1]} : vector<222x128xf32> to vector<1x128xf32>
      %add3A_2376 = arith.addf %add3A_2374, %slice3A_2375 : vector<1x128xf32>
      %slice3A_2377 = vector.extract_strided_slice %abs3A_2264 {offsets = [56, 0], sizes = [1, 128], strides = [1, 1]} : vector<222x128xf32> to vector<1x128xf32>
      %add3A_2378 = arith.addf %add3A_2376, %slice3A_2377 : vector<1x128xf32>
      %slice3A_2379 = vector.extract_strided_slice %abs3A_2264 {offsets = [57, 0], sizes = [1, 128], strides = [1, 1]} : vector<222x128xf32> to vector<1x128xf32>
      %add3A_2380 = arith.addf %add3A_2378, %slice3A_2379 : vector<1x128xf32>
      %slice3A_2381 = vector.extract_strided_slice %abs3A_2264 {offsets = [58, 0], sizes = [1, 128], strides = [1, 1]} : vector<222x128xf32> to vector<1x128xf32>
      %add3A_2382 = arith.addf %add3A_2380, %slice3A_2381 : vector<1x128xf32>
      %slice3A_2383 = vector.extract_strided_slice %abs3A_2264 {offsets = [59, 0], sizes = [1, 128], strides = [1, 1]} : vector<222x128xf32> to vector<1x128xf32>
      %add3A_2384 = arith.addf %add3A_2382, %slice3A_2383 : vector<1x128xf32>
      %slice3A_2385 = vector.extract_strided_slice %abs3A_2264 {offsets = [60, 0], sizes = [1, 128], strides = [1, 1]} : vector<222x128xf32> to vector<1x128xf32>
      %add3A_2386 = arith.addf %add3A_2384, %slice3A_2385 : vector<1x128xf32>
      %slice3A_2387 = vector.extract_strided_slice %abs3A_2264 {offsets = [61, 0], sizes = [1, 128], strides = [1, 1]} : vector<222x128xf32> to vector<1x128xf32>
      %add3A_2388 = arith.addf %add3A_2386, %slice3A_2387 : vector<1x128xf32>
      %slice3A_2389 = vector.extract_strided_slice %abs3A_2264 {offsets = [62, 0], sizes = [1, 128], strides = [1, 1]} : vector<222x128xf32> to vector<1x128xf32>
      %add3A_2390 = arith.addf %add3A_2388, %slice3A_2389 : vector<1x128xf32>
      %slice3A_2391 = vector.extract_strided_slice %abs3A_2264 {offsets = [63, 0], sizes = [1, 128], strides = [1, 1]} : vector<222x128xf32> to vector<1x128xf32>
      %add3A_2392 = arith.addf %add3A_2390, %slice3A_2391 : vector<1x128xf32>
      %slice3A_2393 = vector.extract_strided_slice %abs3A_2264 {offsets = [64, 0], sizes = [1, 128], strides = [1, 1]} : vector<222x128xf32> to vector<1x128xf32>
      %add3A_2394 = arith.addf %add3A_2392, %slice3A_2393 : vector<1x128xf32>
      %slice3A_2395 = vector.extract_strided_slice %abs3A_2264 {offsets = [65, 0], sizes = [1, 128], strides = [1, 1]} : vector<222x128xf32> to vector<1x128xf32>
      %add3A_2396 = arith.addf %add3A_2394, %slice3A_2395 : vector<1x128xf32>
      %slice3A_2397 = vector.extract_strided_slice %abs3A_2264 {offsets = [66, 0], sizes = [1, 128], strides = [1, 1]} : vector<222x128xf32> to vector<1x128xf32>
      %add3A_2398 = arith.addf %add3A_2396, %slice3A_2397 : vector<1x128xf32>
      %slice3A_2399 = vector.extract_strided_slice %abs3A_2264 {offsets = [67, 0], sizes = [1, 128], strides = [1, 1]} : vector<222x128xf32> to vector<1x128xf32>
      %add3A_2400 = arith.addf %add3A_2398, %slice3A_2399 : vector<1x128xf32>
      %slice3A_2401 = vector.extract_strided_slice %abs3A_2264 {offsets = [68, 0], sizes = [1, 128], strides = [1, 1]} : vector<222x128xf32> to vector<1x128xf32>
      %add3A_2402 = arith.addf %add3A_2400, %slice3A_2401 : vector<1x128xf32>
      %slice3A_2403 = vector.extract_strided_slice %abs3A_2264 {offsets = [69, 0], sizes = [1, 128], strides = [1, 1]} : vector<222x128xf32> to vector<1x128xf32>
      %add3A_2404 = arith.addf %add3A_2402, %slice3A_2403 : vector<1x128xf32>
      %slice3A_2405 = vector.extract_strided_slice %abs3A_2264 {offsets = [70, 0], sizes = [1, 128], strides = [1, 1]} : vector<222x128xf32> to vector<1x128xf32>
      %add3A_2406 = arith.addf %add3A_2404, %slice3A_2405 : vector<1x128xf32>
      %slice3A_2407 = vector.extract_strided_slice %abs3A_2264 {offsets = [71, 0], sizes = [1, 128], strides = [1, 1]} : vector<222x128xf32> to vector<1x128xf32>
      %add3A_2408 = arith.addf %add3A_2406, %slice3A_2407 : vector<1x128xf32>
      %slice3A_2409 = vector.extract_strided_slice %abs3A_2264 {offsets = [72, 0], sizes = [1, 128], strides = [1, 1]} : vector<222x128xf32> to vector<1x128xf32>
      %add3A_2410 = arith.addf %add3A_2408, %slice3A_2409 : vector<1x128xf32>
      %slice3A_2411 = vector.extract_strided_slice %abs3A_2264 {offsets = [73, 0], sizes = [1, 128], strides = [1, 1]} : vector<222x128xf32> to vector<1x128xf32>
      %add3A_2412 = arith.addf %add3A_2410, %slice3A_2411 : vector<1x128xf32>
      %slice3A_2413 = vector.extract_strided_slice %abs3A_2264 {offsets = [74, 0], sizes = [1, 128], strides = [1, 1]} : vector<222x128xf32> to vector<1x128xf32>
      %add3A_2414 = arith.addf %scan3A_128, %slice3A_2413 : vector<1x128xf32>
      %slice3A_2415 = vector.extract_strided_slice %abs3A_2264 {offsets = [75, 0], sizes = [1, 128], strides = [1, 1]} : vector<222x128xf32> to vector<1x128xf32>
      %add3A_2416 = arith.addf %add3A_2414, %slice3A_2415 : vector<1x128xf32>
      %slice3A_2417 = vector.extract_strided_slice %abs3A_2264 {offsets = [76, 0], sizes = [1, 128], strides = [1, 1]} : vector<222x128xf32> to vector<1x128xf32>
      %add3A_2418 = arith.addf %add3A_2416, %slice3A_2417 : vector<1x128xf32>
      %slice3A_2419 = vector.extract_strided_slice %abs3A_2264 {offsets = [77, 0], sizes = [1, 128], strides = [1, 1]} : vector<222x128xf32> to vector<1x128xf32>
      %add3A_2420 = arith.addf %add3A_2418, %slice3A_2419 : vector<1x128xf32>
      %slice3A_2421 = vector.extract_strided_slice %abs3A_2264 {offsets = [78, 0], sizes = [1, 128], strides = [1, 1]} : vector<222x128xf32> to vector<1x128xf32>
      %add3A_2422 = arith.addf %add3A_2420, %slice3A_2421 : vector<1x128xf32>
      %slice3A_2423 = vector.extract_strided_slice %abs3A_2264 {offsets = [79, 0], sizes = [1, 128], strides = [1, 1]} : vector<222x128xf32> to vector<1x128xf32>
      %add3A_2424 = arith.addf %add3A_2422, %slice3A_2423 : vector<1x128xf32>
      %slice3A_2425 = vector.extract_strided_slice %abs3A_2264 {offsets = [80, 0], sizes = [1, 128], strides = [1, 1]} : vector<222x128xf32> to vector<1x128xf32>
      %add3A_2426 = arith.addf %add3A_2424, %slice3A_2425 : vector<1x128xf32>
      %slice3A_2427 = vector.extract_strided_slice %abs3A_2264 {offsets = [81, 0], sizes = [1, 128], strides = [1, 1]} : vector<222x128xf32> to vector<1x128xf32>
      %add3A_2428 = arith.addf %add3A_2426, %slice3A_2427 : vector<1x128xf32>
      %slice3A_2429 = vector.extract_strided_slice %abs3A_2264 {offsets = [82, 0], sizes = [1, 128], strides = [1, 1]} : vector<222x128xf32> to vector<1x128xf32>
      %add3A_2430 = arith.addf %add3A_2428, %slice3A_2429 : vector<1x128xf32>
      %slice3A_2431 = vector.extract_strided_slice %abs3A_2264 {offsets = [83, 0], sizes = [1, 128], strides = [1, 1]} : vector<222x128xf32> to vector<1x128xf32>
      %add3A_2432 = arith.addf %add3A_2430, %slice3A_2431 : vector<1x128xf32>
      %slice3A_2433 = vector.extract_strided_slice %abs3A_2264 {offsets = [84, 0], sizes = [1, 128], strides = [1, 1]} : vector<222x128xf32> to vector<1x128xf32>
      %add3A_2434 = arith.addf %add3A_2432, %slice3A_2433 : vector<1x128xf32>
      %slice3A_2435 = vector.extract_strided_slice %abs3A_2264 {offsets = [85, 0], sizes = [1, 128], strides = [1, 1]} : vector<222x128xf32> to vector<1x128xf32>
      %add3A_2436 = arith.addf %add3A_2434, %slice3A_2435 : vector<1x128xf32>
      %slice3A_2437 = vector.extract_strided_slice %abs3A_2264 {offsets = [86, 0], sizes = [1, 128], strides = [1, 1]} : vector<222x128xf32> to vector<1x128xf32>
      %add3A_2438 = arith.addf %add3A_2436, %slice3A_2437 : vector<1x128xf32>
      %slice3A_2439 = vector.extract_strided_slice %abs3A_2264 {offsets = [87, 0], sizes = [1, 128], strides = [1, 1]} : vector<222x128xf32> to vector<1x128xf32>
      %add3A_2440 = arith.addf %add3A_2438, %slice3A_2439 : vector<1x128xf32>
      %slice3A_2441 = vector.extract_strided_slice %abs3A_2264 {offsets = [88, 0], sizes = [1, 128], strides = [1, 1]} : vector<222x128xf32> to vector<1x128xf32>
      %add3A_2442 = arith.addf %add3A_2440, %slice3A_2441 : vector<1x128xf32>
      %slice3A_2443 = vector.extract_strided_slice %abs3A_2264 {offsets = [89, 0], sizes = [1, 128], strides = [1, 1]} : vector<222x128xf32> to vector<1x128xf32>
      %add3A_2444 = arith.addf %add3A_2442, %slice3A_2443 : vector<1x128xf32>
      %slice3A_2445 = vector.extract_strided_slice %abs3A_2264 {offsets = [90, 0], sizes = [1, 128], strides = [1, 1]} : vector<222x128xf32> to vector<1x128xf32>
      %add3A_2446 = arith.addf %add3A_2444, %slice3A_2445 : vector<1x128xf32>
      %slice3A_2447 = vector.extract_strided_slice %abs3A_2264 {offsets = [91, 0], sizes = [1, 128], strides = [1, 1]} : vector<222x128xf32> to vector<1x128xf32>
      %add3A_2448 = arith.addf %add3A_2446, %slice3A_2447 : vector<1x128xf32>
      %slice3A_2449 = vector.extract_strided_slice %abs3A_2264 {offsets = [92, 0], sizes = [1, 128], strides = [1, 1]} : vector<222x128xf32> to vector<1x128xf32>
      %add3A_2450 = arith.addf %add3A_2448, %slice3A_2449 : vector<1x128xf32>
      %slice3A_2451 = vector.extract_strided_slice %abs3A_2264 {offsets = [93, 0], sizes = [1, 128], strides = [1, 1]} : vector<222x128xf32> to vector<1x128xf32>
      %add3A_2452 = arith.addf %add3A_2450, %slice3A_2451 : vector<1x128xf32>
      %slice3A_2453 = vector.extract_strided_slice %abs3A_2264 {offsets = [94, 0], sizes = [1, 128], strides = [1, 1]} : vector<222x128xf32> to vector<1x128xf32>
      %add3A_2454 = arith.addf %add3A_2452, %slice3A_2453 : vector<1x128xf32>
      %slice3A_2455 = vector.extract_strided_slice %abs3A_2264 {offsets = [95, 0], sizes = [1, 128], strides = [1, 1]} : vector<222x128xf32> to vector<1x128xf32>
      %add3A_2456 = arith.addf %add3A_2454, %slice3A_2455 : vector<1x128xf32>
      %slice3A_2457 = vector.extract_strided_slice %abs3A_2264 {offsets = [96, 0], sizes = [1, 128], strides = [1, 1]} : vector<222x128xf32> to vector<1x128xf32>
      %add3A_2458 = arith.addf %add3A_2456, %slice3A_2457 : vector<1x128xf32>
      %slice3A_2459 = vector.extract_strided_slice %abs3A_2264 {offsets = [97, 0], sizes = [1, 128], strides = [1, 1]} : vector<222x128xf32> to vector<1x128xf32>
      %add3A_2460 = arith.addf %add3A_2458, %slice3A_2459 : vector<1x128xf32>
      %slice3A_2461 = vector.extract_strided_slice %abs3A_2264 {offsets = [98, 0], sizes = [1, 128], strides = [1, 1]} : vector<222x128xf32> to vector<1x128xf32>
      %add3A_2462 = arith.addf %add3A_2460, %slice3A_2461 : vector<1x128xf32>
      %slice3A_2463 = vector.extract_strided_slice %abs3A_2264 {offsets = [99, 0], sizes = [1, 128], strides = [1, 1]} : vector<222x128xf32> to vector<1x128xf32>
      %add3A_2464 = arith.addf %add3A_2462, %slice3A_2463 : vector<1x128xf32>
      %slice3A_2465 = vector.extract_strided_slice %abs3A_2264 {offsets = [100, 0], sizes = [1, 128], strides = [1, 1]} : vector<222x128xf32> to vector<1x128xf32>
      %add3A_2466 = arith.addf %add3A_2464, %slice3A_2465 : vector<1x128xf32>
      %slice3A_2467 = vector.extract_strided_slice %abs3A_2264 {offsets = [101, 0], sizes = [1, 128], strides = [1, 1]} : vector<222x128xf32> to vector<1x128xf32>
      %add3A_2468 = arith.addf %add3A_2466, %slice3A_2467 : vector<1x128xf32>
      %slice3A_2469 = vector.extract_strided_slice %abs3A_2264 {offsets = [102, 0], sizes = [1, 128], strides = [1, 1]} : vector<222x128xf32> to vector<1x128xf32>
      %add3A_2470 = arith.addf %add3A_2468, %slice3A_2469 : vector<1x128xf32>
      %slice3A_2471 = vector.extract_strided_slice %abs3A_2264 {offsets = [103, 0], sizes = [1, 128], strides = [1, 1]} : vector<222x128xf32> to vector<1x128xf32>
      %add3A_2472 = arith.addf %add3A_2470, %slice3A_2471 : vector<1x128xf32>
      %slice3A_2473 = vector.extract_strided_slice %abs3A_2264 {offsets = [104, 0], sizes = [1, 128], strides = [1, 1]} : vector<222x128xf32> to vector<1x128xf32>
      %add3A_2474 = arith.addf %add3A_2472, %slice3A_2473 : vector<1x128xf32>
      %slice3A_2475 = vector.extract_strided_slice %abs3A_2264 {offsets = [105, 0], sizes = [1, 128], strides = [1, 1]} : vector<222x128xf32> to vector<1x128xf32>
      %add3A_2476 = arith.addf %add3A_2474, %slice3A_2475 : vector<1x128xf32>
      %slice3A_2477 = vector.extract_strided_slice %abs3A_2264 {offsets = [106, 0], sizes = [1, 128], strides = [1, 1]} : vector<222x128xf32> to vector<1x128xf32>
      %add3A_2478 = arith.addf %add3A_2476, %slice3A_2477 : vector<1x128xf32>
      %slice3A_2479 = vector.extract_strided_slice %abs3A_2264 {offsets = [107, 0], sizes = [1, 128], strides = [1, 1]} : vector<222x128xf32> to vector<1x128xf32>
      %add3A_2480 = arith.addf %add3A_2478, %slice3A_2479 : vector<1x128xf32>
      %slice3A_2481 = vector.extract_strided_slice %abs3A_2264 {offsets = [108, 0], sizes = [1, 128], strides = [1, 1]} : vector<222x128xf32> to vector<1x128xf32>
      %add3A_2482 = arith.addf %add3A_2480, %slice3A_2481 : vector<1x128xf32>
      %slice3A_2483 = vector.extract_strided_slice %abs3A_2264 {offsets = [109, 0], sizes = [1, 128], strides = [1, 1]} : vector<222x128xf32> to vector<1x128xf32>
      %add3A_2484 = arith.addf %add3A_2482, %slice3A_2483 : vector<1x128xf32>
      %slice3A_2485 = vector.extract_strided_slice %abs3A_2264 {offsets = [110, 0], sizes = [1, 128], strides = [1, 1]} : vector<222x128xf32> to vector<1x128xf32>
      %add3A_2486 = arith.addf %add3A_2484, %slice3A_2485 : vector<1x128xf32>
      %slice3A_2487 = vector.extract_strided_slice %abs3A_2264 {offsets = [111, 0], sizes = [1, 128], strides = [1, 1]} : vector<222x128xf32> to vector<1x128xf32>
      %add3A_2488 = arith.addf %add3A_2486, %slice3A_2487 : vector<1x128xf32>
      %slice3A_2489 = vector.extract_strided_slice %abs3A_2264 {offsets = [112, 0], sizes = [1, 128], strides = [1, 1]} : vector<222x128xf32> to vector<1x128xf32>
      %add3A_2490 = arith.addf %add3A_2488, %slice3A_2489 : vector<1x128xf32>
      %slice3A_2491 = vector.extract_strided_slice %abs3A_2264 {offsets = [113, 0], sizes = [1, 128], strides = [1, 1]} : vector<222x128xf32> to vector<1x128xf32>
      %add3A_2492 = arith.addf %add3A_2490, %slice3A_2491 : vector<1x128xf32>
      %slice3A_2493 = vector.extract_strided_slice %abs3A_2264 {offsets = [114, 0], sizes = [1, 128], strides = [1, 1]} : vector<222x128xf32> to vector<1x128xf32>
      %add3A_2494 = arith.addf %add3A_2492, %slice3A_2493 : vector<1x128xf32>
      %slice3A_2495 = vector.extract_strided_slice %abs3A_2264 {offsets = [115, 0], sizes = [1, 128], strides = [1, 1]} : vector<222x128xf32> to vector<1x128xf32>
      %add3A_2496 = arith.addf %add3A_2494, %slice3A_2495 : vector<1x128xf32>
      %slice3A_2497 = vector.extract_strided_slice %abs3A_2264 {offsets = [116, 0], sizes = [1, 128], strides = [1, 1]} : vector<222x128xf32> to vector<1x128xf32>
      %add3A_2498 = arith.addf %add3A_2496, %slice3A_2497 : vector<1x128xf32>
      %slice3A_2499 = vector.extract_strided_slice %abs3A_2264 {offsets = [117, 0], sizes = [1, 128], strides = [1, 1]} : vector<222x128xf32> to vector<1x128xf32>
      %add3A_2500 = arith.addf %add3A_2498, %slice3A_2499 : vector<1x128xf32>
      %slice3A_2501 = vector.extract_strided_slice %abs3A_2264 {offsets = [118, 0], sizes = [1, 128], strides = [1, 1]} : vector<222x128xf32> to vector<1x128xf32>
      %add3A_2502 = arith.addf %add3A_2500, %slice3A_2501 : vector<1x128xf32>
      %slice3A_2503 = vector.extract_strided_slice %abs3A_2264 {offsets = [119, 0], sizes = [1, 128], strides = [1, 1]} : vector<222x128xf32> to vector<1x128xf32>
      %add3A_2504 = arith.addf %add3A_2502, %slice3A_2503 : vector<1x128xf32>
      %slice3A_2505 = vector.extract_strided_slice %abs3A_2264 {offsets = [120, 0], sizes = [1, 128], strides = [1, 1]} : vector<222x128xf32> to vector<1x128xf32>
      %add3A_2506 = arith.addf %add3A_2504, %slice3A_2505 : vector<1x128xf32>
      %slice3A_2507 = vector.extract_strided_slice %abs3A_2264 {offsets = [121, 0], sizes = [1, 128], strides = [1, 1]} : vector<222x128xf32> to vector<1x128xf32>
      %add3A_2508 = arith.addf %add3A_2506, %slice3A_2507 : vector<1x128xf32>
      %slice3A_2509 = vector.extract_strided_slice %abs3A_2264 {offsets = [122, 0], sizes = [1, 128], strides = [1, 1]} : vector<222x128xf32> to vector<1x128xf32>
      %add3A_2510 = arith.addf %add3A_2508, %slice3A_2509 : vector<1x128xf32>
      %slice3A_2511 = vector.extract_strided_slice %abs3A_2264 {offsets = [123, 0], sizes = [1, 128], strides = [1, 1]} : vector<222x128xf32> to vector<1x128xf32>
      %add3A_2512 = arith.addf %add3A_2510, %slice3A_2511 : vector<1x128xf32>
      %slice3A_2513 = vector.extract_strided_slice %abs3A_2264 {offsets = [124, 0], sizes = [1, 128], strides = [1, 1]} : vector<222x128xf32> to vector<1x128xf32>
      %add3A_2514 = arith.addf %add3A_2512, %slice3A_2513 : vector<1x128xf32>
      %slice3A_2515 = vector.extract_strided_slice %abs3A_2264 {offsets = [125, 0], sizes = [1, 128], strides = [1, 1]} : vector<222x128xf32> to vector<1x128xf32>
      %add3A_2516 = arith.addf %add3A_2514, %slice3A_2515 : vector<1x128xf32>
      %slice3A_2517 = vector.extract_strided_slice %abs3A_2264 {offsets = [126, 0], sizes = [1, 128], strides = [1, 1]} : vector<222x128xf32> to vector<1x128xf32>
      %add3A_2518 = arith.addf %add3A_2516, %slice3A_2517 : vector<1x128xf32>
      %slice3A_2519 = vector.extract_strided_slice %abs3A_2264 {offsets = [127, 0], sizes = [1, 128], strides = [1, 1]} : vector<222x128xf32> to vector<1x128xf32>
      %add3A_2520 = arith.addf %add3A_2518, %slice3A_2519 : vector<1x128xf32>
      %slice3A_2521 = vector.extract_strided_slice %abs3A_2264 {offsets = [128, 0], sizes = [1, 128], strides = [1, 1]} : vector<222x128xf32> to vector<1x128xf32>
      %add3A_2522 = arith.addf %add3A_2520, %slice3A_2521 : vector<1x128xf32>
      %slice3A_2523 = vector.extract_strided_slice %abs3A_2264 {offsets = [129, 0], sizes = [1, 128], strides = [1, 1]} : vector<222x128xf32> to vector<1x128xf32>
      %add3A_2524 = arith.addf %add3A_2522, %slice3A_2523 : vector<1x128xf32>
      %slice3A_2525 = vector.extract_strided_slice %abs3A_2264 {offsets = [130, 0], sizes = [1, 128], strides = [1, 1]} : vector<222x128xf32> to vector<1x128xf32>
      %add3A_2526 = arith.addf %add3A_2524, %slice3A_2525 : vector<1x128xf32>
      %slice3A_2527 = vector.extract_strided_slice %abs3A_2264 {offsets = [131, 0], sizes = [1, 128], strides = [1, 1]} : vector<222x128xf32> to vector<1x128xf32>
      %add3A_2528 = arith.addf %add3A_2526, %slice3A_2527 : vector<1x128xf32>
      %slice3A_2529 = vector.extract_strided_slice %abs3A_2264 {offsets = [132, 0], sizes = [1, 128], strides = [1, 1]} : vector<222x128xf32> to vector<1x128xf32>
      %add3A_2530 = arith.addf %add3A_2528, %slice3A_2529 : vector<1x128xf32>
      %slice3A_2531 = vector.extract_strided_slice %abs3A_2264 {offsets = [133, 0], sizes = [1, 128], strides = [1, 1]} : vector<222x128xf32> to vector<1x128xf32>
      %add3A_2532 = arith.addf %add3A_2530, %slice3A_2531 : vector<1x128xf32>
      %slice3A_2533 = vector.extract_strided_slice %abs3A_2264 {offsets = [134, 0], sizes = [1, 128], strides = [1, 1]} : vector<222x128xf32> to vector<1x128xf32>
      %add3A_2534 = arith.addf %add3A_2532, %slice3A_2533 : vector<1x128xf32>
      %slice3A_2535 = vector.extract_strided_slice %abs3A_2264 {offsets = [135, 0], sizes = [1, 128], strides = [1, 1]} : vector<222x128xf32> to vector<1x128xf32>
      %add3A_2536 = arith.addf %add3A_2534, %slice3A_2535 : vector<1x128xf32>
      %slice3A_2537 = vector.extract_strided_slice %abs3A_2264 {offsets = [136, 0], sizes = [1, 128], strides = [1, 1]} : vector<222x128xf32> to vector<1x128xf32>
      %add3A_2538 = arith.addf %add3A_2536, %slice3A_2537 : vector<1x128xf32>
      %slice3A_2539 = vector.extract_strided_slice %abs3A_2264 {offsets = [137, 0], sizes = [1, 128], strides = [1, 1]} : vector<222x128xf32> to vector<1x128xf32>
      %add3A_2540 = arith.addf %add3A_2538, %slice3A_2539 : vector<1x128xf32>
      %slice3A_2541 = vector.extract_strided_slice %abs3A_2264 {offsets = [138, 0], sizes = [1, 128], strides = [1, 1]} : vector<222x128xf32> to vector<1x128xf32>
      %add3A_2542 = arith.addf %add3A_2540, %slice3A_2541 : vector<1x128xf32>
      %slice3A_2543 = vector.extract_strided_slice %abs3A_2264 {offsets = [139, 0], sizes = [1, 128], strides = [1, 1]} : vector<222x128xf32> to vector<1x128xf32>
      %add3A_2544 = arith.addf %add3A_2542, %slice3A_2543 : vector<1x128xf32>
      %slice3A_2545 = vector.extract_strided_slice %abs3A_2264 {offsets = [140, 0], sizes = [1, 128], strides = [1, 1]} : vector<222x128xf32> to vector<1x128xf32>
      %add3A_2546 = arith.addf %add3A_2544, %slice3A_2545 : vector<1x128xf32>
      %slice3A_2547 = vector.extract_strided_slice %abs3A_2264 {offsets = [141, 0], sizes = [1, 128], strides = [1, 1]} : vector<222x128xf32> to vector<1x128xf32>
      %add3A_2548 = arith.addf %add3A_2546, %slice3A_2547 : vector<1x128xf32>
      %slice3A_2549 = vector.extract_strided_slice %abs3A_2264 {offsets = [142, 0], sizes = [1, 128], strides = [1, 1]} : vector<222x128xf32> to vector<1x128xf32>
      %add3A_2550 = arith.addf %add3A_2548, %slice3A_2549 : vector<1x128xf32>
      %slice3A_2551 = vector.extract_strided_slice %abs3A_2264 {offsets = [143, 0], sizes = [1, 128], strides = [1, 1]} : vector<222x128xf32> to vector<1x128xf32>
      %add3A_2552 = arith.addf %add3A_2550, %slice3A_2551 : vector<1x128xf32>
      %slice3A_2553 = vector.extract_strided_slice %abs3A_2264 {offsets = [144, 0], sizes = [1, 128], strides = [1, 1]} : vector<222x128xf32> to vector<1x128xf32>
      %add3A_2554 = arith.addf %add3A_2552, %slice3A_2553 : vector<1x128xf32>
      %slice3A_2555 = vector.extract_strided_slice %abs3A_2264 {offsets = [145, 0], sizes = [1, 128], strides = [1, 1]} : vector<222x128xf32> to vector<1x128xf32>
      %add3A_2556 = arith.addf %add3A_2554, %slice3A_2555 : vector<1x128xf32>
      %slice3A_2557 = vector.extract_strided_slice %abs3A_2264 {offsets = [146, 0], sizes = [1, 128], strides = [1, 1]} : vector<222x128xf32> to vector<1x128xf32>
      %add3A_2558 = arith.addf %add3A_2556, %slice3A_2557 : vector<1x128xf32>
      %slice3A_2559 = vector.extract_strided_slice %abs3A_2264 {offsets = [147, 0], sizes = [1, 128], strides = [1, 1]} : vector<222x128xf32> to vector<1x128xf32>
      %add3A_2560 = arith.addf %add3A_2558, %slice3A_2559 : vector<1x128xf32>
      %slice3A_2561 = vector.extract_strided_slice %abs3A_2264 {offsets = [148, 0], sizes = [1, 128], strides = [1, 1]} : vector<222x128xf32> to vector<1x128xf32>
      %add3A_2562 = arith.addf %scan3A_129, %slice3A_2561 : vector<1x128xf32>
      %slice3A_2563 = vector.extract_strided_slice %abs3A_2264 {offsets = [149, 0], sizes = [1, 128], strides = [1, 1]} : vector<222x128xf32> to vector<1x128xf32>
      %add3A_2564 = arith.addf %add3A_2562, %slice3A_2563 : vector<1x128xf32>
      %slice3A_2565 = vector.extract_strided_slice %abs3A_2264 {offsets = [150, 0], sizes = [1, 128], strides = [1, 1]} : vector<222x128xf32> to vector<1x128xf32>
      %add3A_2566 = arith.addf %add3A_2564, %slice3A_2565 : vector<1x128xf32>
      %slice3A_2567 = vector.extract_strided_slice %abs3A_2264 {offsets = [151, 0], sizes = [1, 128], strides = [1, 1]} : vector<222x128xf32> to vector<1x128xf32>
      %add3A_2568 = arith.addf %add3A_2566, %slice3A_2567 : vector<1x128xf32>
      %slice3A_2569 = vector.extract_strided_slice %abs3A_2264 {offsets = [152, 0], sizes = [1, 128], strides = [1, 1]} : vector<222x128xf32> to vector<1x128xf32>
      %add3A_2570 = arith.addf %add3A_2568, %slice3A_2569 : vector<1x128xf32>
      %slice3A_2571 = vector.extract_strided_slice %abs3A_2264 {offsets = [153, 0], sizes = [1, 128], strides = [1, 1]} : vector<222x128xf32> to vector<1x128xf32>
      %add3A_2572 = arith.addf %add3A_2570, %slice3A_2571 : vector<1x128xf32>
      %slice3A_2573 = vector.extract_strided_slice %abs3A_2264 {offsets = [154, 0], sizes = [1, 128], strides = [1, 1]} : vector<222x128xf32> to vector<1x128xf32>
      %add3A_2574 = arith.addf %add3A_2572, %slice3A_2573 : vector<1x128xf32>
      %slice3A_2575 = vector.extract_strided_slice %abs3A_2264 {offsets = [155, 0], sizes = [1, 128], strides = [1, 1]} : vector<222x128xf32> to vector<1x128xf32>
      %add3A_2576 = arith.addf %add3A_2574, %slice3A_2575 : vector<1x128xf32>
      %slice3A_2577 = vector.extract_strided_slice %abs3A_2264 {offsets = [156, 0], sizes = [1, 128], strides = [1, 1]} : vector<222x128xf32> to vector<1x128xf32>
      %add3A_2578 = arith.addf %add3A_2576, %slice3A_2577 : vector<1x128xf32>
      %slice3A_2579 = vector.extract_strided_slice %abs3A_2264 {offsets = [157, 0], sizes = [1, 128], strides = [1, 1]} : vector<222x128xf32> to vector<1x128xf32>
      %add3A_2580 = arith.addf %add3A_2578, %slice3A_2579 : vector<1x128xf32>
      %slice3A_2581 = vector.extract_strided_slice %abs3A_2264 {offsets = [158, 0], sizes = [1, 128], strides = [1, 1]} : vector<222x128xf32> to vector<1x128xf32>
      %add3A_2582 = arith.addf %add3A_2580, %slice3A_2581 : vector<1x128xf32>
      %slice3A_2583 = vector.extract_strided_slice %abs3A_2264 {offsets = [159, 0], sizes = [1, 128], strides = [1, 1]} : vector<222x128xf32> to vector<1x128xf32>
      %add3A_2584 = arith.addf %add3A_2582, %slice3A_2583 : vector<1x128xf32>
      %slice3A_2585 = vector.extract_strided_slice %abs3A_2264 {offsets = [160, 0], sizes = [1, 128], strides = [1, 1]} : vector<222x128xf32> to vector<1x128xf32>
      %add3A_2586 = arith.addf %add3A_2584, %slice3A_2585 : vector<1x128xf32>
      %slice3A_2587 = vector.extract_strided_slice %abs3A_2264 {offsets = [161, 0], sizes = [1, 128], strides = [1, 1]} : vector<222x128xf32> to vector<1x128xf32>
      %add3A_2588 = arith.addf %add3A_2586, %slice3A_2587 : vector<1x128xf32>
      %slice3A_2589 = vector.extract_strided_slice %abs3A_2264 {offsets = [162, 0], sizes = [1, 128], strides = [1, 1]} : vector<222x128xf32> to vector<1x128xf32>
      %add3A_2590 = arith.addf %add3A_2588, %slice3A_2589 : vector<1x128xf32>
      %slice3A_2591 = vector.extract_strided_slice %abs3A_2264 {offsets = [163, 0], sizes = [1, 128], strides = [1, 1]} : vector<222x128xf32> to vector<1x128xf32>
      %add3A_2592 = arith.addf %add3A_2590, %slice3A_2591 : vector<1x128xf32>
      %slice3A_2593 = vector.extract_strided_slice %abs3A_2264 {offsets = [164, 0], sizes = [1, 128], strides = [1, 1]} : vector<222x128xf32> to vector<1x128xf32>
      %add3A_2594 = arith.addf %add3A_2592, %slice3A_2593 : vector<1x128xf32>
      %slice3A_2595 = vector.extract_strided_slice %abs3A_2264 {offsets = [165, 0], sizes = [1, 128], strides = [1, 1]} : vector<222x128xf32> to vector<1x128xf32>
      %add3A_2596 = arith.addf %add3A_2594, %slice3A_2595 : vector<1x128xf32>
      %slice3A_2597 = vector.extract_strided_slice %abs3A_2264 {offsets = [166, 0], sizes = [1, 128], strides = [1, 1]} : vector<222x128xf32> to vector<1x128xf32>
      %add3A_2598 = arith.addf %add3A_2596, %slice3A_2597 : vector<1x128xf32>
      %slice3A_2599 = vector.extract_strided_slice %abs3A_2264 {offsets = [167, 0], sizes = [1, 128], strides = [1, 1]} : vector<222x128xf32> to vector<1x128xf32>
      %add3A_2600 = arith.addf %add3A_2598, %slice3A_2599 : vector<1x128xf32>
      %slice3A_2601 = vector.extract_strided_slice %abs3A_2264 {offsets = [168, 0], sizes = [1, 128], strides = [1, 1]} : vector<222x128xf32> to vector<1x128xf32>
      %add3A_2602 = arith.addf %add3A_2600, %slice3A_2601 : vector<1x128xf32>
      %slice3A_2603 = vector.extract_strided_slice %abs3A_2264 {offsets = [169, 0], sizes = [1, 128], strides = [1, 1]} : vector<222x128xf32> to vector<1x128xf32>
      %add3A_2604 = arith.addf %add3A_2602, %slice3A_2603 : vector<1x128xf32>
      %slice3A_2605 = vector.extract_strided_slice %abs3A_2264 {offsets = [170, 0], sizes = [1, 128], strides = [1, 1]} : vector<222x128xf32> to vector<1x128xf32>
      %add3A_2606 = arith.addf %add3A_2604, %slice3A_2605 : vector<1x128xf32>
      %slice3A_2607 = vector.extract_strided_slice %abs3A_2264 {offsets = [171, 0], sizes = [1, 128], strides = [1, 1]} : vector<222x128xf32> to vector<1x128xf32>
      %add3A_2608 = arith.addf %add3A_2606, %slice3A_2607 : vector<1x128xf32>
      %slice3A_2609 = vector.extract_strided_slice %abs3A_2264 {offsets = [172, 0], sizes = [1, 128], strides = [1, 1]} : vector<222x128xf32> to vector<1x128xf32>
      %add3A_2610 = arith.addf %add3A_2608, %slice3A_2609 : vector<1x128xf32>
      %slice3A_2611 = vector.extract_strided_slice %abs3A_2264 {offsets = [173, 0], sizes = [1, 128], strides = [1, 1]} : vector<222x128xf32> to vector<1x128xf32>
      %add3A_2612 = arith.addf %add3A_2610, %slice3A_2611 : vector<1x128xf32>
      %slice3A_2613 = vector.extract_strided_slice %abs3A_2264 {offsets = [174, 0], sizes = [1, 128], strides = [1, 1]} : vector<222x128xf32> to vector<1x128xf32>
      %add3A_2614 = arith.addf %add3A_2612, %slice3A_2613 : vector<1x128xf32>
      %slice3A_2615 = vector.extract_strided_slice %abs3A_2264 {offsets = [175, 0], sizes = [1, 128], strides = [1, 1]} : vector<222x128xf32> to vector<1x128xf32>
      %add3A_2616 = arith.addf %add3A_2614, %slice3A_2615 : vector<1x128xf32>
      %slice3A_2617 = vector.extract_strided_slice %abs3A_2264 {offsets = [176, 0], sizes = [1, 128], strides = [1, 1]} : vector<222x128xf32> to vector<1x128xf32>
      %add3A_2618 = arith.addf %add3A_2616, %slice3A_2617 : vector<1x128xf32>
      %slice3A_2619 = vector.extract_strided_slice %abs3A_2264 {offsets = [177, 0], sizes = [1, 128], strides = [1, 1]} : vector<222x128xf32> to vector<1x128xf32>
      %add3A_2620 = arith.addf %add3A_2618, %slice3A_2619 : vector<1x128xf32>
      %slice3A_2621 = vector.extract_strided_slice %abs3A_2264 {offsets = [178, 0], sizes = [1, 128], strides = [1, 1]} : vector<222x128xf32> to vector<1x128xf32>
      %add3A_2622 = arith.addf %add3A_2620, %slice3A_2621 : vector<1x128xf32>
      %slice3A_2623 = vector.extract_strided_slice %abs3A_2264 {offsets = [179, 0], sizes = [1, 128], strides = [1, 1]} : vector<222x128xf32> to vector<1x128xf32>
      %add3A_2624 = arith.addf %add3A_2622, %slice3A_2623 : vector<1x128xf32>
      %slice3A_2625 = vector.extract_strided_slice %abs3A_2264 {offsets = [180, 0], sizes = [1, 128], strides = [1, 1]} : vector<222x128xf32> to vector<1x128xf32>
      %add3A_2626 = arith.addf %add3A_2624, %slice3A_2625 : vector<1x128xf32>
      %slice3A_2627 = vector.extract_strided_slice %abs3A_2264 {offsets = [181, 0], sizes = [1, 128], strides = [1, 1]} : vector<222x128xf32> to vector<1x128xf32>
      %add3A_2628 = arith.addf %add3A_2626, %slice3A_2627 : vector<1x128xf32>
      %slice3A_2629 = vector.extract_strided_slice %abs3A_2264 {offsets = [182, 0], sizes = [1, 128], strides = [1, 1]} : vector<222x128xf32> to vector<1x128xf32>
      %add3A_2630 = arith.addf %add3A_2628, %slice3A_2629 : vector<1x128xf32>
      %slice3A_2631 = vector.extract_strided_slice %abs3A_2264 {offsets = [183, 0], sizes = [1, 128], strides = [1, 1]} : vector<222x128xf32> to vector<1x128xf32>
      %add3A_2632 = arith.addf %add3A_2630, %slice3A_2631 : vector<1x128xf32>
      %slice3A_2633 = vector.extract_strided_slice %abs3A_2264 {offsets = [184, 0], sizes = [1, 128], strides = [1, 1]} : vector<222x128xf32> to vector<1x128xf32>
      %add3A_2634 = arith.addf %add3A_2632, %slice3A_2633 : vector<1x128xf32>
      %slice3A_2635 = vector.extract_strided_slice %abs3A_2264 {offsets = [185, 0], sizes = [1, 128], strides = [1, 1]} : vector<222x128xf32> to vector<1x128xf32>
      %add3A_2636 = arith.addf %add3A_2634, %slice3A_2635 : vector<1x128xf32>
      %slice3A_2637 = vector.extract_strided_slice %abs3A_2264 {offsets = [186, 0], sizes = [1, 128], strides = [1, 1]} : vector<222x128xf32> to vector<1x128xf32>
      %add3A_2638 = arith.addf %add3A_2636, %slice3A_2637 : vector<1x128xf32>
      %slice3A_2639 = vector.extract_strided_slice %abs3A_2264 {offsets = [187, 0], sizes = [1, 128], strides = [1, 1]} : vector<222x128xf32> to vector<1x128xf32>
      %add3A_2640 = arith.addf %add3A_2638, %slice3A_2639 : vector<1x128xf32>
      %slice3A_2641 = vector.extract_strided_slice %abs3A_2264 {offsets = [188, 0], sizes = [1, 128], strides = [1, 1]} : vector<222x128xf32> to vector<1x128xf32>
      %add3A_2642 = arith.addf %add3A_2640, %slice3A_2641 : vector<1x128xf32>
      %slice3A_2643 = vector.extract_strided_slice %abs3A_2264 {offsets = [189, 0], sizes = [1, 128], strides = [1, 1]} : vector<222x128xf32> to vector<1x128xf32>
      %add3A_2644 = arith.addf %add3A_2642, %slice3A_2643 : vector<1x128xf32>
      %slice3A_2645 = vector.extract_strided_slice %abs3A_2264 {offsets = [190, 0], sizes = [1, 128], strides = [1, 1]} : vector<222x128xf32> to vector<1x128xf32>
      %add3A_2646 = arith.addf %add3A_2644, %slice3A_2645 : vector<1x128xf32>
      %slice3A_2647 = vector.extract_strided_slice %abs3A_2264 {offsets = [191, 0], sizes = [1, 128], strides = [1, 1]} : vector<222x128xf32> to vector<1x128xf32>
      %add3A_2648 = arith.addf %add3A_2646, %slice3A_2647 : vector<1x128xf32>
      %slice3A_2649 = vector.extract_strided_slice %abs3A_2264 {offsets = [192, 0], sizes = [1, 128], strides = [1, 1]} : vector<222x128xf32> to vector<1x128xf32>
      %add3A_2650 = arith.addf %add3A_2648, %slice3A_2649 : vector<1x128xf32>
      %slice3A_2651 = vector.extract_strided_slice %abs3A_2264 {offsets = [193, 0], sizes = [1, 128], strides = [1, 1]} : vector<222x128xf32> to vector<1x128xf32>
      %add3A_2652 = arith.addf %add3A_2650, %slice3A_2651 : vector<1x128xf32>
      %slice3A_2653 = vector.extract_strided_slice %abs3A_2264 {offsets = [194, 0], sizes = [1, 128], strides = [1, 1]} : vector<222x128xf32> to vector<1x128xf32>
      %add3A_2654 = arith.addf %add3A_2652, %slice3A_2653 : vector<1x128xf32>
      %slice3A_2655 = vector.extract_strided_slice %abs3A_2264 {offsets = [195, 0], sizes = [1, 128], strides = [1, 1]} : vector<222x128xf32> to vector<1x128xf32>
      %add3A_2656 = arith.addf %add3A_2654, %slice3A_2655 : vector<1x128xf32>
      %slice3A_2657 = vector.extract_strided_slice %abs3A_2264 {offsets = [196, 0], sizes = [1, 128], strides = [1, 1]} : vector<222x128xf32> to vector<1x128xf32>
      %add3A_2658 = arith.addf %add3A_2656, %slice3A_2657 : vector<1x128xf32>
      %slice3A_2659 = vector.extract_strided_slice %abs3A_2264 {offsets = [197, 0], sizes = [1, 128], strides = [1, 1]} : vector<222x128xf32> to vector<1x128xf32>
      %add3A_2660 = arith.addf %add3A_2658, %slice3A_2659 : vector<1x128xf32>
      %slice3A_2661 = vector.extract_strided_slice %abs3A_2264 {offsets = [198, 0], sizes = [1, 128], strides = [1, 1]} : vector<222x128xf32> to vector<1x128xf32>
      %add3A_2662 = arith.addf %add3A_2660, %slice3A_2661 : vector<1x128xf32>
      %slice3A_2663 = vector.extract_strided_slice %abs3A_2264 {offsets = [199, 0], sizes = [1, 128], strides = [1, 1]} : vector<222x128xf32> to vector<1x128xf32>
      %add3A_2664 = arith.addf %add3A_2662, %slice3A_2663 : vector<1x128xf32>
      %slice3A_2665 = vector.extract_strided_slice %abs3A_2264 {offsets = [200, 0], sizes = [1, 128], strides = [1, 1]} : vector<222x128xf32> to vector<1x128xf32>
      %add3A_2666 = arith.addf %add3A_2664, %slice3A_2665 : vector<1x128xf32>
      %slice3A_2667 = vector.extract_strided_slice %abs3A_2264 {offsets = [201, 0], sizes = [1, 128], strides = [1, 1]} : vector<222x128xf32> to vector<1x128xf32>
      %add3A_2668 = arith.addf %add3A_2666, %slice3A_2667 : vector<1x128xf32>
      %slice3A_2669 = vector.extract_strided_slice %abs3A_2264 {offsets = [202, 0], sizes = [1, 128], strides = [1, 1]} : vector<222x128xf32> to vector<1x128xf32>
      %add3A_2670 = arith.addf %add3A_2668, %slice3A_2669 : vector<1x128xf32>
      %slice3A_2671 = vector.extract_strided_slice %abs3A_2264 {offsets = [203, 0], sizes = [1, 128], strides = [1, 1]} : vector<222x128xf32> to vector<1x128xf32>
      %add3A_2672 = arith.addf %add3A_2670, %slice3A_2671 : vector<1x128xf32>
      %slice3A_2673 = vector.extract_strided_slice %abs3A_2264 {offsets = [204, 0], sizes = [1, 128], strides = [1, 1]} : vector<222x128xf32> to vector<1x128xf32>
      %add3A_2674 = arith.addf %add3A_2672, %slice3A_2673 : vector<1x128xf32>
      %slice3A_2675 = vector.extract_strided_slice %abs3A_2264 {offsets = [205, 0], sizes = [1, 128], strides = [1, 1]} : vector<222x128xf32> to vector<1x128xf32>
      %add3A_2676 = arith.addf %add3A_2674, %slice3A_2675 : vector<1x128xf32>
      %slice3A_2677 = vector.extract_strided_slice %abs3A_2264 {offsets = [206, 0], sizes = [1, 128], strides = [1, 1]} : vector<222x128xf32> to vector<1x128xf32>
      %add3A_2678 = arith.addf %add3A_2676, %slice3A_2677 : vector<1x128xf32>
      %slice3A_2679 = vector.extract_strided_slice %abs3A_2264 {offsets = [207, 0], sizes = [1, 128], strides = [1, 1]} : vector<222x128xf32> to vector<1x128xf32>
      %add3A_2680 = arith.addf %add3A_2678, %slice3A_2679 : vector<1x128xf32>
      %slice3A_2681 = vector.extract_strided_slice %abs3A_2264 {offsets = [208, 0], sizes = [1, 128], strides = [1, 1]} : vector<222x128xf32> to vector<1x128xf32>
      %add3A_2682 = arith.addf %add3A_2680, %slice3A_2681 : vector<1x128xf32>
      %slice3A_2683 = vector.extract_strided_slice %abs3A_2264 {offsets = [209, 0], sizes = [1, 128], strides = [1, 1]} : vector<222x128xf32> to vector<1x128xf32>
      %add3A_2684 = arith.addf %add3A_2682, %slice3A_2683 : vector<1x128xf32>
      %slice3A_2685 = vector.extract_strided_slice %abs3A_2264 {offsets = [210, 0], sizes = [1, 128], strides = [1, 1]} : vector<222x128xf32> to vector<1x128xf32>
      %add3A_2686 = arith.addf %add3A_2684, %slice3A_2685 : vector<1x128xf32>
      %slice3A_2687 = vector.extract_strided_slice %abs3A_2264 {offsets = [211, 0], sizes = [1, 128], strides = [1, 1]} : vector<222x128xf32> to vector<1x128xf32>
      %add3A_2688 = arith.addf %add3A_2686, %slice3A_2687 : vector<1x128xf32>
      %slice3A_2689 = vector.extract_strided_slice %abs3A_2264 {offsets = [212, 0], sizes = [1, 128], strides = [1, 1]} : vector<222x128xf32> to vector<1x128xf32>
      %add3A_2690 = arith.addf %add3A_2688, %slice3A_2689 : vector<1x128xf32>
      %slice3A_2691 = vector.extract_strided_slice %abs3A_2264 {offsets = [213, 0], sizes = [1, 128], strides = [1, 1]} : vector<222x128xf32> to vector<1x128xf32>
      %add3A_2692 = arith.addf %add3A_2690, %slice3A_2691 : vector<1x128xf32>
      %slice3A_2693 = vector.extract_strided_slice %abs3A_2264 {offsets = [214, 0], sizes = [1, 128], strides = [1, 1]} : vector<222x128xf32> to vector<1x128xf32>
      %add3A_2694 = arith.addf %add3A_2692, %slice3A_2693 : vector<1x128xf32>
      %slice3A_2695 = vector.extract_strided_slice %abs3A_2264 {offsets = [215, 0], sizes = [1, 128], strides = [1, 1]} : vector<222x128xf32> to vector<1x128xf32>
      %add3A_2696 = arith.addf %add3A_2694, %slice3A_2695 : vector<1x128xf32>
      %slice3A_2697 = vector.extract_strided_slice %abs3A_2264 {offsets = [216, 0], sizes = [1, 128], strides = [1, 1]} : vector<222x128xf32> to vector<1x128xf32>
      %add3A_2698 = arith.addf %add3A_2696, %slice3A_2697 : vector<1x128xf32>
      %slice3A_2699 = vector.extract_strided_slice %abs3A_2264 {offsets = [217, 0], sizes = [1, 128], strides = [1, 1]} : vector<222x128xf32> to vector<1x128xf32>
      %add3A_2700 = arith.addf %add3A_2698, %slice3A_2699 : vector<1x128xf32>
      %slice3A_2701 = vector.extract_strided_slice %abs3A_2264 {offsets = [218, 0], sizes = [1, 128], strides = [1, 1]} : vector<222x128xf32> to vector<1x128xf32>
      %add3A_2702 = arith.addf %add3A_2700, %slice3A_2701 : vector<1x128xf32>
      %slice3A_2703 = vector.extract_strided_slice %abs3A_2264 {offsets = [219, 0], sizes = [1, 128], strides = [1, 1]} : vector<222x128xf32> to vector<1x128xf32>
      %add3A_2704 = arith.addf %add3A_2702, %slice3A_2703 : vector<1x128xf32>
      %slice3A_2705 = vector.extract_strided_slice %abs3A_2264 {offsets = [220, 0], sizes = [1, 128], strides = [1, 1]} : vector<222x128xf32> to vector<1x128xf32>
      %add3A_2706 = arith.addf %add3A_2704, %slice3A_2705 : vector<1x128xf32>
      %slice3A_2707 = vector.extract_strided_slice %abs3A_2264 {offsets = [221, 0], sizes = [1, 128], strides = [1, 1]} : vector<222x128xf32> to vector<1x128xf32>
      %add3A_2708 = arith.addf %add3A_2706, %slice3A_2707 : vector<1x128xf32>
      %add3A_2709 = arith.constant 185 : i32
      %add3A_2710 = arith.addi %add3A_2709, %scan3A_114 : i32
      %add3A_2711 = arith.constant 0 : i32
      %add3A_2712 = arith.addi %add3A_2710, %add3A_2711 : i32
      %get3A_2713 = arith.constant 0 : index
      %get3A_2714 = arith.index_cast %add3A_2712 : i32 to index
      %get3A_2715 = arith.constant 0 : index
      %get3A_2716 = arith.constant 0 : index
      %get3A_2717 = vector.load %arg2[%get3A_2713, %get3A_2714, %get3A_2715, %get3A_2716] : memref<1x224x224x128xbf16, #tpu.memory_space<vmem>>, vector<1x1x224x128xbf16>
      %get3A_2718 = vector.shape_cast %get3A_2717 : vector<1x1x224x128xbf16> to vector<1x224x128xbf16>
      %reshape3A_2719 = vector.shape_cast %get3A_2718 : vector<1x224x128xbf16> to vector<224x128xbf16>
      %convert_element_type3A_2720 = arith.extf %reshape3A_2719 : vector<224x128xbf16> to vector<224x128xf32>
      %add3A_2721 = arith.constant 185 : i32
      %add3A_2722 = arith.addi %add3A_2721, %scan3A_114 : i32
      %add3A_2723 = arith.constant 1 : i32
      %add3A_2724 = arith.addi %add3A_2722, %add3A_2723 : i32
      %get3A_2725 = arith.constant 0 : index
      %get3A_2726 = arith.index_cast %add3A_2724 : i32 to index
      %get3A_2727 = arith.constant 0 : index
      %get3A_2728 = arith.constant 0 : index
      %get3A_2729 = vector.load %arg2[%get3A_2725, %get3A_2726, %get3A_2727, %get3A_2728] : memref<1x224x224x128xbf16, #tpu.memory_space<vmem>>, vector<1x1x224x128xbf16>
      %get3A_2730 = vector.shape_cast %get3A_2729 : vector<1x1x224x128xbf16> to vector<1x224x128xbf16>
      %reshape3A_2731 = vector.shape_cast %get3A_2730 : vector<1x224x128xbf16> to vector<224x128xbf16>
      %convert_element_type3A_2732 = arith.extf %reshape3A_2731 : vector<224x128xbf16> to vector<224x128xf32>
      %add3A_2733 = arith.constant 185 : i32
      %add3A_2734 = arith.addi %add3A_2733, %scan3A_114 : i32
      %add3A_2735 = arith.constant 2 : i32
      %add3A_2736 = arith.addi %add3A_2734, %add3A_2735 : i32
      %get3A_2737 = arith.constant 0 : index
      %get3A_2738 = arith.index_cast %add3A_2736 : i32 to index
      %get3A_2739 = arith.constant 0 : index
      %get3A_2740 = arith.constant 0 : index
      %get3A_2741 = vector.load %arg2[%get3A_2737, %get3A_2738, %get3A_2739, %get3A_2740] : memref<1x224x224x128xbf16, #tpu.memory_space<vmem>>, vector<1x1x224x128xbf16>
      %get3A_2742 = vector.shape_cast %get3A_2741 : vector<1x1x224x128xbf16> to vector<1x224x128xbf16>
      %reshape3A_2743 = vector.shape_cast %get3A_2742 : vector<1x224x128xbf16> to vector<224x128xbf16>
      %convert_element_type3A_2744 = arith.extf %reshape3A_2743 : vector<224x128xbf16> to vector<224x128xf32>
      %slice3A_2745 = vector.extract_strided_slice %convert_element_type3A_2720 {offsets = [0, 0], sizes = [222, 128], strides = [1, 1]} : vector<224x128xf32> to vector<222x128xf32>
      %mul3A_2746 = vector.broadcast %convert_element_type3A_5 : f32 to vector<222x128xf32>
      %mul3A_2747 = arith.mulf %slice3A_2745, %mul3A_2746 : vector<222x128xf32>
      %slice3A_2748 = vector.extract_strided_slice %convert_element_type3A_2720 {offsets = [1, 0], sizes = [222, 128], strides = [1, 1]} : vector<224x128xf32> to vector<222x128xf32>
      %mul3A_2749 = vector.broadcast %convert_element_type3A_13 : f32 to vector<222x128xf32>
      %mul3A_2750 = arith.mulf %slice3A_2748, %mul3A_2749 : vector<222x128xf32>
      %add3A_2751 = arith.addf %mul3A_2747, %mul3A_2750 : vector<222x128xf32>
      %slice3A_2752 = vector.extract_strided_slice %convert_element_type3A_2720 {offsets = [2, 0], sizes = [222, 128], strides = [1, 1]} : vector<224x128xf32> to vector<222x128xf32>
      %mul3A_2753 = vector.broadcast %convert_element_type3A_21 : f32 to vector<222x128xf32>
      %mul3A_2754 = arith.mulf %slice3A_2752, %mul3A_2753 : vector<222x128xf32>
      %add3A_2755 = arith.addf %add3A_2751, %mul3A_2754 : vector<222x128xf32>
      %slice3A_2756 = vector.extract_strided_slice %convert_element_type3A_2732 {offsets = [0, 0], sizes = [222, 128], strides = [1, 1]} : vector<224x128xf32> to vector<222x128xf32>
      %mul3A_2757 = vector.broadcast %convert_element_type3A_29 : f32 to vector<222x128xf32>
      %mul3A_2758 = arith.mulf %slice3A_2756, %mul3A_2757 : vector<222x128xf32>
      %add3A_2759 = arith.addf %add3A_2755, %mul3A_2758 : vector<222x128xf32>
      %slice3A_2760 = vector.extract_strided_slice %convert_element_type3A_2732 {offsets = [1, 0], sizes = [222, 128], strides = [1, 1]} : vector<224x128xf32> to vector<222x128xf32>
      %mul3A_2761 = vector.broadcast %convert_element_type3A_37 : f32 to vector<222x128xf32>
      %mul3A_2762 = arith.mulf %slice3A_2760, %mul3A_2761 : vector<222x128xf32>
      %add3A_2763 = arith.addf %add3A_2759, %mul3A_2762 : vector<222x128xf32>
      %slice3A_2764 = vector.extract_strided_slice %convert_element_type3A_2732 {offsets = [2, 0], sizes = [222, 128], strides = [1, 1]} : vector<224x128xf32> to vector<222x128xf32>
      %mul3A_2765 = vector.broadcast %convert_element_type3A_45 : f32 to vector<222x128xf32>
      %mul3A_2766 = arith.mulf %slice3A_2764, %mul3A_2765 : vector<222x128xf32>
      %add3A_2767 = arith.addf %add3A_2763, %mul3A_2766 : vector<222x128xf32>
      %slice3A_2768 = vector.extract_strided_slice %convert_element_type3A_2744 {offsets = [0, 0], sizes = [222, 128], strides = [1, 1]} : vector<224x128xf32> to vector<222x128xf32>
      %mul3A_2769 = vector.broadcast %convert_element_type3A_53 : f32 to vector<222x128xf32>
      %mul3A_2770 = arith.mulf %slice3A_2768, %mul3A_2769 : vector<222x128xf32>
      %add3A_2771 = arith.addf %add3A_2767, %mul3A_2770 : vector<222x128xf32>
      %slice3A_2772 = vector.extract_strided_slice %convert_element_type3A_2744 {offsets = [1, 0], sizes = [222, 128], strides = [1, 1]} : vector<224x128xf32> to vector<222x128xf32>
      %mul3A_2773 = vector.broadcast %convert_element_type3A_61 : f32 to vector<222x128xf32>
      %mul3A_2774 = arith.mulf %slice3A_2772, %mul3A_2773 : vector<222x128xf32>
      %add3A_2775 = arith.addf %add3A_2771, %mul3A_2774 : vector<222x128xf32>
      %slice3A_2776 = vector.extract_strided_slice %convert_element_type3A_2744 {offsets = [2, 0], sizes = [222, 128], strides = [1, 1]} : vector<224x128xf32> to vector<222x128xf32>
      %mul3A_2777 = vector.broadcast %convert_element_type3A_69 : f32 to vector<222x128xf32>
      %mul3A_2778 = arith.mulf %slice3A_2776, %mul3A_2777 : vector<222x128xf32>
      %add3A_2779 = arith.addf %add3A_2775, %mul3A_2778 : vector<222x128xf32>
      %abs3A_2780 = math.absf %add3A_2779 : vector<222x128xf32>
      %slice3A_2781 = vector.extract_strided_slice %abs3A_2780 {offsets = [0, 0], sizes = [1, 128], strides = [1, 1]} : vector<222x128xf32> to vector<1x128xf32>
      %add3A_2782 = arith.addf %scan3A_130, %slice3A_2781 : vector<1x128xf32>
      %slice3A_2783 = vector.extract_strided_slice %abs3A_2780 {offsets = [1, 0], sizes = [1, 128], strides = [1, 1]} : vector<222x128xf32> to vector<1x128xf32>
      %add3A_2784 = arith.addf %add3A_2782, %slice3A_2783 : vector<1x128xf32>
      %slice3A_2785 = vector.extract_strided_slice %abs3A_2780 {offsets = [2, 0], sizes = [1, 128], strides = [1, 1]} : vector<222x128xf32> to vector<1x128xf32>
      %add3A_2786 = arith.addf %add3A_2784, %slice3A_2785 : vector<1x128xf32>
      %slice3A_2787 = vector.extract_strided_slice %abs3A_2780 {offsets = [3, 0], sizes = [1, 128], strides = [1, 1]} : vector<222x128xf32> to vector<1x128xf32>
      %add3A_2788 = arith.addf %add3A_2786, %slice3A_2787 : vector<1x128xf32>
      %slice3A_2789 = vector.extract_strided_slice %abs3A_2780 {offsets = [4, 0], sizes = [1, 128], strides = [1, 1]} : vector<222x128xf32> to vector<1x128xf32>
      %add3A_2790 = arith.addf %add3A_2788, %slice3A_2789 : vector<1x128xf32>
      %slice3A_2791 = vector.extract_strided_slice %abs3A_2780 {offsets = [5, 0], sizes = [1, 128], strides = [1, 1]} : vector<222x128xf32> to vector<1x128xf32>
      %add3A_2792 = arith.addf %add3A_2790, %slice3A_2791 : vector<1x128xf32>
      %slice3A_2793 = vector.extract_strided_slice %abs3A_2780 {offsets = [6, 0], sizes = [1, 128], strides = [1, 1]} : vector<222x128xf32> to vector<1x128xf32>
      %add3A_2794 = arith.addf %add3A_2792, %slice3A_2793 : vector<1x128xf32>
      %slice3A_2795 = vector.extract_strided_slice %abs3A_2780 {offsets = [7, 0], sizes = [1, 128], strides = [1, 1]} : vector<222x128xf32> to vector<1x128xf32>
      %add3A_2796 = arith.addf %add3A_2794, %slice3A_2795 : vector<1x128xf32>
      %slice3A_2797 = vector.extract_strided_slice %abs3A_2780 {offsets = [8, 0], sizes = [1, 128], strides = [1, 1]} : vector<222x128xf32> to vector<1x128xf32>
      %add3A_2798 = arith.addf %add3A_2796, %slice3A_2797 : vector<1x128xf32>
      %slice3A_2799 = vector.extract_strided_slice %abs3A_2780 {offsets = [9, 0], sizes = [1, 128], strides = [1, 1]} : vector<222x128xf32> to vector<1x128xf32>
      %add3A_2800 = arith.addf %add3A_2798, %slice3A_2799 : vector<1x128xf32>
      %slice3A_2801 = vector.extract_strided_slice %abs3A_2780 {offsets = [10, 0], sizes = [1, 128], strides = [1, 1]} : vector<222x128xf32> to vector<1x128xf32>
      %add3A_2802 = arith.addf %add3A_2800, %slice3A_2801 : vector<1x128xf32>
      %slice3A_2803 = vector.extract_strided_slice %abs3A_2780 {offsets = [11, 0], sizes = [1, 128], strides = [1, 1]} : vector<222x128xf32> to vector<1x128xf32>
      %add3A_2804 = arith.addf %add3A_2802, %slice3A_2803 : vector<1x128xf32>
      %slice3A_2805 = vector.extract_strided_slice %abs3A_2780 {offsets = [12, 0], sizes = [1, 128], strides = [1, 1]} : vector<222x128xf32> to vector<1x128xf32>
      %add3A_2806 = arith.addf %add3A_2804, %slice3A_2805 : vector<1x128xf32>
      %slice3A_2807 = vector.extract_strided_slice %abs3A_2780 {offsets = [13, 0], sizes = [1, 128], strides = [1, 1]} : vector<222x128xf32> to vector<1x128xf32>
      %add3A_2808 = arith.addf %add3A_2806, %slice3A_2807 : vector<1x128xf32>
      %slice3A_2809 = vector.extract_strided_slice %abs3A_2780 {offsets = [14, 0], sizes = [1, 128], strides = [1, 1]} : vector<222x128xf32> to vector<1x128xf32>
      %add3A_2810 = arith.addf %add3A_2808, %slice3A_2809 : vector<1x128xf32>
      %slice3A_2811 = vector.extract_strided_slice %abs3A_2780 {offsets = [15, 0], sizes = [1, 128], strides = [1, 1]} : vector<222x128xf32> to vector<1x128xf32>
      %add3A_2812 = arith.addf %add3A_2810, %slice3A_2811 : vector<1x128xf32>
      %slice3A_2813 = vector.extract_strided_slice %abs3A_2780 {offsets = [16, 0], sizes = [1, 128], strides = [1, 1]} : vector<222x128xf32> to vector<1x128xf32>
      %add3A_2814 = arith.addf %add3A_2812, %slice3A_2813 : vector<1x128xf32>
      %slice3A_2815 = vector.extract_strided_slice %abs3A_2780 {offsets = [17, 0], sizes = [1, 128], strides = [1, 1]} : vector<222x128xf32> to vector<1x128xf32>
      %add3A_2816 = arith.addf %add3A_2814, %slice3A_2815 : vector<1x128xf32>
      %slice3A_2817 = vector.extract_strided_slice %abs3A_2780 {offsets = [18, 0], sizes = [1, 128], strides = [1, 1]} : vector<222x128xf32> to vector<1x128xf32>
      %add3A_2818 = arith.addf %add3A_2816, %slice3A_2817 : vector<1x128xf32>
      %slice3A_2819 = vector.extract_strided_slice %abs3A_2780 {offsets = [19, 0], sizes = [1, 128], strides = [1, 1]} : vector<222x128xf32> to vector<1x128xf32>
      %add3A_2820 = arith.addf %add3A_2818, %slice3A_2819 : vector<1x128xf32>
      %slice3A_2821 = vector.extract_strided_slice %abs3A_2780 {offsets = [20, 0], sizes = [1, 128], strides = [1, 1]} : vector<222x128xf32> to vector<1x128xf32>
      %add3A_2822 = arith.addf %add3A_2820, %slice3A_2821 : vector<1x128xf32>
      %slice3A_2823 = vector.extract_strided_slice %abs3A_2780 {offsets = [21, 0], sizes = [1, 128], strides = [1, 1]} : vector<222x128xf32> to vector<1x128xf32>
      %add3A_2824 = arith.addf %add3A_2822, %slice3A_2823 : vector<1x128xf32>
      %slice3A_2825 = vector.extract_strided_slice %abs3A_2780 {offsets = [22, 0], sizes = [1, 128], strides = [1, 1]} : vector<222x128xf32> to vector<1x128xf32>
      %add3A_2826 = arith.addf %add3A_2824, %slice3A_2825 : vector<1x128xf32>
      %slice3A_2827 = vector.extract_strided_slice %abs3A_2780 {offsets = [23, 0], sizes = [1, 128], strides = [1, 1]} : vector<222x128xf32> to vector<1x128xf32>
      %add3A_2828 = arith.addf %add3A_2826, %slice3A_2827 : vector<1x128xf32>
      %slice3A_2829 = vector.extract_strided_slice %abs3A_2780 {offsets = [24, 0], sizes = [1, 128], strides = [1, 1]} : vector<222x128xf32> to vector<1x128xf32>
      %add3A_2830 = arith.addf %add3A_2828, %slice3A_2829 : vector<1x128xf32>
      %slice3A_2831 = vector.extract_strided_slice %abs3A_2780 {offsets = [25, 0], sizes = [1, 128], strides = [1, 1]} : vector<222x128xf32> to vector<1x128xf32>
      %add3A_2832 = arith.addf %add3A_2830, %slice3A_2831 : vector<1x128xf32>
      %slice3A_2833 = vector.extract_strided_slice %abs3A_2780 {offsets = [26, 0], sizes = [1, 128], strides = [1, 1]} : vector<222x128xf32> to vector<1x128xf32>
      %add3A_2834 = arith.addf %add3A_2832, %slice3A_2833 : vector<1x128xf32>
      %slice3A_2835 = vector.extract_strided_slice %abs3A_2780 {offsets = [27, 0], sizes = [1, 128], strides = [1, 1]} : vector<222x128xf32> to vector<1x128xf32>
      %add3A_2836 = arith.addf %add3A_2834, %slice3A_2835 : vector<1x128xf32>
      %slice3A_2837 = vector.extract_strided_slice %abs3A_2780 {offsets = [28, 0], sizes = [1, 128], strides = [1, 1]} : vector<222x128xf32> to vector<1x128xf32>
      %add3A_2838 = arith.addf %add3A_2836, %slice3A_2837 : vector<1x128xf32>
      %slice3A_2839 = vector.extract_strided_slice %abs3A_2780 {offsets = [29, 0], sizes = [1, 128], strides = [1, 1]} : vector<222x128xf32> to vector<1x128xf32>
      %add3A_2840 = arith.addf %add3A_2838, %slice3A_2839 : vector<1x128xf32>
      %slice3A_2841 = vector.extract_strided_slice %abs3A_2780 {offsets = [30, 0], sizes = [1, 128], strides = [1, 1]} : vector<222x128xf32> to vector<1x128xf32>
      %add3A_2842 = arith.addf %add3A_2840, %slice3A_2841 : vector<1x128xf32>
      %slice3A_2843 = vector.extract_strided_slice %abs3A_2780 {offsets = [31, 0], sizes = [1, 128], strides = [1, 1]} : vector<222x128xf32> to vector<1x128xf32>
      %add3A_2844 = arith.addf %add3A_2842, %slice3A_2843 : vector<1x128xf32>
      %slice3A_2845 = vector.extract_strided_slice %abs3A_2780 {offsets = [32, 0], sizes = [1, 128], strides = [1, 1]} : vector<222x128xf32> to vector<1x128xf32>
      %add3A_2846 = arith.addf %add3A_2844, %slice3A_2845 : vector<1x128xf32>
      %slice3A_2847 = vector.extract_strided_slice %abs3A_2780 {offsets = [33, 0], sizes = [1, 128], strides = [1, 1]} : vector<222x128xf32> to vector<1x128xf32>
      %add3A_2848 = arith.addf %add3A_2846, %slice3A_2847 : vector<1x128xf32>
      %slice3A_2849 = vector.extract_strided_slice %abs3A_2780 {offsets = [34, 0], sizes = [1, 128], strides = [1, 1]} : vector<222x128xf32> to vector<1x128xf32>
      %add3A_2850 = arith.addf %add3A_2848, %slice3A_2849 : vector<1x128xf32>
      %slice3A_2851 = vector.extract_strided_slice %abs3A_2780 {offsets = [35, 0], sizes = [1, 128], strides = [1, 1]} : vector<222x128xf32> to vector<1x128xf32>
      %add3A_2852 = arith.addf %add3A_2850, %slice3A_2851 : vector<1x128xf32>
      %slice3A_2853 = vector.extract_strided_slice %abs3A_2780 {offsets = [36, 0], sizes = [1, 128], strides = [1, 1]} : vector<222x128xf32> to vector<1x128xf32>
      %add3A_2854 = arith.addf %add3A_2852, %slice3A_2853 : vector<1x128xf32>
      %slice3A_2855 = vector.extract_strided_slice %abs3A_2780 {offsets = [37, 0], sizes = [1, 128], strides = [1, 1]} : vector<222x128xf32> to vector<1x128xf32>
      %add3A_2856 = arith.addf %add3A_2854, %slice3A_2855 : vector<1x128xf32>
      %slice3A_2857 = vector.extract_strided_slice %abs3A_2780 {offsets = [38, 0], sizes = [1, 128], strides = [1, 1]} : vector<222x128xf32> to vector<1x128xf32>
      %add3A_2858 = arith.addf %add3A_2856, %slice3A_2857 : vector<1x128xf32>
      %slice3A_2859 = vector.extract_strided_slice %abs3A_2780 {offsets = [39, 0], sizes = [1, 128], strides = [1, 1]} : vector<222x128xf32> to vector<1x128xf32>
      %add3A_2860 = arith.addf %add3A_2858, %slice3A_2859 : vector<1x128xf32>
      %slice3A_2861 = vector.extract_strided_slice %abs3A_2780 {offsets = [40, 0], sizes = [1, 128], strides = [1, 1]} : vector<222x128xf32> to vector<1x128xf32>
      %add3A_2862 = arith.addf %add3A_2860, %slice3A_2861 : vector<1x128xf32>
      %slice3A_2863 = vector.extract_strided_slice %abs3A_2780 {offsets = [41, 0], sizes = [1, 128], strides = [1, 1]} : vector<222x128xf32> to vector<1x128xf32>
      %add3A_2864 = arith.addf %add3A_2862, %slice3A_2863 : vector<1x128xf32>
      %slice3A_2865 = vector.extract_strided_slice %abs3A_2780 {offsets = [42, 0], sizes = [1, 128], strides = [1, 1]} : vector<222x128xf32> to vector<1x128xf32>
      %add3A_2866 = arith.addf %add3A_2864, %slice3A_2865 : vector<1x128xf32>
      %slice3A_2867 = vector.extract_strided_slice %abs3A_2780 {offsets = [43, 0], sizes = [1, 128], strides = [1, 1]} : vector<222x128xf32> to vector<1x128xf32>
      %add3A_2868 = arith.addf %add3A_2866, %slice3A_2867 : vector<1x128xf32>
      %slice3A_2869 = vector.extract_strided_slice %abs3A_2780 {offsets = [44, 0], sizes = [1, 128], strides = [1, 1]} : vector<222x128xf32> to vector<1x128xf32>
      %add3A_2870 = arith.addf %add3A_2868, %slice3A_2869 : vector<1x128xf32>
      %slice3A_2871 = vector.extract_strided_slice %abs3A_2780 {offsets = [45, 0], sizes = [1, 128], strides = [1, 1]} : vector<222x128xf32> to vector<1x128xf32>
      %add3A_2872 = arith.addf %add3A_2870, %slice3A_2871 : vector<1x128xf32>
      %slice3A_2873 = vector.extract_strided_slice %abs3A_2780 {offsets = [46, 0], sizes = [1, 128], strides = [1, 1]} : vector<222x128xf32> to vector<1x128xf32>
      %add3A_2874 = arith.addf %add3A_2872, %slice3A_2873 : vector<1x128xf32>
      %slice3A_2875 = vector.extract_strided_slice %abs3A_2780 {offsets = [47, 0], sizes = [1, 128], strides = [1, 1]} : vector<222x128xf32> to vector<1x128xf32>
      %add3A_2876 = arith.addf %add3A_2874, %slice3A_2875 : vector<1x128xf32>
      %slice3A_2877 = vector.extract_strided_slice %abs3A_2780 {offsets = [48, 0], sizes = [1, 128], strides = [1, 1]} : vector<222x128xf32> to vector<1x128xf32>
      %add3A_2878 = arith.addf %add3A_2876, %slice3A_2877 : vector<1x128xf32>
      %slice3A_2879 = vector.extract_strided_slice %abs3A_2780 {offsets = [49, 0], sizes = [1, 128], strides = [1, 1]} : vector<222x128xf32> to vector<1x128xf32>
      %add3A_2880 = arith.addf %add3A_2878, %slice3A_2879 : vector<1x128xf32>
      %slice3A_2881 = vector.extract_strided_slice %abs3A_2780 {offsets = [50, 0], sizes = [1, 128], strides = [1, 1]} : vector<222x128xf32> to vector<1x128xf32>
      %add3A_2882 = arith.addf %add3A_2880, %slice3A_2881 : vector<1x128xf32>
      %slice3A_2883 = vector.extract_strided_slice %abs3A_2780 {offsets = [51, 0], sizes = [1, 128], strides = [1, 1]} : vector<222x128xf32> to vector<1x128xf32>
      %add3A_2884 = arith.addf %add3A_2882, %slice3A_2883 : vector<1x128xf32>
      %slice3A_2885 = vector.extract_strided_slice %abs3A_2780 {offsets = [52, 0], sizes = [1, 128], strides = [1, 1]} : vector<222x128xf32> to vector<1x128xf32>
      %add3A_2886 = arith.addf %add3A_2884, %slice3A_2885 : vector<1x128xf32>
      %slice3A_2887 = vector.extract_strided_slice %abs3A_2780 {offsets = [53, 0], sizes = [1, 128], strides = [1, 1]} : vector<222x128xf32> to vector<1x128xf32>
      %add3A_2888 = arith.addf %add3A_2886, %slice3A_2887 : vector<1x128xf32>
      %slice3A_2889 = vector.extract_strided_slice %abs3A_2780 {offsets = [54, 0], sizes = [1, 128], strides = [1, 1]} : vector<222x128xf32> to vector<1x128xf32>
      %add3A_2890 = arith.addf %add3A_2888, %slice3A_2889 : vector<1x128xf32>
      %slice3A_2891 = vector.extract_strided_slice %abs3A_2780 {offsets = [55, 0], sizes = [1, 128], strides = [1, 1]} : vector<222x128xf32> to vector<1x128xf32>
      %add3A_2892 = arith.addf %add3A_2890, %slice3A_2891 : vector<1x128xf32>
      %slice3A_2893 = vector.extract_strided_slice %abs3A_2780 {offsets = [56, 0], sizes = [1, 128], strides = [1, 1]} : vector<222x128xf32> to vector<1x128xf32>
      %add3A_2894 = arith.addf %add3A_2892, %slice3A_2893 : vector<1x128xf32>
      %slice3A_2895 = vector.extract_strided_slice %abs3A_2780 {offsets = [57, 0], sizes = [1, 128], strides = [1, 1]} : vector<222x128xf32> to vector<1x128xf32>
      %add3A_2896 = arith.addf %add3A_2894, %slice3A_2895 : vector<1x128xf32>
      %slice3A_2897 = vector.extract_strided_slice %abs3A_2780 {offsets = [58, 0], sizes = [1, 128], strides = [1, 1]} : vector<222x128xf32> to vector<1x128xf32>
      %add3A_2898 = arith.addf %add3A_2896, %slice3A_2897 : vector<1x128xf32>
      %slice3A_2899 = vector.extract_strided_slice %abs3A_2780 {offsets = [59, 0], sizes = [1, 128], strides = [1, 1]} : vector<222x128xf32> to vector<1x128xf32>
      %add3A_2900 = arith.addf %add3A_2898, %slice3A_2899 : vector<1x128xf32>
      %slice3A_2901 = vector.extract_strided_slice %abs3A_2780 {offsets = [60, 0], sizes = [1, 128], strides = [1, 1]} : vector<222x128xf32> to vector<1x128xf32>
      %add3A_2902 = arith.addf %add3A_2900, %slice3A_2901 : vector<1x128xf32>
      %slice3A_2903 = vector.extract_strided_slice %abs3A_2780 {offsets = [61, 0], sizes = [1, 128], strides = [1, 1]} : vector<222x128xf32> to vector<1x128xf32>
      %add3A_2904 = arith.addf %add3A_2902, %slice3A_2903 : vector<1x128xf32>
      %slice3A_2905 = vector.extract_strided_slice %abs3A_2780 {offsets = [62, 0], sizes = [1, 128], strides = [1, 1]} : vector<222x128xf32> to vector<1x128xf32>
      %add3A_2906 = arith.addf %add3A_2904, %slice3A_2905 : vector<1x128xf32>
      %slice3A_2907 = vector.extract_strided_slice %abs3A_2780 {offsets = [63, 0], sizes = [1, 128], strides = [1, 1]} : vector<222x128xf32> to vector<1x128xf32>
      %add3A_2908 = arith.addf %add3A_2906, %slice3A_2907 : vector<1x128xf32>
      %slice3A_2909 = vector.extract_strided_slice %abs3A_2780 {offsets = [64, 0], sizes = [1, 128], strides = [1, 1]} : vector<222x128xf32> to vector<1x128xf32>
      %add3A_2910 = arith.addf %add3A_2908, %slice3A_2909 : vector<1x128xf32>
      %slice3A_2911 = vector.extract_strided_slice %abs3A_2780 {offsets = [65, 0], sizes = [1, 128], strides = [1, 1]} : vector<222x128xf32> to vector<1x128xf32>
      %add3A_2912 = arith.addf %add3A_2910, %slice3A_2911 : vector<1x128xf32>
      %slice3A_2913 = vector.extract_strided_slice %abs3A_2780 {offsets = [66, 0], sizes = [1, 128], strides = [1, 1]} : vector<222x128xf32> to vector<1x128xf32>
      %add3A_2914 = arith.addf %add3A_2912, %slice3A_2913 : vector<1x128xf32>
      %slice3A_2915 = vector.extract_strided_slice %abs3A_2780 {offsets = [67, 0], sizes = [1, 128], strides = [1, 1]} : vector<222x128xf32> to vector<1x128xf32>
      %add3A_2916 = arith.addf %add3A_2914, %slice3A_2915 : vector<1x128xf32>
      %slice3A_2917 = vector.extract_strided_slice %abs3A_2780 {offsets = [68, 0], sizes = [1, 128], strides = [1, 1]} : vector<222x128xf32> to vector<1x128xf32>
      %add3A_2918 = arith.addf %add3A_2916, %slice3A_2917 : vector<1x128xf32>
      %slice3A_2919 = vector.extract_strided_slice %abs3A_2780 {offsets = [69, 0], sizes = [1, 128], strides = [1, 1]} : vector<222x128xf32> to vector<1x128xf32>
      %add3A_2920 = arith.addf %add3A_2918, %slice3A_2919 : vector<1x128xf32>
      %slice3A_2921 = vector.extract_strided_slice %abs3A_2780 {offsets = [70, 0], sizes = [1, 128], strides = [1, 1]} : vector<222x128xf32> to vector<1x128xf32>
      %add3A_2922 = arith.addf %add3A_2920, %slice3A_2921 : vector<1x128xf32>
      %slice3A_2923 = vector.extract_strided_slice %abs3A_2780 {offsets = [71, 0], sizes = [1, 128], strides = [1, 1]} : vector<222x128xf32> to vector<1x128xf32>
      %add3A_2924 = arith.addf %add3A_2922, %slice3A_2923 : vector<1x128xf32>
      %slice3A_2925 = vector.extract_strided_slice %abs3A_2780 {offsets = [72, 0], sizes = [1, 128], strides = [1, 1]} : vector<222x128xf32> to vector<1x128xf32>
      %add3A_2926 = arith.addf %add3A_2924, %slice3A_2925 : vector<1x128xf32>
      %slice3A_2927 = vector.extract_strided_slice %abs3A_2780 {offsets = [73, 0], sizes = [1, 128], strides = [1, 1]} : vector<222x128xf32> to vector<1x128xf32>
      %add3A_2928 = arith.addf %add3A_2926, %slice3A_2927 : vector<1x128xf32>
      %slice3A_2929 = vector.extract_strided_slice %abs3A_2780 {offsets = [74, 0], sizes = [1, 128], strides = [1, 1]} : vector<222x128xf32> to vector<1x128xf32>
      %add3A_2930 = arith.addf %scan3A_131, %slice3A_2929 : vector<1x128xf32>
      %slice3A_2931 = vector.extract_strided_slice %abs3A_2780 {offsets = [75, 0], sizes = [1, 128], strides = [1, 1]} : vector<222x128xf32> to vector<1x128xf32>
      %add3A_2932 = arith.addf %add3A_2930, %slice3A_2931 : vector<1x128xf32>
      %slice3A_2933 = vector.extract_strided_slice %abs3A_2780 {offsets = [76, 0], sizes = [1, 128], strides = [1, 1]} : vector<222x128xf32> to vector<1x128xf32>
      %add3A_2934 = arith.addf %add3A_2932, %slice3A_2933 : vector<1x128xf32>
      %slice3A_2935 = vector.extract_strided_slice %abs3A_2780 {offsets = [77, 0], sizes = [1, 128], strides = [1, 1]} : vector<222x128xf32> to vector<1x128xf32>
      %add3A_2936 = arith.addf %add3A_2934, %slice3A_2935 : vector<1x128xf32>
      %slice3A_2937 = vector.extract_strided_slice %abs3A_2780 {offsets = [78, 0], sizes = [1, 128], strides = [1, 1]} : vector<222x128xf32> to vector<1x128xf32>
      %add3A_2938 = arith.addf %add3A_2936, %slice3A_2937 : vector<1x128xf32>
      %slice3A_2939 = vector.extract_strided_slice %abs3A_2780 {offsets = [79, 0], sizes = [1, 128], strides = [1, 1]} : vector<222x128xf32> to vector<1x128xf32>
      %add3A_2940 = arith.addf %add3A_2938, %slice3A_2939 : vector<1x128xf32>
      %slice3A_2941 = vector.extract_strided_slice %abs3A_2780 {offsets = [80, 0], sizes = [1, 128], strides = [1, 1]} : vector<222x128xf32> to vector<1x128xf32>
      %add3A_2942 = arith.addf %add3A_2940, %slice3A_2941 : vector<1x128xf32>
      %slice3A_2943 = vector.extract_strided_slice %abs3A_2780 {offsets = [81, 0], sizes = [1, 128], strides = [1, 1]} : vector<222x128xf32> to vector<1x128xf32>
      %add3A_2944 = arith.addf %add3A_2942, %slice3A_2943 : vector<1x128xf32>
      %slice3A_2945 = vector.extract_strided_slice %abs3A_2780 {offsets = [82, 0], sizes = [1, 128], strides = [1, 1]} : vector<222x128xf32> to vector<1x128xf32>
      %add3A_2946 = arith.addf %add3A_2944, %slice3A_2945 : vector<1x128xf32>
      %slice3A_2947 = vector.extract_strided_slice %abs3A_2780 {offsets = [83, 0], sizes = [1, 128], strides = [1, 1]} : vector<222x128xf32> to vector<1x128xf32>
      %add3A_2948 = arith.addf %add3A_2946, %slice3A_2947 : vector<1x128xf32>
      %slice3A_2949 = vector.extract_strided_slice %abs3A_2780 {offsets = [84, 0], sizes = [1, 128], strides = [1, 1]} : vector<222x128xf32> to vector<1x128xf32>
      %add3A_2950 = arith.addf %add3A_2948, %slice3A_2949 : vector<1x128xf32>
      %slice3A_2951 = vector.extract_strided_slice %abs3A_2780 {offsets = [85, 0], sizes = [1, 128], strides = [1, 1]} : vector<222x128xf32> to vector<1x128xf32>
      %add3A_2952 = arith.addf %add3A_2950, %slice3A_2951 : vector<1x128xf32>
      %slice3A_2953 = vector.extract_strided_slice %abs3A_2780 {offsets = [86, 0], sizes = [1, 128], strides = [1, 1]} : vector<222x128xf32> to vector<1x128xf32>
      %add3A_2954 = arith.addf %add3A_2952, %slice3A_2953 : vector<1x128xf32>
      %slice3A_2955 = vector.extract_strided_slice %abs3A_2780 {offsets = [87, 0], sizes = [1, 128], strides = [1, 1]} : vector<222x128xf32> to vector<1x128xf32>
      %add3A_2956 = arith.addf %add3A_2954, %slice3A_2955 : vector<1x128xf32>
      %slice3A_2957 = vector.extract_strided_slice %abs3A_2780 {offsets = [88, 0], sizes = [1, 128], strides = [1, 1]} : vector<222x128xf32> to vector<1x128xf32>
      %add3A_2958 = arith.addf %add3A_2956, %slice3A_2957 : vector<1x128xf32>
      %slice3A_2959 = vector.extract_strided_slice %abs3A_2780 {offsets = [89, 0], sizes = [1, 128], strides = [1, 1]} : vector<222x128xf32> to vector<1x128xf32>
      %add3A_2960 = arith.addf %add3A_2958, %slice3A_2959 : vector<1x128xf32>
      %slice3A_2961 = vector.extract_strided_slice %abs3A_2780 {offsets = [90, 0], sizes = [1, 128], strides = [1, 1]} : vector<222x128xf32> to vector<1x128xf32>
      %add3A_2962 = arith.addf %add3A_2960, %slice3A_2961 : vector<1x128xf32>
      %slice3A_2963 = vector.extract_strided_slice %abs3A_2780 {offsets = [91, 0], sizes = [1, 128], strides = [1, 1]} : vector<222x128xf32> to vector<1x128xf32>
      %add3A_2964 = arith.addf %add3A_2962, %slice3A_2963 : vector<1x128xf32>
      %slice3A_2965 = vector.extract_strided_slice %abs3A_2780 {offsets = [92, 0], sizes = [1, 128], strides = [1, 1]} : vector<222x128xf32> to vector<1x128xf32>
      %add3A_2966 = arith.addf %add3A_2964, %slice3A_2965 : vector<1x128xf32>
      %slice3A_2967 = vector.extract_strided_slice %abs3A_2780 {offsets = [93, 0], sizes = [1, 128], strides = [1, 1]} : vector<222x128xf32> to vector<1x128xf32>
      %add3A_2968 = arith.addf %add3A_2966, %slice3A_2967 : vector<1x128xf32>
      %slice3A_2969 = vector.extract_strided_slice %abs3A_2780 {offsets = [94, 0], sizes = [1, 128], strides = [1, 1]} : vector<222x128xf32> to vector<1x128xf32>
      %add3A_2970 = arith.addf %add3A_2968, %slice3A_2969 : vector<1x128xf32>
      %slice3A_2971 = vector.extract_strided_slice %abs3A_2780 {offsets = [95, 0], sizes = [1, 128], strides = [1, 1]} : vector<222x128xf32> to vector<1x128xf32>
      %add3A_2972 = arith.addf %add3A_2970, %slice3A_2971 : vector<1x128xf32>
      %slice3A_2973 = vector.extract_strided_slice %abs3A_2780 {offsets = [96, 0], sizes = [1, 128], strides = [1, 1]} : vector<222x128xf32> to vector<1x128xf32>
      %add3A_2974 = arith.addf %add3A_2972, %slice3A_2973 : vector<1x128xf32>
      %slice3A_2975 = vector.extract_strided_slice %abs3A_2780 {offsets = [97, 0], sizes = [1, 128], strides = [1, 1]} : vector<222x128xf32> to vector<1x128xf32>
      %add3A_2976 = arith.addf %add3A_2974, %slice3A_2975 : vector<1x128xf32>
      %slice3A_2977 = vector.extract_strided_slice %abs3A_2780 {offsets = [98, 0], sizes = [1, 128], strides = [1, 1]} : vector<222x128xf32> to vector<1x128xf32>
      %add3A_2978 = arith.addf %add3A_2976, %slice3A_2977 : vector<1x128xf32>
      %slice3A_2979 = vector.extract_strided_slice %abs3A_2780 {offsets = [99, 0], sizes = [1, 128], strides = [1, 1]} : vector<222x128xf32> to vector<1x128xf32>
      %add3A_2980 = arith.addf %add3A_2978, %slice3A_2979 : vector<1x128xf32>
      %slice3A_2981 = vector.extract_strided_slice %abs3A_2780 {offsets = [100, 0], sizes = [1, 128], strides = [1, 1]} : vector<222x128xf32> to vector<1x128xf32>
      %add3A_2982 = arith.addf %add3A_2980, %slice3A_2981 : vector<1x128xf32>
      %slice3A_2983 = vector.extract_strided_slice %abs3A_2780 {offsets = [101, 0], sizes = [1, 128], strides = [1, 1]} : vector<222x128xf32> to vector<1x128xf32>
      %add3A_2984 = arith.addf %add3A_2982, %slice3A_2983 : vector<1x128xf32>
      %slice3A_2985 = vector.extract_strided_slice %abs3A_2780 {offsets = [102, 0], sizes = [1, 128], strides = [1, 1]} : vector<222x128xf32> to vector<1x128xf32>
      %add3A_2986 = arith.addf %add3A_2984, %slice3A_2985 : vector<1x128xf32>
      %slice3A_2987 = vector.extract_strided_slice %abs3A_2780 {offsets = [103, 0], sizes = [1, 128], strides = [1, 1]} : vector<222x128xf32> to vector<1x128xf32>
      %add3A_2988 = arith.addf %add3A_2986, %slice3A_2987 : vector<1x128xf32>
      %slice3A_2989 = vector.extract_strided_slice %abs3A_2780 {offsets = [104, 0], sizes = [1, 128], strides = [1, 1]} : vector<222x128xf32> to vector<1x128xf32>
      %add3A_2990 = arith.addf %add3A_2988, %slice3A_2989 : vector<1x128xf32>
      %slice3A_2991 = vector.extract_strided_slice %abs3A_2780 {offsets = [105, 0], sizes = [1, 128], strides = [1, 1]} : vector<222x128xf32> to vector<1x128xf32>
      %add3A_2992 = arith.addf %add3A_2990, %slice3A_2991 : vector<1x128xf32>
      %slice3A_2993 = vector.extract_strided_slice %abs3A_2780 {offsets = [106, 0], sizes = [1, 128], strides = [1, 1]} : vector<222x128xf32> to vector<1x128xf32>
      %add3A_2994 = arith.addf %add3A_2992, %slice3A_2993 : vector<1x128xf32>
      %slice3A_2995 = vector.extract_strided_slice %abs3A_2780 {offsets = [107, 0], sizes = [1, 128], strides = [1, 1]} : vector<222x128xf32> to vector<1x128xf32>
      %add3A_2996 = arith.addf %add3A_2994, %slice3A_2995 : vector<1x128xf32>
      %slice3A_2997 = vector.extract_strided_slice %abs3A_2780 {offsets = [108, 0], sizes = [1, 128], strides = [1, 1]} : vector<222x128xf32> to vector<1x128xf32>
      %add3A_2998 = arith.addf %add3A_2996, %slice3A_2997 : vector<1x128xf32>
      %slice3A_2999 = vector.extract_strided_slice %abs3A_2780 {offsets = [109, 0], sizes = [1, 128], strides = [1, 1]} : vector<222x128xf32> to vector<1x128xf32>
      %add3A_3000 = arith.addf %add3A_2998, %slice3A_2999 : vector<1x128xf32>
      %slice3A_3001 = vector.extract_strided_slice %abs3A_2780 {offsets = [110, 0], sizes = [1, 128], strides = [1, 1]} : vector<222x128xf32> to vector<1x128xf32>
      %add3A_3002 = arith.addf %add3A_3000, %slice3A_3001 : vector<1x128xf32>
      %slice3A_3003 = vector.extract_strided_slice %abs3A_2780 {offsets = [111, 0], sizes = [1, 128], strides = [1, 1]} : vector<222x128xf32> to vector<1x128xf32>
      %add3A_3004 = arith.addf %add3A_3002, %slice3A_3003 : vector<1x128xf32>
      %slice3A_3005 = vector.extract_strided_slice %abs3A_2780 {offsets = [112, 0], sizes = [1, 128], strides = [1, 1]} : vector<222x128xf32> to vector<1x128xf32>
      %add3A_3006 = arith.addf %add3A_3004, %slice3A_3005 : vector<1x128xf32>
      %slice3A_3007 = vector.extract_strided_slice %abs3A_2780 {offsets = [113, 0], sizes = [1, 128], strides = [1, 1]} : vector<222x128xf32> to vector<1x128xf32>
      %add3A_3008 = arith.addf %add3A_3006, %slice3A_3007 : vector<1x128xf32>
      %slice3A_3009 = vector.extract_strided_slice %abs3A_2780 {offsets = [114, 0], sizes = [1, 128], strides = [1, 1]} : vector<222x128xf32> to vector<1x128xf32>
      %add3A_3010 = arith.addf %add3A_3008, %slice3A_3009 : vector<1x128xf32>
      %slice3A_3011 = vector.extract_strided_slice %abs3A_2780 {offsets = [115, 0], sizes = [1, 128], strides = [1, 1]} : vector<222x128xf32> to vector<1x128xf32>
      %add3A_3012 = arith.addf %add3A_3010, %slice3A_3011 : vector<1x128xf32>
      %slice3A_3013 = vector.extract_strided_slice %abs3A_2780 {offsets = [116, 0], sizes = [1, 128], strides = [1, 1]} : vector<222x128xf32> to vector<1x128xf32>
      %add3A_3014 = arith.addf %add3A_3012, %slice3A_3013 : vector<1x128xf32>
      %slice3A_3015 = vector.extract_strided_slice %abs3A_2780 {offsets = [117, 0], sizes = [1, 128], strides = [1, 1]} : vector<222x128xf32> to vector<1x128xf32>
      %add3A_3016 = arith.addf %add3A_3014, %slice3A_3015 : vector<1x128xf32>
      %slice3A_3017 = vector.extract_strided_slice %abs3A_2780 {offsets = [118, 0], sizes = [1, 128], strides = [1, 1]} : vector<222x128xf32> to vector<1x128xf32>
      %add3A_3018 = arith.addf %add3A_3016, %slice3A_3017 : vector<1x128xf32>
      %slice3A_3019 = vector.extract_strided_slice %abs3A_2780 {offsets = [119, 0], sizes = [1, 128], strides = [1, 1]} : vector<222x128xf32> to vector<1x128xf32>
      %add3A_3020 = arith.addf %add3A_3018, %slice3A_3019 : vector<1x128xf32>
      %slice3A_3021 = vector.extract_strided_slice %abs3A_2780 {offsets = [120, 0], sizes = [1, 128], strides = [1, 1]} : vector<222x128xf32> to vector<1x128xf32>
      %add3A_3022 = arith.addf %add3A_3020, %slice3A_3021 : vector<1x128xf32>
      %slice3A_3023 = vector.extract_strided_slice %abs3A_2780 {offsets = [121, 0], sizes = [1, 128], strides = [1, 1]} : vector<222x128xf32> to vector<1x128xf32>
      %add3A_3024 = arith.addf %add3A_3022, %slice3A_3023 : vector<1x128xf32>
      %slice3A_3025 = vector.extract_strided_slice %abs3A_2780 {offsets = [122, 0], sizes = [1, 128], strides = [1, 1]} : vector<222x128xf32> to vector<1x128xf32>
      %add3A_3026 = arith.addf %add3A_3024, %slice3A_3025 : vector<1x128xf32>
      %slice3A_3027 = vector.extract_strided_slice %abs3A_2780 {offsets = [123, 0], sizes = [1, 128], strides = [1, 1]} : vector<222x128xf32> to vector<1x128xf32>
      %add3A_3028 = arith.addf %add3A_3026, %slice3A_3027 : vector<1x128xf32>
      %slice3A_3029 = vector.extract_strided_slice %abs3A_2780 {offsets = [124, 0], sizes = [1, 128], strides = [1, 1]} : vector<222x128xf32> to vector<1x128xf32>
      %add3A_3030 = arith.addf %add3A_3028, %slice3A_3029 : vector<1x128xf32>
      %slice3A_3031 = vector.extract_strided_slice %abs3A_2780 {offsets = [125, 0], sizes = [1, 128], strides = [1, 1]} : vector<222x128xf32> to vector<1x128xf32>
      %add3A_3032 = arith.addf %add3A_3030, %slice3A_3031 : vector<1x128xf32>
      %slice3A_3033 = vector.extract_strided_slice %abs3A_2780 {offsets = [126, 0], sizes = [1, 128], strides = [1, 1]} : vector<222x128xf32> to vector<1x128xf32>
      %add3A_3034 = arith.addf %add3A_3032, %slice3A_3033 : vector<1x128xf32>
      %slice3A_3035 = vector.extract_strided_slice %abs3A_2780 {offsets = [127, 0], sizes = [1, 128], strides = [1, 1]} : vector<222x128xf32> to vector<1x128xf32>
      %add3A_3036 = arith.addf %add3A_3034, %slice3A_3035 : vector<1x128xf32>
      %slice3A_3037 = vector.extract_strided_slice %abs3A_2780 {offsets = [128, 0], sizes = [1, 128], strides = [1, 1]} : vector<222x128xf32> to vector<1x128xf32>
      %add3A_3038 = arith.addf %add3A_3036, %slice3A_3037 : vector<1x128xf32>
      %slice3A_3039 = vector.extract_strided_slice %abs3A_2780 {offsets = [129, 0], sizes = [1, 128], strides = [1, 1]} : vector<222x128xf32> to vector<1x128xf32>
      %add3A_3040 = arith.addf %add3A_3038, %slice3A_3039 : vector<1x128xf32>
      %slice3A_3041 = vector.extract_strided_slice %abs3A_2780 {offsets = [130, 0], sizes = [1, 128], strides = [1, 1]} : vector<222x128xf32> to vector<1x128xf32>
      %add3A_3042 = arith.addf %add3A_3040, %slice3A_3041 : vector<1x128xf32>
      %slice3A_3043 = vector.extract_strided_slice %abs3A_2780 {offsets = [131, 0], sizes = [1, 128], strides = [1, 1]} : vector<222x128xf32> to vector<1x128xf32>
      %add3A_3044 = arith.addf %add3A_3042, %slice3A_3043 : vector<1x128xf32>
      %slice3A_3045 = vector.extract_strided_slice %abs3A_2780 {offsets = [132, 0], sizes = [1, 128], strides = [1, 1]} : vector<222x128xf32> to vector<1x128xf32>
      %add3A_3046 = arith.addf %add3A_3044, %slice3A_3045 : vector<1x128xf32>
      %slice3A_3047 = vector.extract_strided_slice %abs3A_2780 {offsets = [133, 0], sizes = [1, 128], strides = [1, 1]} : vector<222x128xf32> to vector<1x128xf32>
      %add3A_3048 = arith.addf %add3A_3046, %slice3A_3047 : vector<1x128xf32>
      %slice3A_3049 = vector.extract_strided_slice %abs3A_2780 {offsets = [134, 0], sizes = [1, 128], strides = [1, 1]} : vector<222x128xf32> to vector<1x128xf32>
      %add3A_3050 = arith.addf %add3A_3048, %slice3A_3049 : vector<1x128xf32>
      %slice3A_3051 = vector.extract_strided_slice %abs3A_2780 {offsets = [135, 0], sizes = [1, 128], strides = [1, 1]} : vector<222x128xf32> to vector<1x128xf32>
      %add3A_3052 = arith.addf %add3A_3050, %slice3A_3051 : vector<1x128xf32>
      %slice3A_3053 = vector.extract_strided_slice %abs3A_2780 {offsets = [136, 0], sizes = [1, 128], strides = [1, 1]} : vector<222x128xf32> to vector<1x128xf32>
      %add3A_3054 = arith.addf %add3A_3052, %slice3A_3053 : vector<1x128xf32>
      %slice3A_3055 = vector.extract_strided_slice %abs3A_2780 {offsets = [137, 0], sizes = [1, 128], strides = [1, 1]} : vector<222x128xf32> to vector<1x128xf32>
      %add3A_3056 = arith.addf %add3A_3054, %slice3A_3055 : vector<1x128xf32>
      %slice3A_3057 = vector.extract_strided_slice %abs3A_2780 {offsets = [138, 0], sizes = [1, 128], strides = [1, 1]} : vector<222x128xf32> to vector<1x128xf32>
      %add3A_3058 = arith.addf %add3A_3056, %slice3A_3057 : vector<1x128xf32>
      %slice3A_3059 = vector.extract_strided_slice %abs3A_2780 {offsets = [139, 0], sizes = [1, 128], strides = [1, 1]} : vector<222x128xf32> to vector<1x128xf32>
      %add3A_3060 = arith.addf %add3A_3058, %slice3A_3059 : vector<1x128xf32>
      %slice3A_3061 = vector.extract_strided_slice %abs3A_2780 {offsets = [140, 0], sizes = [1, 128], strides = [1, 1]} : vector<222x128xf32> to vector<1x128xf32>
      %add3A_3062 = arith.addf %add3A_3060, %slice3A_3061 : vector<1x128xf32>
      %slice3A_3063 = vector.extract_strided_slice %abs3A_2780 {offsets = [141, 0], sizes = [1, 128], strides = [1, 1]} : vector<222x128xf32> to vector<1x128xf32>
      %add3A_3064 = arith.addf %add3A_3062, %slice3A_3063 : vector<1x128xf32>
      %slice3A_3065 = vector.extract_strided_slice %abs3A_2780 {offsets = [142, 0], sizes = [1, 128], strides = [1, 1]} : vector<222x128xf32> to vector<1x128xf32>
      %add3A_3066 = arith.addf %add3A_3064, %slice3A_3065 : vector<1x128xf32>
      %slice3A_3067 = vector.extract_strided_slice %abs3A_2780 {offsets = [143, 0], sizes = [1, 128], strides = [1, 1]} : vector<222x128xf32> to vector<1x128xf32>
      %add3A_3068 = arith.addf %add3A_3066, %slice3A_3067 : vector<1x128xf32>
      %slice3A_3069 = vector.extract_strided_slice %abs3A_2780 {offsets = [144, 0], sizes = [1, 128], strides = [1, 1]} : vector<222x128xf32> to vector<1x128xf32>
      %add3A_3070 = arith.addf %add3A_3068, %slice3A_3069 : vector<1x128xf32>
      %slice3A_3071 = vector.extract_strided_slice %abs3A_2780 {offsets = [145, 0], sizes = [1, 128], strides = [1, 1]} : vector<222x128xf32> to vector<1x128xf32>
      %add3A_3072 = arith.addf %add3A_3070, %slice3A_3071 : vector<1x128xf32>
      %slice3A_3073 = vector.extract_strided_slice %abs3A_2780 {offsets = [146, 0], sizes = [1, 128], strides = [1, 1]} : vector<222x128xf32> to vector<1x128xf32>
      %add3A_3074 = arith.addf %add3A_3072, %slice3A_3073 : vector<1x128xf32>
      %slice3A_3075 = vector.extract_strided_slice %abs3A_2780 {offsets = [147, 0], sizes = [1, 128], strides = [1, 1]} : vector<222x128xf32> to vector<1x128xf32>
      %add3A_3076 = arith.addf %add3A_3074, %slice3A_3075 : vector<1x128xf32>
      %slice3A_3077 = vector.extract_strided_slice %abs3A_2780 {offsets = [148, 0], sizes = [1, 128], strides = [1, 1]} : vector<222x128xf32> to vector<1x128xf32>
      %add3A_3078 = arith.addf %scan3A_132, %slice3A_3077 : vector<1x128xf32>
      %slice3A_3079 = vector.extract_strided_slice %abs3A_2780 {offsets = [149, 0], sizes = [1, 128], strides = [1, 1]} : vector<222x128xf32> to vector<1x128xf32>
      %add3A_3080 = arith.addf %add3A_3078, %slice3A_3079 : vector<1x128xf32>
      %slice3A_3081 = vector.extract_strided_slice %abs3A_2780 {offsets = [150, 0], sizes = [1, 128], strides = [1, 1]} : vector<222x128xf32> to vector<1x128xf32>
      %add3A_3082 = arith.addf %add3A_3080, %slice3A_3081 : vector<1x128xf32>
      %slice3A_3083 = vector.extract_strided_slice %abs3A_2780 {offsets = [151, 0], sizes = [1, 128], strides = [1, 1]} : vector<222x128xf32> to vector<1x128xf32>
      %add3A_3084 = arith.addf %add3A_3082, %slice3A_3083 : vector<1x128xf32>
      %slice3A_3085 = vector.extract_strided_slice %abs3A_2780 {offsets = [152, 0], sizes = [1, 128], strides = [1, 1]} : vector<222x128xf32> to vector<1x128xf32>
      %add3A_3086 = arith.addf %add3A_3084, %slice3A_3085 : vector<1x128xf32>
      %slice3A_3087 = vector.extract_strided_slice %abs3A_2780 {offsets = [153, 0], sizes = [1, 128], strides = [1, 1]} : vector<222x128xf32> to vector<1x128xf32>
      %add3A_3088 = arith.addf %add3A_3086, %slice3A_3087 : vector<1x128xf32>
      %slice3A_3089 = vector.extract_strided_slice %abs3A_2780 {offsets = [154, 0], sizes = [1, 128], strides = [1, 1]} : vector<222x128xf32> to vector<1x128xf32>
      %add3A_3090 = arith.addf %add3A_3088, %slice3A_3089 : vector<1x128xf32>
      %slice3A_3091 = vector.extract_strided_slice %abs3A_2780 {offsets = [155, 0], sizes = [1, 128], strides = [1, 1]} : vector<222x128xf32> to vector<1x128xf32>
      %add3A_3092 = arith.addf %add3A_3090, %slice3A_3091 : vector<1x128xf32>
      %slice3A_3093 = vector.extract_strided_slice %abs3A_2780 {offsets = [156, 0], sizes = [1, 128], strides = [1, 1]} : vector<222x128xf32> to vector<1x128xf32>
      %add3A_3094 = arith.addf %add3A_3092, %slice3A_3093 : vector<1x128xf32>
      %slice3A_3095 = vector.extract_strided_slice %abs3A_2780 {offsets = [157, 0], sizes = [1, 128], strides = [1, 1]} : vector<222x128xf32> to vector<1x128xf32>
      %add3A_3096 = arith.addf %add3A_3094, %slice3A_3095 : vector<1x128xf32>
      %slice3A_3097 = vector.extract_strided_slice %abs3A_2780 {offsets = [158, 0], sizes = [1, 128], strides = [1, 1]} : vector<222x128xf32> to vector<1x128xf32>
      %add3A_3098 = arith.addf %add3A_3096, %slice3A_3097 : vector<1x128xf32>
      %slice3A_3099 = vector.extract_strided_slice %abs3A_2780 {offsets = [159, 0], sizes = [1, 128], strides = [1, 1]} : vector<222x128xf32> to vector<1x128xf32>
      %add3A_3100 = arith.addf %add3A_3098, %slice3A_3099 : vector<1x128xf32>
      %slice3A_3101 = vector.extract_strided_slice %abs3A_2780 {offsets = [160, 0], sizes = [1, 128], strides = [1, 1]} : vector<222x128xf32> to vector<1x128xf32>
      %add3A_3102 = arith.addf %add3A_3100, %slice3A_3101 : vector<1x128xf32>
      %slice3A_3103 = vector.extract_strided_slice %abs3A_2780 {offsets = [161, 0], sizes = [1, 128], strides = [1, 1]} : vector<222x128xf32> to vector<1x128xf32>
      %add3A_3104 = arith.addf %add3A_3102, %slice3A_3103 : vector<1x128xf32>
      %slice3A_3105 = vector.extract_strided_slice %abs3A_2780 {offsets = [162, 0], sizes = [1, 128], strides = [1, 1]} : vector<222x128xf32> to vector<1x128xf32>
      %add3A_3106 = arith.addf %add3A_3104, %slice3A_3105 : vector<1x128xf32>
      %slice3A_3107 = vector.extract_strided_slice %abs3A_2780 {offsets = [163, 0], sizes = [1, 128], strides = [1, 1]} : vector<222x128xf32> to vector<1x128xf32>
      %add3A_3108 = arith.addf %add3A_3106, %slice3A_3107 : vector<1x128xf32>
      %slice3A_3109 = vector.extract_strided_slice %abs3A_2780 {offsets = [164, 0], sizes = [1, 128], strides = [1, 1]} : vector<222x128xf32> to vector<1x128xf32>
      %add3A_3110 = arith.addf %add3A_3108, %slice3A_3109 : vector<1x128xf32>
      %slice3A_3111 = vector.extract_strided_slice %abs3A_2780 {offsets = [165, 0], sizes = [1, 128], strides = [1, 1]} : vector<222x128xf32> to vector<1x128xf32>
      %add3A_3112 = arith.addf %add3A_3110, %slice3A_3111 : vector<1x128xf32>
      %slice3A_3113 = vector.extract_strided_slice %abs3A_2780 {offsets = [166, 0], sizes = [1, 128], strides = [1, 1]} : vector<222x128xf32> to vector<1x128xf32>
      %add3A_3114 = arith.addf %add3A_3112, %slice3A_3113 : vector<1x128xf32>
      %slice3A_3115 = vector.extract_strided_slice %abs3A_2780 {offsets = [167, 0], sizes = [1, 128], strides = [1, 1]} : vector<222x128xf32> to vector<1x128xf32>
      %add3A_3116 = arith.addf %add3A_3114, %slice3A_3115 : vector<1x128xf32>
      %slice3A_3117 = vector.extract_strided_slice %abs3A_2780 {offsets = [168, 0], sizes = [1, 128], strides = [1, 1]} : vector<222x128xf32> to vector<1x128xf32>
      %add3A_3118 = arith.addf %add3A_3116, %slice3A_3117 : vector<1x128xf32>
      %slice3A_3119 = vector.extract_strided_slice %abs3A_2780 {offsets = [169, 0], sizes = [1, 128], strides = [1, 1]} : vector<222x128xf32> to vector<1x128xf32>
      %add3A_3120 = arith.addf %add3A_3118, %slice3A_3119 : vector<1x128xf32>
      %slice3A_3121 = vector.extract_strided_slice %abs3A_2780 {offsets = [170, 0], sizes = [1, 128], strides = [1, 1]} : vector<222x128xf32> to vector<1x128xf32>
      %add3A_3122 = arith.addf %add3A_3120, %slice3A_3121 : vector<1x128xf32>
      %slice3A_3123 = vector.extract_strided_slice %abs3A_2780 {offsets = [171, 0], sizes = [1, 128], strides = [1, 1]} : vector<222x128xf32> to vector<1x128xf32>
      %add3A_3124 = arith.addf %add3A_3122, %slice3A_3123 : vector<1x128xf32>
      %slice3A_3125 = vector.extract_strided_slice %abs3A_2780 {offsets = [172, 0], sizes = [1, 128], strides = [1, 1]} : vector<222x128xf32> to vector<1x128xf32>
      %add3A_3126 = arith.addf %add3A_3124, %slice3A_3125 : vector<1x128xf32>
      %slice3A_3127 = vector.extract_strided_slice %abs3A_2780 {offsets = [173, 0], sizes = [1, 128], strides = [1, 1]} : vector<222x128xf32> to vector<1x128xf32>
      %add3A_3128 = arith.addf %add3A_3126, %slice3A_3127 : vector<1x128xf32>
      %slice3A_3129 = vector.extract_strided_slice %abs3A_2780 {offsets = [174, 0], sizes = [1, 128], strides = [1, 1]} : vector<222x128xf32> to vector<1x128xf32>
      %add3A_3130 = arith.addf %add3A_3128, %slice3A_3129 : vector<1x128xf32>
      %slice3A_3131 = vector.extract_strided_slice %abs3A_2780 {offsets = [175, 0], sizes = [1, 128], strides = [1, 1]} : vector<222x128xf32> to vector<1x128xf32>
      %add3A_3132 = arith.addf %add3A_3130, %slice3A_3131 : vector<1x128xf32>
      %slice3A_3133 = vector.extract_strided_slice %abs3A_2780 {offsets = [176, 0], sizes = [1, 128], strides = [1, 1]} : vector<222x128xf32> to vector<1x128xf32>
      %add3A_3134 = arith.addf %add3A_3132, %slice3A_3133 : vector<1x128xf32>
      %slice3A_3135 = vector.extract_strided_slice %abs3A_2780 {offsets = [177, 0], sizes = [1, 128], strides = [1, 1]} : vector<222x128xf32> to vector<1x128xf32>
      %add3A_3136 = arith.addf %add3A_3134, %slice3A_3135 : vector<1x128xf32>
      %slice3A_3137 = vector.extract_strided_slice %abs3A_2780 {offsets = [178, 0], sizes = [1, 128], strides = [1, 1]} : vector<222x128xf32> to vector<1x128xf32>
      %add3A_3138 = arith.addf %add3A_3136, %slice3A_3137 : vector<1x128xf32>
      %slice3A_3139 = vector.extract_strided_slice %abs3A_2780 {offsets = [179, 0], sizes = [1, 128], strides = [1, 1]} : vector<222x128xf32> to vector<1x128xf32>
      %add3A_3140 = arith.addf %add3A_3138, %slice3A_3139 : vector<1x128xf32>
      %slice3A_3141 = vector.extract_strided_slice %abs3A_2780 {offsets = [180, 0], sizes = [1, 128], strides = [1, 1]} : vector<222x128xf32> to vector<1x128xf32>
      %add3A_3142 = arith.addf %add3A_3140, %slice3A_3141 : vector<1x128xf32>
      %slice3A_3143 = vector.extract_strided_slice %abs3A_2780 {offsets = [181, 0], sizes = [1, 128], strides = [1, 1]} : vector<222x128xf32> to vector<1x128xf32>
      %add3A_3144 = arith.addf %add3A_3142, %slice3A_3143 : vector<1x128xf32>
      %slice3A_3145 = vector.extract_strided_slice %abs3A_2780 {offsets = [182, 0], sizes = [1, 128], strides = [1, 1]} : vector<222x128xf32> to vector<1x128xf32>
      %add3A_3146 = arith.addf %add3A_3144, %slice3A_3145 : vector<1x128xf32>
      %slice3A_3147 = vector.extract_strided_slice %abs3A_2780 {offsets = [183, 0], sizes = [1, 128], strides = [1, 1]} : vector<222x128xf32> to vector<1x128xf32>
      %add3A_3148 = arith.addf %add3A_3146, %slice3A_3147 : vector<1x128xf32>
      %slice3A_3149 = vector.extract_strided_slice %abs3A_2780 {offsets = [184, 0], sizes = [1, 128], strides = [1, 1]} : vector<222x128xf32> to vector<1x128xf32>
      %add3A_3150 = arith.addf %add3A_3148, %slice3A_3149 : vector<1x128xf32>
      %slice3A_3151 = vector.extract_strided_slice %abs3A_2780 {offsets = [185, 0], sizes = [1, 128], strides = [1, 1]} : vector<222x128xf32> to vector<1x128xf32>
      %add3A_3152 = arith.addf %add3A_3150, %slice3A_3151 : vector<1x128xf32>
      %slice3A_3153 = vector.extract_strided_slice %abs3A_2780 {offsets = [186, 0], sizes = [1, 128], strides = [1, 1]} : vector<222x128xf32> to vector<1x128xf32>
      %add3A_3154 = arith.addf %add3A_3152, %slice3A_3153 : vector<1x128xf32>
      %slice3A_3155 = vector.extract_strided_slice %abs3A_2780 {offsets = [187, 0], sizes = [1, 128], strides = [1, 1]} : vector<222x128xf32> to vector<1x128xf32>
      %add3A_3156 = arith.addf %add3A_3154, %slice3A_3155 : vector<1x128xf32>
      %slice3A_3157 = vector.extract_strided_slice %abs3A_2780 {offsets = [188, 0], sizes = [1, 128], strides = [1, 1]} : vector<222x128xf32> to vector<1x128xf32>
      %add3A_3158 = arith.addf %add3A_3156, %slice3A_3157 : vector<1x128xf32>
      %slice3A_3159 = vector.extract_strided_slice %abs3A_2780 {offsets = [189, 0], sizes = [1, 128], strides = [1, 1]} : vector<222x128xf32> to vector<1x128xf32>
      %add3A_3160 = arith.addf %add3A_3158, %slice3A_3159 : vector<1x128xf32>
      %slice3A_3161 = vector.extract_strided_slice %abs3A_2780 {offsets = [190, 0], sizes = [1, 128], strides = [1, 1]} : vector<222x128xf32> to vector<1x128xf32>
      %add3A_3162 = arith.addf %add3A_3160, %slice3A_3161 : vector<1x128xf32>
      %slice3A_3163 = vector.extract_strided_slice %abs3A_2780 {offsets = [191, 0], sizes = [1, 128], strides = [1, 1]} : vector<222x128xf32> to vector<1x128xf32>
      %add3A_3164 = arith.addf %add3A_3162, %slice3A_3163 : vector<1x128xf32>
      %slice3A_3165 = vector.extract_strided_slice %abs3A_2780 {offsets = [192, 0], sizes = [1, 128], strides = [1, 1]} : vector<222x128xf32> to vector<1x128xf32>
      %add3A_3166 = arith.addf %add3A_3164, %slice3A_3165 : vector<1x128xf32>
      %slice3A_3167 = vector.extract_strided_slice %abs3A_2780 {offsets = [193, 0], sizes = [1, 128], strides = [1, 1]} : vector<222x128xf32> to vector<1x128xf32>
      %add3A_3168 = arith.addf %add3A_3166, %slice3A_3167 : vector<1x128xf32>
      %slice3A_3169 = vector.extract_strided_slice %abs3A_2780 {offsets = [194, 0], sizes = [1, 128], strides = [1, 1]} : vector<222x128xf32> to vector<1x128xf32>
      %add3A_3170 = arith.addf %add3A_3168, %slice3A_3169 : vector<1x128xf32>
      %slice3A_3171 = vector.extract_strided_slice %abs3A_2780 {offsets = [195, 0], sizes = [1, 128], strides = [1, 1]} : vector<222x128xf32> to vector<1x128xf32>
      %add3A_3172 = arith.addf %add3A_3170, %slice3A_3171 : vector<1x128xf32>
      %slice3A_3173 = vector.extract_strided_slice %abs3A_2780 {offsets = [196, 0], sizes = [1, 128], strides = [1, 1]} : vector<222x128xf32> to vector<1x128xf32>
      %add3A_3174 = arith.addf %add3A_3172, %slice3A_3173 : vector<1x128xf32>
      %slice3A_3175 = vector.extract_strided_slice %abs3A_2780 {offsets = [197, 0], sizes = [1, 128], strides = [1, 1]} : vector<222x128xf32> to vector<1x128xf32>
      %add3A_3176 = arith.addf %add3A_3174, %slice3A_3175 : vector<1x128xf32>
      %slice3A_3177 = vector.extract_strided_slice %abs3A_2780 {offsets = [198, 0], sizes = [1, 128], strides = [1, 1]} : vector<222x128xf32> to vector<1x128xf32>
      %add3A_3178 = arith.addf %add3A_3176, %slice3A_3177 : vector<1x128xf32>
      %slice3A_3179 = vector.extract_strided_slice %abs3A_2780 {offsets = [199, 0], sizes = [1, 128], strides = [1, 1]} : vector<222x128xf32> to vector<1x128xf32>
      %add3A_3180 = arith.addf %add3A_3178, %slice3A_3179 : vector<1x128xf32>
      %slice3A_3181 = vector.extract_strided_slice %abs3A_2780 {offsets = [200, 0], sizes = [1, 128], strides = [1, 1]} : vector<222x128xf32> to vector<1x128xf32>
      %add3A_3182 = arith.addf %add3A_3180, %slice3A_3181 : vector<1x128xf32>
      %slice3A_3183 = vector.extract_strided_slice %abs3A_2780 {offsets = [201, 0], sizes = [1, 128], strides = [1, 1]} : vector<222x128xf32> to vector<1x128xf32>
      %add3A_3184 = arith.addf %add3A_3182, %slice3A_3183 : vector<1x128xf32>
      %slice3A_3185 = vector.extract_strided_slice %abs3A_2780 {offsets = [202, 0], sizes = [1, 128], strides = [1, 1]} : vector<222x128xf32> to vector<1x128xf32>
      %add3A_3186 = arith.addf %add3A_3184, %slice3A_3185 : vector<1x128xf32>
      %slice3A_3187 = vector.extract_strided_slice %abs3A_2780 {offsets = [203, 0], sizes = [1, 128], strides = [1, 1]} : vector<222x128xf32> to vector<1x128xf32>
      %add3A_3188 = arith.addf %add3A_3186, %slice3A_3187 : vector<1x128xf32>
      %slice3A_3189 = vector.extract_strided_slice %abs3A_2780 {offsets = [204, 0], sizes = [1, 128], strides = [1, 1]} : vector<222x128xf32> to vector<1x128xf32>
      %add3A_3190 = arith.addf %add3A_3188, %slice3A_3189 : vector<1x128xf32>
      %slice3A_3191 = vector.extract_strided_slice %abs3A_2780 {offsets = [205, 0], sizes = [1, 128], strides = [1, 1]} : vector<222x128xf32> to vector<1x128xf32>
      %add3A_3192 = arith.addf %add3A_3190, %slice3A_3191 : vector<1x128xf32>
      %slice3A_3193 = vector.extract_strided_slice %abs3A_2780 {offsets = [206, 0], sizes = [1, 128], strides = [1, 1]} : vector<222x128xf32> to vector<1x128xf32>
      %add3A_3194 = arith.addf %add3A_3192, %slice3A_3193 : vector<1x128xf32>
      %slice3A_3195 = vector.extract_strided_slice %abs3A_2780 {offsets = [207, 0], sizes = [1, 128], strides = [1, 1]} : vector<222x128xf32> to vector<1x128xf32>
      %add3A_3196 = arith.addf %add3A_3194, %slice3A_3195 : vector<1x128xf32>
      %slice3A_3197 = vector.extract_strided_slice %abs3A_2780 {offsets = [208, 0], sizes = [1, 128], strides = [1, 1]} : vector<222x128xf32> to vector<1x128xf32>
      %add3A_3198 = arith.addf %add3A_3196, %slice3A_3197 : vector<1x128xf32>
      %slice3A_3199 = vector.extract_strided_slice %abs3A_2780 {offsets = [209, 0], sizes = [1, 128], strides = [1, 1]} : vector<222x128xf32> to vector<1x128xf32>
      %add3A_3200 = arith.addf %add3A_3198, %slice3A_3199 : vector<1x128xf32>
      %slice3A_3201 = vector.extract_strided_slice %abs3A_2780 {offsets = [210, 0], sizes = [1, 128], strides = [1, 1]} : vector<222x128xf32> to vector<1x128xf32>
      %add3A_3202 = arith.addf %add3A_3200, %slice3A_3201 : vector<1x128xf32>
      %slice3A_3203 = vector.extract_strided_slice %abs3A_2780 {offsets = [211, 0], sizes = [1, 128], strides = [1, 1]} : vector<222x128xf32> to vector<1x128xf32>
      %add3A_3204 = arith.addf %add3A_3202, %slice3A_3203 : vector<1x128xf32>
      %slice3A_3205 = vector.extract_strided_slice %abs3A_2780 {offsets = [212, 0], sizes = [1, 128], strides = [1, 1]} : vector<222x128xf32> to vector<1x128xf32>
      %add3A_3206 = arith.addf %add3A_3204, %slice3A_3205 : vector<1x128xf32>
      %slice3A_3207 = vector.extract_strided_slice %abs3A_2780 {offsets = [213, 0], sizes = [1, 128], strides = [1, 1]} : vector<222x128xf32> to vector<1x128xf32>
      %add3A_3208 = arith.addf %add3A_3206, %slice3A_3207 : vector<1x128xf32>
      %slice3A_3209 = vector.extract_strided_slice %abs3A_2780 {offsets = [214, 0], sizes = [1, 128], strides = [1, 1]} : vector<222x128xf32> to vector<1x128xf32>
      %add3A_3210 = arith.addf %add3A_3208, %slice3A_3209 : vector<1x128xf32>
      %slice3A_3211 = vector.extract_strided_slice %abs3A_2780 {offsets = [215, 0], sizes = [1, 128], strides = [1, 1]} : vector<222x128xf32> to vector<1x128xf32>
      %add3A_3212 = arith.addf %add3A_3210, %slice3A_3211 : vector<1x128xf32>
      %slice3A_3213 = vector.extract_strided_slice %abs3A_2780 {offsets = [216, 0], sizes = [1, 128], strides = [1, 1]} : vector<222x128xf32> to vector<1x128xf32>
      %add3A_3214 = arith.addf %add3A_3212, %slice3A_3213 : vector<1x128xf32>
      %slice3A_3215 = vector.extract_strided_slice %abs3A_2780 {offsets = [217, 0], sizes = [1, 128], strides = [1, 1]} : vector<222x128xf32> to vector<1x128xf32>
      %add3A_3216 = arith.addf %add3A_3214, %slice3A_3215 : vector<1x128xf32>
      %slice3A_3217 = vector.extract_strided_slice %abs3A_2780 {offsets = [218, 0], sizes = [1, 128], strides = [1, 1]} : vector<222x128xf32> to vector<1x128xf32>
      %add3A_3218 = arith.addf %add3A_3216, %slice3A_3217 : vector<1x128xf32>
      %slice3A_3219 = vector.extract_strided_slice %abs3A_2780 {offsets = [219, 0], sizes = [1, 128], strides = [1, 1]} : vector<222x128xf32> to vector<1x128xf32>
      %add3A_3220 = arith.addf %add3A_3218, %slice3A_3219 : vector<1x128xf32>
      %slice3A_3221 = vector.extract_strided_slice %abs3A_2780 {offsets = [220, 0], sizes = [1, 128], strides = [1, 1]} : vector<222x128xf32> to vector<1x128xf32>
      %add3A_3222 = arith.addf %add3A_3220, %slice3A_3221 : vector<1x128xf32>
      %slice3A_3223 = vector.extract_strided_slice %abs3A_2780 {offsets = [221, 0], sizes = [1, 128], strides = [1, 1]} : vector<222x128xf32> to vector<1x128xf32>
      %add3A_3224 = arith.addf %add3A_3222, %slice3A_3223 : vector<1x128xf32>
      scf.yield %add3A_348, %add3A_496, %add3A_644, %add3A_864, %add3A_1012, %add3A_1160, %add3A_1380, %add3A_1528, %add3A_1676, %add3A_1896, %add3A_2044, %add3A_2192, %add3A_2412, %add3A_2560, %add3A_2708, %add3A_2928, %add3A_3076, %add3A_3224 : vector<1x128xf32>, vector<1x128xf32>, vector<1x128xf32>, vector<1x128xf32>, vector<1x128xf32>, vector<1x128xf32>, vector<1x128xf32>, vector<1x128xf32>, vector<1x128xf32>, vector<1x128xf32>, vector<1x128xf32>, vector<1x128xf32>, vector<1x128xf32>, vector<1x128xf32>, vector<1x128xf32>, vector<1x128xf32>, vector<1x128xf32>, vector<1x128xf32>
    }
    %scan3A_109 = arith.constant 37 : i32
    %concatenate3A = tpu.concatenate %scan3A_108#0, %scan3A_108#1, %scan3A_108#2, %scan3A_108#3, %scan3A_108#4, %scan3A_108#5, %scan3A_108#6, %scan3A_108#7, %scan3A_108#8, %scan3A_108#9, %scan3A_108#10, %scan3A_108#11, %scan3A_108#12, %scan3A_108#13, %scan3A_108#14, %scan3A_108#15, %scan3A_108#16, %scan3A_108#17 in 0 : vector<1x128xf32>, vector<1x128xf32>, vector<1x128xf32>, vector<1x128xf32>, vector<1x128xf32>, vector<1x128xf32>, vector<1x128xf32>, vector<1x128xf32>, vector<1x128xf32>, vector<1x128xf32>, vector<1x128xf32>, vector<1x128xf32>, vector<1x128xf32>, vector<1x128xf32>, vector<1x128xf32>, vector<1x128xf32>, vector<1x128xf32>, vector<1x128xf32> -> vector<18x128xf32>
    %reshape3A = vector.shape_cast %concatenate3A : vector<18x128xf32> to vector<1x1x18x128xf32>
    %swap3A = arith.constant 0 : index
    %swap3A_110 = arith.constant 0 : index
    %swap3A_111 = arith.constant 0 : index
    %swap3A_112 = arith.constant 0 : index
    %swap3A_113 = vector.load %arg4[%swap3A, %swap3A_110, %swap3A_111, %swap3A_112] : memref<1x1x18x128xf32, #tpu.memory_space<vmem>>, vector<1x1x18x128xf32>
    tpu.vector_store %arg4[%swap3A, %swap3A_110, %swap3A_111, %swap3A_112], %reshape3A {strides = array<i32>} : memref<1x1x18x128xf32, #tpu.memory_space<vmem>>, vector<1x1x18x128xf32>,
    return
  }
  func.func @transform_0(%arg0: i32, %arg1: i32) -> (i32, i32, i32, i32) {
    %c0_i32 = arith.constant 0 : i32
    %c0_i32_0 = arith.constant 0 : i32
    %c0_i32_1 = arith.constant 0 : i32
    return %arg0, %c0_i32, %c0_i32_0, %arg1 : i32, i32, i32, i32
  }
  func.func @transform_1(%arg0: i32, %arg1: i32) -> (i32, i32, i32, i32) {
    %c0_i32 = arith.constant 0 : i32
    %c0_i32_0 = arith.constant 0 : i32
    %c0_i32_1 = arith.constant 0 : i32
    %c0_i32_2 = arith.constant 0 : i32
    %c0_i32_3 = arith.constant 0 : i32
    return %c0_i32, %c0_i32_0, %c0_i32_1, %c0_i32_2 : i32, i32, i32, i32
  }
  func.func @transform_2(%arg0: i32, %arg1: i32) -> (i32, i32, i32, i32) {
    %c0_i32 = arith.constant 0 : i32
    %c0_i32_0 = arith.constant 0 : i32
    %c0_i32_1 = arith.constant 0 : i32
    return %arg0, %arg1, %c0_i32, %c0_i32_0 : i32, i32, i32, i32
  }
}

module attributes {stable_mosaic.version = 14 : i64} {
  func.func @_gather_kernel(%arg0: i32, %arg1: memref<768xi32, #tpu.memory_space<smem>>, %arg2: memref<1x1x50176xf32, #tpu.memory_space<vmem>>, %arg3: memref<1x1x50176xf32, #tpu.memory_space<vmem>>) attributes {dimension_semantics = [#tpu.dimension_semantics<arbitrary>], iteration_bounds = array<i64: 768>, scalar_prefetch = 1 : i64, scratch_operands = 0 : i64, tpu.core_type = #tpu.core_type<tc>, window_params = [{transform_indices = @transform_0, window_bounds = array<i64: 1, 1, 50176>}, {transform_indices = @transform_1, window_bounds = array<i64: 1, 1, 50176>}]} {
    %get3A = arith.constant 0 : index
    %get3A_0 = arith.constant 0 : index
    %get3A_1 = arith.constant 0 : index
    %get3A_2 = vector.load %arg2[%get3A, %get3A_0, %get3A_1] : memref<1x1x50176xf32, #tpu.memory_space<vmem>>, vector<1x1x50176xf32>
    %swap3A = arith.constant 0 : index
    %swap3A_3 = arith.constant 0 : index
    %swap3A_4 = arith.constant 0 : index
    %swap3A_5 = vector.load %arg3[%swap3A, %swap3A_3, %swap3A_4] : memref<1x1x50176xf32, #tpu.memory_space<vmem>>, vector<1x1x50176xf32>
    tpu.vector_store %arg3[%swap3A, %swap3A_3, %swap3A_4], %get3A_2 {strides = array<i32>} : memref<1x1x50176xf32, #tpu.memory_space<vmem>>, vector<1x1x50176xf32>,
    return
  }
  func.func @transform_0(%arg0: i32, %arg1: memref<768xi32, #tpu.memory_space<smem>>) -> (i32, i32, i32) {
    %get3A = arith.index_cast %arg0 : i32 to index
    %get3A_0 = memref.load %arg1[%get3A] : memref<768xi32, #tpu.memory_space<smem>>
    %c0_i32 = arith.constant 0 : i32
    %c0_i32_1 = arith.constant 0 : i32
    %c0_i32_2 = arith.constant 0 : i32
    return %get3A_0, %c0_i32, %c0_i32_1 : i32, i32, i32
  }
  func.func @transform_1(%arg0: i32, %arg1: memref<768xi32, #tpu.memory_space<smem>>) -> (i32, i32, i32) {
    %c0_i32 = arith.constant 0 : i32
    %c0_i32_0 = arith.constant 0 : i32
    %c0_i32_1 = arith.constant 0 : i32
    return %arg0, %c0_i32, %c0_i32_0 : i32, i32, i32
  }
}

</mosaic_0001>

<sc_bundles>
// kernel: sparse-core-data-format-call.cloned.1.call-start
scs
called_computation_lowered:
.L_overlay_start_0:
0x0: {  	s2 =	sld [smem:$0x3FD9]  }
0x1: {  	s3 =	sld [smem:$0x3FFE];
	_ =	sdelay $0x1  }
0x2: {  	s1 =	srdreg.scid  }
0x3: {  	s0 =	sand.u32 $0x1, s1  }
0x4: {  	s18 =	sshll.u32 s0, $0xA;
	s2 =	sadd.s32 s3, s2  }
0x5: {  	s2 =	sadd.s32 s2, s18  }
0x6: {  	[smem:$0x3FC6] =	sst s2  }
0x7: {  	_ = 	snop  }
0x8: {  	s2 =	sld [smem:$0x3FC9];
	(tm) =	ssettm $0x1  }
0x9: {  	s19 =	sld [smem:$0x3FFB];
	_ =	sdelay $0x3  }
0xa: {  	_ =	strace s19  }
0xb: {  	s3 =	sld [smem:$0x3FFC];
	_ =	sdelay $0x3  }
0xc: {  	_ =	strace s3  }
0xd: {  	s3 =	sld [smem:$0x3FFD];
	_ =	sdelay $0x3  }
0xe: {  	_ =	strace s3  }
0xf: {  	_ =	strace $0x8FFFFFFF  }
0x10: {  	s20 =	sld [smem:$0x3FDB];
	_ =	sdelay $0x1  }
0x11: {  	s4 =	simm.s32 $_scs_section_size  }
0x12: {  	s5 =	simm.s32 $_size__tile_overlayer_lowered;
	s6 =	simm.s32 $_tile_overlayer_lowered  }
0x13: {  	s23 =	simm.s32 $0x1BFF;
	s22 =	sshll.u32 s6, $0x1;
	s3 =	sadd.s32 s4, s20  }
0x14: {  	s7 =	simm.s32 $0x0;
	s21 =	sshll.u32 s5, $0x1;
	s5 =	sadd.s32 s22, s3  }
0x15: {  	[timem:s7], [sflag:s23] =	dma.local [hbm:s5], s21  }
0x16: {  	_ =	swait.ge [sflag:s23], s21  }
0x17: {  	s4 =	ssub.s32 $0x0, s21;
	[sflag:s23] =	ssyncset.done $0x0  }
0x18: {  	[sflag:s23] =	ssyncadd.s32 s4;
	_ =	sdelay $0x1  }
0x19: {  	s24 =	simm.s32 $0x1B8B  }
0x1a: {  	_ =	swait.ge [sflag:s24], $0x1  }
0x1b: {  	[sflag:s24] =	ssyncset.done $0x0  }
0x1c: {  	s26 =	simm.s32 $0x1B8E;
	s25 =	sld [smem:$0x3FFE];
	[sflag:s24] =	ssyncadd.s32 $0xFFFFFFFF  }
0x1d: {  	s27 =	simm.s32 $execute0_lowered;
	[smem:$0x3FD2] =	sst s26  }
0x1e: {  	s5 =	sshll.u32 s27, $0x1;
	_ =	strace $0x80000046;
	[dreg:$0x1] =	wrdreg $0xFFFFFFFF  }
0x1f: {  	s28 =	simm.s32 $_size_execute0_lowered;
	s3 =	sadd.s32 s3, s5;
	[dreg:$0x0] =	wrdreg $0x0  }
0x20: {  	s5 =	sshll.u32 s28, $0x1;
	[dreg:$0x2] =	wrdreg s3  }
0x21: {  	[dreg:$0x3] =	wrdreg s5  }
0x22: {  	[dreg:$0x4] =	wrdreg $0xC0  }
0x23: {  	_ =	task [dreg:s7], $0x5FFFF  }
0x24: {  	[dreg:$0x1] =	wrdreg $0xFFFFFFFF  }
0x25: {  	[dreg:$0x0] =	wrdreg $0x60  }
0x26: {  	[dreg:$0x2] =	wrdreg s2  }
0x27: {  	[dreg:$0x3] =	wrdreg s25  }
0x28: {  	[dreg:$0x4] =	wrdreg $0x9  }
0x29: {  	_ =	task.clear_ibuf [dreg:s7], $0x5FFFF;
	_ =	strace $0x90000046  }
0x2a: {  	s29 =	simm.s32 $0x9;
	_ =	strace $0x80000048  }
0x2b: {  	_ =	swait.ge [sflag:s29], $0x1  }
0x2c: {  	[sflag:s29] =	ssyncadd.s32 $0xFFFFFFFF  }
0x2d: {  	_ =	strace $0x90000048  }
0x2e: {  	_ =	sfence  }
0x2f: {  	s30 =	sld [smem:$0x0];
	_ =	sdelay $0x2  }
0x30: {  	s31 =	sshll.u32 s1, $0xD;
	s1 =	sshrl.u32 s1, $0x2  }
0x31: {  	s3 =	sand.u32 $0x4000, s31;
	s1 =	sadd.s32 s1, s30  }
0x32: {  	s0 =	sor.u32 s3, s0;
	s1 =	sshll.u32 s1, $0x11  }
0x33: {  	s0 =	sor.u32 s1, s0  }
0x34: {  	s0 =	sadd.s32 $0x8F2B, s0  }
0x35: {  	[sflag:s0] =	ssyncadd.remote.s32 $0x1  }
0x36: {  	_ =	sfence.sel $0xFFFF  }
0x37: {  	[dreg:$0x0] =	wrdreg $0xFFFFFFFF;
	(pc) =	sbr.abs _section_cstart, $3  }
0x38: {  	[dreg:$0x1] =	wrdreg $0xFFFFFFFF  }
0x39: {  	_ =	task.clear_ibuf [dreg:s7], $0x2FFFF;
	_ =	strace $0x9FFFFFFF  }
0x3a: {  	(tm) =	ssettm $0x7FFFFFFF  }
0x3b: {  	_ =	shalt  }
tec
execute0_lowered:
.L_overlay_start_1:
0x0: {  	(tag) =	ssettag $0x1  }
0x1: {  	s2 =	rddreg [dreg:$0x0];
	s0 =	srdreg.scid  }
0x2: {  	s3 =	rddreg [dreg:$0x1];
	s1 =	stileid.u32  }
0x3: {  	s7 =	simm.s32 $0x2;
	s15 =	simm.s32 $0x0;
	p0 =	por $0x0, $0x0  }
0x4: {  	s8 =	simm.s32 $0xE000;
	s14 =	simm.s32 $0x0;
	s17 =	simm.s32 $0x0  }
0x5: {  	s16 =	simm.s32 $0x0;
	s10 =	simm.s32 $0x0;
	s11 =	simm.s32 $0x0  }
.Ltmp0:
0x6: {  	s9 =	simm.s32 $0x0;
	s4 =	sshll.u32 s0, $0x4;
	(pc) =	sbr.rel .LBB1_1-.Ltmp0, $4  }
0x7: {  	s0 =	rddreg [dreg:$0x2];
	_ =	strace $0x80000047;
	s4 =	sand.u32 $0x10, s4  }
0x8: {  	s5 =	sand.u32 $0x3, s1;
	s6 =	sor.u32 s1, s4;
	s4 =	simm.s32 $0x1  }
0x9: {  	s13 =	smov.u32 s5;
	[sflag:s4] =	ssyncpa.u1 $0x0;
	s6 =	sshrl.u32 s6, $0x2  }
0xa: {  	[sflag:s7] =	ssyncpa.u1 $0x0;
	s7 =	simm.s32 $0xC00;
	s12 =	smov.u32 s6  }
.LBB1_3:
0xb: {  	p1 =	seq.s32 s9, $0x0  }
0xc: {  	p2 =	seq.s32 @!p1 s9, $0xA9  }
0xd: {  	p1 =	por p1, p2  }
.Ltmp1:
0xe: {  	_ = 	snop;
	(pc) =	sbr.rel @!p1 .LBB1_4-.Ltmp1, $1  }
0xf: {  	_ =	sdelay $0x3  }
.LBB1_7:
0x10: {  	s18 =	sadd.s32 $0x80, s10  }
0x11: {  	s14 =	sadd.s32 $0x80, s11;
	s19 =	smov.u32 s11;
	p2 =	sgt.s32 s18, $0x17F  }
0x12: {  	s19 =	smov.u32 @p2 s14  }
0x13: {  	s20 =	smov.u32 s12;
	s14 =	sadd.s32 $0x8, s12;
	p3 =	sgt.s32 s19, $0xDF  }
0x14: {  	s20 =	smov.u32 @p3 s14  }
0x15: {  	s21 =	smov.u32 s13;
	s14 =	sadd.s32 $0x4, s13;
	p4 =	sgt.s32 s20, $0xDF  }
0x16: {  	p1 =	slt.u32 s9, $0x2;
	s21 =	smov.u32 @p4 s14  }
0x17: {  	s9 =	sadd.s32 $0x1, s9;
	s18 =	simm.s32 @p2 $0x0;
	p2 =	sgt.s32 s21, $0x3  }
0x18: {  	s15 =	smov.u32 s10;
	s21 =	smov.u32 @p2 s5;
	p2 =	sne.s32 s9, $0xAA  }
.Ltmp2:
0x19: {  	s17 =	smov.u32 s12;
	s22 =	simm.s32 @!p1 $0x2;
	(pc) =	sbr.rel @!p2 .LBB1_8-.Ltmp2, $4  }
0x1a: {  	s16 =	smov.u32 s13;
	p0 =	por !p0, !p0;
	_ =	swait.ge @!p1 [sflag:s22], $0x4000  }
0x1b: {  	[sflag:s22] =	ssyncset.done @!p1 $0x0;
	s10 =	smov.u32 s18;
	s19 =	simm.s32 @p3 $0x0  }
0x1c: {  	[sflag:s22] =	ssyncadd.s32 @!p1 $0xFFFFC000;
	s20 =	smov.u32 @p4 s6;
	s14 =	smov.u32 s11  }
0x1d: {  	s11 =	smov.u32 s19;
	s12 =	smov.u32 s20;
	s13 =	smov.u32 s21  }
.LBB1_1:
0x1e: {  	p1 =	sgt.u32 s9, $0xA7  }
.Ltmp3:
0x1f: {  	_ = 	snop;
	(pc) =	sbr.rel @p1 .LBB1_3-.Ltmp3, $1  }
0x20: {  	_ =	sdelay $0x3  }
0x21: {  	s18 =	sshrl.u32 s11, $0x3  }
0x22: {  	s19 =	sshll.u32 s10, $0x3;
	s18 =	smul.u32 $0xC00, s18  }
0x23: {  	s20 =	sshll.u32 s11, $0x7;
	s19 =	sand.u32 $0xFFFFFC00, s19  }
0x24: {  	s24 =	sand.u32 $0x380, s20;
	s18 =	sadd.s32 s18, s19  }
0x25: {  	s25 =	sand.u32 $0x7F, s10;
	s18 =	sor.u32 s24, s18  }
0x26: {  	p1 =	sgt.s32 s13, $0x3;
	s21 =	smov.u32 s13;
	s19 =	sor.u32 s25, s18  }
0x27: {  	s22 =	sshra.s32 s13, $0x1F;
	s23 =	sxor.u32 $0xFFFFFFFF, s9;
	s20 =	smulhi.u32 $0xAAAAAAAB, s19  }
0x28: {  	s28 =	sshra.s32 s12, $0x1F;
	s21 =	simm.s32 @!p1 $0x3;
	s22 =	sand.u32 s22, s13  }
0x29: {  	s31 =	sshra.s32 s10, $0x1F;
	s21 =	ssub.s32 s21, s22;
	s20 =	sshrl.u32 s20, $0x8  }
0x2a: {  	s26 =	sshll.u32 s23, $0xE;
	s27 =	sadd.s32 $0xFFFFFFFD, s21;
	s20 =	smul.u32 $0x180, s20  }
0x2b: {  	s23 =	sand.u32 s28, s12;
	p1 =	sgt.s32 s27, $0x0;
	s24 =	sshra.s32 s11, $0x1F  }
0x2c: {  	s18 =	smulhi.u32 $0xAAAAAAAB, s18;
	s19 =	ssub.s32 s19, s20;
	s20 =	ssub.s32 $0x4, s21  }
0x2d: {  	s21 =	smov.u32 s12;
	s20 =	simm.s32 @p1 $0x0;
	p1 =	sgt.s32 s12, $0xDF  }
0x2e: {  	s24 =	sand.u32 s24, s11;
	s18 =	sshrl.u32 s18, $0x8;
	s21 =	simm.s32 @!p1 $0xDF  }
0x2f: {  	p1 =	sgt.s32 s11, $0x60;
	s21 =	ssub.s32 s21, s23;
	s23 =	smov.u32 s11  }
0x30: {  	s29 =	smulhi.u32 $0x124924A, s18;
	s25 =	sadd.s32 $0xFFFFFF21, s21;
	s23 =	simm.s32 @!p1 $0x60  }
0x31: {  	s21 =	ssub.s32 $0xE0, s21;
	p1 =	sgt.s32 s25, $0x0;
	s23 =	ssub.s32 s23, s24  }
0x32: {  	s24 =	smul.u32 $0xE0, s29;
	s21 =	simm.s32 @p1 $0x0;
	s30 =	sadd.s32 $0xFFFFFFA0, s23  }
0x33: {  	s20 =	smul.u32 s20, s21;
	p1 =	sgt.s32 s30, $0x7F;
	s21 =	ssub.s32 $0xE0, s23  }
0x34: {  	s23 =	smov.u32 s10;
	s21 =	simm.s32 @p1 $0x0;
	p1 =	sgt.s32 s10, $0x100  }
0x35: {  	s27 =	smul.u32 $0x2A00, s12;
	s25 =	sand.u32 s31, s10;
	s23 =	simm.s32 @!p1 $0x100  }
0x36: {  	s18 =	ssub.s32 s18, s24;
	s20 =	smul.u32 s21, s20;
	s25 =	ssub.s32 s23, s25  }
0x37: {  	s21 =	sand.u32 $0x4000, s26;
	s26 =	smul.u32 $0x24C000, s13;
	s23 =	sadd.s32 $0xFFFFFF00, s25  }
0x38: {  	s18 =	smul.u32 $0x30, s18;
	s22 =	ssub.s32 $0x180, s25;
	p1 =	sgt.s32 s23, $0x7F  }
.Ltmp4:
0x39: {  	s24 =	sadd.s32 s2, s26;
	s22 =	simm.s32 @p1 $0x0;
	(pc) =	sbr.rel .LBB1_3-.Ltmp4, $4  }
0x3a: {  	s29 =	sand.u32 $0x7, s19;
	s28 =	sadd.s32 s27, s24;
	s20 =	smul.u32 s22, s20  }
0x3b: {  	s19 =	sshrl.u32 s19, $0x3;
	s30 =	sshll.u32 s29, $0x12;
	s18 =	sadd.s32 s18, s28  }
0x3c: {  	s31 =	sor.u32 $0x400, s30;
	s18 =	sadd.s32 s19, s18;
	s20 =	sand.u32 $0x3FFFFFFF, s20  }
0x3d: {  	[tilespmem:s21], [sflag:$0x1] =	stream.strided.gather [hbm4b:s18+s31], s20, s7, s31, $0x38;
	[tilespmem:$0x10100] =	vst v63  }
.LBB1_4:
0x3e: {  	p1 =	sgt.s32 s16, $0x3;
	s18 =	smov.u32 s16;
	s19 =	sshra.s32 s16, $0x1F  }
0x3f: {  	s20 =	smov.u32 s17;
	s21 =	sshra.s32 s17, $0x1F;
	s25 =	sshra.s32 s14, $0x1F  }
0x40: {  	s18 =	simm.s32 @!p1 $0x3;
	s19 =	sand.u32 s19, s16;
	p1 =	sgt.s32 s17, $0xDF  }
0x41: {  	s23 =	sand.u32 s21, s17;
	s18 =	ssub.s32 s18, s19;
	s20 =	simm.s32 @!p1 $0xDF  }
0x42: {  	s27 =	sshra.s32 s15, $0x1F;
	s24 =	sadd.s32 $0xFFFFFFFD, s18;
	s19 =	ssub.s32 s20, s23  }
0x43: {  	s18 =	ssub.s32 $0x4, s18;
	p1 =	sgt.s32 s24, $0x0;
	s20 =	sadd.s32 $0xFFFFFF21, s19  }
0x44: {  	s19 =	ssub.s32 $0xE0, s19;
	s18 =	simm.s32 @p1 $0x0;
	p1 =	sgt.s32 s20, $0x0  }
0x45: {  	s20 =	smov.u32 s14;
	s19 =	simm.s32 @p1 $0x0;
	p1 =	sgt.s32 s14, $0x60  }
0x46: {  	s26 =	sand.u32 s25, s14;
	s18 =	smul.u32 s18, s19;
	s20 =	simm.s32 @!p1 $0x60  }
0x47: {  	p1 =	sgt.s32 s15, $0x100;
	s19 =	ssub.s32 s20, s26;
	s20 =	smov.u32 s15  }
0x48: {  	s21 =	sand.u32 s27, s15;
	s22 =	sadd.s32 $0xFFFFFFA0, s19;
	s20 =	simm.s32 @!p1 $0x100  }
0x49: {  	s19 =	ssub.s32 $0xE0, s19;
	p1 =	sgt.s32 s22, $0x7F;
	s20 =	ssub.s32 s20, s21  }
0x4a: {  	s19 =	simm.s32 @p1 $0x0;
	s21 =	sadd.s32 $0xFFFFFF00, s20  }
0x4b: {  	s18 =	smul.u32 s19, s18;
	p1 =	sgt.s32 s21, $0x7F;
	s19 =	ssub.s32 $0x180, s20  }
0x4c: {  	s19 =	simm.s32 @p1 $0x0  }
0x4d: {  	s18 =	smul.u32 s19, s18;
	_ =	sdelay $0x1  }
0x4e: {  	s19 =	simm.s32 $0x1;
	s18 =	sand.u32 $0x3FFFFFFF, s18  }
0x4f: {  	s19 =	simm.s32 @!p0 $0x0;
	_ =	swait.ge [sflag:s4], s18  }
0x50: {  	s28 =	sshll.u32 s19, $0xE;
	s18 =	ssub.s32 $0x0, s18;
	[sflag:s4] =	ssyncset.done $0x0  }
0x51: {  	s29 =	sor.u32 $0x40, s28;
	[sflag:s4] =	ssyncadd.s32 s18  }
0x52: {  	s30 =	smul.u32 $0x10200, s19;
	v0 =	vld [tilespmem:s29+$0x30]  }
0x53: {  	v1 =	vld [tilespmem:s29+$0xFFFFFFD0]  }
0x54: {  	s18 =	sshrl.u32 s30, $0x2;
	v5 =	vld [tilespmem:s29+$0xFFFFFFE0]  }
0x55: {  	s19 =	sor.u32 $0x8000, s18;
	v6 =	vld [tilespmem:s29+$0xFFFFFFF0]  }
0x56: {  	s31 =	sand.u32 $0x1, s9;
	v4 =	vld [tilespmem:s29+$0x0];
	s20 =	sadd.s32 $0x0, s19  }
0x57: {  	s18 =	smul.u32 $0x10200, s31;
	v2 =	vld [tilespmem:s29+$0x10];
	[tilespmem:s20+$0x3870 ss:$0x81] =	vst.msk $0xffff, v0  }
0x58: {  	v3 =	vld [tilespmem:s29+$0x20];
	[tilespmem:s20+$0x810 ss:$0x81] =	vst.msk $0xffff, v1  }
0x59: {  	s21 =	sadd.s32 $0x80, s29;
	s18 =	sshrl.u32 s18, $0x2;
	v0 =	vld [tilespmem:s29+$0xFFFFFFC0];
	[tilespmem:s20+$0x1020 ss:$0x81] =	vst.msk $0xffff, v5  }
0x5a: {  	s23 =	simm.s32 $0x8;
	s22 =	simm.s32 $0x4;
	s18 =	sor.u32 $0x8000, s18;
	v1 =	vld [tilespmem:s21+$0x30];
	[tilespmem:s20+$0x1830 ss:$0x81] =	vst.msk $0xffff, v6  }
.LBB1_5:
0x5b: {  	p1 =	sne.s32 s23, $0x1FC;
	v5 =	vld [tilespmem:s21+$0xFFFFFFD0];
	[tilespmem:s20+$0x2040 ss:$0x81] =	vst.msk $0xffff, v4  }
0x5c: {  	v6 =	vld [tilespmem:s21+$0xFFFFFFE0];
	[tilespmem:s20+$0x2850 ss:$0x81] =	vst.msk $0xffff, v2  }
0x5d: {  	s24 =	sshra.s32 s22, $0x2;
	s22 =	smov.u32 s23;
	v7 =	vld [tilespmem:s21+$0xFFFFFFF0];
	[tilespmem:s20+$0x3060 ss:$0x81] =	vst.msk $0xffff, v3  }
.Ltmp5:
0x5e: {  	v4 =	vld [tilespmem:s21+$0x0];
	[tilespmem:s20+$0x0 ss:$0x81] =	vst.msk $0xffff, v0;
	s20 =	sadd.s32 s24, s19;
	(pc) =	sbr.rel @p1 .LBB1_5-.Ltmp5, $4  }
0x5f: {  	v2 =	vld [tilespmem:s21+$0x10];
	[tilespmem:s20+$0x3870 ss:$0x81] =	vst.msk $0xffff, v1  }
0x60: {  	[tilespmem:s20+$0x810 ss:$0x81] =	vst.msk $0xffff, v5;
	v3 =	vld [tilespmem:s21+$0x20]  }
0x61: {  	v0 =	vld [tilespmem:s21+$0xFFFFFFC0];
	[tilespmem:s20+$0x1020 ss:$0x81] =	vst.msk $0xffff, v6;
	s21 =	sadd.s32 $0x80, s21  }
0x62: {  	s23 =	sadd.s32 $0x4, s23;
	v1 =	vld [tilespmem:s21+$0x30];
	[tilespmem:s20+$0x1830 ss:$0x81] =	vst.msk $0xffff, v7  }
0x63: {  	s23 =	sshll.u32 s17, $0x8;
	s24 =	sshll.u32 s14, $0x3;
	v5 =	vld [tilespmem:s21+$0xFFFFFFD0];
	[tilespmem:s20+$0x2040 ss:$0x81] =	vst.msk $0xffff, v4  }
0x64: {  	s26 =	sshll.u32 s17, $0x7;
	v58 =	vld [tilespmem:s21+$0xFFFFFFE0];
	s23 =	sand.u32 $0xFFFFF800, s23;
	s24 =	sand.u32 $0xFFFFFC00, s24;
	[tilespmem:s20+$0x2850 ss:$0x81] =	vst.msk $0xffff, v2  }
0x65: {  	s22 =	sshra.s32 s22, $0x2;
	v59 =	vld [tilespmem:s21+$0xFFFFFFF0];
	s27 =	sand.u32 $0x300, s26;
	s23 =	sadd.s32 s23, s24;
	[tilespmem:s20+$0x3060 ss:$0x81] =	vst.msk $0xffff, v3  }
0x66: {  	v60 =	vld [tilespmem:s21+$0x0];
	s19 =	sadd.s32 s22, s19;
	s23 =	sor.u32 s27, s23;
	[tilespmem:s20+$0x0 ss:$0x81] =	vst.msk $0xffff, v0  }
0x67: {  	v61 =	vld [tilespmem:s21+$0x10];
	s16 =	smul.u32 $0x2A0000, s16;
	s23 =	sshrl.u32 s23, $0x8;
	[tilespmem:s19+$0x3870 ss:$0x81] =	vst.msk $0xffff, v1  }
0x68: {  	v62 =	vld [tilespmem:s21+$0x20];
	s28 =	smulhi.u32 $0x124924A, s23;
	[tilespmem:s19+$0x810 ss:$0x81] =	vst.msk $0xffff, v5  }
0x69: {  	v63 =	vld [tilespmem:s21+$0xFFFFFFC0];
	s29 =	sand.u32 $0x78, s14;
	s15 =	smul.u32 $0x1C00, s15;
	[tilespmem:s19+$0x1020 ss:$0x81] =	vst.msk $0xffff, v58  }
0x6a: {  	s30 =	sand.u32 $0x7, s14;
	s17 =	sand.u32 $0x80, s26;
	[tilespmem:s19+$0x1830 ss:$0x81] =	vst.msk $0xffff, v59;
	s20 =	smul.u32 $0xE0, s28  }
.Ltmp6:
0x6b: {  	s17 =	sor.u32 s29, s17;
	s16 =	sadd.s32 s3, s16;
	[tilespmem:s19+$0x2040 ss:$0x81] =	vst.msk $0xffff, v60;
	(pc) =	sbr.rel .LBB1_7-.Ltmp6, $4  }
0x6c: {  	s17 =	sshrl.u32 s17, $0x3;
	s15 =	sadd.s32 s15, s16;
	[tilespmem:s19+$0x2850 ss:$0x81] =	vst.msk $0xffff, v61;
	s20 =	ssub.s32 s23, s20  }
0x6d: {  	s14 =	sshll.u32 s30, $0x12;
	s15 =	sadd.s32 s17, s15;
	[tilespmem:s19+$0x3060 ss:$0x81] =	vst.msk $0xffff, v62;
	s31 =	sshll.u32 s20, $0x5  }
0x6e: {  	s14 =	sor.u32 $0x80, s14;
	[tilespmem:s19+$0x0 ss:$0x81] =	vst.msk $0xffff, v63;
	s15 =	sadd.s32 s31, s15  }
0x6f: {  	[hbm4b:s15+s14] =	stream.strided.scatter [tilespmem:s18], [sflag:$0x2], $0x4000, s8, s14, $0x20;
	[tilespmem:$0x10100] =	vst v63  }
.LBB1_8:
0x70: {  	_ =	sfence.sel $0x180000  }
0x71: {  	s2 =	simm.s32 $0x1;
	[bflag:$0x0] =	sbarrier.arrive $0xFFFF  }
0x72: {  	s31 =	simm.s32 $0x2;
	[sflag:s2] =	ssyncpa.u1 $0x1  }
0x73: {  	[sflag:s31] =	ssyncpa.u1 $0x1  }
0x74: {  	p0 =	sne.s32 s1, $0x0;
	_ =	strace $0x90000047  }
0x75: {  	s0 =	sadd.s32 @!p0 $0x100000, s0;
	[bflag:$0x2] =	sbarrier.arrive $0xFFFF  }
0x76: {  	[sflag:s0] =	ssyncadd.tile.s32 @!p0 $0x1;
	_ =	shalt  }
.Lfunc_end1:
_tile_overlayer_lowered:
.L_overlay_start_2:
0x77: {  	(tag) =	ssettag $0x2  }
0x78: {  	s0 =	rddreg [dreg:$0x0];
	s2 =	stileid.u32  }
0x79: {  	s1 =	rddreg [dreg:$0x1];
	p0 =	sne.s32 s2, $0x0  }
0x7a: {  	s3 =	rddreg [dreg:$0x2];
	[bflag:$0x3] =	sbarrier.arrive $0xFFFF;
	s2 =	simm.s32 @!p0 $0x1C01  }
0x7b: {  	[timem:s3], [sflag:s2] =	dma.local @!p0 [hbm:s0], s1  }
0x7c: {  	s0 =	simm.s32 @!p0 $0x1  }
0x7d: {  	_ =	swait.ge @!p0 [sflag:s0], s1  }
0x7e: {  	s1 =	ssub.s32 @!p0 $0x0, s1;
	[sflag:s0] =	ssyncset.done @!p0 $0x0  }
0x7f: {  	[sflag:s0] =	ssyncadd.s32 @!p0 s1  }
0x80: {  	[bflag:$0x3] =	sbarrier.arrive $0xFFFF  }
0x81: {  	_ =	shalt  }

</sc_bundles>
